<compile_context>
chip_gen: v7x
topology: tpu7x:2x2x1
jax: 0.10.2.dev20260603
libtpu: 0.0.44.dev20260713+nightly
codegen_flags: <defaults>
</compile_context>

<pallas_src>
import functools

import jax
import jax.numpy as jnp
from jax import lax
from jax.experimental import pallas as pl
from jax.experimental.pallas import tpu as pltpu
from jax.experimental.pallas import tpu_sc as plsc

BS = 8
NPT = 2048
NTOT = BS * NPT
KNN = 20
EPS = 1e-5
NEG = -3.0e38

SC_NC = 2
SC_NS = 16
SC_NW = SC_NC * SC_NS



def _knn_body(xt_ref, xT_ref, out_ref, *, rows_per_cell):
    b = pl.program_id(0)
    rows = xt_ref[...]
    xTb = xT_ref[0]
    g = jax.lax.dot_general(rows, xTb, (((1,), (0,)), ((), ())),
                            preferred_element_type=jnp.float32)
    xx_r = jnp.sum(rows * rows, axis=1, keepdims=True)
    xx_a = jnp.sum(xTb * xTb, axis=0, keepdims=True)
    pd = 2.0 * g - xx_r - xx_a
    iota = lax.broadcasted_iota(jnp.int32, pd.shape, 1).astype(jnp.float32)
    lane20 = lax.broadcasted_iota(jnp.int32, (rows_per_cell, KNN), 1)
    idxmat = jnp.zeros((rows_per_cell, KNN), jnp.float32)
    for t in range(KNN):
        m = jnp.max(pd, axis=1, keepdims=True)
        cand = jnp.where(pd >= m, iota, 4096.0)
        j = jnp.min(cand, axis=1, keepdims=True)
        idxmat = jnp.where(lane20 == t, j, idxmat)
        pd = jnp.where(iota == j, NEG, pd)
    out_ref[...] = idxmat.astype(jnp.int32) + b * NPT


def _knn(xt, xT, dp, rows_per_cell=128):
    cells = NPT // rows_per_cell
    return pl.pallas_call(
        functools.partial(_knn_body, rows_per_cell=rows_per_cell),
        grid=(BS, cells),
        in_specs=[
            pl.BlockSpec((rows_per_cell, dp), lambda b, t: (b * cells + t, 0)),
            pl.BlockSpec((1, dp, NPT), lambda b, t: (b, 0, 0)),
        ],
        out_specs=pl.BlockSpec((rows_per_cell, KNN), lambda b, t: (b * cells + t, 0)),
        out_shape=jax.ShapeDtypeStruct((NTOT, KNN), jnp.int32),
    )(xt, xT)



def _sc_gather(table, idx_flat, dp):
    ke = KNN * NTOT
    ch = NTOT // SC_NW // 2
    big = table.shape[1]
    mesh = plsc.VectorSubcoreMesh(core_axis_name="c", subcore_axis_name="s",
                                  num_cores=SC_NC, num_subcores=SC_NS)

    @functools.partial(
        pl.kernel,
        out_type=jax.ShapeDtypeStruct((ke, big), jnp.float32),
        mesh=mesh,
        scratch_types=[
            pltpu.VMEM((ch,), jnp.int32),
            pltpu.VMEM((ch,), jnp.int32),
            pltpu.VMEM((ch, big), jnp.float32),
            pltpu.VMEM((ch, big), jnp.float32),
            pltpu.SemaphoreType.DMA,
            pltpu.SemaphoreType.DMA,
            pltpu.SemaphoreType.DMA,
        ],
    )
    def k(table_hbm, idx_hbm, out_hbm, idx0, idx1, rows0, rows1, semg,
          semw0, semw1):
        wid = lax.axis_index("s") * SC_NC + lax.axis_index("c")
        base = wid * (2 * ch)
        bufs = ((idx0, rows0, semw0), (idx1, rows1, semw1))

        def body(c, carry):
            for b in range(2):
                idx_v, rows_v, semw = bufs[b]
                off = c * NTOT + base + b * ch
                pltpu.sync_copy(idx_hbm.at[pl.ds(off, ch)], idx_v)

                @pl.when(c > 0)
                def _():
                    pltpu.make_async_copy(
                        rows_v, out_hbm.at[pl.ds(base, ch)], semw).wait()

                pltpu.async_copy(table_hbm.at[idx_v], rows_v, semg).wait()
                pltpu.async_copy(rows_v, out_hbm.at[pl.ds(off, ch)], semw)
            return carry

        lax.fori_loop(0, KNN, body, 0)
        for b in range(2):
            idx_v, rows_v, semw = bufs[b]
            pltpu.make_async_copy(rows_v, out_hbm.at[pl.ds(base, ch)],
                                  semw).wait()

    return k(table, idx_flat)




def _edge_stats_body(g_ref, xt_ref, waT_ref, wbT_ref, b1_ref, hs_ref, h2_ref,
                     *, tp, cm):
    t = pl.program_id(0)
    xt = xt_ref[...]
    waT = waT_ref[...]
    ci = jnp.dot(xt, wbT_ref[...],
                 preferred_element_type=jnp.float32) + b1_ref[...][0:1, :]

    @pl.when(t == 0)
    def _():
        hs_ref[...] = jnp.zeros_like(hs_ref)
        h2_ref[...] = jnp.zeros_like(h2_ref)

    hs = jnp.zeros((1, cm), jnp.float32)
    h2 = jnp.zeros((1, cm), jnp.float32)
    for k in range(KNN):
        d = g_ref[k] - xt
        h = jnp.dot(d, waT, preferred_element_type=jnp.float32) + ci
        hs = hs + jnp.sum(h, axis=0, keepdims=True)
        h2 = h2 + jnp.sum(h * h, axis=0, keepdims=True)
    hs_ref[...] = hs_ref[...] + jnp.broadcast_to(hs, hs_ref.shape)
    h2_ref[...] = h2_ref[...] + jnp.broadcast_to(h2, h2_ref.shape)


def _edge_stats(g3, xt, waT, wdT, b1, dp, cm, tp=256):
    cells = NTOT // tp
    return pl.pallas_call(
        functools.partial(_edge_stats_body, tp=tp, cm=cm),
        grid=(cells,),
        in_specs=[
            pl.BlockSpec((KNN, tp, dp), lambda t: (0, t, 0)),
            pl.BlockSpec((tp, dp), lambda t: (t, 0)),
            pl.BlockSpec((dp, cm), lambda t: (0, 0)),
            pl.BlockSpec((dp, cm), lambda t: (0, 0)),
            pl.BlockSpec((8, cm), lambda t: (0, 0)),
        ],
        out_specs=[
            pl.BlockSpec((8, cm), lambda t: (0, 0)),
            pl.BlockSpec((8, cm), lambda t: (0, 0)),
        ],
        out_shape=[
            jax.ShapeDtypeStruct((8, cm), jnp.float32),
            jax.ShapeDtypeStruct((8, cm), jnp.float32),
        ],
    )(g3, xt, waT, wdT, b1)



def _edge_main_body(g_ref, xt_ref, waT_ref, wbT_ref, b1_ref, a1_ref, c1_ref,
                    w2T_ref, b2_ref, ymax_ref, ymin_ref, ys_ref, y2_ref,
                    *, tp, co):
    t = pl.program_id(0)
    xt = xt_ref[...]
    waT = waT_ref[...]
    ci = jnp.dot(xt, wbT_ref[...],
                 preferred_element_type=jnp.float32) + b1_ref[...][0:1, :]
    a1 = a1_ref[...][0:1, :]
    c1 = c1_ref[...][0:1, :]
    b2 = b2_ref[...][0:1, :]
    w2T = w2T_ref[...]

    @pl.when(t == 0)
    def _():
        ys_ref[...] = jnp.zeros_like(ys_ref)
        y2_ref[...] = jnp.zeros_like(y2_ref)

    ys = jnp.zeros((1, co), jnp.float32)
    y2s = jnp.zeros((1, co), jnp.float32)
    ymax = None
    ymin = None
    for k in range(KNN):
        d = g_ref[k] - xt
        h = jnp.dot(d, waT, preferred_element_type=jnp.float32) + ci
        u = h * a1 + c1
        z = jnp.where(u > 0, u, 0.2 * u)
        y = jnp.dot(z, w2T, preferred_element_type=jnp.float32) + b2
        ys = ys + jnp.sum(y, axis=0, keepdims=True)
        y2s = y2s + jnp.sum(y * y, axis=0, keepdims=True)
        ymax = y if ymax is None else jnp.maximum(ymax, y)
        ymin = y if ymin is None else jnp.minimum(ymin, y)
    ymax_ref[...] = ymax
    ymin_ref[...] = ymin
    ys_ref[...] = ys_ref[...] + jnp.broadcast_to(ys, ys_ref.shape)
    y2_ref[...] = y2_ref[...] + jnp.broadcast_to(y2s, y2_ref.shape)


def _edge_main(g3, xt, waT, wdT, b1, a1, c1, w2T, b2, dp, cm, co, tp=256):
    cells = NTOT // tp
    return pl.pallas_call(
        functools.partial(_edge_main_body, tp=tp, co=co),
        grid=(cells,),
        in_specs=[
            pl.BlockSpec((KNN, tp, dp), lambda t: (0, t, 0)),
            pl.BlockSpec((tp, dp), lambda t: (t, 0)),
            pl.BlockSpec((dp, cm), lambda t: (0, 0)),
            pl.BlockSpec((dp, cm), lambda t: (0, 0)),
            pl.BlockSpec((8, cm), lambda t: (0, 0)),
            pl.BlockSpec((8, cm), lambda t: (0, 0)),
            pl.BlockSpec((8, cm), lambda t: (0, 0)),
            pl.BlockSpec((cm, co), lambda t: (0, 0)),
            pl.BlockSpec((8, co), lambda t: (0, 0)),
        ],
        out_specs=[
            pl.BlockSpec((tp, co), lambda t: (t, 0)),
            pl.BlockSpec((tp, co), lambda t: (t, 0)),
            pl.BlockSpec((8, co), lambda t: (0, 0)),
            pl.BlockSpec((8, co), lambda t: (0, 0)),
        ],
        out_shape=[
            jax.ShapeDtypeStruct((NTOT, co), jnp.float32),
            jax.ShapeDtypeStruct((NTOT, co), jnp.float32),
            jax.ShapeDtypeStruct((8, co), jnp.float32),
            jax.ShapeDtypeStruct((8, co), jnp.float32),
        ],
    )(g3, xt, waT, wdT, b1, a1, c1, w2T, b2)



def _finalize_body(ymax_ref, ymin_ref, a_ref, c_ref, out_ref):
    a = a_ref[...][0:1, :]
    c = c_ref[...][0:1, :]
    ybest = jnp.where(a >= 0, ymax_ref[...], ymin_ref[...])
    u = ybest * a + c
    out_ref[...] = jnp.where(u > 0, u, 0.2 * u)


def _finalize(ymax, ymin, a, c, co, tp=512):
    cells = NTOT // tp
    return pl.pallas_call(
        _finalize_body,
        grid=(cells,),
        in_specs=[
            pl.BlockSpec((tp, co), lambda t: (t, 0)),
            pl.BlockSpec((tp, co), lambda t: (t, 0)),
            pl.BlockSpec((8, co), lambda t: (0, 0)),
            pl.BlockSpec((8, co), lambda t: (0, 0)),
        ],
        out_specs=pl.BlockSpec((tp, co), lambda t: (t, 0)),
        out_shape=jax.ShapeDtypeStruct((NTOT, co), jnp.float32),
    )(ymax, ymin, a, c)



def _final1_body(x1_ref, ymax_ref, ymin_ref, a2_ref, c2_ref, w3aT_ref,
                 w3bT_ref, b3_ref, y3_ref, s_ref, s2_ref):
    t = pl.program_id(0)
    a2 = a2_ref[...][0:1, :]
    c2 = c2_ref[...][0:1, :]
    ybest = jnp.where(a2 >= 0, ymax_ref[...], ymin_ref[...])
    u = ybest * a2 + c2
    x2 = jnp.where(u > 0, u, 0.2 * u)
    y3 = (jnp.dot(x1_ref[...], w3aT_ref[...], preferred_element_type=jnp.float32)
          + jnp.dot(x2, w3bT_ref[...], preferred_element_type=jnp.float32)
          + b3_ref[...][0:1, :])
    y3_ref[...] = y3

    @pl.when(t == 0)
    def _():
        s_ref[...] = jnp.zeros_like(s_ref)
        s2_ref[...] = jnp.zeros_like(s2_ref)

    s_ref[...] = s_ref[...] + jnp.broadcast_to(
        jnp.sum(y3, axis=0, keepdims=True), s_ref.shape)
    s2_ref[...] = s2_ref[...] + jnp.broadcast_to(
        jnp.sum(y3 * y3, axis=0, keepdims=True), s2_ref.shape)


def _final1(x1, ymax2, ymin2, a2, c2, w3aT, w3bT, b3, dp1, co2, co3, tp=512):
    cells = NTOT // tp
    return pl.pallas_call(
        _final1_body,
        grid=(cells,),
        in_specs=[
            pl.BlockSpec((tp, dp1), lambda t: (t, 0)),
            pl.BlockSpec((tp, co2), lambda t: (t, 0)),
            pl.BlockSpec((tp, co2), lambda t: (t, 0)),
            pl.BlockSpec((8, co2), lambda t: (0, 0)),
            pl.BlockSpec((8, co2), lambda t: (0, 0)),
            pl.BlockSpec((dp1, co3), lambda t: (0, 0)),
            pl.BlockSpec((co2, co3), lambda t: (0, 0)),
            pl.BlockSpec((8, co3), lambda t: (0, 0)),
        ],
        out_specs=[
            pl.BlockSpec((tp, co3), lambda t: (t, 0)),
            pl.BlockSpec((8, co3), lambda t: (0, 0)),
            pl.BlockSpec((8, co3), lambda t: (0, 0)),
        ],
        out_shape=[
            jax.ShapeDtypeStruct((NTOT, co3), jnp.float32),
            jax.ShapeDtypeStruct((8, co3), jnp.float32),
            jax.ShapeDtypeStruct((8, co3), jnp.float32),
        ],
    )(x1, ymax2, ymin2, a2, c2, w3aT, w3bT, b3)


def _final2_body(y3_ref, a3_ref, c3_ref, w4T_ref, b4_ref, y4_ref, s_ref,
                 s2_ref):
    t = pl.program_id(0)
    u = y3_ref[...] * a3_ref[...][0:1, :] + c3_ref[...][0:1, :]
    z3 = jnp.where(u > 0, u, 0.2 * u)
    y4 = (jnp.dot(z3, w4T_ref[...], preferred_element_type=jnp.float32)
          + b4_ref[...][0:1, :])
    y4_ref[...] = y4

    @pl.when(t == 0)
    def _():
        s_ref[...] = jnp.zeros_like(s_ref)
        s2_ref[...] = jnp.zeros_like(s2_ref)

    s_ref[...] = s_ref[...] + jnp.broadcast_to(
        jnp.sum(y4, axis=0, keepdims=True), s_ref.shape)
    s2_ref[...] = s2_ref[...] + jnp.broadcast_to(
        jnp.sum(y4 * y4, axis=0, keepdims=True), s2_ref.shape)


def _final2(y3, a3, c3, w4T, b4, co3, co4, tp=512):
    cells = NTOT // tp
    return pl.pallas_call(
        _final2_body,
        grid=(cells,),
        in_specs=[
            pl.BlockSpec((tp, co3), lambda t: (t, 0)),
            pl.BlockSpec((8, co3), lambda t: (0, 0)),
            pl.BlockSpec((8, co3), lambda t: (0, 0)),
            pl.BlockSpec((co3, co4), lambda t: (0, 0)),
            pl.BlockSpec((8, co4), lambda t: (0, 0)),
        ],
        out_specs=[
            pl.BlockSpec((tp, co4), lambda t: (t, 0)),
            pl.BlockSpec((8, co4), lambda t: (0, 0)),
            pl.BlockSpec((8, co4), lambda t: (0, 0)),
        ],
        out_shape=[
            jax.ShapeDtypeStruct((NTOT, co4), jnp.float32),
            jax.ShapeDtypeStruct((8, co4), jnp.float32),
            jax.ShapeDtypeStruct((8, co4), jnp.float32),
        ],
    )(y3, a3, c3, w4T, b4)


def _final3(y4, a4, c4, co4, tp=512):
    cells = NTOT // tp

    def body(y4_ref, a_ref, c_ref, out_ref):
        u = y4_ref[...] * a_ref[...][0:1, :] + c_ref[...][0:1, :]
        out_ref[...] = jnp.where(u > 0, u, 0.2 * u)

    return pl.pallas_call(
        body,
        grid=(cells,),
        in_specs=[
            pl.BlockSpec((tp, co4), lambda t: (t, 0)),
            pl.BlockSpec((8, co4), lambda t: (0, 0)),
            pl.BlockSpec((8, co4), lambda t: (0, 0)),
        ],
        out_specs=pl.BlockSpec((tp, co4), lambda t: (t, 0)),
        out_shape=jax.ShapeDtypeStruct((NTOT, co4), jnp.float32),
    )(y4, a4, c4)



def _pad2(w, r, c):
    return jnp.pad(w, ((0, r - w.shape[0]), (0, c - w.shape[1])))


def _row8(v, c):
    return jnp.broadcast_to(jnp.pad(v, (0, c - v.shape[0]))[None, :], (8, c))


def _bn_coeffs(hs, h2, g, beta, n_elems, cpad):
    s = hs[0]
    ss = h2[0]
    mu = s / n_elems
    var = jnp.maximum(ss / n_elems - mu * mu, 0.0)
    gp = jnp.pad(g, (0, cpad - g.shape[0]))
    bp = jnp.pad(beta, (0, cpad - beta.shape[0]))
    a = gp * jax.lax.rsqrt(var + EPS)
    c = bp - mu * a
    return (jnp.broadcast_to(a[None, :], (8, cpad)),
            jnp.broadcast_to(c[None, :], (8, cpad)))


def _gcn_block(xt, xT, xt_big, w1, b1, g1, beta1, w2, b2, g2, beta2, dp, cm,
               co):
    big = xt_big.shape[1]
    cin = w1.shape[1] // 2
    waT = _pad2(w1[:, :cin].T, big, cm)
    wbT = _pad2(w1[:, cin:].T, big, cm)
    b1r = _row8(b1, cm)

    idx = _knn(xt, xT, dp)
    idx_flat = jnp.transpose(idx).reshape(-1)
    g_flat = _sc_gather(xt_big, idx_flat, dp)
    g3 = g_flat.reshape(KNN, NTOT, big)

    hs, h2 = _edge_stats(g3, xt_big, waT, wbT, b1r, big, cm)
    n_edges = float(NTOT * KNN)
    a1, c1 = _bn_coeffs(hs, h2, g1, beta1, n_edges, cm)

    w2T = _pad2(w2.T, cm, co)
    b2r = _row8(b2, co)
    ymax, ymin, ys, y2 = _edge_main(g3, xt_big, waT, wbT, b1r, a1, c1, w2T,
                                    b2r, big, cm, co)
    a2, c2 = _bn_coeffs(ys, y2, g2, beta2, n_edges, co)
    return ymax, ymin, a2, c2


def kernel(x, c1l0_w, c1l0_b, c1l0_g, c1l0_beta, c1l1_w, c1l1_b, c1l1_g,
           c1l1_beta, c2l0_w, c2l0_b, c2l0_g, c2l0_beta, c2l1_w, c2l1_b,
           c2l1_g, c2l1_beta, c3l0_w, c3l0_b, c3l0_g, c3l0_beta, c3l1_w,
           c3l1_b, c3l1_g, c3l1_beta):
    f32 = jnp.float32
    x = x.astype(f32)

    dp1, cm1, co1 = 16, 128, 128
    xT0 = jnp.pad(x, ((0, 0), (0, dp1 - 3), (0, 0)))
    xt0 = jnp.transpose(x, (0, 2, 1)).reshape(NTOT, 3)
    xt0_big = jnp.pad(xt0, ((0, 0), (0, 128 - 3)))
    xt0 = xt0_big[:, :dp1]
    ymax1, ymin1, a1o, c1o = _gcn_block(
        xt0, xT0, xt0_big, c1l0_w, c1l0_b, c1l0_g, c1l0_beta,
        c1l1_w, c1l1_b, c1l1_g, c1l1_beta, dp1, cm1, co1)
    x1_full = _finalize(ymax1, ymin1, a1o, c1o, co1)

    dp2, cm2, co2 = 32, 128, 256
    x1 = x1_full[:, :dp2]
    x1T = jnp.transpose(x1.reshape(BS, NPT, dp2), (0, 2, 1))
    ymax2, ymin2, a2o, c2o = _gcn_block(
        x1, x1T, x1_full, c2l0_w, c2l0_b, c2l0_g, c2l0_beta,
        c2l1_w, c2l1_b, c2l1_g, c2l1_beta, dp2, cm2, co2)

    co3 = 384
    co4 = 256
    n27 = c3l0_w.shape[1] - co2
    w3aT = _pad2(c3l0_w[:, :n27].T, dp2, co3)
    w3bT = _pad2(c3l0_w[:, n27:].T, co2, co3)
    b3r = _row8(c3l0_b, co3)
    y3, s3, s3sq = _final1(x1, ymax2, ymin2, a2o, c2o, w3aT, w3bT, b3r,
                           dp2, co2, co3)
    a3, c3 = _bn_coeffs(s3, s3sq, c3l0_g, c3l0_beta, float(NTOT), co3)

    w4T = _pad2(c3l1_w.T, co3, co4)
    b4r = _row8(c3l1_b, co4)
    y4, s4, s4sq = _final2(y3, a3, c3, w4T, b4r, co3, co4)
    a4, c4 = _bn_coeffs(s4, s4sq, c3l1_g, c3l1_beta, float(NTOT), co4)

    out = _final3(y4, a4, c4, co4)
    return jnp.transpose(out.reshape(BS, NPT, co4), (0, 2, 1))

# --- scband reference (transcript-rebuilt; emitter-appended) ---
"""Pipeline reference for scband-gcnencoder-16664473108561 (READ-ONLY COPY).

The authoritative reference and input builder live on the scoring server;
editing this copy changes nothing except your own understanding.
"""

import jax, jax.numpy as jnp
import numpy as np

EMB_IN = 3; EMB_OUT = 256; K = 20; BS = 8; NPT = 2048
_inc = (EMB_OUT / (4 * EMB_IN)) ** 0.25
L1_0 = EMB_IN * 2; L1_1 = int(L1_0 * _inc); L1_2 = int(L1_0 * _inc ** 2)
L2_0 = L1_2 * 2; L2_1 = int(L2_0 * _inc); L2_2 = EMB_OUT
L3_0 = L2_2 + L1_2; L3_1 = int((EMB_OUT / L3_0) ** 0.5 * L3_0); L3_2 = EMB_OUT
_NAMES = ["c1l0", "c1l1", "c2l0", "c2l1", "c3l0", "c3l1"]
_DIMS = [(L1_0, L1_1), (L1_1, L1_2), (L2_0, L2_1), (L2_1, L2_2), (L3_0, L3_1), (L3_1, L3_2)]


def knn(x, k):
    # x: [bs, C, n]; pairwise_distance[b,i,j] = -||x_i - x_j||^2, topk = nearest (incl. self)
    inner = -2.0 * jnp.einsum('bcn,bcm->bnm', x, x)
    xx = jnp.sum(x ** 2, axis=1, keepdims=True)
    pd = -xx - inner - jnp.transpose(xx, (0, 2, 1))
    return jax.lax.top_k(pd, k)[1]


def get_graph_feature(x, k):
    bs, C, n = x.shape
    idx = knn(x, k)  # [bs, n, k]
    x_t = jnp.transpose(x, (0, 2, 1))  # [bs, n, C]
    feature = jax.vmap(lambda xt, ii: xt[ii])(x_t, idx)  # [bs, n, k, C]
    center = jnp.broadcast_to(x_t[:, :, None, :], (bs, n, k, C))
    feat = jnp.concatenate([feature - center, center], axis=3)
    return jnp.transpose(feat, (0, 3, 1, 2))  # [bs, 2C, n, k]


def conv2d_layer(x, W, b, g, beta):
    # 1x1 conv2d + batchnorm (batch stats) + leaky_relu(0.2), final_proc=True style
    y = jnp.einsum('oc,bcnk->bonk', W, x) + b[None, :, None, None]
    mean = jnp.mean(y, axis=(0, 2, 3), keepdims=True)
    var = jnp.var(y, axis=(0, 2, 3), keepdims=True)
    y = (y - mean) / jnp.sqrt(var + 1e-5)
    y = y * g[None, :, None, None] + beta[None, :, None, None]
    return jnp.where(y > 0, y, 0.2 * y)


def conv1d_layer(x, W, b, g, beta):
    y = jnp.einsum('oc,bcn->bon', W, x) + b[None, :, None]
    mean = jnp.mean(y, axis=(0, 2), keepdims=True)
    var = jnp.var(y, axis=(0, 2), keepdims=True)
    y = (y - mean) / jnp.sqrt(var + 1e-5)
    y = y * g[None, :, None] + beta[None, :, None]
    return jnp.where(y > 0, y, 0.2 * y)


def forward(x, p):
    f = get_graph_feature(x, K)
    f = conv2d_layer(f, *p[0:4])
    f = conv2d_layer(f, *p[4:8])
    x1 = jnp.max(f, axis=-1)
    f = get_graph_feature(x1, K)
    f = conv2d_layer(f, *p[8:12])
    f = conv2d_layer(f, *p[12:16])
    x2 = jnp.max(f, axis=-1)
    xc = jnp.concatenate([x1, x2], axis=1)
    y = conv1d_layer(xc, *p[16:20])
    y = conv1d_layer(y, *p[20:24])
    return y


def setup_inputs(seed: int = 0):
    key = jax.random.key(seed)
    d = {"x": jax.random.normal(jax.random.fold_in(key, 0), (BS, EMB_IN, NPT), dtype=jnp.float32)}
    for i, (name, (cin, cout)) in enumerate(zip(_NAMES, _DIMS)):
        d[name + "_w"] = (jax.random.normal(jax.random.fold_in(key, i + 1), (cout, cin), dtype=jnp.float32) / np.sqrt(cin)).astype(jnp.float32)
        d[name + "_b"] = jnp.zeros((cout,), dtype=jnp.float32)
        d[name + "_g"] = jnp.ones((cout,), dtype=jnp.float32)
        d[name + "_beta"] = jnp.zeros((cout,), dtype=jnp.float32)
    return d


def reference(x,
              c1l0_w, c1l0_b, c1l0_g, c1l0_beta,
              c1l1_w, c1l1_b, c1l1_g, c1l1_beta,
              c2l0_w, c2l0_b, c2l0_g, c2l0_beta,
              c2l1_w, c2l1_b, c2l1_g, c2l1_beta,
              c3l0_w, c3l0_b, c3l0_g, c3l0_beta,
              c3l1_w, c3l1_b, c3l1_g, c3l1_beta):
    kw = {"x": x,
          "c1l0_w": c1l0_w, "c1l0_b": c1l0_b, "c1l0_g": c1l0_g, "c1l0_beta": c1l0_beta,
          "c1l1_w": c1l1_w, "c1l1_b": c1l1_b, "c1l1_g": c1l1_g, "c1l1_beta": c1l1_beta,
          "c2l0_w": c2l0_w, "c2l0_b": c2l0_b, "c2l0_g": c2l0_g, "c2l0_beta": c2l0_beta,
          "c2l1_w": c2l1_w, "c2l1_b": c2l1_b, "c2l1_g": c2l1_g, "c2l1_beta": c2l1_beta,
          "c3l0_w": c3l0_w, "c3l0_b": c3l0_b, "c3l0_g": c3l0_g, "c3l0_beta": c3l0_beta,
          "c3l1_w": c3l1_w, "c3l1_b": c3l1_b, "c3l1_g": c3l1_g, "c3l1_beta": c3l1_beta}
    p = [kw[n + s] for n in _NAMES for s in ("_w", "_b", "_g", "_beta")]
    return forward(kw["x"], p)

if __name__ == "__main__":
    import jax
    _d = setup_inputs()
    print(jax.jit(kernel)(*tuple(_d.values())))

</pallas_src>

<mosaic_0001>
#map = affine_map<(d0, d1) -> (0, 0)>
#map1 = affine_map<(d0, d1) -> (0)>
module attributes {stable_mosaic.version = 14 : i64} {
  func.func @k(%arg0: i32, %arg1: i32, %arg2: memref<16384x128xf32, #tpu.memory_space<hbm>>, %arg3: memref<327680xi32, #tpu.memory_space<hbm>>, %arg4: memref<327680x128xf32, #tpu.memory_space<hbm>>, %arg5: memref<256xi32, #tpu.memory_space<vmem>>, %arg6: memref<256xi32, #tpu.memory_space<vmem>>, %arg7: memref<256x128xf32, #tpu.memory_space<vmem>>, %arg8: memref<256x128xf32, #tpu.memory_space<vmem>>, %arg9: memref<!tpu.dma_semaphore, #tpu.memory_space<semaphore_mem>>, %arg10: memref<!tpu.dma_semaphore, #tpu.memory_space<semaphore_mem>>, %arg11: memref<!tpu.dma_semaphore, #tpu.memory_space<semaphore_mem>>) attributes {dimension_semantics = [#tpu.dimension_semantics<core_parallel>, #tpu.dimension_semantics<subcore_parallel>], iteration_bounds = array<i64: 2, 16>, scalar_prefetch = 0 : i64, scratch_operands = 7 : i64, tpu.core_type = #tpu.core_type<sc_vector_subcore>, window_params = [{transform_indices = #map}, {transform_indices = #map1}, {transform_indices = #map}]} {
    %mul3A = arith.constant 2 : i32
    %mul3A_0 = arith.muli %arg1, %mul3A : i32
    %add3A = arith.addi %mul3A_0, %arg0 : i32
    %mul3A_1 = arith.constant 512 : i32
    %mul3A_2 = arith.muli %add3A, %mul3A_1 : i32
    %scan3A = arith.constant 0 : i32
    %scan3A_3 = arith.constant 0 : i32
    %scan3A_4 = arith.constant 20 : i32
    %scan3A_5 = arith.addi %scan3A_3, %scan3A_4 : i32
    %scan3A_6 = arith.constant 1 : i32
    scf.for %scan3A_15 = %scan3A_3 to %scan3A_5 step %scan3A_6  : i32 {
      %mul3A_16 = arith.constant 16384 : i32
      %mul3A_17 = arith.muli %scan3A_15, %mul3A_16 : i32
      %add3A_18 = arith.addi %mul3A_17, %mul3A_2 : i32
      %add3A_19 = arith.constant 0 : i32
      %add3A_20 = arith.addi %add3A_18, %add3A_19 : i32
      "tpu.region"() ({
        %run_scoped3A = tpu.sem_alloc : memref<!tpu.dma_semaphore, #tpu.memory_space<semaphore_mem>>
        %dma_start3A_52 = tpu.memref_slice %arg3[%add3A_20] : memref<327680xi32, #tpu.memory_space<hbm>> -> memref<256xi32, #tpu.memory_space<hbm>>
        %dma_start3A_53 = tpu.memref_slice %arg3[%add3A_20] : memref<327680xi32, #tpu.memory_space<hbm>> -> memref<256xi32, #tpu.memory_space<hbm>>
        tpu.enqueue_dma source(%dma_start3A_53 : memref<256xi32, #tpu.memory_space<hbm>>) target(%arg5 : memref<256xi32, #tpu.memory_space<vmem>>) target_semaphore(%run_scoped3A : memref<!tpu.dma_semaphore, #tpu.memory_space<semaphore_mem>>)
        %dma_wait3A_54 = tpu.memref_slice %arg3[%add3A_20] : memref<327680xi32, #tpu.memory_space<hbm>> -> memref<256xi32, #tpu.memory_space<hbm>>
        %dma_wait3A_55 = tpu.memref_slice %arg3[%add3A_20] : memref<327680xi32, #tpu.memory_space<hbm>> -> memref<256xi32, #tpu.memory_space<hbm>>
        tpu.wait_dma2 semaphore(%run_scoped3A : memref<!tpu.dma_semaphore, #tpu.memory_space<semaphore_mem>>) src(%dma_wait3A_55 : memref<256xi32, #tpu.memory_space<hbm>>) dst(%arg5 : memref<256xi32, #tpu.memory_space<vmem>>)
        tpu.yield
      }) : () -> ()
      %gt3A = arith.constant 0 : i32
      %gt3A_21 = arith.cmpi sgt, %scan3A_15, %gt3A : i32
      %convert_element_type3A = arith.extui %gt3A_21 : i1 to i32
      %cond3A = arith.constant 0 : i32
      %cond3A_22 = arith.cmpi ne, %convert_element_type3A, %cond3A : i32
      scf.if %cond3A_22 {
        %dma_wait3A_52 = arith.constant 0 : i32
        %dma_wait3A_53 = tpu.memref_slice %arg4[%mul3A_2, %dma_wait3A_52] : memref<327680x128xf32, #tpu.memory_space<hbm>> -> memref<256x128xf32, #tpu.memory_space<hbm>>
        %dma_wait3A_54 = arith.constant 0 : i32
        %dma_wait3A_55 = tpu.memref_slice %arg4[%mul3A_2, %dma_wait3A_54] : memref<327680x128xf32, #tpu.memory_space<hbm>> -> memref<256x128xf32, #tpu.memory_space<hbm>>
        tpu.wait_dma2 semaphore(%arg10 : memref<!tpu.dma_semaphore, #tpu.memory_space<semaphore_mem>>) src(%arg7 : memref<256x128xf32, #tpu.memory_space<vmem>>) dst(%dma_wait3A_55 : memref<256x128xf32, #tpu.memory_space<hbm>>)
      } else {
      }
      %dma_start3A = arith.constant 0 : i32
      %dma_start3A_23 = arith.constant 0 : i32
      %dma_start3A_24 = tpu.memref_slice %arg2[%dma_start3A, %dma_start3A_23] : memref<16384x128xf32, #tpu.memory_space<hbm>> -> memref<16384x128xf32, #tpu.memory_space<hbm>>
      tpu.enqueue_indirect_dma source(%dma_start3A_24 : memref<16384x128xf32, #tpu.memory_space<hbm>>) target(%arg7 : memref<256x128xf32, #tpu.memory_space<vmem>>) offsets(%arg5 : memref<256xi32, #tpu.memory_space<vmem>>) semaphore(%arg9 : memref<!tpu.dma_semaphore, #tpu.memory_space<semaphore_mem>>)
      %dma_wait3A_25 = arith.constant 0 : i32
      %dma_wait3A_26 = arith.constant 0 : i32
      %dma_wait3A_27 = tpu.memref_slice %arg2[%dma_wait3A_25, %dma_wait3A_26] : memref<16384x128xf32, #tpu.memory_space<hbm>> -> memref<16384x128xf32, #tpu.memory_space<hbm>>
      tpu.wait_indirect_dma semaphore(%arg9 : memref<!tpu.dma_semaphore, #tpu.memory_space<semaphore_mem>>) src(%dma_wait3A_27 : memref<16384x128xf32, #tpu.memory_space<hbm>>) dst(%arg7 : memref<256x128xf32, #tpu.memory_space<vmem>>)
      %dma_start3A_28 = arith.constant 0 : i32
      %dma_start3A_29 = tpu.memref_slice %arg4[%add3A_20, %dma_start3A_28] : memref<327680x128xf32, #tpu.memory_space<hbm>> -> memref<256x128xf32, #tpu.memory_space<hbm>>
      %dma_start3A_30 = arith.constant 0 : i32
      %dma_start3A_31 = tpu.memref_slice %arg4[%add3A_20, %dma_start3A_30] : memref<327680x128xf32, #tpu.memory_space<hbm>> -> memref<256x128xf32, #tpu.memory_space<hbm>>
      tpu.enqueue_dma source(%arg7 : memref<256x128xf32, #tpu.memory_space<vmem>>) target(%dma_start3A_31 : memref<256x128xf32, #tpu.memory_space<hbm>>) target_semaphore(%arg10 : memref<!tpu.dma_semaphore, #tpu.memory_space<semaphore_mem>>)
      %mul3A_32 = arith.constant 16384 : i32
      %mul3A_33 = arith.muli %scan3A_15, %mul3A_32 : i32
      %add3A_34 = arith.addi %mul3A_33, %mul3A_2 : i32
      %add3A_35 = arith.constant 256 : i32
      %add3A_36 = arith.addi %add3A_34, %add3A_35 : i32
      "tpu.region"() ({
        %run_scoped3A = tpu.sem_alloc : memref<!tpu.dma_semaphore, #tpu.memory_space<semaphore_mem>>
        %dma_start3A_52 = tpu.memref_slice %arg3[%add3A_36] : memref<327680xi32, #tpu.memory_space<hbm>> -> memref<256xi32, #tpu.memory_space<hbm>>
        %dma_start3A_53 = tpu.memref_slice %arg3[%add3A_36] : memref<327680xi32, #tpu.memory_space<hbm>> -> memref<256xi32, #tpu.memory_space<hbm>>
        tpu.enqueue_dma source(%dma_start3A_53 : memref<256xi32, #tpu.memory_space<hbm>>) target(%arg6 : memref<256xi32, #tpu.memory_space<vmem>>) target_semaphore(%run_scoped3A : memref<!tpu.dma_semaphore, #tpu.memory_space<semaphore_mem>>)
        %dma_wait3A_54 = tpu.memref_slice %arg3[%add3A_36] : memref<327680xi32, #tpu.memory_space<hbm>> -> memref<256xi32, #tpu.memory_space<hbm>>
        %dma_wait3A_55 = tpu.memref_slice %arg3[%add3A_36] : memref<327680xi32, #tpu.memory_space<hbm>> -> memref<256xi32, #tpu.memory_space<hbm>>
        tpu.wait_dma2 semaphore(%run_scoped3A : memref<!tpu.dma_semaphore, #tpu.memory_space<semaphore_mem>>) src(%dma_wait3A_55 : memref<256xi32, #tpu.memory_space<hbm>>) dst(%arg6 : memref<256xi32, #tpu.memory_space<vmem>>)
        tpu.yield
      }) : () -> ()
      %gt3A_37 = arith.constant 0 : i32
      %gt3A_38 = arith.cmpi sgt, %scan3A_15, %gt3A_37 : i32
      %convert_element_type3A_39 = arith.extui %gt3A_38 : i1 to i32
      %cond3A_40 = arith.constant 0 : i32
      %cond3A_41 = arith.cmpi ne, %convert_element_type3A_39, %cond3A_40 : i32
      scf.if %cond3A_41 {
        %dma_wait3A_52 = arith.constant 0 : i32
        %dma_wait3A_53 = tpu.memref_slice %arg4[%mul3A_2, %dma_wait3A_52] : memref<327680x128xf32, #tpu.memory_space<hbm>> -> memref<256x128xf32, #tpu.memory_space<hbm>>
        %dma_wait3A_54 = arith.constant 0 : i32
        %dma_wait3A_55 = tpu.memref_slice %arg4[%mul3A_2, %dma_wait3A_54] : memref<327680x128xf32, #tpu.memory_space<hbm>> -> memref<256x128xf32, #tpu.memory_space<hbm>>
        tpu.wait_dma2 semaphore(%arg11 : memref<!tpu.dma_semaphore, #tpu.memory_space<semaphore_mem>>) src(%arg8 : memref<256x128xf32, #tpu.memory_space<vmem>>) dst(%dma_wait3A_55 : memref<256x128xf32, #tpu.memory_space<hbm>>)
      } else {
      }
      %dma_start3A_42 = arith.constant 0 : i32
      %dma_start3A_43 = arith.constant 0 : i32
      %dma_start3A_44 = tpu.memref_slice %arg2[%dma_start3A_42, %dma_start3A_43] : memref<16384x128xf32, #tpu.memory_space<hbm>> -> memref<16384x128xf32, #tpu.memory_space<hbm>>
      tpu.enqueue_indirect_dma source(%dma_start3A_44 : memref<16384x128xf32, #tpu.memory_space<hbm>>) target(%arg8 : memref<256x128xf32, #tpu.memory_space<vmem>>) offsets(%arg6 : memref<256xi32, #tpu.memory_space<vmem>>) semaphore(%arg9 : memref<!tpu.dma_semaphore, #tpu.memory_space<semaphore_mem>>)
      %dma_wait3A_45 = arith.constant 0 : i32
      %dma_wait3A_46 = arith.constant 0 : i32
      %dma_wait3A_47 = tpu.memref_slice %arg2[%dma_wait3A_45, %dma_wait3A_46] : memref<16384x128xf32, #tpu.memory_space<hbm>> -> memref<16384x128xf32, #tpu.memory_space<hbm>>
      tpu.wait_indirect_dma semaphore(%arg9 : memref<!tpu.dma_semaphore, #tpu.memory_space<semaphore_mem>>) src(%dma_wait3A_47 : memref<16384x128xf32, #tpu.memory_space<hbm>>) dst(%arg8 : memref<256x128xf32, #tpu.memory_space<vmem>>)
      %dma_start3A_48 = arith.constant 0 : i32
      %dma_start3A_49 = tpu.memref_slice %arg4[%add3A_36, %dma_start3A_48] : memref<327680x128xf32, #tpu.memory_space<hbm>> -> memref<256x128xf32, #tpu.memory_space<hbm>>
      %dma_start3A_50 = arith.constant 0 : i32
      %dma_start3A_51 = tpu.memref_slice %arg4[%add3A_36, %dma_start3A_50] : memref<327680x128xf32, #tpu.memory_space<hbm>> -> memref<256x128xf32, #tpu.memory_space<hbm>>
      tpu.enqueue_dma source(%arg8 : memref<256x128xf32, #tpu.memory_space<vmem>>) target(%dma_start3A_51 : memref<256x128xf32, #tpu.memory_space<hbm>>) target_semaphore(%arg11 : memref<!tpu.dma_semaphore, #tpu.memory_space<semaphore_mem>>)
    }
    %scan3A_7 = arith.constant 20 : i32
    %dma_wait3A = arith.constant 0 : i32
    %dma_wait3A_8 = tpu.memref_slice %arg4[%mul3A_2, %dma_wait3A] : memref<327680x128xf32, #tpu.memory_space<hbm>> -> memref<256x128xf32, #tpu.memory_space<hbm>>
    %dma_wait3A_9 = arith.constant 0 : i32
    %dma_wait3A_10 = tpu.memref_slice %arg4[%mul3A_2, %dma_wait3A_9] : memref<327680x128xf32, #tpu.memory_space<hbm>> -> memref<256x128xf32, #tpu.memory_space<hbm>>
    tpu.wait_dma2 semaphore(%arg10 : memref<!tpu.dma_semaphore, #tpu.memory_space<semaphore_mem>>) src(%arg7 : memref<256x128xf32, #tpu.memory_space<vmem>>) dst(%dma_wait3A_10 : memref<256x128xf32, #tpu.memory_space<hbm>>)
    %dma_wait3A_11 = arith.constant 0 : i32
    %dma_wait3A_12 = tpu.memref_slice %arg4[%mul3A_2, %dma_wait3A_11] : memref<327680x128xf32, #tpu.memory_space<hbm>> -> memref<256x128xf32, #tpu.memory_space<hbm>>
    %dma_wait3A_13 = arith.constant 0 : i32
    %dma_wait3A_14 = tpu.memref_slice %arg4[%mul3A_2, %dma_wait3A_13] : memref<327680x128xf32, #tpu.memory_space<hbm>> -> memref<256x128xf32, #tpu.memory_space<hbm>>
    tpu.wait_dma2 semaphore(%arg11 : memref<!tpu.dma_semaphore, #tpu.memory_space<semaphore_mem>>) src(%arg8 : memref<256x128xf32, #tpu.memory_space<vmem>>) dst(%dma_wait3A_14 : memref<256x128xf32, #tpu.memory_space<hbm>>)
    return
  }
}

#map = affine_map<(d0, d1) -> (0, 0)>
#map1 = affine_map<(d0, d1) -> (0)>
module attributes {stable_mosaic.version = 14 : i64} {
  func.func @k(%arg0: i32, %arg1: i32, %arg2: memref<16384x128xf32, #tpu.memory_space<hbm>>, %arg3: memref<327680xi32, #tpu.memory_space<hbm>>, %arg4: memref<327680x128xf32, #tpu.memory_space<hbm>>, %arg5: memref<256xi32, #tpu.memory_space<vmem>>, %arg6: memref<256xi32, #tpu.memory_space<vmem>>, %arg7: memref<256x128xf32, #tpu.memory_space<vmem>>, %arg8: memref<256x128xf32, #tpu.memory_space<vmem>>, %arg9: memref<!tpu.dma_semaphore, #tpu.memory_space<semaphore_mem>>, %arg10: memref<!tpu.dma_semaphore, #tpu.memory_space<semaphore_mem>>, %arg11: memref<!tpu.dma_semaphore, #tpu.memory_space<semaphore_mem>>) attributes {dimension_semantics = [#tpu.dimension_semantics<core_parallel>, #tpu.dimension_semantics<subcore_parallel>], iteration_bounds = array<i64: 2, 16>, scalar_prefetch = 0 : i64, scratch_operands = 7 : i64, tpu.core_type = #tpu.core_type<sc_vector_subcore>, window_params = [{transform_indices = #map}, {transform_indices = #map1}, {transform_indices = #map}]} {
    %mul3A = arith.constant 2 : i32
    %mul3A_0 = arith.muli %arg1, %mul3A : i32
    %add3A = arith.addi %mul3A_0, %arg0 : i32
    %mul3A_1 = arith.constant 512 : i32
    %mul3A_2 = arith.muli %add3A, %mul3A_1 : i32
    %scan3A = arith.constant 0 : i32
    %scan3A_3 = arith.constant 0 : i32
    %scan3A_4 = arith.constant 20 : i32
    %scan3A_5 = arith.addi %scan3A_3, %scan3A_4 : i32
    %scan3A_6 = arith.constant 1 : i32
    scf.for %scan3A_15 = %scan3A_3 to %scan3A_5 step %scan3A_6  : i32 {
      %mul3A_16 = arith.constant 16384 : i32
      %mul3A_17 = arith.muli %scan3A_15, %mul3A_16 : i32
      %add3A_18 = arith.addi %mul3A_17, %mul3A_2 : i32
      %add3A_19 = arith.constant 0 : i32
      %add3A_20 = arith.addi %add3A_18, %add3A_19 : i32
      "tpu.region"() ({
        %run_scoped3A = tpu.sem_alloc : memref<!tpu.dma_semaphore, #tpu.memory_space<semaphore_mem>>
        %dma_start3A_52 = tpu.memref_slice %arg3[%add3A_20] : memref<327680xi32, #tpu.memory_space<hbm>> -> memref<256xi32, #tpu.memory_space<hbm>>
        %dma_start3A_53 = tpu.memref_slice %arg3[%add3A_20] : memref<327680xi32, #tpu.memory_space<hbm>> -> memref<256xi32, #tpu.memory_space<hbm>>
        tpu.enqueue_dma source(%dma_start3A_53 : memref<256xi32, #tpu.memory_space<hbm>>) target(%arg5 : memref<256xi32, #tpu.memory_space<vmem>>) target_semaphore(%run_scoped3A : memref<!tpu.dma_semaphore, #tpu.memory_space<semaphore_mem>>)
        %dma_wait3A_54 = tpu.memref_slice %arg3[%add3A_20] : memref<327680xi32, #tpu.memory_space<hbm>> -> memref<256xi32, #tpu.memory_space<hbm>>
        %dma_wait3A_55 = tpu.memref_slice %arg3[%add3A_20] : memref<327680xi32, #tpu.memory_space<hbm>> -> memref<256xi32, #tpu.memory_space<hbm>>
        tpu.wait_dma2 semaphore(%run_scoped3A : memref<!tpu.dma_semaphore, #tpu.memory_space<semaphore_mem>>) src(%dma_wait3A_55 : memref<256xi32, #tpu.memory_space<hbm>>) dst(%arg5 : memref<256xi32, #tpu.memory_space<vmem>>)
        tpu.yield
      }) : () -> ()
      %gt3A = arith.constant 0 : i32
      %gt3A_21 = arith.cmpi sgt, %scan3A_15, %gt3A : i32
      %convert_element_type3A = arith.extui %gt3A_21 : i1 to i32
      %cond3A = arith.constant 0 : i32
      %cond3A_22 = arith.cmpi ne, %convert_element_type3A, %cond3A : i32
      scf.if %cond3A_22 {
        %dma_wait3A_52 = arith.constant 0 : i32
        %dma_wait3A_53 = tpu.memref_slice %arg4[%mul3A_2, %dma_wait3A_52] : memref<327680x128xf32, #tpu.memory_space<hbm>> -> memref<256x128xf32, #tpu.memory_space<hbm>>
        %dma_wait3A_54 = arith.constant 0 : i32
        %dma_wait3A_55 = tpu.memref_slice %arg4[%mul3A_2, %dma_wait3A_54] : memref<327680x128xf32, #tpu.memory_space<hbm>> -> memref<256x128xf32, #tpu.memory_space<hbm>>
        tpu.wait_dma2 semaphore(%arg10 : memref<!tpu.dma_semaphore, #tpu.memory_space<semaphore_mem>>) src(%arg7 : memref<256x128xf32, #tpu.memory_space<vmem>>) dst(%dma_wait3A_55 : memref<256x128xf32, #tpu.memory_space<hbm>>)
      } else {
      }
      %dma_start3A = arith.constant 0 : i32
      %dma_start3A_23 = arith.constant 0 : i32
      %dma_start3A_24 = tpu.memref_slice %arg2[%dma_start3A, %dma_start3A_23] : memref<16384x128xf32, #tpu.memory_space<hbm>> -> memref<16384x128xf32, #tpu.memory_space<hbm>>
      tpu.enqueue_indirect_dma source(%dma_start3A_24 : memref<16384x128xf32, #tpu.memory_space<hbm>>) target(%arg7 : memref<256x128xf32, #tpu.memory_space<vmem>>) offsets(%arg5 : memref<256xi32, #tpu.memory_space<vmem>>) semaphore(%arg9 : memref<!tpu.dma_semaphore, #tpu.memory_space<semaphore_mem>>)
      %dma_wait3A_25 = arith.constant 0 : i32
      %dma_wait3A_26 = arith.constant 0 : i32
      %dma_wait3A_27 = tpu.memref_slice %arg2[%dma_wait3A_25, %dma_wait3A_26] : memref<16384x128xf32, #tpu.memory_space<hbm>> -> memref<16384x128xf32, #tpu.memory_space<hbm>>
      tpu.wait_indirect_dma semaphore(%arg9 : memref<!tpu.dma_semaphore, #tpu.memory_space<semaphore_mem>>) src(%dma_wait3A_27 : memref<16384x128xf32, #tpu.memory_space<hbm>>) dst(%arg7 : memref<256x128xf32, #tpu.memory_space<vmem>>)
      %dma_start3A_28 = arith.constant 0 : i32
      %dma_start3A_29 = tpu.memref_slice %arg4[%add3A_20, %dma_start3A_28] : memref<327680x128xf32, #tpu.memory_space<hbm>> -> memref<256x128xf32, #tpu.memory_space<hbm>>
      %dma_start3A_30 = arith.constant 0 : i32
      %dma_start3A_31 = tpu.memref_slice %arg4[%add3A_20, %dma_start3A_30] : memref<327680x128xf32, #tpu.memory_space<hbm>> -> memref<256x128xf32, #tpu.memory_space<hbm>>
      tpu.enqueue_dma source(%arg7 : memref<256x128xf32, #tpu.memory_space<vmem>>) target(%dma_start3A_31 : memref<256x128xf32, #tpu.memory_space<hbm>>) target_semaphore(%arg10 : memref<!tpu.dma_semaphore, #tpu.memory_space<semaphore_mem>>)
      %mul3A_32 = arith.constant 16384 : i32
      %mul3A_33 = arith.muli %scan3A_15, %mul3A_32 : i32
      %add3A_34 = arith.addi %mul3A_33, %mul3A_2 : i32
      %add3A_35 = arith.constant 256 : i32
      %add3A_36 = arith.addi %add3A_34, %add3A_35 : i32
      "tpu.region"() ({
        %run_scoped3A = tpu.sem_alloc : memref<!tpu.dma_semaphore, #tpu.memory_space<semaphore_mem>>
        %dma_start3A_52 = tpu.memref_slice %arg3[%add3A_36] : memref<327680xi32, #tpu.memory_space<hbm>> -> memref<256xi32, #tpu.memory_space<hbm>>
        %dma_start3A_53 = tpu.memref_slice %arg3[%add3A_36] : memref<327680xi32, #tpu.memory_space<hbm>> -> memref<256xi32, #tpu.memory_space<hbm>>
        tpu.enqueue_dma source(%dma_start3A_53 : memref<256xi32, #tpu.memory_space<hbm>>) target(%arg6 : memref<256xi32, #tpu.memory_space<vmem>>) target_semaphore(%run_scoped3A : memref<!tpu.dma_semaphore, #tpu.memory_space<semaphore_mem>>)
        %dma_wait3A_54 = tpu.memref_slice %arg3[%add3A_36] : memref<327680xi32, #tpu.memory_space<hbm>> -> memref<256xi32, #tpu.memory_space<hbm>>
        %dma_wait3A_55 = tpu.memref_slice %arg3[%add3A_36] : memref<327680xi32, #tpu.memory_space<hbm>> -> memref<256xi32, #tpu.memory_space<hbm>>
        tpu.wait_dma2 semaphore(%run_scoped3A : memref<!tpu.dma_semaphore, #tpu.memory_space<semaphore_mem>>) src(%dma_wait3A_55 : memref<256xi32, #tpu.memory_space<hbm>>) dst(%arg6 : memref<256xi32, #tpu.memory_space<vmem>>)
        tpu.yield
      }) : () -> ()
      %gt3A_37 = arith.constant 0 : i32
      %gt3A_38 = arith.cmpi sgt, %scan3A_15, %gt3A_37 : i32
      %convert_element_type3A_39 = arith.extui %gt3A_38 : i1 to i32
      %cond3A_40 = arith.constant 0 : i32
      %cond3A_41 = arith.cmpi ne, %convert_element_type3A_39, %cond3A_40 : i32
      scf.if %cond3A_41 {
        %dma_wait3A_52 = arith.constant 0 : i32
        %dma_wait3A_53 = tpu.memref_slice %arg4[%mul3A_2, %dma_wait3A_52] : memref<327680x128xf32, #tpu.memory_space<hbm>> -> memref<256x128xf32, #tpu.memory_space<hbm>>
        %dma_wait3A_54 = arith.constant 0 : i32
        %dma_wait3A_55 = tpu.memref_slice %arg4[%mul3A_2, %dma_wait3A_54] : memref<327680x128xf32, #tpu.memory_space<hbm>> -> memref<256x128xf32, #tpu.memory_space<hbm>>
        tpu.wait_dma2 semaphore(%arg11 : memref<!tpu.dma_semaphore, #tpu.memory_space<semaphore_mem>>) src(%arg8 : memref<256x128xf32, #tpu.memory_space<vmem>>) dst(%dma_wait3A_55 : memref<256x128xf32, #tpu.memory_space<hbm>>)
      } else {
      }
      %dma_start3A_42 = arith.constant 0 : i32
      %dma_start3A_43 = arith.constant 0 : i32
      %dma_start3A_44 = tpu.memref_slice %arg2[%dma_start3A_42, %dma_start3A_43] : memref<16384x128xf32, #tpu.memory_space<hbm>> -> memref<16384x128xf32, #tpu.memory_space<hbm>>
      tpu.enqueue_indirect_dma source(%dma_start3A_44 : memref<16384x128xf32, #tpu.memory_space<hbm>>) target(%arg8 : memref<256x128xf32, #tpu.memory_space<vmem>>) offsets(%arg6 : memref<256xi32, #tpu.memory_space<vmem>>) semaphore(%arg9 : memref<!tpu.dma_semaphore, #tpu.memory_space<semaphore_mem>>)
      %dma_wait3A_45 = arith.constant 0 : i32
      %dma_wait3A_46 = arith.constant 0 : i32
      %dma_wait3A_47 = tpu.memref_slice %arg2[%dma_wait3A_45, %dma_wait3A_46] : memref<16384x128xf32, #tpu.memory_space<hbm>> -> memref<16384x128xf32, #tpu.memory_space<hbm>>
      tpu.wait_indirect_dma semaphore(%arg9 : memref<!tpu.dma_semaphore, #tpu.memory_space<semaphore_mem>>) src(%dma_wait3A_47 : memref<16384x128xf32, #tpu.memory_space<hbm>>) dst(%arg8 : memref<256x128xf32, #tpu.memory_space<vmem>>)
      %dma_start3A_48 = arith.constant 0 : i32
      %dma_start3A_49 = tpu.memref_slice %arg4[%add3A_36, %dma_start3A_48] : memref<327680x128xf32, #tpu.memory_space<hbm>> -> memref<256x128xf32, #tpu.memory_space<hbm>>
      %dma_start3A_50 = arith.constant 0 : i32
      %dma_start3A_51 = tpu.memref_slice %arg4[%add3A_36, %dma_start3A_50] : memref<327680x128xf32, #tpu.memory_space<hbm>> -> memref<256x128xf32, #tpu.memory_space<hbm>>
      tpu.enqueue_dma source(%arg8 : memref<256x128xf32, #tpu.memory_space<vmem>>) target(%dma_start3A_51 : memref<256x128xf32, #tpu.memory_space<hbm>>) target_semaphore(%arg11 : memref<!tpu.dma_semaphore, #tpu.memory_space<semaphore_mem>>)
    }
    %scan3A_7 = arith.constant 20 : i32
    %dma_wait3A = arith.constant 0 : i32
    %dma_wait3A_8 = tpu.memref_slice %arg4[%mul3A_2, %dma_wait3A] : memref<327680x128xf32, #tpu.memory_space<hbm>> -> memref<256x128xf32, #tpu.memory_space<hbm>>
    %dma_wait3A_9 = arith.constant 0 : i32
    %dma_wait3A_10 = tpu.memref_slice %arg4[%mul3A_2, %dma_wait3A_9] : memref<327680x128xf32, #tpu.memory_space<hbm>> -> memref<256x128xf32, #tpu.memory_space<hbm>>
    tpu.wait_dma2 semaphore(%arg10 : memref<!tpu.dma_semaphore, #tpu.memory_space<semaphore_mem>>) src(%arg7 : memref<256x128xf32, #tpu.memory_space<vmem>>) dst(%dma_wait3A_10 : memref<256x128xf32, #tpu.memory_space<hbm>>)
    %dma_wait3A_11 = arith.constant 0 : i32
    %dma_wait3A_12 = tpu.memref_slice %arg4[%mul3A_2, %dma_wait3A_11] : memref<327680x128xf32, #tpu.memory_space<hbm>> -> memref<256x128xf32, #tpu.memory_space<hbm>>
    %dma_wait3A_13 = arith.constant 0 : i32
    %dma_wait3A_14 = tpu.memref_slice %arg4[%mul3A_2, %dma_wait3A_13] : memref<327680x128xf32, #tpu.memory_space<hbm>> -> memref<256x128xf32, #tpu.memory_space<hbm>>
    tpu.wait_dma2 semaphore(%arg11 : memref<!tpu.dma_semaphore, #tpu.memory_space<semaphore_mem>>) src(%arg8 : memref<256x128xf32, #tpu.memory_space<vmem>>) dst(%dma_wait3A_14 : memref<256x128xf32, #tpu.memory_space<hbm>>)
    return
  }
}

module attributes {stable_mosaic.version = 14 : i64} {
  func.func @_knn_body(%arg0: i32, %arg1: i32, %arg2: memref<128x16xf32, #tpu.memory_space<vmem>>, %arg3: memref<1x16x2048xf32, #tpu.memory_space<vmem>>, %arg4: memref<128x20xi32, #tpu.memory_space<vmem>>) attributes {dimension_semantics = [#tpu.dimension_semantics<arbitrary>, #tpu.dimension_semantics<arbitrary>], iteration_bounds = array<i64: 8, 16>, scalar_prefetch = 0 : i64, scratch_operands = 0 : i64, tpu.core_type = #tpu.core_type<tc>, window_params = [{transform_indices = @transform_0, window_bounds = array<i64: 128, 16>}, {transform_indices = @transform_1, window_bounds = array<i64: 1, 16, 2048>}, {transform_indices = @transform_2, window_bounds = array<i64: 128, 20>}]} {
    %get3A = arith.constant 0 : index
    %get3A_0 = arith.constant 0 : index
    %get3A_1 = vector.load %arg2[%get3A, %get3A_0] : memref<128x16xf32, #tpu.memory_space<vmem>>, vector<128x16xf32>
    %get3A_2 = arith.constant 0 : index
    %get3A_3 = arith.constant 0 : index
    %get3A_4 = arith.constant 0 : index
    %get3A_5 = vector.load %arg3[%get3A_2, %get3A_3, %get3A_4] : memref<1x16x2048xf32, #tpu.memory_space<vmem>>, vector<1x16x2048xf32>
    %get3A_6 = vector.shape_cast %get3A_5 : vector<1x16x2048xf32> to vector<16x2048xf32>
    %dot_general3A = arith.constant dense<0.000000e+00> : vector<128x2048xf32>
    %dot_general3A_7 = tpu.matmul %get3A_1, %get3A_6, %dot_general3A {dimension_numbers = #tpu.dot_dimension_numbers<[1], [0], [0], [1], [0, 0, 1, 1], [], []>, transpose_lhs_hint = false} : vector<128x16xf32>, vector<16x2048xf32>, vector<128x2048xf32> -> vector<128x2048xf32>
    %mul3A = arith.mulf %get3A_1, %get3A_1 : vector<128x16xf32>
    %reduce_sum3A = arith.constant dense<0.000000e+00> : vector<128xf32>
    %reduce_sum3A_8 = vector.multi_reduction <add>, %mul3A, %reduce_sum3A [1] : vector<128x16xf32> to vector<128xf32>
    %broadcast_in_dim3A = vector.shape_cast %reduce_sum3A_8 : vector<128xf32> to vector<128x1xf32>
    %mul3A_9 = arith.mulf %get3A_6, %get3A_6 : vector<16x2048xf32>
    %reduce_sum3A_10 = arith.constant dense<0.000000e+00> : vector<2048xf32>
    %reduce_sum3A_11 = vector.multi_reduction <add>, %mul3A_9, %reduce_sum3A_10 [0] : vector<16x2048xf32> to vector<2048xf32>
    %broadcast_in_dim3A_12 = vector.shape_cast %reduce_sum3A_11 : vector<2048xf32> to vector<1x2048xf32>
    %mul3A_13 = arith.constant 2.000000e+00 : f32
    %mul3A_14 = vector.broadcast %mul3A_13 : f32 to vector<128x2048xf32>
    %mul3A_15 = arith.mulf %mul3A_14, %dot_general3A_7 : vector<128x2048xf32>
    %sub3A = vector.broadcast %broadcast_in_dim3A : vector<128x1xf32> to vector<128x2048xf32>
    %sub3A_16 = arith.subf %mul3A_15, %sub3A : vector<128x2048xf32>
    %sub3A_17 = vector.broadcast %broadcast_in_dim3A_12 : vector<1x2048xf32> to vector<128x2048xf32>
    %sub3A_18 = arith.subf %sub3A_16, %sub3A_17 : vector<128x2048xf32>
    %iota3A = tpu.iota {dimensions = array<i32: 1>} : vector<128x2048xi32>
    %convert_element_type3A = arith.sitofp %iota3A : vector<128x2048xi32> to vector<128x2048xf32>
    %iota3A_19 = tpu.iota {dimensions = array<i32: 1>} : vector<128x20xi32>
    %broadcast_in_dim3A_20 = arith.constant 0.000000e+00 : f32
    %broadcast_in_dim3A_21 = vector.broadcast %broadcast_in_dim3A_20 : f32 to vector<128x20xf32>
    %reduce_max3A = arith.constant dense<0xFF800000> : vector<128xf32>
    %reduce_max3A_22 = vector.multi_reduction <maximumf>, %sub3A_18, %reduce_max3A [1] : vector<128x2048xf32> to vector<128xf32>
    %broadcast_in_dim3A_23 = vector.shape_cast %reduce_max3A_22 : vector<128xf32> to vector<128x1xf32>
    %ge3A = vector.broadcast %broadcast_in_dim3A_23 : vector<128x1xf32> to vector<128x2048xf32>
    %ge3A_24 = arith.cmpf oge, %sub3A_18, %ge3A : vector<128x2048xf32>
    %jit3A = arith.constant 4.096000e+03 : f32
    %broadcast_in_dim3A_25 = vector.broadcast %jit3A : f32 to vector<128x2048xf32>
    %select_n3A = arith.select %ge3A_24, %convert_element_type3A, %broadcast_in_dim3A_25 : vector<128x2048xi1>, vector<128x2048xf32>
    %reduce_min3A = arith.constant dense<0x7F800000> : vector<128xf32>
    %reduce_min3A_26 = vector.multi_reduction <minimumf>, %select_n3A, %reduce_min3A [1] : vector<128x2048xf32> to vector<128xf32>
    %broadcast_in_dim3A_27 = vector.shape_cast %reduce_min3A_26 : vector<128xf32> to vector<128x1xf32>
    %eq3A = arith.constant 0 : i32
    %eq3A_28 = vector.broadcast %eq3A : i32 to vector<128x20xi32>
    %eq3A_29 = arith.cmpi eq, %iota3A_19, %eq3A_28 : vector<128x20xi32>
    %broadcast_in_dim3A_30 = vector.shape_cast %broadcast_in_dim3A_27 : vector<128x1xf32> to vector<128x1xf32>
    %broadcast_in_dim3A_31 = vector.broadcast %broadcast_in_dim3A_30 : vector<128x1xf32> to vector<128x20xf32>
    %select_n3A_32 = arith.select %eq3A_29, %broadcast_in_dim3A_31, %broadcast_in_dim3A_21 : vector<128x20xi1>, vector<128x20xf32>
    %eq3A_33 = vector.broadcast %broadcast_in_dim3A_27 : vector<128x1xf32> to vector<128x2048xf32>
    %eq3A_34 = arith.cmpf oeq, %convert_element_type3A, %eq3A_33 : vector<128x2048xf32>
    %jit3A_35 = arith.constant -3.000000e+38 : f32
    %broadcast_in_dim3A_36 = vector.broadcast %jit3A_35 : f32 to vector<128x2048xf32>
    %select_n3A_37 = arith.select %eq3A_34, %broadcast_in_dim3A_36, %sub3A_18 : vector<128x2048xi1>, vector<128x2048xf32>
    %reduce_max3A_38 = arith.constant dense<0xFF800000> : vector<128xf32>
    %reduce_max3A_39 = vector.multi_reduction <maximumf>, %select_n3A_37, %reduce_max3A_38 [1] : vector<128x2048xf32> to vector<128xf32>
    %broadcast_in_dim3A_40 = vector.shape_cast %reduce_max3A_39 : vector<128xf32> to vector<128x1xf32>
    %ge3A_41 = vector.broadcast %broadcast_in_dim3A_40 : vector<128x1xf32> to vector<128x2048xf32>
    %ge3A_42 = arith.cmpf oge, %select_n3A_37, %ge3A_41 : vector<128x2048xf32>
    %jit3A_43 = arith.constant 4.096000e+03 : f32
    %broadcast_in_dim3A_44 = vector.broadcast %jit3A_43 : f32 to vector<128x2048xf32>
    %select_n3A_45 = arith.select %ge3A_42, %convert_element_type3A, %broadcast_in_dim3A_44 : vector<128x2048xi1>, vector<128x2048xf32>
    %reduce_min3A_46 = arith.constant dense<0x7F800000> : vector<128xf32>
    %reduce_min3A_47 = vector.multi_reduction <minimumf>, %select_n3A_45, %reduce_min3A_46 [1] : vector<128x2048xf32> to vector<128xf32>
    %broadcast_in_dim3A_48 = vector.shape_cast %reduce_min3A_47 : vector<128xf32> to vector<128x1xf32>
    %eq3A_49 = arith.constant 1 : i32
    %eq3A_50 = vector.broadcast %eq3A_49 : i32 to vector<128x20xi32>
    %eq3A_51 = arith.cmpi eq, %iota3A_19, %eq3A_50 : vector<128x20xi32>
    %broadcast_in_dim3A_52 = vector.shape_cast %broadcast_in_dim3A_48 : vector<128x1xf32> to vector<128x1xf32>
    %broadcast_in_dim3A_53 = vector.broadcast %broadcast_in_dim3A_52 : vector<128x1xf32> to vector<128x20xf32>
    %select_n3A_54 = arith.select %eq3A_51, %broadcast_in_dim3A_53, %select_n3A_32 : vector<128x20xi1>, vector<128x20xf32>
    %eq3A_55 = vector.broadcast %broadcast_in_dim3A_48 : vector<128x1xf32> to vector<128x2048xf32>
    %eq3A_56 = arith.cmpf oeq, %convert_element_type3A, %eq3A_55 : vector<128x2048xf32>
    %jit3A_57 = arith.constant -3.000000e+38 : f32
    %broadcast_in_dim3A_58 = vector.broadcast %jit3A_57 : f32 to vector<128x2048xf32>
    %select_n3A_59 = arith.select %eq3A_56, %broadcast_in_dim3A_58, %select_n3A_37 : vector<128x2048xi1>, vector<128x2048xf32>
    %reduce_max3A_60 = arith.constant dense<0xFF800000> : vector<128xf32>
    %reduce_max3A_61 = vector.multi_reduction <maximumf>, %select_n3A_59, %reduce_max3A_60 [1] : vector<128x2048xf32> to vector<128xf32>
    %broadcast_in_dim3A_62 = vector.shape_cast %reduce_max3A_61 : vector<128xf32> to vector<128x1xf32>
    %ge3A_63 = vector.broadcast %broadcast_in_dim3A_62 : vector<128x1xf32> to vector<128x2048xf32>
    %ge3A_64 = arith.cmpf oge, %select_n3A_59, %ge3A_63 : vector<128x2048xf32>
    %jit3A_65 = arith.constant 4.096000e+03 : f32
    %broadcast_in_dim3A_66 = vector.broadcast %jit3A_65 : f32 to vector<128x2048xf32>
    %select_n3A_67 = arith.select %ge3A_64, %convert_element_type3A, %broadcast_in_dim3A_66 : vector<128x2048xi1>, vector<128x2048xf32>
    %reduce_min3A_68 = arith.constant dense<0x7F800000> : vector<128xf32>
    %reduce_min3A_69 = vector.multi_reduction <minimumf>, %select_n3A_67, %reduce_min3A_68 [1] : vector<128x2048xf32> to vector<128xf32>
    %broadcast_in_dim3A_70 = vector.shape_cast %reduce_min3A_69 : vector<128xf32> to vector<128x1xf32>
    %eq3A_71 = arith.constant 2 : i32
    %eq3A_72 = vector.broadcast %eq3A_71 : i32 to vector<128x20xi32>
    %eq3A_73 = arith.cmpi eq, %iota3A_19, %eq3A_72 : vector<128x20xi32>
    %broadcast_in_dim3A_74 = vector.shape_cast %broadcast_in_dim3A_70 : vector<128x1xf32> to vector<128x1xf32>
    %broadcast_in_dim3A_75 = vector.broadcast %broadcast_in_dim3A_74 : vector<128x1xf32> to vector<128x20xf32>
    %select_n3A_76 = arith.select %eq3A_73, %broadcast_in_dim3A_75, %select_n3A_54 : vector<128x20xi1>, vector<128x20xf32>
    %eq3A_77 = vector.broadcast %broadcast_in_dim3A_70 : vector<128x1xf32> to vector<128x2048xf32>
    %eq3A_78 = arith.cmpf oeq, %convert_element_type3A, %eq3A_77 : vector<128x2048xf32>
    %jit3A_79 = arith.constant -3.000000e+38 : f32
    %broadcast_in_dim3A_80 = vector.broadcast %jit3A_79 : f32 to vector<128x2048xf32>
    %select_n3A_81 = arith.select %eq3A_78, %broadcast_in_dim3A_80, %select_n3A_59 : vector<128x2048xi1>, vector<128x2048xf32>
    %reduce_max3A_82 = arith.constant dense<0xFF800000> : vector<128xf32>
    %reduce_max3A_83 = vector.multi_reduction <maximumf>, %select_n3A_81, %reduce_max3A_82 [1] : vector<128x2048xf32> to vector<128xf32>
    %broadcast_in_dim3A_84 = vector.shape_cast %reduce_max3A_83 : vector<128xf32> to vector<128x1xf32>
    %ge3A_85 = vector.broadcast %broadcast_in_dim3A_84 : vector<128x1xf32> to vector<128x2048xf32>
    %ge3A_86 = arith.cmpf oge, %select_n3A_81, %ge3A_85 : vector<128x2048xf32>
    %jit3A_87 = arith.constant 4.096000e+03 : f32
    %broadcast_in_dim3A_88 = vector.broadcast %jit3A_87 : f32 to vector<128x2048xf32>
    %select_n3A_89 = arith.select %ge3A_86, %convert_element_type3A, %broadcast_in_dim3A_88 : vector<128x2048xi1>, vector<128x2048xf32>
    %reduce_min3A_90 = arith.constant dense<0x7F800000> : vector<128xf32>
    %reduce_min3A_91 = vector.multi_reduction <minimumf>, %select_n3A_89, %reduce_min3A_90 [1] : vector<128x2048xf32> to vector<128xf32>
    %broadcast_in_dim3A_92 = vector.shape_cast %reduce_min3A_91 : vector<128xf32> to vector<128x1xf32>
    %eq3A_93 = arith.constant 3 : i32
    %eq3A_94 = vector.broadcast %eq3A_93 : i32 to vector<128x20xi32>
    %eq3A_95 = arith.cmpi eq, %iota3A_19, %eq3A_94 : vector<128x20xi32>
    %broadcast_in_dim3A_96 = vector.shape_cast %broadcast_in_dim3A_92 : vector<128x1xf32> to vector<128x1xf32>
    %broadcast_in_dim3A_97 = vector.broadcast %broadcast_in_dim3A_96 : vector<128x1xf32> to vector<128x20xf32>
    %select_n3A_98 = arith.select %eq3A_95, %broadcast_in_dim3A_97, %select_n3A_76 : vector<128x20xi1>, vector<128x20xf32>
    %eq3A_99 = vector.broadcast %broadcast_in_dim3A_92 : vector<128x1xf32> to vector<128x2048xf32>
    %eq3A_100 = arith.cmpf oeq, %convert_element_type3A, %eq3A_99 : vector<128x2048xf32>
    %jit3A_101 = arith.constant -3.000000e+38 : f32
    %broadcast_in_dim3A_102 = vector.broadcast %jit3A_101 : f32 to vector<128x2048xf32>
    %select_n3A_103 = arith.select %eq3A_100, %broadcast_in_dim3A_102, %select_n3A_81 : vector<128x2048xi1>, vector<128x2048xf32>
    %reduce_max3A_104 = arith.constant dense<0xFF800000> : vector<128xf32>
    %reduce_max3A_105 = vector.multi_reduction <maximumf>, %select_n3A_103, %reduce_max3A_104 [1] : vector<128x2048xf32> to vector<128xf32>
    %broadcast_in_dim3A_106 = vector.shape_cast %reduce_max3A_105 : vector<128xf32> to vector<128x1xf32>
    %ge3A_107 = vector.broadcast %broadcast_in_dim3A_106 : vector<128x1xf32> to vector<128x2048xf32>
    %ge3A_108 = arith.cmpf oge, %select_n3A_103, %ge3A_107 : vector<128x2048xf32>
    %jit3A_109 = arith.constant 4.096000e+03 : f32
    %broadcast_in_dim3A_110 = vector.broadcast %jit3A_109 : f32 to vector<128x2048xf32>
    %select_n3A_111 = arith.select %ge3A_108, %convert_element_type3A, %broadcast_in_dim3A_110 : vector<128x2048xi1>, vector<128x2048xf32>
    %reduce_min3A_112 = arith.constant dense<0x7F800000> : vector<128xf32>
    %reduce_min3A_113 = vector.multi_reduction <minimumf>, %select_n3A_111, %reduce_min3A_112 [1] : vector<128x2048xf32> to vector<128xf32>
    %broadcast_in_dim3A_114 = vector.shape_cast %reduce_min3A_113 : vector<128xf32> to vector<128x1xf32>
    %eq3A_115 = arith.constant 4 : i32
    %eq3A_116 = vector.broadcast %eq3A_115 : i32 to vector<128x20xi32>
    %eq3A_117 = arith.cmpi eq, %iota3A_19, %eq3A_116 : vector<128x20xi32>
    %broadcast_in_dim3A_118 = vector.shape_cast %broadcast_in_dim3A_114 : vector<128x1xf32> to vector<128x1xf32>
    %broadcast_in_dim3A_119 = vector.broadcast %broadcast_in_dim3A_118 : vector<128x1xf32> to vector<128x20xf32>
    %select_n3A_120 = arith.select %eq3A_117, %broadcast_in_dim3A_119, %select_n3A_98 : vector<128x20xi1>, vector<128x20xf32>
    %eq3A_121 = vector.broadcast %broadcast_in_dim3A_114 : vector<128x1xf32> to vector<128x2048xf32>
    %eq3A_122 = arith.cmpf oeq, %convert_element_type3A, %eq3A_121 : vector<128x2048xf32>
    %jit3A_123 = arith.constant -3.000000e+38 : f32
    %broadcast_in_dim3A_124 = vector.broadcast %jit3A_123 : f32 to vector<128x2048xf32>
    %select_n3A_125 = arith.select %eq3A_122, %broadcast_in_dim3A_124, %select_n3A_103 : vector<128x2048xi1>, vector<128x2048xf32>
    %reduce_max3A_126 = arith.constant dense<0xFF800000> : vector<128xf32>
    %reduce_max3A_127 = vector.multi_reduction <maximumf>, %select_n3A_125, %reduce_max3A_126 [1] : vector<128x2048xf32> to vector<128xf32>
    %broadcast_in_dim3A_128 = vector.shape_cast %reduce_max3A_127 : vector<128xf32> to vector<128x1xf32>
    %ge3A_129 = vector.broadcast %broadcast_in_dim3A_128 : vector<128x1xf32> to vector<128x2048xf32>
    %ge3A_130 = arith.cmpf oge, %select_n3A_125, %ge3A_129 : vector<128x2048xf32>
    %jit3A_131 = arith.constant 4.096000e+03 : f32
    %broadcast_in_dim3A_132 = vector.broadcast %jit3A_131 : f32 to vector<128x2048xf32>
    %select_n3A_133 = arith.select %ge3A_130, %convert_element_type3A, %broadcast_in_dim3A_132 : vector<128x2048xi1>, vector<128x2048xf32>
    %reduce_min3A_134 = arith.constant dense<0x7F800000> : vector<128xf32>
    %reduce_min3A_135 = vector.multi_reduction <minimumf>, %select_n3A_133, %reduce_min3A_134 [1] : vector<128x2048xf32> to vector<128xf32>
    %broadcast_in_dim3A_136 = vector.shape_cast %reduce_min3A_135 : vector<128xf32> to vector<128x1xf32>
    %eq3A_137 = arith.constant 5 : i32
    %eq3A_138 = vector.broadcast %eq3A_137 : i32 to vector<128x20xi32>
    %eq3A_139 = arith.cmpi eq, %iota3A_19, %eq3A_138 : vector<128x20xi32>
    %broadcast_in_dim3A_140 = vector.shape_cast %broadcast_in_dim3A_136 : vector<128x1xf32> to vector<128x1xf32>
    %broadcast_in_dim3A_141 = vector.broadcast %broadcast_in_dim3A_140 : vector<128x1xf32> to vector<128x20xf32>
    %select_n3A_142 = arith.select %eq3A_139, %broadcast_in_dim3A_141, %select_n3A_120 : vector<128x20xi1>, vector<128x20xf32>
    %eq3A_143 = vector.broadcast %broadcast_in_dim3A_136 : vector<128x1xf32> to vector<128x2048xf32>
    %eq3A_144 = arith.cmpf oeq, %convert_element_type3A, %eq3A_143 : vector<128x2048xf32>
    %jit3A_145 = arith.constant -3.000000e+38 : f32
    %broadcast_in_dim3A_146 = vector.broadcast %jit3A_145 : f32 to vector<128x2048xf32>
    %select_n3A_147 = arith.select %eq3A_144, %broadcast_in_dim3A_146, %select_n3A_125 : vector<128x2048xi1>, vector<128x2048xf32>
    %reduce_max3A_148 = arith.constant dense<0xFF800000> : vector<128xf32>
    %reduce_max3A_149 = vector.multi_reduction <maximumf>, %select_n3A_147, %reduce_max3A_148 [1] : vector<128x2048xf32> to vector<128xf32>
    %broadcast_in_dim3A_150 = vector.shape_cast %reduce_max3A_149 : vector<128xf32> to vector<128x1xf32>
    %ge3A_151 = vector.broadcast %broadcast_in_dim3A_150 : vector<128x1xf32> to vector<128x2048xf32>
    %ge3A_152 = arith.cmpf oge, %select_n3A_147, %ge3A_151 : vector<128x2048xf32>
    %jit3A_153 = arith.constant 4.096000e+03 : f32
    %broadcast_in_dim3A_154 = vector.broadcast %jit3A_153 : f32 to vector<128x2048xf32>
    %select_n3A_155 = arith.select %ge3A_152, %convert_element_type3A, %broadcast_in_dim3A_154 : vector<128x2048xi1>, vector<128x2048xf32>
    %reduce_min3A_156 = arith.constant dense<0x7F800000> : vector<128xf32>
    %reduce_min3A_157 = vector.multi_reduction <minimumf>, %select_n3A_155, %reduce_min3A_156 [1] : vector<128x2048xf32> to vector<128xf32>
    %broadcast_in_dim3A_158 = vector.shape_cast %reduce_min3A_157 : vector<128xf32> to vector<128x1xf32>
    %eq3A_159 = arith.constant 6 : i32
    %eq3A_160 = vector.broadcast %eq3A_159 : i32 to vector<128x20xi32>
    %eq3A_161 = arith.cmpi eq, %iota3A_19, %eq3A_160 : vector<128x20xi32>
    %broadcast_in_dim3A_162 = vector.shape_cast %broadcast_in_dim3A_158 : vector<128x1xf32> to vector<128x1xf32>
    %broadcast_in_dim3A_163 = vector.broadcast %broadcast_in_dim3A_162 : vector<128x1xf32> to vector<128x20xf32>
    %select_n3A_164 = arith.select %eq3A_161, %broadcast_in_dim3A_163, %select_n3A_142 : vector<128x20xi1>, vector<128x20xf32>
    %eq3A_165 = vector.broadcast %broadcast_in_dim3A_158 : vector<128x1xf32> to vector<128x2048xf32>
    %eq3A_166 = arith.cmpf oeq, %convert_element_type3A, %eq3A_165 : vector<128x2048xf32>
    %jit3A_167 = arith.constant -3.000000e+38 : f32
    %broadcast_in_dim3A_168 = vector.broadcast %jit3A_167 : f32 to vector<128x2048xf32>
    %select_n3A_169 = arith.select %eq3A_166, %broadcast_in_dim3A_168, %select_n3A_147 : vector<128x2048xi1>, vector<128x2048xf32>
    %reduce_max3A_170 = arith.constant dense<0xFF800000> : vector<128xf32>
    %reduce_max3A_171 = vector.multi_reduction <maximumf>, %select_n3A_169, %reduce_max3A_170 [1] : vector<128x2048xf32> to vector<128xf32>
    %broadcast_in_dim3A_172 = vector.shape_cast %reduce_max3A_171 : vector<128xf32> to vector<128x1xf32>
    %ge3A_173 = vector.broadcast %broadcast_in_dim3A_172 : vector<128x1xf32> to vector<128x2048xf32>
    %ge3A_174 = arith.cmpf oge, %select_n3A_169, %ge3A_173 : vector<128x2048xf32>
    %jit3A_175 = arith.constant 4.096000e+03 : f32
    %broadcast_in_dim3A_176 = vector.broadcast %jit3A_175 : f32 to vector<128x2048xf32>
    %select_n3A_177 = arith.select %ge3A_174, %convert_element_type3A, %broadcast_in_dim3A_176 : vector<128x2048xi1>, vector<128x2048xf32>
    %reduce_min3A_178 = arith.constant dense<0x7F800000> : vector<128xf32>
    %reduce_min3A_179 = vector.multi_reduction <minimumf>, %select_n3A_177, %reduce_min3A_178 [1] : vector<128x2048xf32> to vector<128xf32>
    %broadcast_in_dim3A_180 = vector.shape_cast %reduce_min3A_179 : vector<128xf32> to vector<128x1xf32>
    %eq3A_181 = arith.constant 7 : i32
    %eq3A_182 = vector.broadcast %eq3A_181 : i32 to vector<128x20xi32>
    %eq3A_183 = arith.cmpi eq, %iota3A_19, %eq3A_182 : vector<128x20xi32>
    %broadcast_in_dim3A_184 = vector.shape_cast %broadcast_in_dim3A_180 : vector<128x1xf32> to vector<128x1xf32>
    %broadcast_in_dim3A_185 = vector.broadcast %broadcast_in_dim3A_184 : vector<128x1xf32> to vector<128x20xf32>
    %select_n3A_186 = arith.select %eq3A_183, %broadcast_in_dim3A_185, %select_n3A_164 : vector<128x20xi1>, vector<128x20xf32>
    %eq3A_187 = vector.broadcast %broadcast_in_dim3A_180 : vector<128x1xf32> to vector<128x2048xf32>
    %eq3A_188 = arith.cmpf oeq, %convert_element_type3A, %eq3A_187 : vector<128x2048xf32>
    %jit3A_189 = arith.constant -3.000000e+38 : f32
    %broadcast_in_dim3A_190 = vector.broadcast %jit3A_189 : f32 to vector<128x2048xf32>
    %select_n3A_191 = arith.select %eq3A_188, %broadcast_in_dim3A_190, %select_n3A_169 : vector<128x2048xi1>, vector<128x2048xf32>
    %reduce_max3A_192 = arith.constant dense<0xFF800000> : vector<128xf32>
    %reduce_max3A_193 = vector.multi_reduction <maximumf>, %select_n3A_191, %reduce_max3A_192 [1] : vector<128x2048xf32> to vector<128xf32>
    %broadcast_in_dim3A_194 = vector.shape_cast %reduce_max3A_193 : vector<128xf32> to vector<128x1xf32>
    %ge3A_195 = vector.broadcast %broadcast_in_dim3A_194 : vector<128x1xf32> to vector<128x2048xf32>
    %ge3A_196 = arith.cmpf oge, %select_n3A_191, %ge3A_195 : vector<128x2048xf32>
    %jit3A_197 = arith.constant 4.096000e+03 : f32
    %broadcast_in_dim3A_198 = vector.broadcast %jit3A_197 : f32 to vector<128x2048xf32>
    %select_n3A_199 = arith.select %ge3A_196, %convert_element_type3A, %broadcast_in_dim3A_198 : vector<128x2048xi1>, vector<128x2048xf32>
    %reduce_min3A_200 = arith.constant dense<0x7F800000> : vector<128xf32>
    %reduce_min3A_201 = vector.multi_reduction <minimumf>, %select_n3A_199, %reduce_min3A_200 [1] : vector<128x2048xf32> to vector<128xf32>
    %broadcast_in_dim3A_202 = vector.shape_cast %reduce_min3A_201 : vector<128xf32> to vector<128x1xf32>
    %eq3A_203 = arith.constant 8 : i32
    %eq3A_204 = vector.broadcast %eq3A_203 : i32 to vector<128x20xi32>
    %eq3A_205 = arith.cmpi eq, %iota3A_19, %eq3A_204 : vector<128x20xi32>
    %broadcast_in_dim3A_206 = vector.shape_cast %broadcast_in_dim3A_202 : vector<128x1xf32> to vector<128x1xf32>
    %broadcast_in_dim3A_207 = vector.broadcast %broadcast_in_dim3A_206 : vector<128x1xf32> to vector<128x20xf32>
    %select_n3A_208 = arith.select %eq3A_205, %broadcast_in_dim3A_207, %select_n3A_186 : vector<128x20xi1>, vector<128x20xf32>
    %eq3A_209 = vector.broadcast %broadcast_in_dim3A_202 : vector<128x1xf32> to vector<128x2048xf32>
    %eq3A_210 = arith.cmpf oeq, %convert_element_type3A, %eq3A_209 : vector<128x2048xf32>
    %jit3A_211 = arith.constant -3.000000e+38 : f32
    %broadcast_in_dim3A_212 = vector.broadcast %jit3A_211 : f32 to vector<128x2048xf32>
    %select_n3A_213 = arith.select %eq3A_210, %broadcast_in_dim3A_212, %select_n3A_191 : vector<128x2048xi1>, vector<128x2048xf32>
    %reduce_max3A_214 = arith.constant dense<0xFF800000> : vector<128xf32>
    %reduce_max3A_215 = vector.multi_reduction <maximumf>, %select_n3A_213, %reduce_max3A_214 [1] : vector<128x2048xf32> to vector<128xf32>
    %broadcast_in_dim3A_216 = vector.shape_cast %reduce_max3A_215 : vector<128xf32> to vector<128x1xf32>
    %ge3A_217 = vector.broadcast %broadcast_in_dim3A_216 : vector<128x1xf32> to vector<128x2048xf32>
    %ge3A_218 = arith.cmpf oge, %select_n3A_213, %ge3A_217 : vector<128x2048xf32>
    %jit3A_219 = arith.constant 4.096000e+03 : f32
    %broadcast_in_dim3A_220 = vector.broadcast %jit3A_219 : f32 to vector<128x2048xf32>
    %select_n3A_221 = arith.select %ge3A_218, %convert_element_type3A, %broadcast_in_dim3A_220 : vector<128x2048xi1>, vector<128x2048xf32>
    %reduce_min3A_222 = arith.constant dense<0x7F800000> : vector<128xf32>
    %reduce_min3A_223 = vector.multi_reduction <minimumf>, %select_n3A_221, %reduce_min3A_222 [1] : vector<128x2048xf32> to vector<128xf32>
    %broadcast_in_dim3A_224 = vector.shape_cast %reduce_min3A_223 : vector<128xf32> to vector<128x1xf32>
    %eq3A_225 = arith.constant 9 : i32
    %eq3A_226 = vector.broadcast %eq3A_225 : i32 to vector<128x20xi32>
    %eq3A_227 = arith.cmpi eq, %iota3A_19, %eq3A_226 : vector<128x20xi32>
    %broadcast_in_dim3A_228 = vector.shape_cast %broadcast_in_dim3A_224 : vector<128x1xf32> to vector<128x1xf32>
    %broadcast_in_dim3A_229 = vector.broadcast %broadcast_in_dim3A_228 : vector<128x1xf32> to vector<128x20xf32>
    %select_n3A_230 = arith.select %eq3A_227, %broadcast_in_dim3A_229, %select_n3A_208 : vector<128x20xi1>, vector<128x20xf32>
    %eq3A_231 = vector.broadcast %broadcast_in_dim3A_224 : vector<128x1xf32> to vector<128x2048xf32>
    %eq3A_232 = arith.cmpf oeq, %convert_element_type3A, %eq3A_231 : vector<128x2048xf32>
    %jit3A_233 = arith.constant -3.000000e+38 : f32
    %broadcast_in_dim3A_234 = vector.broadcast %jit3A_233 : f32 to vector<128x2048xf32>
    %select_n3A_235 = arith.select %eq3A_232, %broadcast_in_dim3A_234, %select_n3A_213 : vector<128x2048xi1>, vector<128x2048xf32>
    %reduce_max3A_236 = arith.constant dense<0xFF800000> : vector<128xf32>
    %reduce_max3A_237 = vector.multi_reduction <maximumf>, %select_n3A_235, %reduce_max3A_236 [1] : vector<128x2048xf32> to vector<128xf32>
    %broadcast_in_dim3A_238 = vector.shape_cast %reduce_max3A_237 : vector<128xf32> to vector<128x1xf32>
    %ge3A_239 = vector.broadcast %broadcast_in_dim3A_238 : vector<128x1xf32> to vector<128x2048xf32>
    %ge3A_240 = arith.cmpf oge, %select_n3A_235, %ge3A_239 : vector<128x2048xf32>
    %jit3A_241 = arith.constant 4.096000e+03 : f32
    %broadcast_in_dim3A_242 = vector.broadcast %jit3A_241 : f32 to vector<128x2048xf32>
    %select_n3A_243 = arith.select %ge3A_240, %convert_element_type3A, %broadcast_in_dim3A_242 : vector<128x2048xi1>, vector<128x2048xf32>
    %reduce_min3A_244 = arith.constant dense<0x7F800000> : vector<128xf32>
    %reduce_min3A_245 = vector.multi_reduction <minimumf>, %select_n3A_243, %reduce_min3A_244 [1] : vector<128x2048xf32> to vector<128xf32>
    %broadcast_in_dim3A_246 = vector.shape_cast %reduce_min3A_245 : vector<128xf32> to vector<128x1xf32>
    %eq3A_247 = arith.constant 10 : i32
    %eq3A_248 = vector.broadcast %eq3A_247 : i32 to vector<128x20xi32>
    %eq3A_249 = arith.cmpi eq, %iota3A_19, %eq3A_248 : vector<128x20xi32>
    %broadcast_in_dim3A_250 = vector.shape_cast %broadcast_in_dim3A_246 : vector<128x1xf32> to vector<128x1xf32>
    %broadcast_in_dim3A_251 = vector.broadcast %broadcast_in_dim3A_250 : vector<128x1xf32> to vector<128x20xf32>
    %select_n3A_252 = arith.select %eq3A_249, %broadcast_in_dim3A_251, %select_n3A_230 : vector<128x20xi1>, vector<128x20xf32>
    %eq3A_253 = vector.broadcast %broadcast_in_dim3A_246 : vector<128x1xf32> to vector<128x2048xf32>
    %eq3A_254 = arith.cmpf oeq, %convert_element_type3A, %eq3A_253 : vector<128x2048xf32>
    %jit3A_255 = arith.constant -3.000000e+38 : f32
    %broadcast_in_dim3A_256 = vector.broadcast %jit3A_255 : f32 to vector<128x2048xf32>
    %select_n3A_257 = arith.select %eq3A_254, %broadcast_in_dim3A_256, %select_n3A_235 : vector<128x2048xi1>, vector<128x2048xf32>
    %reduce_max3A_258 = arith.constant dense<0xFF800000> : vector<128xf32>
    %reduce_max3A_259 = vector.multi_reduction <maximumf>, %select_n3A_257, %reduce_max3A_258 [1] : vector<128x2048xf32> to vector<128xf32>
    %broadcast_in_dim3A_260 = vector.shape_cast %reduce_max3A_259 : vector<128xf32> to vector<128x1xf32>
    %ge3A_261 = vector.broadcast %broadcast_in_dim3A_260 : vector<128x1xf32> to vector<128x2048xf32>
    %ge3A_262 = arith.cmpf oge, %select_n3A_257, %ge3A_261 : vector<128x2048xf32>
    %jit3A_263 = arith.constant 4.096000e+03 : f32
    %broadcast_in_dim3A_264 = vector.broadcast %jit3A_263 : f32 to vector<128x2048xf32>
    %select_n3A_265 = arith.select %ge3A_262, %convert_element_type3A, %broadcast_in_dim3A_264 : vector<128x2048xi1>, vector<128x2048xf32>
    %reduce_min3A_266 = arith.constant dense<0x7F800000> : vector<128xf32>
    %reduce_min3A_267 = vector.multi_reduction <minimumf>, %select_n3A_265, %reduce_min3A_266 [1] : vector<128x2048xf32> to vector<128xf32>
    %broadcast_in_dim3A_268 = vector.shape_cast %reduce_min3A_267 : vector<128xf32> to vector<128x1xf32>
    %eq3A_269 = arith.constant 11 : i32
    %eq3A_270 = vector.broadcast %eq3A_269 : i32 to vector<128x20xi32>
    %eq3A_271 = arith.cmpi eq, %iota3A_19, %eq3A_270 : vector<128x20xi32>
    %broadcast_in_dim3A_272 = vector.shape_cast %broadcast_in_dim3A_268 : vector<128x1xf32> to vector<128x1xf32>
    %broadcast_in_dim3A_273 = vector.broadcast %broadcast_in_dim3A_272 : vector<128x1xf32> to vector<128x20xf32>
    %select_n3A_274 = arith.select %eq3A_271, %broadcast_in_dim3A_273, %select_n3A_252 : vector<128x20xi1>, vector<128x20xf32>
    %eq3A_275 = vector.broadcast %broadcast_in_dim3A_268 : vector<128x1xf32> to vector<128x2048xf32>
    %eq3A_276 = arith.cmpf oeq, %convert_element_type3A, %eq3A_275 : vector<128x2048xf32>
    %jit3A_277 = arith.constant -3.000000e+38 : f32
    %broadcast_in_dim3A_278 = vector.broadcast %jit3A_277 : f32 to vector<128x2048xf32>
    %select_n3A_279 = arith.select %eq3A_276, %broadcast_in_dim3A_278, %select_n3A_257 : vector<128x2048xi1>, vector<128x2048xf32>
    %reduce_max3A_280 = arith.constant dense<0xFF800000> : vector<128xf32>
    %reduce_max3A_281 = vector.multi_reduction <maximumf>, %select_n3A_279, %reduce_max3A_280 [1] : vector<128x2048xf32> to vector<128xf32>
    %broadcast_in_dim3A_282 = vector.shape_cast %reduce_max3A_281 : vector<128xf32> to vector<128x1xf32>
    %ge3A_283 = vector.broadcast %broadcast_in_dim3A_282 : vector<128x1xf32> to vector<128x2048xf32>
    %ge3A_284 = arith.cmpf oge, %select_n3A_279, %ge3A_283 : vector<128x2048xf32>
    %jit3A_285 = arith.constant 4.096000e+03 : f32
    %broadcast_in_dim3A_286 = vector.broadcast %jit3A_285 : f32 to vector<128x2048xf32>
    %select_n3A_287 = arith.select %ge3A_284, %convert_element_type3A, %broadcast_in_dim3A_286 : vector<128x2048xi1>, vector<128x2048xf32>
    %reduce_min3A_288 = arith.constant dense<0x7F800000> : vector<128xf32>
    %reduce_min3A_289 = vector.multi_reduction <minimumf>, %select_n3A_287, %reduce_min3A_288 [1] : vector<128x2048xf32> to vector<128xf32>
    %broadcast_in_dim3A_290 = vector.shape_cast %reduce_min3A_289 : vector<128xf32> to vector<128x1xf32>
    %eq3A_291 = arith.constant 12 : i32
    %eq3A_292 = vector.broadcast %eq3A_291 : i32 to vector<128x20xi32>
    %eq3A_293 = arith.cmpi eq, %iota3A_19, %eq3A_292 : vector<128x20xi32>
    %broadcast_in_dim3A_294 = vector.shape_cast %broadcast_in_dim3A_290 : vector<128x1xf32> to vector<128x1xf32>
    %broadcast_in_dim3A_295 = vector.broadcast %broadcast_in_dim3A_294 : vector<128x1xf32> to vector<128x20xf32>
    %select_n3A_296 = arith.select %eq3A_293, %broadcast_in_dim3A_295, %select_n3A_274 : vector<128x20xi1>, vector<128x20xf32>
    %eq3A_297 = vector.broadcast %broadcast_in_dim3A_290 : vector<128x1xf32> to vector<128x2048xf32>
    %eq3A_298 = arith.cmpf oeq, %convert_element_type3A, %eq3A_297 : vector<128x2048xf32>
    %jit3A_299 = arith.constant -3.000000e+38 : f32
    %broadcast_in_dim3A_300 = vector.broadcast %jit3A_299 : f32 to vector<128x2048xf32>
    %select_n3A_301 = arith.select %eq3A_298, %broadcast_in_dim3A_300, %select_n3A_279 : vector<128x2048xi1>, vector<128x2048xf32>
    %reduce_max3A_302 = arith.constant dense<0xFF800000> : vector<128xf32>
    %reduce_max3A_303 = vector.multi_reduction <maximumf>, %select_n3A_301, %reduce_max3A_302 [1] : vector<128x2048xf32> to vector<128xf32>
    %broadcast_in_dim3A_304 = vector.shape_cast %reduce_max3A_303 : vector<128xf32> to vector<128x1xf32>
    %ge3A_305 = vector.broadcast %broadcast_in_dim3A_304 : vector<128x1xf32> to vector<128x2048xf32>
    %ge3A_306 = arith.cmpf oge, %select_n3A_301, %ge3A_305 : vector<128x2048xf32>
    %jit3A_307 = arith.constant 4.096000e+03 : f32
    %broadcast_in_dim3A_308 = vector.broadcast %jit3A_307 : f32 to vector<128x2048xf32>
    %select_n3A_309 = arith.select %ge3A_306, %convert_element_type3A, %broadcast_in_dim3A_308 : vector<128x2048xi1>, vector<128x2048xf32>
    %reduce_min3A_310 = arith.constant dense<0x7F800000> : vector<128xf32>
    %reduce_min3A_311 = vector.multi_reduction <minimumf>, %select_n3A_309, %reduce_min3A_310 [1] : vector<128x2048xf32> to vector<128xf32>
    %broadcast_in_dim3A_312 = vector.shape_cast %reduce_min3A_311 : vector<128xf32> to vector<128x1xf32>
    %eq3A_313 = arith.constant 13 : i32
    %eq3A_314 = vector.broadcast %eq3A_313 : i32 to vector<128x20xi32>
    %eq3A_315 = arith.cmpi eq, %iota3A_19, %eq3A_314 : vector<128x20xi32>
    %broadcast_in_dim3A_316 = vector.shape_cast %broadcast_in_dim3A_312 : vector<128x1xf32> to vector<128x1xf32>
    %broadcast_in_dim3A_317 = vector.broadcast %broadcast_in_dim3A_316 : vector<128x1xf32> to vector<128x20xf32>
    %select_n3A_318 = arith.select %eq3A_315, %broadcast_in_dim3A_317, %select_n3A_296 : vector<128x20xi1>, vector<128x20xf32>
    %eq3A_319 = vector.broadcast %broadcast_in_dim3A_312 : vector<128x1xf32> to vector<128x2048xf32>
    %eq3A_320 = arith.cmpf oeq, %convert_element_type3A, %eq3A_319 : vector<128x2048xf32>
    %jit3A_321 = arith.constant -3.000000e+38 : f32
    %broadcast_in_dim3A_322 = vector.broadcast %jit3A_321 : f32 to vector<128x2048xf32>
    %select_n3A_323 = arith.select %eq3A_320, %broadcast_in_dim3A_322, %select_n3A_301 : vector<128x2048xi1>, vector<128x2048xf32>
    %reduce_max3A_324 = arith.constant dense<0xFF800000> : vector<128xf32>
    %reduce_max3A_325 = vector.multi_reduction <maximumf>, %select_n3A_323, %reduce_max3A_324 [1] : vector<128x2048xf32> to vector<128xf32>
    %broadcast_in_dim3A_326 = vector.shape_cast %reduce_max3A_325 : vector<128xf32> to vector<128x1xf32>
    %ge3A_327 = vector.broadcast %broadcast_in_dim3A_326 : vector<128x1xf32> to vector<128x2048xf32>
    %ge3A_328 = arith.cmpf oge, %select_n3A_323, %ge3A_327 : vector<128x2048xf32>
    %jit3A_329 = arith.constant 4.096000e+03 : f32
    %broadcast_in_dim3A_330 = vector.broadcast %jit3A_329 : f32 to vector<128x2048xf32>
    %select_n3A_331 = arith.select %ge3A_328, %convert_element_type3A, %broadcast_in_dim3A_330 : vector<128x2048xi1>, vector<128x2048xf32>
    %reduce_min3A_332 = arith.constant dense<0x7F800000> : vector<128xf32>
    %reduce_min3A_333 = vector.multi_reduction <minimumf>, %select_n3A_331, %reduce_min3A_332 [1] : vector<128x2048xf32> to vector<128xf32>
    %broadcast_in_dim3A_334 = vector.shape_cast %reduce_min3A_333 : vector<128xf32> to vector<128x1xf32>
    %eq3A_335 = arith.constant 14 : i32
    %eq3A_336 = vector.broadcast %eq3A_335 : i32 to vector<128x20xi32>
    %eq3A_337 = arith.cmpi eq, %iota3A_19, %eq3A_336 : vector<128x20xi32>
    %broadcast_in_dim3A_338 = vector.shape_cast %broadcast_in_dim3A_334 : vector<128x1xf32> to vector<128x1xf32>
    %broadcast_in_dim3A_339 = vector.broadcast %broadcast_in_dim3A_338 : vector<128x1xf32> to vector<128x20xf32>
    %select_n3A_340 = arith.select %eq3A_337, %broadcast_in_dim3A_339, %select_n3A_318 : vector<128x20xi1>, vector<128x20xf32>
    %eq3A_341 = vector.broadcast %broadcast_in_dim3A_334 : vector<128x1xf32> to vector<128x2048xf32>
    %eq3A_342 = arith.cmpf oeq, %convert_element_type3A, %eq3A_341 : vector<128x2048xf32>
    %jit3A_343 = arith.constant -3.000000e+38 : f32
    %broadcast_in_dim3A_344 = vector.broadcast %jit3A_343 : f32 to vector<128x2048xf32>
    %select_n3A_345 = arith.select %eq3A_342, %broadcast_in_dim3A_344, %select_n3A_323 : vector<128x2048xi1>, vector<128x2048xf32>
    %reduce_max3A_346 = arith.constant dense<0xFF800000> : vector<128xf32>
    %reduce_max3A_347 = vector.multi_reduction <maximumf>, %select_n3A_345, %reduce_max3A_346 [1] : vector<128x2048xf32> to vector<128xf32>
    %broadcast_in_dim3A_348 = vector.shape_cast %reduce_max3A_347 : vector<128xf32> to vector<128x1xf32>
    %ge3A_349 = vector.broadcast %broadcast_in_dim3A_348 : vector<128x1xf32> to vector<128x2048xf32>
    %ge3A_350 = arith.cmpf oge, %select_n3A_345, %ge3A_349 : vector<128x2048xf32>
    %jit3A_351 = arith.constant 4.096000e+03 : f32
    %broadcast_in_dim3A_352 = vector.broadcast %jit3A_351 : f32 to vector<128x2048xf32>
    %select_n3A_353 = arith.select %ge3A_350, %convert_element_type3A, %broadcast_in_dim3A_352 : vector<128x2048xi1>, vector<128x2048xf32>
    %reduce_min3A_354 = arith.constant dense<0x7F800000> : vector<128xf32>
    %reduce_min3A_355 = vector.multi_reduction <minimumf>, %select_n3A_353, %reduce_min3A_354 [1] : vector<128x2048xf32> to vector<128xf32>
    %broadcast_in_dim3A_356 = vector.shape_cast %reduce_min3A_355 : vector<128xf32> to vector<128x1xf32>
    %eq3A_357 = arith.constant 15 : i32
    %eq3A_358 = vector.broadcast %eq3A_357 : i32 to vector<128x20xi32>
    %eq3A_359 = arith.cmpi eq, %iota3A_19, %eq3A_358 : vector<128x20xi32>
    %broadcast_in_dim3A_360 = vector.shape_cast %broadcast_in_dim3A_356 : vector<128x1xf32> to vector<128x1xf32>
    %broadcast_in_dim3A_361 = vector.broadcast %broadcast_in_dim3A_360 : vector<128x1xf32> to vector<128x20xf32>
    %select_n3A_362 = arith.select %eq3A_359, %broadcast_in_dim3A_361, %select_n3A_340 : vector<128x20xi1>, vector<128x20xf32>
    %eq3A_363 = vector.broadcast %broadcast_in_dim3A_356 : vector<128x1xf32> to vector<128x2048xf32>
    %eq3A_364 = arith.cmpf oeq, %convert_element_type3A, %eq3A_363 : vector<128x2048xf32>
    %jit3A_365 = arith.constant -3.000000e+38 : f32
    %broadcast_in_dim3A_366 = vector.broadcast %jit3A_365 : f32 to vector<128x2048xf32>
    %select_n3A_367 = arith.select %eq3A_364, %broadcast_in_dim3A_366, %select_n3A_345 : vector<128x2048xi1>, vector<128x2048xf32>
    %reduce_max3A_368 = arith.constant dense<0xFF800000> : vector<128xf32>
    %reduce_max3A_369 = vector.multi_reduction <maximumf>, %select_n3A_367, %reduce_max3A_368 [1] : vector<128x2048xf32> to vector<128xf32>
    %broadcast_in_dim3A_370 = vector.shape_cast %reduce_max3A_369 : vector<128xf32> to vector<128x1xf32>
    %ge3A_371 = vector.broadcast %broadcast_in_dim3A_370 : vector<128x1xf32> to vector<128x2048xf32>
    %ge3A_372 = arith.cmpf oge, %select_n3A_367, %ge3A_371 : vector<128x2048xf32>
    %jit3A_373 = arith.constant 4.096000e+03 : f32
    %broadcast_in_dim3A_374 = vector.broadcast %jit3A_373 : f32 to vector<128x2048xf32>
    %select_n3A_375 = arith.select %ge3A_372, %convert_element_type3A, %broadcast_in_dim3A_374 : vector<128x2048xi1>, vector<128x2048xf32>
    %reduce_min3A_376 = arith.constant dense<0x7F800000> : vector<128xf32>
    %reduce_min3A_377 = vector.multi_reduction <minimumf>, %select_n3A_375, %reduce_min3A_376 [1] : vector<128x2048xf32> to vector<128xf32>
    %broadcast_in_dim3A_378 = vector.shape_cast %reduce_min3A_377 : vector<128xf32> to vector<128x1xf32>
    %eq3A_379 = arith.constant 16 : i32
    %eq3A_380 = vector.broadcast %eq3A_379 : i32 to vector<128x20xi32>
    %eq3A_381 = arith.cmpi eq, %iota3A_19, %eq3A_380 : vector<128x20xi32>
    %broadcast_in_dim3A_382 = vector.shape_cast %broadcast_in_dim3A_378 : vector<128x1xf32> to vector<128x1xf32>
    %broadcast_in_dim3A_383 = vector.broadcast %broadcast_in_dim3A_382 : vector<128x1xf32> to vector<128x20xf32>
    %select_n3A_384 = arith.select %eq3A_381, %broadcast_in_dim3A_383, %select_n3A_362 : vector<128x20xi1>, vector<128x20xf32>
    %eq3A_385 = vector.broadcast %broadcast_in_dim3A_378 : vector<128x1xf32> to vector<128x2048xf32>
    %eq3A_386 = arith.cmpf oeq, %convert_element_type3A, %eq3A_385 : vector<128x2048xf32>
    %jit3A_387 = arith.constant -3.000000e+38 : f32
    %broadcast_in_dim3A_388 = vector.broadcast %jit3A_387 : f32 to vector<128x2048xf32>
    %select_n3A_389 = arith.select %eq3A_386, %broadcast_in_dim3A_388, %select_n3A_367 : vector<128x2048xi1>, vector<128x2048xf32>
    %reduce_max3A_390 = arith.constant dense<0xFF800000> : vector<128xf32>
    %reduce_max3A_391 = vector.multi_reduction <maximumf>, %select_n3A_389, %reduce_max3A_390 [1] : vector<128x2048xf32> to vector<128xf32>
    %broadcast_in_dim3A_392 = vector.shape_cast %reduce_max3A_391 : vector<128xf32> to vector<128x1xf32>
    %ge3A_393 = vector.broadcast %broadcast_in_dim3A_392 : vector<128x1xf32> to vector<128x2048xf32>
    %ge3A_394 = arith.cmpf oge, %select_n3A_389, %ge3A_393 : vector<128x2048xf32>
    %jit3A_395 = arith.constant 4.096000e+03 : f32
    %broadcast_in_dim3A_396 = vector.broadcast %jit3A_395 : f32 to vector<128x2048xf32>
    %select_n3A_397 = arith.select %ge3A_394, %convert_element_type3A, %broadcast_in_dim3A_396 : vector<128x2048xi1>, vector<128x2048xf32>
    %reduce_min3A_398 = arith.constant dense<0x7F800000> : vector<128xf32>
    %reduce_min3A_399 = vector.multi_reduction <minimumf>, %select_n3A_397, %reduce_min3A_398 [1] : vector<128x2048xf32> to vector<128xf32>
    %broadcast_in_dim3A_400 = vector.shape_cast %reduce_min3A_399 : vector<128xf32> to vector<128x1xf32>
    %eq3A_401 = arith.constant 17 : i32
    %eq3A_402 = vector.broadcast %eq3A_401 : i32 to vector<128x20xi32>
    %eq3A_403 = arith.cmpi eq, %iota3A_19, %eq3A_402 : vector<128x20xi32>
    %broadcast_in_dim3A_404 = vector.shape_cast %broadcast_in_dim3A_400 : vector<128x1xf32> to vector<128x1xf32>
    %broadcast_in_dim3A_405 = vector.broadcast %broadcast_in_dim3A_404 : vector<128x1xf32> to vector<128x20xf32>
    %select_n3A_406 = arith.select %eq3A_403, %broadcast_in_dim3A_405, %select_n3A_384 : vector<128x20xi1>, vector<128x20xf32>
    %eq3A_407 = vector.broadcast %broadcast_in_dim3A_400 : vector<128x1xf32> to vector<128x2048xf32>
    %eq3A_408 = arith.cmpf oeq, %convert_element_type3A, %eq3A_407 : vector<128x2048xf32>
    %jit3A_409 = arith.constant -3.000000e+38 : f32
    %broadcast_in_dim3A_410 = vector.broadcast %jit3A_409 : f32 to vector<128x2048xf32>
    %select_n3A_411 = arith.select %eq3A_408, %broadcast_in_dim3A_410, %select_n3A_389 : vector<128x2048xi1>, vector<128x2048xf32>
    %reduce_max3A_412 = arith.constant dense<0xFF800000> : vector<128xf32>
    %reduce_max3A_413 = vector.multi_reduction <maximumf>, %select_n3A_411, %reduce_max3A_412 [1] : vector<128x2048xf32> to vector<128xf32>
    %broadcast_in_dim3A_414 = vector.shape_cast %reduce_max3A_413 : vector<128xf32> to vector<128x1xf32>
    %ge3A_415 = vector.broadcast %broadcast_in_dim3A_414 : vector<128x1xf32> to vector<128x2048xf32>
    %ge3A_416 = arith.cmpf oge, %select_n3A_411, %ge3A_415 : vector<128x2048xf32>
    %jit3A_417 = arith.constant 4.096000e+03 : f32
    %broadcast_in_dim3A_418 = vector.broadcast %jit3A_417 : f32 to vector<128x2048xf32>
    %select_n3A_419 = arith.select %ge3A_416, %convert_element_type3A, %broadcast_in_dim3A_418 : vector<128x2048xi1>, vector<128x2048xf32>
    %reduce_min3A_420 = arith.constant dense<0x7F800000> : vector<128xf32>
    %reduce_min3A_421 = vector.multi_reduction <minimumf>, %select_n3A_419, %reduce_min3A_420 [1] : vector<128x2048xf32> to vector<128xf32>
    %broadcast_in_dim3A_422 = vector.shape_cast %reduce_min3A_421 : vector<128xf32> to vector<128x1xf32>
    %eq3A_423 = arith.constant 18 : i32
    %eq3A_424 = vector.broadcast %eq3A_423 : i32 to vector<128x20xi32>
    %eq3A_425 = arith.cmpi eq, %iota3A_19, %eq3A_424 : vector<128x20xi32>
    %broadcast_in_dim3A_426 = vector.shape_cast %broadcast_in_dim3A_422 : vector<128x1xf32> to vector<128x1xf32>
    %broadcast_in_dim3A_427 = vector.broadcast %broadcast_in_dim3A_426 : vector<128x1xf32> to vector<128x20xf32>
    %select_n3A_428 = arith.select %eq3A_425, %broadcast_in_dim3A_427, %select_n3A_406 : vector<128x20xi1>, vector<128x20xf32>
    %eq3A_429 = vector.broadcast %broadcast_in_dim3A_422 : vector<128x1xf32> to vector<128x2048xf32>
    %eq3A_430 = arith.cmpf oeq, %convert_element_type3A, %eq3A_429 : vector<128x2048xf32>
    %jit3A_431 = arith.constant -3.000000e+38 : f32
    %broadcast_in_dim3A_432 = vector.broadcast %jit3A_431 : f32 to vector<128x2048xf32>
    %select_n3A_433 = arith.select %eq3A_430, %broadcast_in_dim3A_432, %select_n3A_411 : vector<128x2048xi1>, vector<128x2048xf32>
    %reduce_max3A_434 = arith.constant dense<0xFF800000> : vector<128xf32>
    %reduce_max3A_435 = vector.multi_reduction <maximumf>, %select_n3A_433, %reduce_max3A_434 [1] : vector<128x2048xf32> to vector<128xf32>
    %broadcast_in_dim3A_436 = vector.shape_cast %reduce_max3A_435 : vector<128xf32> to vector<128x1xf32>
    %ge3A_437 = vector.broadcast %broadcast_in_dim3A_436 : vector<128x1xf32> to vector<128x2048xf32>
    %ge3A_438 = arith.cmpf oge, %select_n3A_433, %ge3A_437 : vector<128x2048xf32>
    %jit3A_439 = arith.constant 4.096000e+03 : f32
    %broadcast_in_dim3A_440 = vector.broadcast %jit3A_439 : f32 to vector<128x2048xf32>
    %select_n3A_441 = arith.select %ge3A_438, %convert_element_type3A, %broadcast_in_dim3A_440 : vector<128x2048xi1>, vector<128x2048xf32>
    %reduce_min3A_442 = arith.constant dense<0x7F800000> : vector<128xf32>
    %reduce_min3A_443 = vector.multi_reduction <minimumf>, %select_n3A_441, %reduce_min3A_442 [1] : vector<128x2048xf32> to vector<128xf32>
    %broadcast_in_dim3A_444 = vector.shape_cast %reduce_min3A_443 : vector<128xf32> to vector<128x1xf32>
    %eq3A_445 = arith.constant 19 : i32
    %eq3A_446 = vector.broadcast %eq3A_445 : i32 to vector<128x20xi32>
    %eq3A_447 = arith.cmpi eq, %iota3A_19, %eq3A_446 : vector<128x20xi32>
    %broadcast_in_dim3A_448 = vector.shape_cast %broadcast_in_dim3A_444 : vector<128x1xf32> to vector<128x1xf32>
    %broadcast_in_dim3A_449 = vector.broadcast %broadcast_in_dim3A_448 : vector<128x1xf32> to vector<128x20xf32>
    %select_n3A_450 = arith.select %eq3A_447, %broadcast_in_dim3A_449, %select_n3A_428 : vector<128x20xi1>, vector<128x20xf32>
    %convert_element_type3A_451 = arith.fptosi %select_n3A_450 : vector<128x20xf32> to vector<128x20xi32>
    %mul3A_452 = arith.constant 2048 : i32
    %mul3A_453 = arith.muli %arg0, %mul3A_452 : i32
    %add3A = vector.broadcast %mul3A_453 : i32 to vector<128x20xi32>
    %add3A_454 = arith.addi %convert_element_type3A_451, %add3A : vector<128x20xi32>
    %swap3A = arith.constant 0 : index
    %swap3A_455 = arith.constant 0 : index
    %swap3A_456 = vector.load %arg4[%swap3A, %swap3A_455] : memref<128x20xi32, #tpu.memory_space<vmem>>, vector<128x20xi32>
    tpu.vector_store %arg4[%swap3A, %swap3A_455], %add3A_454 {strides = array<i32>} : memref<128x20xi32, #tpu.memory_space<vmem>>, vector<128x20xi32>,
    return
  }
  func.func @transform_0(%arg0: i32, %arg1: i32) -> (i32, i32) {
    %mul3A = arith.constant 16 : i32
    %mul3A_0 = arith.muli %arg0, %mul3A : i32
    %add3A = arith.addi %mul3A_0, %arg1 : i32
    %c0_i32 = arith.constant 0 : i32
    %c0_i32_1 = arith.constant 0 : i32
    return %add3A, %c0_i32 : i32, i32
  }
  func.func @transform_1(%arg0: i32, %arg1: i32) -> (i32, i32, i32) {
    %c0_i32 = arith.constant 0 : i32
    %c0_i32_0 = arith.constant 0 : i32
    %c0_i32_1 = arith.constant 0 : i32
    return %arg0, %c0_i32, %c0_i32_0 : i32, i32, i32
  }
  func.func @transform_2(%arg0: i32, %arg1: i32) -> (i32, i32) {
    %mul3A = arith.constant 16 : i32
    %mul3A_0 = arith.muli %arg0, %mul3A : i32
    %add3A = arith.addi %mul3A_0, %arg1 : i32
    %c0_i32 = arith.constant 0 : i32
    %c0_i32_1 = arith.constant 0 : i32
    return %add3A, %c0_i32 : i32, i32
  }
}

module attributes {stable_mosaic.version = 14 : i64} {
  func.func @_edge_stats_body(%arg0: i32, %arg1: memref<20x256x128xf32, #tpu.memory_space<vmem>>, %arg2: memref<256x128xf32, #tpu.memory_space<vmem>>, %arg3: memref<128x128xf32, #tpu.memory_space<vmem>>, %arg4: memref<128x128xf32, #tpu.memory_space<vmem>>, %arg5: memref<8x128xf32, #tpu.memory_space<vmem>>, %arg6: memref<8x128xf32, #tpu.memory_space<vmem>>, %arg7: memref<8x128xf32, #tpu.memory_space<vmem>>) attributes {dimension_semantics = [#tpu.dimension_semantics<arbitrary>], iteration_bounds = array<i64: 64>, scalar_prefetch = 0 : i64, scratch_operands = 0 : i64, tpu.core_type = #tpu.core_type<tc>, window_params = [{transform_indices = @transform_0, window_bounds = array<i64: 20, 256, 128>}, {transform_indices = @transform_1, window_bounds = array<i64: 256, 128>}, {pipeline_mode = #tpu.pipeline_mode<synchronous>, transform_indices = @transform_2, window_bounds = array<i64: 128, 128>}, {pipeline_mode = #tpu.pipeline_mode<synchronous>, transform_indices = @transform_3, window_bounds = array<i64: 128, 128>}, {pipeline_mode = #tpu.pipeline_mode<synchronous>, transform_indices = @transform_4, window_bounds = array<i64: 8, 128>}, {pipeline_mode = #tpu.pipeline_mode<synchronous>, transform_indices = @transform_5, window_bounds = array<i64: 8, 128>}, {pipeline_mode = #tpu.pipeline_mode<synchronous>, transform_indices = @transform_6, window_bounds = array<i64: 8, 128>}]} {
    %get3A = arith.constant 0 : index
    %get3A_0 = arith.constant 0 : index
    %get3A_1 = vector.load %arg2[%get3A, %get3A_0] : memref<256x128xf32, #tpu.memory_space<vmem>>, vector<256x128xf32>
    %get3A_2 = arith.constant 0 : index
    %get3A_3 = arith.constant 0 : index
    %get3A_4 = vector.load %arg3[%get3A_2, %get3A_3] : memref<128x128xf32, #tpu.memory_space<vmem>>, vector<128x128xf32>
    %get3A_5 = arith.constant 0 : index
    %get3A_6 = arith.constant 0 : index
    %get3A_7 = vector.load %arg4[%get3A_5, %get3A_6] : memref<128x128xf32, #tpu.memory_space<vmem>>, vector<128x128xf32>
    %dot_general3A = arith.constant dense<0.000000e+00> : vector<256x128xf32>
    %dot_general3A_8 = tpu.matmul %get3A_1, %get3A_7, %dot_general3A {dimension_numbers = #tpu.dot_dimension_numbers<[1], [0], [0], [1], [0, 0, 1, 1], [], []>, transpose_lhs_hint = false} : vector<256x128xf32>, vector<128x128xf32>, vector<256x128xf32> -> vector<256x128xf32>
    %get3A_9 = arith.constant 0 : index
    %get3A_10 = arith.constant 0 : index
    %get3A_11 = vector.load %arg5[%get3A_9, %get3A_10] : memref<8x128xf32, #tpu.memory_space<vmem>>, vector<8x128xf32>
    %slice3A = vector.extract_strided_slice %get3A_11 {offsets = [0, 0], sizes = [1, 128], strides = [1, 1]} : vector<8x128xf32> to vector<1x128xf32>
    %add3A = vector.broadcast %slice3A : vector<1x128xf32> to vector<256x128xf32>
    %add3A_12 = arith.addf %dot_general3A_8, %add3A : vector<256x128xf32>
    %eq3A = arith.constant 0 : i32
    %eq3A_13 = arith.cmpi eq, %arg0, %eq3A : i32
    %convert_element_type3A = arith.extui %eq3A_13 : i1 to i32
    %cond3A = arith.constant 0 : i32
    %cond3A_14 = arith.cmpi ne, %convert_element_type3A, %cond3A : i32
    scf.if %cond3A_14 {
      %broadcast_in_dim3A_392 = arith.constant 0.000000e+00 : f32
      %broadcast_in_dim3A_393 = vector.broadcast %broadcast_in_dim3A_392 : f32 to vector<8x128xf32>
      %swap3A_394 = arith.constant 0 : index
      %swap3A_395 = arith.constant 0 : index
      %swap3A_396 = vector.load %arg6[%swap3A_394, %swap3A_395] : memref<8x128xf32, #tpu.memory_space<vmem>>, vector<8x128xf32>
      tpu.vector_store %arg6[%swap3A_394, %swap3A_395], %broadcast_in_dim3A_393 {strides = array<i32>} : memref<8x128xf32, #tpu.memory_space<vmem>>, vector<8x128xf32>,
      %broadcast_in_dim3A_397 = arith.constant 0.000000e+00 : f32
      %broadcast_in_dim3A_398 = vector.broadcast %broadcast_in_dim3A_397 : f32 to vector<8x128xf32>
      %swap3A_399 = arith.constant 0 : index
      %swap3A_400 = arith.constant 0 : index
      %swap3A_401 = vector.load %arg7[%swap3A_399, %swap3A_400] : memref<8x128xf32, #tpu.memory_space<vmem>>, vector<8x128xf32>
      tpu.vector_store %arg7[%swap3A_399, %swap3A_400], %broadcast_in_dim3A_398 {strides = array<i32>} : memref<8x128xf32, #tpu.memory_space<vmem>>, vector<8x128xf32>,
    } else {
    }
    %broadcast_in_dim3A = arith.constant 0.000000e+00 : f32
    %broadcast_in_dim3A_15 = vector.broadcast %broadcast_in_dim3A : f32 to vector<1x128xf32>
    %broadcast_in_dim3A_16 = arith.constant 0.000000e+00 : f32
    %broadcast_in_dim3A_17 = vector.broadcast %broadcast_in_dim3A_16 : f32 to vector<1x128xf32>
    %get3A_18 = arith.constant 0 : index
    %get3A_19 = arith.constant 0 : index
    %get3A_20 = arith.constant 0 : index
    %get3A_21 = vector.load %arg1[%get3A_18, %get3A_19, %get3A_20] : memref<20x256x128xf32, #tpu.memory_space<vmem>>, vector<1x256x128xf32>
    %get3A_22 = vector.shape_cast %get3A_21 : vector<1x256x128xf32> to vector<256x128xf32>
    %sub3A = arith.subf %get3A_22, %get3A_1 : vector<256x128xf32>
    %dot_general3A_23 = arith.constant dense<0.000000e+00> : vector<256x128xf32>
    %dot_general3A_24 = tpu.matmul %sub3A, %get3A_4, %dot_general3A_23 {dimension_numbers = #tpu.dot_dimension_numbers<[1], [0], [0], [1], [0, 0, 1, 1], [], []>, transpose_lhs_hint = false} : vector<256x128xf32>, vector<128x128xf32>, vector<256x128xf32> -> vector<256x128xf32>
    %add3A_25 = arith.addf %dot_general3A_24, %add3A_12 : vector<256x128xf32>
    %reduce_sum3A = arith.constant dense<0.000000e+00> : vector<128xf32>
    %reduce_sum3A_26 = vector.multi_reduction <add>, %add3A_25, %reduce_sum3A [0] : vector<256x128xf32> to vector<128xf32>
    %broadcast_in_dim3A_27 = vector.shape_cast %reduce_sum3A_26 : vector<128xf32> to vector<1x128xf32>
    %add3A_28 = arith.addf %broadcast_in_dim3A_15, %broadcast_in_dim3A_27 : vector<1x128xf32>
    %mul3A = arith.mulf %add3A_25, %add3A_25 : vector<256x128xf32>
    %reduce_sum3A_29 = arith.constant dense<0.000000e+00> : vector<128xf32>
    %reduce_sum3A_30 = vector.multi_reduction <add>, %mul3A, %reduce_sum3A_29 [0] : vector<256x128xf32> to vector<128xf32>
    %broadcast_in_dim3A_31 = vector.shape_cast %reduce_sum3A_30 : vector<128xf32> to vector<1x128xf32>
    %add3A_32 = arith.addf %broadcast_in_dim3A_17, %broadcast_in_dim3A_31 : vector<1x128xf32>
    %get3A_33 = arith.constant 1 : index
    %get3A_34 = arith.constant 0 : index
    %get3A_35 = arith.constant 0 : index
    %get3A_36 = vector.load %arg1[%get3A_33, %get3A_34, %get3A_35] : memref<20x256x128xf32, #tpu.memory_space<vmem>>, vector<1x256x128xf32>
    %get3A_37 = vector.shape_cast %get3A_36 : vector<1x256x128xf32> to vector<256x128xf32>
    %sub3A_38 = arith.subf %get3A_37, %get3A_1 : vector<256x128xf32>
    %dot_general3A_39 = arith.constant dense<0.000000e+00> : vector<256x128xf32>
    %dot_general3A_40 = tpu.matmul %sub3A_38, %get3A_4, %dot_general3A_39 {dimension_numbers = #tpu.dot_dimension_numbers<[1], [0], [0], [1], [0, 0, 1, 1], [], []>, transpose_lhs_hint = false} : vector<256x128xf32>, vector<128x128xf32>, vector<256x128xf32> -> vector<256x128xf32>
    %add3A_41 = arith.addf %dot_general3A_40, %add3A_12 : vector<256x128xf32>
    %reduce_sum3A_42 = arith.constant dense<0.000000e+00> : vector<128xf32>
    %reduce_sum3A_43 = vector.multi_reduction <add>, %add3A_41, %reduce_sum3A_42 [0] : vector<256x128xf32> to vector<128xf32>
    %broadcast_in_dim3A_44 = vector.shape_cast %reduce_sum3A_43 : vector<128xf32> to vector<1x128xf32>
    %add3A_45 = arith.addf %add3A_28, %broadcast_in_dim3A_44 : vector<1x128xf32>
    %mul3A_46 = arith.mulf %add3A_41, %add3A_41 : vector<256x128xf32>
    %reduce_sum3A_47 = arith.constant dense<0.000000e+00> : vector<128xf32>
    %reduce_sum3A_48 = vector.multi_reduction <add>, %mul3A_46, %reduce_sum3A_47 [0] : vector<256x128xf32> to vector<128xf32>
    %broadcast_in_dim3A_49 = vector.shape_cast %reduce_sum3A_48 : vector<128xf32> to vector<1x128xf32>
    %add3A_50 = arith.addf %add3A_32, %broadcast_in_dim3A_49 : vector<1x128xf32>
    %get3A_51 = arith.constant 2 : index
    %get3A_52 = arith.constant 0 : index
    %get3A_53 = arith.constant 0 : index
    %get3A_54 = vector.load %arg1[%get3A_51, %get3A_52, %get3A_53] : memref<20x256x128xf32, #tpu.memory_space<vmem>>, vector<1x256x128xf32>
    %get3A_55 = vector.shape_cast %get3A_54 : vector<1x256x128xf32> to vector<256x128xf32>
    %sub3A_56 = arith.subf %get3A_55, %get3A_1 : vector<256x128xf32>
    %dot_general3A_57 = arith.constant dense<0.000000e+00> : vector<256x128xf32>
    %dot_general3A_58 = tpu.matmul %sub3A_56, %get3A_4, %dot_general3A_57 {dimension_numbers = #tpu.dot_dimension_numbers<[1], [0], [0], [1], [0, 0, 1, 1], [], []>, transpose_lhs_hint = false} : vector<256x128xf32>, vector<128x128xf32>, vector<256x128xf32> -> vector<256x128xf32>
    %add3A_59 = arith.addf %dot_general3A_58, %add3A_12 : vector<256x128xf32>
    %reduce_sum3A_60 = arith.constant dense<0.000000e+00> : vector<128xf32>
    %reduce_sum3A_61 = vector.multi_reduction <add>, %add3A_59, %reduce_sum3A_60 [0] : vector<256x128xf32> to vector<128xf32>
    %broadcast_in_dim3A_62 = vector.shape_cast %reduce_sum3A_61 : vector<128xf32> to vector<1x128xf32>
    %add3A_63 = arith.addf %add3A_45, %broadcast_in_dim3A_62 : vector<1x128xf32>
    %mul3A_64 = arith.mulf %add3A_59, %add3A_59 : vector<256x128xf32>
    %reduce_sum3A_65 = arith.constant dense<0.000000e+00> : vector<128xf32>
    %reduce_sum3A_66 = vector.multi_reduction <add>, %mul3A_64, %reduce_sum3A_65 [0] : vector<256x128xf32> to vector<128xf32>
    %broadcast_in_dim3A_67 = vector.shape_cast %reduce_sum3A_66 : vector<128xf32> to vector<1x128xf32>
    %add3A_68 = arith.addf %add3A_50, %broadcast_in_dim3A_67 : vector<1x128xf32>
    %get3A_69 = arith.constant 3 : index
    %get3A_70 = arith.constant 0 : index
    %get3A_71 = arith.constant 0 : index
    %get3A_72 = vector.load %arg1[%get3A_69, %get3A_70, %get3A_71] : memref<20x256x128xf32, #tpu.memory_space<vmem>>, vector<1x256x128xf32>
    %get3A_73 = vector.shape_cast %get3A_72 : vector<1x256x128xf32> to vector<256x128xf32>
    %sub3A_74 = arith.subf %get3A_73, %get3A_1 : vector<256x128xf32>
    %dot_general3A_75 = arith.constant dense<0.000000e+00> : vector<256x128xf32>
    %dot_general3A_76 = tpu.matmul %sub3A_74, %get3A_4, %dot_general3A_75 {dimension_numbers = #tpu.dot_dimension_numbers<[1], [0], [0], [1], [0, 0, 1, 1], [], []>, transpose_lhs_hint = false} : vector<256x128xf32>, vector<128x128xf32>, vector<256x128xf32> -> vector<256x128xf32>
    %add3A_77 = arith.addf %dot_general3A_76, %add3A_12 : vector<256x128xf32>
    %reduce_sum3A_78 = arith.constant dense<0.000000e+00> : vector<128xf32>
    %reduce_sum3A_79 = vector.multi_reduction <add>, %add3A_77, %reduce_sum3A_78 [0] : vector<256x128xf32> to vector<128xf32>
    %broadcast_in_dim3A_80 = vector.shape_cast %reduce_sum3A_79 : vector<128xf32> to vector<1x128xf32>
    %add3A_81 = arith.addf %add3A_63, %broadcast_in_dim3A_80 : vector<1x128xf32>
    %mul3A_82 = arith.mulf %add3A_77, %add3A_77 : vector<256x128xf32>
    %reduce_sum3A_83 = arith.constant dense<0.000000e+00> : vector<128xf32>
    %reduce_sum3A_84 = vector.multi_reduction <add>, %mul3A_82, %reduce_sum3A_83 [0] : vector<256x128xf32> to vector<128xf32>
    %broadcast_in_dim3A_85 = vector.shape_cast %reduce_sum3A_84 : vector<128xf32> to vector<1x128xf32>
    %add3A_86 = arith.addf %add3A_68, %broadcast_in_dim3A_85 : vector<1x128xf32>
    %get3A_87 = arith.constant 4 : index
    %get3A_88 = arith.constant 0 : index
    %get3A_89 = arith.constant 0 : index
    %get3A_90 = vector.load %arg1[%get3A_87, %get3A_88, %get3A_89] : memref<20x256x128xf32, #tpu.memory_space<vmem>>, vector<1x256x128xf32>
    %get3A_91 = vector.shape_cast %get3A_90 : vector<1x256x128xf32> to vector<256x128xf32>
    %sub3A_92 = arith.subf %get3A_91, %get3A_1 : vector<256x128xf32>
    %dot_general3A_93 = arith.constant dense<0.000000e+00> : vector<256x128xf32>
    %dot_general3A_94 = tpu.matmul %sub3A_92, %get3A_4, %dot_general3A_93 {dimension_numbers = #tpu.dot_dimension_numbers<[1], [0], [0], [1], [0, 0, 1, 1], [], []>, transpose_lhs_hint = false} : vector<256x128xf32>, vector<128x128xf32>, vector<256x128xf32> -> vector<256x128xf32>
    %add3A_95 = arith.addf %dot_general3A_94, %add3A_12 : vector<256x128xf32>
    %reduce_sum3A_96 = arith.constant dense<0.000000e+00> : vector<128xf32>
    %reduce_sum3A_97 = vector.multi_reduction <add>, %add3A_95, %reduce_sum3A_96 [0] : vector<256x128xf32> to vector<128xf32>
    %broadcast_in_dim3A_98 = vector.shape_cast %reduce_sum3A_97 : vector<128xf32> to vector<1x128xf32>
    %add3A_99 = arith.addf %add3A_81, %broadcast_in_dim3A_98 : vector<1x128xf32>
    %mul3A_100 = arith.mulf %add3A_95, %add3A_95 : vector<256x128xf32>
    %reduce_sum3A_101 = arith.constant dense<0.000000e+00> : vector<128xf32>
    %reduce_sum3A_102 = vector.multi_reduction <add>, %mul3A_100, %reduce_sum3A_101 [0] : vector<256x128xf32> to vector<128xf32>
    %broadcast_in_dim3A_103 = vector.shape_cast %reduce_sum3A_102 : vector<128xf32> to vector<1x128xf32>
    %add3A_104 = arith.addf %add3A_86, %broadcast_in_dim3A_103 : vector<1x128xf32>
    %get3A_105 = arith.constant 5 : index
    %get3A_106 = arith.constant 0 : index
    %get3A_107 = arith.constant 0 : index
    %get3A_108 = vector.load %arg1[%get3A_105, %get3A_106, %get3A_107] : memref<20x256x128xf32, #tpu.memory_space<vmem>>, vector<1x256x128xf32>
    %get3A_109 = vector.shape_cast %get3A_108 : vector<1x256x128xf32> to vector<256x128xf32>
    %sub3A_110 = arith.subf %get3A_109, %get3A_1 : vector<256x128xf32>
    %dot_general3A_111 = arith.constant dense<0.000000e+00> : vector<256x128xf32>
    %dot_general3A_112 = tpu.matmul %sub3A_110, %get3A_4, %dot_general3A_111 {dimension_numbers = #tpu.dot_dimension_numbers<[1], [0], [0], [1], [0, 0, 1, 1], [], []>, transpose_lhs_hint = false} : vector<256x128xf32>, vector<128x128xf32>, vector<256x128xf32> -> vector<256x128xf32>
    %add3A_113 = arith.addf %dot_general3A_112, %add3A_12 : vector<256x128xf32>
    %reduce_sum3A_114 = arith.constant dense<0.000000e+00> : vector<128xf32>
    %reduce_sum3A_115 = vector.multi_reduction <add>, %add3A_113, %reduce_sum3A_114 [0] : vector<256x128xf32> to vector<128xf32>
    %broadcast_in_dim3A_116 = vector.shape_cast %reduce_sum3A_115 : vector<128xf32> to vector<1x128xf32>
    %add3A_117 = arith.addf %add3A_99, %broadcast_in_dim3A_116 : vector<1x128xf32>
    %mul3A_118 = arith.mulf %add3A_113, %add3A_113 : vector<256x128xf32>
    %reduce_sum3A_119 = arith.constant dense<0.000000e+00> : vector<128xf32>
    %reduce_sum3A_120 = vector.multi_reduction <add>, %mul3A_118, %reduce_sum3A_119 [0] : vector<256x128xf32> to vector<128xf32>
    %broadcast_in_dim3A_121 = vector.shape_cast %reduce_sum3A_120 : vector<128xf32> to vector<1x128xf32>
    %add3A_122 = arith.addf %add3A_104, %broadcast_in_dim3A_121 : vector<1x128xf32>
    %get3A_123 = arith.constant 6 : index
    %get3A_124 = arith.constant 0 : index
    %get3A_125 = arith.constant 0 : index
    %get3A_126 = vector.load %arg1[%get3A_123, %get3A_124, %get3A_125] : memref<20x256x128xf32, #tpu.memory_space<vmem>>, vector<1x256x128xf32>
    %get3A_127 = vector.shape_cast %get3A_126 : vector<1x256x128xf32> to vector<256x128xf32>
    %sub3A_128 = arith.subf %get3A_127, %get3A_1 : vector<256x128xf32>
    %dot_general3A_129 = arith.constant dense<0.000000e+00> : vector<256x128xf32>
    %dot_general3A_130 = tpu.matmul %sub3A_128, %get3A_4, %dot_general3A_129 {dimension_numbers = #tpu.dot_dimension_numbers<[1], [0], [0], [1], [0, 0, 1, 1], [], []>, transpose_lhs_hint = false} : vector<256x128xf32>, vector<128x128xf32>, vector<256x128xf32> -> vector<256x128xf32>
    %add3A_131 = arith.addf %dot_general3A_130, %add3A_12 : vector<256x128xf32>
    %reduce_sum3A_132 = arith.constant dense<0.000000e+00> : vector<128xf32>
    %reduce_sum3A_133 = vector.multi_reduction <add>, %add3A_131, %reduce_sum3A_132 [0] : vector<256x128xf32> to vector<128xf32>
    %broadcast_in_dim3A_134 = vector.shape_cast %reduce_sum3A_133 : vector<128xf32> to vector<1x128xf32>
    %add3A_135 = arith.addf %add3A_117, %broadcast_in_dim3A_134 : vector<1x128xf32>
    %mul3A_136 = arith.mulf %add3A_131, %add3A_131 : vector<256x128xf32>
    %reduce_sum3A_137 = arith.constant dense<0.000000e+00> : vector<128xf32>
    %reduce_sum3A_138 = vector.multi_reduction <add>, %mul3A_136, %reduce_sum3A_137 [0] : vector<256x128xf32> to vector<128xf32>
    %broadcast_in_dim3A_139 = vector.shape_cast %reduce_sum3A_138 : vector<128xf32> to vector<1x128xf32>
    %add3A_140 = arith.addf %add3A_122, %broadcast_in_dim3A_139 : vector<1x128xf32>
    %get3A_141 = arith.constant 7 : index
    %get3A_142 = arith.constant 0 : index
    %get3A_143 = arith.constant 0 : index
    %get3A_144 = vector.load %arg1[%get3A_141, %get3A_142, %get3A_143] : memref<20x256x128xf32, #tpu.memory_space<vmem>>, vector<1x256x128xf32>
    %get3A_145 = vector.shape_cast %get3A_144 : vector<1x256x128xf32> to vector<256x128xf32>
    %sub3A_146 = arith.subf %get3A_145, %get3A_1 : vector<256x128xf32>
    %dot_general3A_147 = arith.constant dense<0.000000e+00> : vector<256x128xf32>
    %dot_general3A_148 = tpu.matmul %sub3A_146, %get3A_4, %dot_general3A_147 {dimension_numbers = #tpu.dot_dimension_numbers<[1], [0], [0], [1], [0, 0, 1, 1], [], []>, transpose_lhs_hint = false} : vector<256x128xf32>, vector<128x128xf32>, vector<256x128xf32> -> vector<256x128xf32>
    %add3A_149 = arith.addf %dot_general3A_148, %add3A_12 : vector<256x128xf32>
    %reduce_sum3A_150 = arith.constant dense<0.000000e+00> : vector<128xf32>
    %reduce_sum3A_151 = vector.multi_reduction <add>, %add3A_149, %reduce_sum3A_150 [0] : vector<256x128xf32> to vector<128xf32>
    %broadcast_in_dim3A_152 = vector.shape_cast %reduce_sum3A_151 : vector<128xf32> to vector<1x128xf32>
    %add3A_153 = arith.addf %add3A_135, %broadcast_in_dim3A_152 : vector<1x128xf32>
    %mul3A_154 = arith.mulf %add3A_149, %add3A_149 : vector<256x128xf32>
    %reduce_sum3A_155 = arith.constant dense<0.000000e+00> : vector<128xf32>
    %reduce_sum3A_156 = vector.multi_reduction <add>, %mul3A_154, %reduce_sum3A_155 [0] : vector<256x128xf32> to vector<128xf32>
    %broadcast_in_dim3A_157 = vector.shape_cast %reduce_sum3A_156 : vector<128xf32> to vector<1x128xf32>
    %add3A_158 = arith.addf %add3A_140, %broadcast_in_dim3A_157 : vector<1x128xf32>
    %get3A_159 = arith.constant 8 : index
    %get3A_160 = arith.constant 0 : index
    %get3A_161 = arith.constant 0 : index
    %get3A_162 = vector.load %arg1[%get3A_159, %get3A_160, %get3A_161] : memref<20x256x128xf32, #tpu.memory_space<vmem>>, vector<1x256x128xf32>
    %get3A_163 = vector.shape_cast %get3A_162 : vector<1x256x128xf32> to vector<256x128xf32>
    %sub3A_164 = arith.subf %get3A_163, %get3A_1 : vector<256x128xf32>
    %dot_general3A_165 = arith.constant dense<0.000000e+00> : vector<256x128xf32>
    %dot_general3A_166 = tpu.matmul %sub3A_164, %get3A_4, %dot_general3A_165 {dimension_numbers = #tpu.dot_dimension_numbers<[1], [0], [0], [1], [0, 0, 1, 1], [], []>, transpose_lhs_hint = false} : vector<256x128xf32>, vector<128x128xf32>, vector<256x128xf32> -> vector<256x128xf32>
    %add3A_167 = arith.addf %dot_general3A_166, %add3A_12 : vector<256x128xf32>
    %reduce_sum3A_168 = arith.constant dense<0.000000e+00> : vector<128xf32>
    %reduce_sum3A_169 = vector.multi_reduction <add>, %add3A_167, %reduce_sum3A_168 [0] : vector<256x128xf32> to vector<128xf32>
    %broadcast_in_dim3A_170 = vector.shape_cast %reduce_sum3A_169 : vector<128xf32> to vector<1x128xf32>
    %add3A_171 = arith.addf %add3A_153, %broadcast_in_dim3A_170 : vector<1x128xf32>
    %mul3A_172 = arith.mulf %add3A_167, %add3A_167 : vector<256x128xf32>
    %reduce_sum3A_173 = arith.constant dense<0.000000e+00> : vector<128xf32>
    %reduce_sum3A_174 = vector.multi_reduction <add>, %mul3A_172, %reduce_sum3A_173 [0] : vector<256x128xf32> to vector<128xf32>
    %broadcast_in_dim3A_175 = vector.shape_cast %reduce_sum3A_174 : vector<128xf32> to vector<1x128xf32>
    %add3A_176 = arith.addf %add3A_158, %broadcast_in_dim3A_175 : vector<1x128xf32>
    %get3A_177 = arith.constant 9 : index
    %get3A_178 = arith.constant 0 : index
    %get3A_179 = arith.constant 0 : index
    %get3A_180 = vector.load %arg1[%get3A_177, %get3A_178, %get3A_179] : memref<20x256x128xf32, #tpu.memory_space<vmem>>, vector<1x256x128xf32>
    %get3A_181 = vector.shape_cast %get3A_180 : vector<1x256x128xf32> to vector<256x128xf32>
    %sub3A_182 = arith.subf %get3A_181, %get3A_1 : vector<256x128xf32>
    %dot_general3A_183 = arith.constant dense<0.000000e+00> : vector<256x128xf32>
    %dot_general3A_184 = tpu.matmul %sub3A_182, %get3A_4, %dot_general3A_183 {dimension_numbers = #tpu.dot_dimension_numbers<[1], [0], [0], [1], [0, 0, 1, 1], [], []>, transpose_lhs_hint = false} : vector<256x128xf32>, vector<128x128xf32>, vector<256x128xf32> -> vector<256x128xf32>
    %add3A_185 = arith.addf %dot_general3A_184, %add3A_12 : vector<256x128xf32>
    %reduce_sum3A_186 = arith.constant dense<0.000000e+00> : vector<128xf32>
    %reduce_sum3A_187 = vector.multi_reduction <add>, %add3A_185, %reduce_sum3A_186 [0] : vector<256x128xf32> to vector<128xf32>
    %broadcast_in_dim3A_188 = vector.shape_cast %reduce_sum3A_187 : vector<128xf32> to vector<1x128xf32>
    %add3A_189 = arith.addf %add3A_171, %broadcast_in_dim3A_188 : vector<1x128xf32>
    %mul3A_190 = arith.mulf %add3A_185, %add3A_185 : vector<256x128xf32>
    %reduce_sum3A_191 = arith.constant dense<0.000000e+00> : vector<128xf32>
    %reduce_sum3A_192 = vector.multi_reduction <add>, %mul3A_190, %reduce_sum3A_191 [0] : vector<256x128xf32> to vector<128xf32>
    %broadcast_in_dim3A_193 = vector.shape_cast %reduce_sum3A_192 : vector<128xf32> to vector<1x128xf32>
    %add3A_194 = arith.addf %add3A_176, %broadcast_in_dim3A_193 : vector<1x128xf32>
    %get3A_195 = arith.constant 10 : index
    %get3A_196 = arith.constant 0 : index
    %get3A_197 = arith.constant 0 : index
    %get3A_198 = vector.load %arg1[%get3A_195, %get3A_196, %get3A_197] : memref<20x256x128xf32, #tpu.memory_space<vmem>>, vector<1x256x128xf32>
    %get3A_199 = vector.shape_cast %get3A_198 : vector<1x256x128xf32> to vector<256x128xf32>
    %sub3A_200 = arith.subf %get3A_199, %get3A_1 : vector<256x128xf32>
    %dot_general3A_201 = arith.constant dense<0.000000e+00> : vector<256x128xf32>
    %dot_general3A_202 = tpu.matmul %sub3A_200, %get3A_4, %dot_general3A_201 {dimension_numbers = #tpu.dot_dimension_numbers<[1], [0], [0], [1], [0, 0, 1, 1], [], []>, transpose_lhs_hint = false} : vector<256x128xf32>, vector<128x128xf32>, vector<256x128xf32> -> vector<256x128xf32>
    %add3A_203 = arith.addf %dot_general3A_202, %add3A_12 : vector<256x128xf32>
    %reduce_sum3A_204 = arith.constant dense<0.000000e+00> : vector<128xf32>
    %reduce_sum3A_205 = vector.multi_reduction <add>, %add3A_203, %reduce_sum3A_204 [0] : vector<256x128xf32> to vector<128xf32>
    %broadcast_in_dim3A_206 = vector.shape_cast %reduce_sum3A_205 : vector<128xf32> to vector<1x128xf32>
    %add3A_207 = arith.addf %add3A_189, %broadcast_in_dim3A_206 : vector<1x128xf32>
    %mul3A_208 = arith.mulf %add3A_203, %add3A_203 : vector<256x128xf32>
    %reduce_sum3A_209 = arith.constant dense<0.000000e+00> : vector<128xf32>
    %reduce_sum3A_210 = vector.multi_reduction <add>, %mul3A_208, %reduce_sum3A_209 [0] : vector<256x128xf32> to vector<128xf32>
    %broadcast_in_dim3A_211 = vector.shape_cast %reduce_sum3A_210 : vector<128xf32> to vector<1x128xf32>
    %add3A_212 = arith.addf %add3A_194, %broadcast_in_dim3A_211 : vector<1x128xf32>
    %get3A_213 = arith.constant 11 : index
    %get3A_214 = arith.constant 0 : index
    %get3A_215 = arith.constant 0 : index
    %get3A_216 = vector.load %arg1[%get3A_213, %get3A_214, %get3A_215] : memref<20x256x128xf32, #tpu.memory_space<vmem>>, vector<1x256x128xf32>
    %get3A_217 = vector.shape_cast %get3A_216 : vector<1x256x128xf32> to vector<256x128xf32>
    %sub3A_218 = arith.subf %get3A_217, %get3A_1 : vector<256x128xf32>
    %dot_general3A_219 = arith.constant dense<0.000000e+00> : vector<256x128xf32>
    %dot_general3A_220 = tpu.matmul %sub3A_218, %get3A_4, %dot_general3A_219 {dimension_numbers = #tpu.dot_dimension_numbers<[1], [0], [0], [1], [0, 0, 1, 1], [], []>, transpose_lhs_hint = false} : vector<256x128xf32>, vector<128x128xf32>, vector<256x128xf32> -> vector<256x128xf32>
    %add3A_221 = arith.addf %dot_general3A_220, %add3A_12 : vector<256x128xf32>
    %reduce_sum3A_222 = arith.constant dense<0.000000e+00> : vector<128xf32>
    %reduce_sum3A_223 = vector.multi_reduction <add>, %add3A_221, %reduce_sum3A_222 [0] : vector<256x128xf32> to vector<128xf32>
    %broadcast_in_dim3A_224 = vector.shape_cast %reduce_sum3A_223 : vector<128xf32> to vector<1x128xf32>
    %add3A_225 = arith.addf %add3A_207, %broadcast_in_dim3A_224 : vector<1x128xf32>
    %mul3A_226 = arith.mulf %add3A_221, %add3A_221 : vector<256x128xf32>
    %reduce_sum3A_227 = arith.constant dense<0.000000e+00> : vector<128xf32>
    %reduce_sum3A_228 = vector.multi_reduction <add>, %mul3A_226, %reduce_sum3A_227 [0] : vector<256x128xf32> to vector<128xf32>
    %broadcast_in_dim3A_229 = vector.shape_cast %reduce_sum3A_228 : vector<128xf32> to vector<1x128xf32>
    %add3A_230 = arith.addf %add3A_212, %broadcast_in_dim3A_229 : vector<1x128xf32>
    %get3A_231 = arith.constant 12 : index
    %get3A_232 = arith.constant 0 : index
    %get3A_233 = arith.constant 0 : index
    %get3A_234 = vector.load %arg1[%get3A_231, %get3A_232, %get3A_233] : memref<20x256x128xf32, #tpu.memory_space<vmem>>, vector<1x256x128xf32>
    %get3A_235 = vector.shape_cast %get3A_234 : vector<1x256x128xf32> to vector<256x128xf32>
    %sub3A_236 = arith.subf %get3A_235, %get3A_1 : vector<256x128xf32>
    %dot_general3A_237 = arith.constant dense<0.000000e+00> : vector<256x128xf32>
    %dot_general3A_238 = tpu.matmul %sub3A_236, %get3A_4, %dot_general3A_237 {dimension_numbers = #tpu.dot_dimension_numbers<[1], [0], [0], [1], [0, 0, 1, 1], [], []>, transpose_lhs_hint = false} : vector<256x128xf32>, vector<128x128xf32>, vector<256x128xf32> -> vector<256x128xf32>
    %add3A_239 = arith.addf %dot_general3A_238, %add3A_12 : vector<256x128xf32>
    %reduce_sum3A_240 = arith.constant dense<0.000000e+00> : vector<128xf32>
    %reduce_sum3A_241 = vector.multi_reduction <add>, %add3A_239, %reduce_sum3A_240 [0] : vector<256x128xf32> to vector<128xf32>
    %broadcast_in_dim3A_242 = vector.shape_cast %reduce_sum3A_241 : vector<128xf32> to vector<1x128xf32>
    %add3A_243 = arith.addf %add3A_225, %broadcast_in_dim3A_242 : vector<1x128xf32>
    %mul3A_244 = arith.mulf %add3A_239, %add3A_239 : vector<256x128xf32>
    %reduce_sum3A_245 = arith.constant dense<0.000000e+00> : vector<128xf32>
    %reduce_sum3A_246 = vector.multi_reduction <add>, %mul3A_244, %reduce_sum3A_245 [0] : vector<256x128xf32> to vector<128xf32>
    %broadcast_in_dim3A_247 = vector.shape_cast %reduce_sum3A_246 : vector<128xf32> to vector<1x128xf32>
    %add3A_248 = arith.addf %add3A_230, %broadcast_in_dim3A_247 : vector<1x128xf32>
    %get3A_249 = arith.constant 13 : index
    %get3A_250 = arith.constant 0 : index
    %get3A_251 = arith.constant 0 : index
    %get3A_252 = vector.load %arg1[%get3A_249, %get3A_250, %get3A_251] : memref<20x256x128xf32, #tpu.memory_space<vmem>>, vector<1x256x128xf32>
    %get3A_253 = vector.shape_cast %get3A_252 : vector<1x256x128xf32> to vector<256x128xf32>
    %sub3A_254 = arith.subf %get3A_253, %get3A_1 : vector<256x128xf32>
    %dot_general3A_255 = arith.constant dense<0.000000e+00> : vector<256x128xf32>
    %dot_general3A_256 = tpu.matmul %sub3A_254, %get3A_4, %dot_general3A_255 {dimension_numbers = #tpu.dot_dimension_numbers<[1], [0], [0], [1], [0, 0, 1, 1], [], []>, transpose_lhs_hint = false} : vector<256x128xf32>, vector<128x128xf32>, vector<256x128xf32> -> vector<256x128xf32>
    %add3A_257 = arith.addf %dot_general3A_256, %add3A_12 : vector<256x128xf32>
    %reduce_sum3A_258 = arith.constant dense<0.000000e+00> : vector<128xf32>
    %reduce_sum3A_259 = vector.multi_reduction <add>, %add3A_257, %reduce_sum3A_258 [0] : vector<256x128xf32> to vector<128xf32>
    %broadcast_in_dim3A_260 = vector.shape_cast %reduce_sum3A_259 : vector<128xf32> to vector<1x128xf32>
    %add3A_261 = arith.addf %add3A_243, %broadcast_in_dim3A_260 : vector<1x128xf32>
    %mul3A_262 = arith.mulf %add3A_257, %add3A_257 : vector<256x128xf32>
    %reduce_sum3A_263 = arith.constant dense<0.000000e+00> : vector<128xf32>
    %reduce_sum3A_264 = vector.multi_reduction <add>, %mul3A_262, %reduce_sum3A_263 [0] : vector<256x128xf32> to vector<128xf32>
    %broadcast_in_dim3A_265 = vector.shape_cast %reduce_sum3A_264 : vector<128xf32> to vector<1x128xf32>
    %add3A_266 = arith.addf %add3A_248, %broadcast_in_dim3A_265 : vector<1x128xf32>
    %get3A_267 = arith.constant 14 : index
    %get3A_268 = arith.constant 0 : index
    %get3A_269 = arith.constant 0 : index
    %get3A_270 = vector.load %arg1[%get3A_267, %get3A_268, %get3A_269] : memref<20x256x128xf32, #tpu.memory_space<vmem>>, vector<1x256x128xf32>
    %get3A_271 = vector.shape_cast %get3A_270 : vector<1x256x128xf32> to vector<256x128xf32>
    %sub3A_272 = arith.subf %get3A_271, %get3A_1 : vector<256x128xf32>
    %dot_general3A_273 = arith.constant dense<0.000000e+00> : vector<256x128xf32>
    %dot_general3A_274 = tpu.matmul %sub3A_272, %get3A_4, %dot_general3A_273 {dimension_numbers = #tpu.dot_dimension_numbers<[1], [0], [0], [1], [0, 0, 1, 1], [], []>, transpose_lhs_hint = false} : vector<256x128xf32>, vector<128x128xf32>, vector<256x128xf32> -> vector<256x128xf32>
    %add3A_275 = arith.addf %dot_general3A_274, %add3A_12 : vector<256x128xf32>
    %reduce_sum3A_276 = arith.constant dense<0.000000e+00> : vector<128xf32>
    %reduce_sum3A_277 = vector.multi_reduction <add>, %add3A_275, %reduce_sum3A_276 [0] : vector<256x128xf32> to vector<128xf32>
    %broadcast_in_dim3A_278 = vector.shape_cast %reduce_sum3A_277 : vector<128xf32> to vector<1x128xf32>
    %add3A_279 = arith.addf %add3A_261, %broadcast_in_dim3A_278 : vector<1x128xf32>
    %mul3A_280 = arith.mulf %add3A_275, %add3A_275 : vector<256x128xf32>
    %reduce_sum3A_281 = arith.constant dense<0.000000e+00> : vector<128xf32>
    %reduce_sum3A_282 = vector.multi_reduction <add>, %mul3A_280, %reduce_sum3A_281 [0] : vector<256x128xf32> to vector<128xf32>
    %broadcast_in_dim3A_283 = vector.shape_cast %reduce_sum3A_282 : vector<128xf32> to vector<1x128xf32>
    %add3A_284 = arith.addf %add3A_266, %broadcast_in_dim3A_283 : vector<1x128xf32>
    %get3A_285 = arith.constant 15 : index
    %get3A_286 = arith.constant 0 : index
    %get3A_287 = arith.constant 0 : index
    %get3A_288 = vector.load %arg1[%get3A_285, %get3A_286, %get3A_287] : memref<20x256x128xf32, #tpu.memory_space<vmem>>, vector<1x256x128xf32>
    %get3A_289 = vector.shape_cast %get3A_288 : vector<1x256x128xf32> to vector<256x128xf32>
    %sub3A_290 = arith.subf %get3A_289, %get3A_1 : vector<256x128xf32>
    %dot_general3A_291 = arith.constant dense<0.000000e+00> : vector<256x128xf32>
    %dot_general3A_292 = tpu.matmul %sub3A_290, %get3A_4, %dot_general3A_291 {dimension_numbers = #tpu.dot_dimension_numbers<[1], [0], [0], [1], [0, 0, 1, 1], [], []>, transpose_lhs_hint = false} : vector<256x128xf32>, vector<128x128xf32>, vector<256x128xf32> -> vector<256x128xf32>
    %add3A_293 = arith.addf %dot_general3A_292, %add3A_12 : vector<256x128xf32>
    %reduce_sum3A_294 = arith.constant dense<0.000000e+00> : vector<128xf32>
    %reduce_sum3A_295 = vector.multi_reduction <add>, %add3A_293, %reduce_sum3A_294 [0] : vector<256x128xf32> to vector<128xf32>
    %broadcast_in_dim3A_296 = vector.shape_cast %reduce_sum3A_295 : vector<128xf32> to vector<1x128xf32>
    %add3A_297 = arith.addf %add3A_279, %broadcast_in_dim3A_296 : vector<1x128xf32>
    %mul3A_298 = arith.mulf %add3A_293, %add3A_293 : vector<256x128xf32>
    %reduce_sum3A_299 = arith.constant dense<0.000000e+00> : vector<128xf32>
    %reduce_sum3A_300 = vector.multi_reduction <add>, %mul3A_298, %reduce_sum3A_299 [0] : vector<256x128xf32> to vector<128xf32>
    %broadcast_in_dim3A_301 = vector.shape_cast %reduce_sum3A_300 : vector<128xf32> to vector<1x128xf32>
    %add3A_302 = arith.addf %add3A_284, %broadcast_in_dim3A_301 : vector<1x128xf32>
    %get3A_303 = arith.constant 16 : index
    %get3A_304 = arith.constant 0 : index
    %get3A_305 = arith.constant 0 : index
    %get3A_306 = vector.load %arg1[%get3A_303, %get3A_304, %get3A_305] : memref<20x256x128xf32, #tpu.memory_space<vmem>>, vector<1x256x128xf32>
    %get3A_307 = vector.shape_cast %get3A_306 : vector<1x256x128xf32> to vector<256x128xf32>
    %sub3A_308 = arith.subf %get3A_307, %get3A_1 : vector<256x128xf32>
    %dot_general3A_309 = arith.constant dense<0.000000e+00> : vector<256x128xf32>
    %dot_general3A_310 = tpu.matmul %sub3A_308, %get3A_4, %dot_general3A_309 {dimension_numbers = #tpu.dot_dimension_numbers<[1], [0], [0], [1], [0, 0, 1, 1], [], []>, transpose_lhs_hint = false} : vector<256x128xf32>, vector<128x128xf32>, vector<256x128xf32> -> vector<256x128xf32>
    %add3A_311 = arith.addf %dot_general3A_310, %add3A_12 : vector<256x128xf32>
    %reduce_sum3A_312 = arith.constant dense<0.000000e+00> : vector<128xf32>
    %reduce_sum3A_313 = vector.multi_reduction <add>, %add3A_311, %reduce_sum3A_312 [0] : vector<256x128xf32> to vector<128xf32>
    %broadcast_in_dim3A_314 = vector.shape_cast %reduce_sum3A_313 : vector<128xf32> to vector<1x128xf32>
    %add3A_315 = arith.addf %add3A_297, %broadcast_in_dim3A_314 : vector<1x128xf32>
    %mul3A_316 = arith.mulf %add3A_311, %add3A_311 : vector<256x128xf32>
    %reduce_sum3A_317 = arith.constant dense<0.000000e+00> : vector<128xf32>
    %reduce_sum3A_318 = vector.multi_reduction <add>, %mul3A_316, %reduce_sum3A_317 [0] : vector<256x128xf32> to vector<128xf32>
    %broadcast_in_dim3A_319 = vector.shape_cast %reduce_sum3A_318 : vector<128xf32> to vector<1x128xf32>
    %add3A_320 = arith.addf %add3A_302, %broadcast_in_dim3A_319 : vector<1x128xf32>
    %get3A_321 = arith.constant 17 : index
    %get3A_322 = arith.constant 0 : index
    %get3A_323 = arith.constant 0 : index
    %get3A_324 = vector.load %arg1[%get3A_321, %get3A_322, %get3A_323] : memref<20x256x128xf32, #tpu.memory_space<vmem>>, vector<1x256x128xf32>
    %get3A_325 = vector.shape_cast %get3A_324 : vector<1x256x128xf32> to vector<256x128xf32>
    %sub3A_326 = arith.subf %get3A_325, %get3A_1 : vector<256x128xf32>
    %dot_general3A_327 = arith.constant dense<0.000000e+00> : vector<256x128xf32>
    %dot_general3A_328 = tpu.matmul %sub3A_326, %get3A_4, %dot_general3A_327 {dimension_numbers = #tpu.dot_dimension_numbers<[1], [0], [0], [1], [0, 0, 1, 1], [], []>, transpose_lhs_hint = false} : vector<256x128xf32>, vector<128x128xf32>, vector<256x128xf32> -> vector<256x128xf32>
    %add3A_329 = arith.addf %dot_general3A_328, %add3A_12 : vector<256x128xf32>
    %reduce_sum3A_330 = arith.constant dense<0.000000e+00> : vector<128xf32>
    %reduce_sum3A_331 = vector.multi_reduction <add>, %add3A_329, %reduce_sum3A_330 [0] : vector<256x128xf32> to vector<128xf32>
    %broadcast_in_dim3A_332 = vector.shape_cast %reduce_sum3A_331 : vector<128xf32> to vector<1x128xf32>
    %add3A_333 = arith.addf %add3A_315, %broadcast_in_dim3A_332 : vector<1x128xf32>
    %mul3A_334 = arith.mulf %add3A_329, %add3A_329 : vector<256x128xf32>
    %reduce_sum3A_335 = arith.constant dense<0.000000e+00> : vector<128xf32>
    %reduce_sum3A_336 = vector.multi_reduction <add>, %mul3A_334, %reduce_sum3A_335 [0] : vector<256x128xf32> to vector<128xf32>
    %broadcast_in_dim3A_337 = vector.shape_cast %reduce_sum3A_336 : vector<128xf32> to vector<1x128xf32>
    %add3A_338 = arith.addf %add3A_320, %broadcast_in_dim3A_337 : vector<1x128xf32>
    %get3A_339 = arith.constant 18 : index
    %get3A_340 = arith.constant 0 : index
    %get3A_341 = arith.constant 0 : index
    %get3A_342 = vector.load %arg1[%get3A_339, %get3A_340, %get3A_341] : memref<20x256x128xf32, #tpu.memory_space<vmem>>, vector<1x256x128xf32>
    %get3A_343 = vector.shape_cast %get3A_342 : vector<1x256x128xf32> to vector<256x128xf32>
    %sub3A_344 = arith.subf %get3A_343, %get3A_1 : vector<256x128xf32>
    %dot_general3A_345 = arith.constant dense<0.000000e+00> : vector<256x128xf32>
    %dot_general3A_346 = tpu.matmul %sub3A_344, %get3A_4, %dot_general3A_345 {dimension_numbers = #tpu.dot_dimension_numbers<[1], [0], [0], [1], [0, 0, 1, 1], [], []>, transpose_lhs_hint = false} : vector<256x128xf32>, vector<128x128xf32>, vector<256x128xf32> -> vector<256x128xf32>
    %add3A_347 = arith.addf %dot_general3A_346, %add3A_12 : vector<256x128xf32>
    %reduce_sum3A_348 = arith.constant dense<0.000000e+00> : vector<128xf32>
    %reduce_sum3A_349 = vector.multi_reduction <add>, %add3A_347, %reduce_sum3A_348 [0] : vector<256x128xf32> to vector<128xf32>
    %broadcast_in_dim3A_350 = vector.shape_cast %reduce_sum3A_349 : vector<128xf32> to vector<1x128xf32>
    %add3A_351 = arith.addf %add3A_333, %broadcast_in_dim3A_350 : vector<1x128xf32>
    %mul3A_352 = arith.mulf %add3A_347, %add3A_347 : vector<256x128xf32>
    %reduce_sum3A_353 = arith.constant dense<0.000000e+00> : vector<128xf32>
    %reduce_sum3A_354 = vector.multi_reduction <add>, %mul3A_352, %reduce_sum3A_353 [0] : vector<256x128xf32> to vector<128xf32>
    %broadcast_in_dim3A_355 = vector.shape_cast %reduce_sum3A_354 : vector<128xf32> to vector<1x128xf32>
    %add3A_356 = arith.addf %add3A_338, %broadcast_in_dim3A_355 : vector<1x128xf32>
    %get3A_357 = arith.constant 19 : index
    %get3A_358 = arith.constant 0 : index
    %get3A_359 = arith.constant 0 : index
    %get3A_360 = vector.load %arg1[%get3A_357, %get3A_358, %get3A_359] : memref<20x256x128xf32, #tpu.memory_space<vmem>>, vector<1x256x128xf32>
    %get3A_361 = vector.shape_cast %get3A_360 : vector<1x256x128xf32> to vector<256x128xf32>
    %sub3A_362 = arith.subf %get3A_361, %get3A_1 : vector<256x128xf32>
    %dot_general3A_363 = arith.constant dense<0.000000e+00> : vector<256x128xf32>
    %dot_general3A_364 = tpu.matmul %sub3A_362, %get3A_4, %dot_general3A_363 {dimension_numbers = #tpu.dot_dimension_numbers<[1], [0], [0], [1], [0, 0, 1, 1], [], []>, transpose_lhs_hint = false} : vector<256x128xf32>, vector<128x128xf32>, vector<256x128xf32> -> vector<256x128xf32>
    %add3A_365 = arith.addf %dot_general3A_364, %add3A_12 : vector<256x128xf32>
    %reduce_sum3A_366 = arith.constant dense<0.000000e+00> : vector<128xf32>
    %reduce_sum3A_367 = vector.multi_reduction <add>, %add3A_365, %reduce_sum3A_366 [0] : vector<256x128xf32> to vector<128xf32>
    %broadcast_in_dim3A_368 = vector.shape_cast %reduce_sum3A_367 : vector<128xf32> to vector<1x128xf32>
    %add3A_369 = arith.addf %add3A_351, %broadcast_in_dim3A_368 : vector<1x128xf32>
    %mul3A_370 = arith.mulf %add3A_365, %add3A_365 : vector<256x128xf32>
    %reduce_sum3A_371 = arith.constant dense<0.000000e+00> : vector<128xf32>
    %reduce_sum3A_372 = vector.multi_reduction <add>, %mul3A_370, %reduce_sum3A_371 [0] : vector<256x128xf32> to vector<128xf32>
    %broadcast_in_dim3A_373 = vector.shape_cast %reduce_sum3A_372 : vector<128xf32> to vector<1x128xf32>
    %add3A_374 = arith.addf %add3A_356, %broadcast_in_dim3A_373 : vector<1x128xf32>
    %get3A_375 = arith.constant 0 : index
    %get3A_376 = arith.constant 0 : index
    %get3A_377 = vector.load %arg6[%get3A_375, %get3A_376] : memref<8x128xf32, #tpu.memory_space<vmem>>, vector<8x128xf32>
    %broadcast_in_dim3A_378 = vector.shape_cast %add3A_369 : vector<1x128xf32> to vector<1x128xf32>
    %broadcast_in_dim3A_379 = vector.broadcast %broadcast_in_dim3A_378 : vector<1x128xf32> to vector<8x128xf32>
    %add3A_380 = arith.addf %get3A_377, %broadcast_in_dim3A_379 : vector<8x128xf32>
    %swap3A = arith.constant 0 : index
    %swap3A_381 = arith.constant 0 : index
    %swap3A_382 = vector.load %arg6[%swap3A, %swap3A_381] : memref<8x128xf32, #tpu.memory_space<vmem>>, vector<8x128xf32>
    tpu.vector_store %arg6[%swap3A, %swap3A_381], %add3A_380 {strides = array<i32>} : memref<8x128xf32, #tpu.memory_space<vmem>>, vector<8x128xf32>,
    %get3A_383 = arith.constant 0 : index
    %get3A_384 = arith.constant 0 : index
    %get3A_385 = vector.load %arg7[%get3A_383, %get3A_384] : memref<8x128xf32, #tpu.memory_space<vmem>>, vector<8x128xf32>
    %broadcast_in_dim3A_386 = vector.shape_cast %add3A_374 : vector<1x128xf32> to vector<1x128xf32>
    %broadcast_in_dim3A_387 = vector.broadcast %broadcast_in_dim3A_386 : vector<1x128xf32> to vector<8x128xf32>
    %add3A_388 = arith.addf %get3A_385, %broadcast_in_dim3A_387 : vector<8x128xf32>
    %swap3A_389 = arith.constant 0 : index
    %swap3A_390 = arith.constant 0 : index
    %swap3A_391 = vector.load %arg7[%swap3A_389, %swap3A_390] : memref<8x128xf32, #tpu.memory_space<vmem>>, vector<8x128xf32>
    tpu.vector_store %arg7[%swap3A_389, %swap3A_390], %add3A_388 {strides = array<i32>} : memref<8x128xf32, #tpu.memory_space<vmem>>, vector<8x128xf32>,
    return
  }
  func.func @transform_0(%arg0: i32) -> (i32, i32, i32) {
    %c0_i32 = arith.constant 0 : i32
    %c0_i32_0 = arith.constant 0 : i32
    %c0_i32_1 = arith.constant 0 : i32
    return %c0_i32, %arg0, %c0_i32_0 : i32, i32, i32
  }
  func.func @transform_1(%arg0: i32) -> (i32, i32) {
    %c0_i32 = arith.constant 0 : i32
    %c0_i32_0 = arith.constant 0 : i32
    return %arg0, %c0_i32 : i32, i32
  }
  func.func @transform_2(%arg0: i32) -> (i32, i32) {
    %c0_i32 = arith.constant 0 : i32
    %c0_i32_0 = arith.constant 0 : i32
    %c0_i32_1 = arith.constant 0 : i32
    return %c0_i32, %c0_i32_0 : i32, i32
  }
  func.func @transform_3(%arg0: i32) -> (i32, i32) {
    %c0_i32 = arith.constant 0 : i32
    %c0_i32_0 = arith.constant 0 : i32
    %c0_i32_1 = arith.constant 0 : i32
    return %c0_i32, %c0_i32_0 : i32, i32
  }
  func.func @transform_4(%arg0: i32) -> (i32, i32) {
    %c0_i32 = arith.constant 0 : i32
    %c0_i32_0 = arith.constant 0 : i32
    %c0_i32_1 = arith.constant 0 : i32
    return %c0_i32, %c0_i32_0 : i32, i32
  }
  func.func @transform_5(%arg0: i32) -> (i32, i32) {
    %c0_i32 = arith.constant 0 : i32
    %c0_i32_0 = arith.constant 0 : i32
    %c0_i32_1 = arith.constant 0 : i32
    return %c0_i32, %c0_i32_0 : i32, i32
  }
  func.func @transform_6(%arg0: i32) -> (i32, i32) {
    %c0_i32 = arith.constant 0 : i32
    %c0_i32_0 = arith.constant 0 : i32
    %c0_i32_1 = arith.constant 0 : i32
    return %c0_i32, %c0_i32_0 : i32, i32
  }
}

module attributes {stable_mosaic.version = 14 : i64} {
  func.func @_edge_main_body(%arg0: i32, %arg1: memref<20x256x128xf32, #tpu.memory_space<vmem>>, %arg2: memref<256x128xf32, #tpu.memory_space<vmem>>, %arg3: memref<128x128xf32, #tpu.memory_space<vmem>>, %arg4: memref<128x128xf32, #tpu.memory_space<vmem>>, %arg5: memref<8x128xf32, #tpu.memory_space<vmem>>, %arg6: memref<8x128xf32, #tpu.memory_space<vmem>>, %arg7: memref<8x128xf32, #tpu.memory_space<vmem>>, %arg8: memref<128x128xf32, #tpu.memory_space<vmem>>, %arg9: memref<8x128xf32, #tpu.memory_space<vmem>>, %arg10: memref<256x128xf32, #tpu.memory_space<vmem>>, %arg11: memref<256x128xf32, #tpu.memory_space<vmem>>, %arg12: memref<8x128xf32, #tpu.memory_space<vmem>>, %arg13: memref<8x128xf32, #tpu.memory_space<vmem>>) attributes {dimension_semantics = [#tpu.dimension_semantics<arbitrary>], iteration_bounds = array<i64: 64>, scalar_prefetch = 0 : i64, scratch_operands = 0 : i64, tpu.core_type = #tpu.core_type<tc>, window_params = [{transform_indices = @transform_0, window_bounds = array<i64: 20, 256, 128>}, {transform_indices = @transform_1, window_bounds = array<i64: 256, 128>}, {pipeline_mode = #tpu.pipeline_mode<synchronous>, transform_indices = @transform_2, window_bounds = array<i64: 128, 128>}, {pipeline_mode = #tpu.pipeline_mode<synchronous>, transform_indices = @transform_3, window_bounds = array<i64: 128, 128>}, {pipeline_mode = #tpu.pipeline_mode<synchronous>, transform_indices = @transform_4, window_bounds = array<i64: 8, 128>}, {pipeline_mode = #tpu.pipeline_mode<synchronous>, transform_indices = @transform_5, window_bounds = array<i64: 8, 128>}, {pipeline_mode = #tpu.pipeline_mode<synchronous>, transform_indices = @transform_6, window_bounds = array<i64: 8, 128>}, {pipeline_mode = #tpu.pipeline_mode<synchronous>, transform_indices = @transform_7, window_bounds = array<i64: 128, 128>}, {pipeline_mode = #tpu.pipeline_mode<synchronous>, transform_indices = @transform_8, window_bounds = array<i64: 8, 128>}, {transform_indices = @transform_9, window_bounds = array<i64: 256, 128>}, {transform_indices = @transform_10, window_bounds = array<i64: 256, 128>}, {pipeline_mode = #tpu.pipeline_mode<synchronous>, transform_indices = @transform_11, window_bounds = array<i64: 8, 128>}, {pipeline_mode = #tpu.pipeline_mode<synchronous>, transform_indices = @transform_12, window_bounds = array<i64: 8, 128>}]} {
    %get3A = arith.constant 0 : index
    %get3A_0 = arith.constant 0 : index
    %get3A_1 = vector.load %arg2[%get3A, %get3A_0] : memref<256x128xf32, #tpu.memory_space<vmem>>, vector<256x128xf32>
    %get3A_2 = arith.constant 0 : index
    %get3A_3 = arith.constant 0 : index
    %get3A_4 = vector.load %arg3[%get3A_2, %get3A_3] : memref<128x128xf32, #tpu.memory_space<vmem>>, vector<128x128xf32>
    %get3A_5 = arith.constant 0 : index
    %get3A_6 = arith.constant 0 : index
    %get3A_7 = vector.load %arg4[%get3A_5, %get3A_6] : memref<128x128xf32, #tpu.memory_space<vmem>>, vector<128x128xf32>
    %dot_general3A = arith.constant dense<0.000000e+00> : vector<256x128xf32>
    %dot_general3A_8 = tpu.matmul %get3A_1, %get3A_7, %dot_general3A {dimension_numbers = #tpu.dot_dimension_numbers<[1], [0], [0], [1], [0, 0, 1, 1], [], []>, transpose_lhs_hint = false} : vector<256x128xf32>, vector<128x128xf32>, vector<256x128xf32> -> vector<256x128xf32>
    %get3A_9 = arith.constant 0 : index
    %get3A_10 = arith.constant 0 : index
    %get3A_11 = vector.load %arg5[%get3A_9, %get3A_10] : memref<8x128xf32, #tpu.memory_space<vmem>>, vector<8x128xf32>
    %slice3A = vector.extract_strided_slice %get3A_11 {offsets = [0, 0], sizes = [1, 128], strides = [1, 1]} : vector<8x128xf32> to vector<1x128xf32>
    %add3A = vector.broadcast %slice3A : vector<1x128xf32> to vector<256x128xf32>
    %add3A_12 = arith.addf %dot_general3A_8, %add3A : vector<256x128xf32>
    %get3A_13 = arith.constant 0 : index
    %get3A_14 = arith.constant 0 : index
    %get3A_15 = vector.load %arg6[%get3A_13, %get3A_14] : memref<8x128xf32, #tpu.memory_space<vmem>>, vector<8x128xf32>
    %slice3A_16 = vector.extract_strided_slice %get3A_15 {offsets = [0, 0], sizes = [1, 128], strides = [1, 1]} : vector<8x128xf32> to vector<1x128xf32>
    %get3A_17 = arith.constant 0 : index
    %get3A_18 = arith.constant 0 : index
    %get3A_19 = vector.load %arg7[%get3A_17, %get3A_18] : memref<8x128xf32, #tpu.memory_space<vmem>>, vector<8x128xf32>
    %slice3A_20 = vector.extract_strided_slice %get3A_19 {offsets = [0, 0], sizes = [1, 128], strides = [1, 1]} : vector<8x128xf32> to vector<1x128xf32>
    %get3A_21 = arith.constant 0 : index
    %get3A_22 = arith.constant 0 : index
    %get3A_23 = vector.load %arg9[%get3A_21, %get3A_22] : memref<8x128xf32, #tpu.memory_space<vmem>>, vector<8x128xf32>
    %slice3A_24 = vector.extract_strided_slice %get3A_23 {offsets = [0, 0], sizes = [1, 128], strides = [1, 1]} : vector<8x128xf32> to vector<1x128xf32>
    %get3A_25 = arith.constant 0 : index
    %get3A_26 = arith.constant 0 : index
    %get3A_27 = vector.load %arg8[%get3A_25, %get3A_26] : memref<128x128xf32, #tpu.memory_space<vmem>>, vector<128x128xf32>
    %eq3A = arith.constant 0 : i32
    %eq3A_28 = arith.cmpi eq, %arg0, %eq3A : i32
    %convert_element_type3A = arith.extui %eq3A_28 : i1 to i32
    %cond3A = arith.constant 0 : i32
    %cond3A_29 = arith.cmpi ne, %convert_element_type3A, %cond3A : i32
    scf.if %cond3A_29 {
      %broadcast_in_dim3A_747 = arith.constant 0.000000e+00 : f32
      %broadcast_in_dim3A_748 = vector.broadcast %broadcast_in_dim3A_747 : f32 to vector<8x128xf32>
      %swap3A_749 = arith.constant 0 : index
      %swap3A_750 = arith.constant 0 : index
      %swap3A_751 = vector.load %arg12[%swap3A_749, %swap3A_750] : memref<8x128xf32, #tpu.memory_space<vmem>>, vector<8x128xf32>
      tpu.vector_store %arg12[%swap3A_749, %swap3A_750], %broadcast_in_dim3A_748 {strides = array<i32>} : memref<8x128xf32, #tpu.memory_space<vmem>>, vector<8x128xf32>,
      %broadcast_in_dim3A_752 = arith.constant 0.000000e+00 : f32
      %broadcast_in_dim3A_753 = vector.broadcast %broadcast_in_dim3A_752 : f32 to vector<8x128xf32>
      %swap3A_754 = arith.constant 0 : index
      %swap3A_755 = arith.constant 0 : index
      %swap3A_756 = vector.load %arg13[%swap3A_754, %swap3A_755] : memref<8x128xf32, #tpu.memory_space<vmem>>, vector<8x128xf32>
      tpu.vector_store %arg13[%swap3A_754, %swap3A_755], %broadcast_in_dim3A_753 {strides = array<i32>} : memref<8x128xf32, #tpu.memory_space<vmem>>, vector<8x128xf32>,
    } else {
    }
    %broadcast_in_dim3A = arith.constant 0.000000e+00 : f32
    %broadcast_in_dim3A_30 = vector.broadcast %broadcast_in_dim3A : f32 to vector<1x128xf32>
    %broadcast_in_dim3A_31 = arith.constant 0.000000e+00 : f32
    %broadcast_in_dim3A_32 = vector.broadcast %broadcast_in_dim3A_31 : f32 to vector<1x128xf32>
    %get3A_33 = arith.constant 0 : index
    %get3A_34 = arith.constant 0 : index
    %get3A_35 = arith.constant 0 : index
    %get3A_36 = vector.load %arg1[%get3A_33, %get3A_34, %get3A_35] : memref<20x256x128xf32, #tpu.memory_space<vmem>>, vector<1x256x128xf32>
    %get3A_37 = vector.shape_cast %get3A_36 : vector<1x256x128xf32> to vector<256x128xf32>
    %sub3A = arith.subf %get3A_37, %get3A_1 : vector<256x128xf32>
    %dot_general3A_38 = arith.constant dense<0.000000e+00> : vector<256x128xf32>
    %dot_general3A_39 = tpu.matmul %sub3A, %get3A_4, %dot_general3A_38 {dimension_numbers = #tpu.dot_dimension_numbers<[1], [0], [0], [1], [0, 0, 1, 1], [], []>, transpose_lhs_hint = false} : vector<256x128xf32>, vector<128x128xf32>, vector<256x128xf32> -> vector<256x128xf32>
    %add3A_40 = arith.addf %dot_general3A_39, %add3A_12 : vector<256x128xf32>
    %mul3A = vector.broadcast %slice3A_16 : vector<1x128xf32> to vector<256x128xf32>
    %mul3A_41 = arith.mulf %add3A_40, %mul3A : vector<256x128xf32>
    %add3A_42 = vector.broadcast %slice3A_20 : vector<1x128xf32> to vector<256x128xf32>
    %add3A_43 = arith.addf %mul3A_41, %add3A_42 : vector<256x128xf32>
    %gt3A = arith.constant 0.000000e+00 : f32
    %gt3A_44 = vector.broadcast %gt3A : f32 to vector<256x128xf32>
    %gt3A_45 = arith.cmpf ogt, %add3A_43, %gt3A_44 : vector<256x128xf32>
    %mul3A_46 = arith.constant 2.000000e-01 : f32
    %mul3A_47 = vector.broadcast %mul3A_46 : f32 to vector<256x128xf32>
    %mul3A_48 = arith.mulf %mul3A_47, %add3A_43 : vector<256x128xf32>
    %select_n3A = arith.select %gt3A_45, %add3A_43, %mul3A_48 : vector<256x128xi1>, vector<256x128xf32>
    %dot_general3A_49 = arith.constant dense<0.000000e+00> : vector<256x128xf32>
    %dot_general3A_50 = tpu.matmul %select_n3A, %get3A_27, %dot_general3A_49 {dimension_numbers = #tpu.dot_dimension_numbers<[1], [0], [0], [1], [0, 0, 1, 1], [], []>, transpose_lhs_hint = false} : vector<256x128xf32>, vector<128x128xf32>, vector<256x128xf32> -> vector<256x128xf32>
    %add3A_51 = vector.broadcast %slice3A_24 : vector<1x128xf32> to vector<256x128xf32>
    %add3A_52 = arith.addf %dot_general3A_50, %add3A_51 : vector<256x128xf32>
    %reduce_sum3A = arith.constant dense<0.000000e+00> : vector<128xf32>
    %reduce_sum3A_53 = vector.multi_reduction <add>, %add3A_52, %reduce_sum3A [0] : vector<256x128xf32> to vector<128xf32>
    %broadcast_in_dim3A_54 = vector.shape_cast %reduce_sum3A_53 : vector<128xf32> to vector<1x128xf32>
    %add3A_55 = arith.addf %broadcast_in_dim3A_30, %broadcast_in_dim3A_54 : vector<1x128xf32>
    %mul3A_56 = arith.mulf %add3A_52, %add3A_52 : vector<256x128xf32>
    %reduce_sum3A_57 = arith.constant dense<0.000000e+00> : vector<128xf32>
    %reduce_sum3A_58 = vector.multi_reduction <add>, %mul3A_56, %reduce_sum3A_57 [0] : vector<256x128xf32> to vector<128xf32>
    %broadcast_in_dim3A_59 = vector.shape_cast %reduce_sum3A_58 : vector<128xf32> to vector<1x128xf32>
    %add3A_60 = arith.addf %broadcast_in_dim3A_32, %broadcast_in_dim3A_59 : vector<1x128xf32>
    %get3A_61 = arith.constant 1 : index
    %get3A_62 = arith.constant 0 : index
    %get3A_63 = arith.constant 0 : index
    %get3A_64 = vector.load %arg1[%get3A_61, %get3A_62, %get3A_63] : memref<20x256x128xf32, #tpu.memory_space<vmem>>, vector<1x256x128xf32>
    %get3A_65 = vector.shape_cast %get3A_64 : vector<1x256x128xf32> to vector<256x128xf32>
    %sub3A_66 = arith.subf %get3A_65, %get3A_1 : vector<256x128xf32>
    %dot_general3A_67 = arith.constant dense<0.000000e+00> : vector<256x128xf32>
    %dot_general3A_68 = tpu.matmul %sub3A_66, %get3A_4, %dot_general3A_67 {dimension_numbers = #tpu.dot_dimension_numbers<[1], [0], [0], [1], [0, 0, 1, 1], [], []>, transpose_lhs_hint = false} : vector<256x128xf32>, vector<128x128xf32>, vector<256x128xf32> -> vector<256x128xf32>
    %add3A_69 = arith.addf %dot_general3A_68, %add3A_12 : vector<256x128xf32>
    %mul3A_70 = vector.broadcast %slice3A_16 : vector<1x128xf32> to vector<256x128xf32>
    %mul3A_71 = arith.mulf %add3A_69, %mul3A_70 : vector<256x128xf32>
    %add3A_72 = vector.broadcast %slice3A_20 : vector<1x128xf32> to vector<256x128xf32>
    %add3A_73 = arith.addf %mul3A_71, %add3A_72 : vector<256x128xf32>
    %gt3A_74 = arith.constant 0.000000e+00 : f32
    %gt3A_75 = vector.broadcast %gt3A_74 : f32 to vector<256x128xf32>
    %gt3A_76 = arith.cmpf ogt, %add3A_73, %gt3A_75 : vector<256x128xf32>
    %mul3A_77 = arith.constant 2.000000e-01 : f32
    %mul3A_78 = vector.broadcast %mul3A_77 : f32 to vector<256x128xf32>
    %mul3A_79 = arith.mulf %mul3A_78, %add3A_73 : vector<256x128xf32>
    %select_n3A_80 = arith.select %gt3A_76, %add3A_73, %mul3A_79 : vector<256x128xi1>, vector<256x128xf32>
    %dot_general3A_81 = arith.constant dense<0.000000e+00> : vector<256x128xf32>
    %dot_general3A_82 = tpu.matmul %select_n3A_80, %get3A_27, %dot_general3A_81 {dimension_numbers = #tpu.dot_dimension_numbers<[1], [0], [0], [1], [0, 0, 1, 1], [], []>, transpose_lhs_hint = false} : vector<256x128xf32>, vector<128x128xf32>, vector<256x128xf32> -> vector<256x128xf32>
    %add3A_83 = vector.broadcast %slice3A_24 : vector<1x128xf32> to vector<256x128xf32>
    %add3A_84 = arith.addf %dot_general3A_82, %add3A_83 : vector<256x128xf32>
    %reduce_sum3A_85 = arith.constant dense<0.000000e+00> : vector<128xf32>
    %reduce_sum3A_86 = vector.multi_reduction <add>, %add3A_84, %reduce_sum3A_85 [0] : vector<256x128xf32> to vector<128xf32>
    %broadcast_in_dim3A_87 = vector.shape_cast %reduce_sum3A_86 : vector<128xf32> to vector<1x128xf32>
    %add3A_88 = arith.addf %add3A_55, %broadcast_in_dim3A_87 : vector<1x128xf32>
    %mul3A_89 = arith.mulf %add3A_84, %add3A_84 : vector<256x128xf32>
    %reduce_sum3A_90 = arith.constant dense<0.000000e+00> : vector<128xf32>
    %reduce_sum3A_91 = vector.multi_reduction <add>, %mul3A_89, %reduce_sum3A_90 [0] : vector<256x128xf32> to vector<128xf32>
    %broadcast_in_dim3A_92 = vector.shape_cast %reduce_sum3A_91 : vector<128xf32> to vector<1x128xf32>
    %add3A_93 = arith.addf %add3A_60, %broadcast_in_dim3A_92 : vector<1x128xf32>
    %max3A = arith.maximumf %add3A_52, %add3A_84 : vector<256x128xf32>
    %min3A = arith.minimumf %add3A_52, %add3A_84 : vector<256x128xf32>
    %get3A_94 = arith.constant 2 : index
    %get3A_95 = arith.constant 0 : index
    %get3A_96 = arith.constant 0 : index
    %get3A_97 = vector.load %arg1[%get3A_94, %get3A_95, %get3A_96] : memref<20x256x128xf32, #tpu.memory_space<vmem>>, vector<1x256x128xf32>
    %get3A_98 = vector.shape_cast %get3A_97 : vector<1x256x128xf32> to vector<256x128xf32>
    %sub3A_99 = arith.subf %get3A_98, %get3A_1 : vector<256x128xf32>
    %dot_general3A_100 = arith.constant dense<0.000000e+00> : vector<256x128xf32>
    %dot_general3A_101 = tpu.matmul %sub3A_99, %get3A_4, %dot_general3A_100 {dimension_numbers = #tpu.dot_dimension_numbers<[1], [0], [0], [1], [0, 0, 1, 1], [], []>, transpose_lhs_hint = false} : vector<256x128xf32>, vector<128x128xf32>, vector<256x128xf32> -> vector<256x128xf32>
    %add3A_102 = arith.addf %dot_general3A_101, %add3A_12 : vector<256x128xf32>
    %mul3A_103 = vector.broadcast %slice3A_16 : vector<1x128xf32> to vector<256x128xf32>
    %mul3A_104 = arith.mulf %add3A_102, %mul3A_103 : vector<256x128xf32>
    %add3A_105 = vector.broadcast %slice3A_20 : vector<1x128xf32> to vector<256x128xf32>
    %add3A_106 = arith.addf %mul3A_104, %add3A_105 : vector<256x128xf32>
    %gt3A_107 = arith.constant 0.000000e+00 : f32
    %gt3A_108 = vector.broadcast %gt3A_107 : f32 to vector<256x128xf32>
    %gt3A_109 = arith.cmpf ogt, %add3A_106, %gt3A_108 : vector<256x128xf32>
    %mul3A_110 = arith.constant 2.000000e-01 : f32
    %mul3A_111 = vector.broadcast %mul3A_110 : f32 to vector<256x128xf32>
    %mul3A_112 = arith.mulf %mul3A_111, %add3A_106 : vector<256x128xf32>
    %select_n3A_113 = arith.select %gt3A_109, %add3A_106, %mul3A_112 : vector<256x128xi1>, vector<256x128xf32>
    %dot_general3A_114 = arith.constant dense<0.000000e+00> : vector<256x128xf32>
    %dot_general3A_115 = tpu.matmul %select_n3A_113, %get3A_27, %dot_general3A_114 {dimension_numbers = #tpu.dot_dimension_numbers<[1], [0], [0], [1], [0, 0, 1, 1], [], []>, transpose_lhs_hint = false} : vector<256x128xf32>, vector<128x128xf32>, vector<256x128xf32> -> vector<256x128xf32>
    %add3A_116 = vector.broadcast %slice3A_24 : vector<1x128xf32> to vector<256x128xf32>
    %add3A_117 = arith.addf %dot_general3A_115, %add3A_116 : vector<256x128xf32>
    %reduce_sum3A_118 = arith.constant dense<0.000000e+00> : vector<128xf32>
    %reduce_sum3A_119 = vector.multi_reduction <add>, %add3A_117, %reduce_sum3A_118 [0] : vector<256x128xf32> to vector<128xf32>
    %broadcast_in_dim3A_120 = vector.shape_cast %reduce_sum3A_119 : vector<128xf32> to vector<1x128xf32>
    %add3A_121 = arith.addf %add3A_88, %broadcast_in_dim3A_120 : vector<1x128xf32>
    %mul3A_122 = arith.mulf %add3A_117, %add3A_117 : vector<256x128xf32>
    %reduce_sum3A_123 = arith.constant dense<0.000000e+00> : vector<128xf32>
    %reduce_sum3A_124 = vector.multi_reduction <add>, %mul3A_122, %reduce_sum3A_123 [0] : vector<256x128xf32> to vector<128xf32>
    %broadcast_in_dim3A_125 = vector.shape_cast %reduce_sum3A_124 : vector<128xf32> to vector<1x128xf32>
    %add3A_126 = arith.addf %add3A_93, %broadcast_in_dim3A_125 : vector<1x128xf32>
    %max3A_127 = arith.maximumf %max3A, %add3A_117 : vector<256x128xf32>
    %min3A_128 = arith.minimumf %min3A, %add3A_117 : vector<256x128xf32>
    %get3A_129 = arith.constant 3 : index
    %get3A_130 = arith.constant 0 : index
    %get3A_131 = arith.constant 0 : index
    %get3A_132 = vector.load %arg1[%get3A_129, %get3A_130, %get3A_131] : memref<20x256x128xf32, #tpu.memory_space<vmem>>, vector<1x256x128xf32>
    %get3A_133 = vector.shape_cast %get3A_132 : vector<1x256x128xf32> to vector<256x128xf32>
    %sub3A_134 = arith.subf %get3A_133, %get3A_1 : vector<256x128xf32>
    %dot_general3A_135 = arith.constant dense<0.000000e+00> : vector<256x128xf32>
    %dot_general3A_136 = tpu.matmul %sub3A_134, %get3A_4, %dot_general3A_135 {dimension_numbers = #tpu.dot_dimension_numbers<[1], [0], [0], [1], [0, 0, 1, 1], [], []>, transpose_lhs_hint = false} : vector<256x128xf32>, vector<128x128xf32>, vector<256x128xf32> -> vector<256x128xf32>
    %add3A_137 = arith.addf %dot_general3A_136, %add3A_12 : vector<256x128xf32>
    %mul3A_138 = vector.broadcast %slice3A_16 : vector<1x128xf32> to vector<256x128xf32>
    %mul3A_139 = arith.mulf %add3A_137, %mul3A_138 : vector<256x128xf32>
    %add3A_140 = vector.broadcast %slice3A_20 : vector<1x128xf32> to vector<256x128xf32>
    %add3A_141 = arith.addf %mul3A_139, %add3A_140 : vector<256x128xf32>
    %gt3A_142 = arith.constant 0.000000e+00 : f32
    %gt3A_143 = vector.broadcast %gt3A_142 : f32 to vector<256x128xf32>
    %gt3A_144 = arith.cmpf ogt, %add3A_141, %gt3A_143 : vector<256x128xf32>
    %mul3A_145 = arith.constant 2.000000e-01 : f32
    %mul3A_146 = vector.broadcast %mul3A_145 : f32 to vector<256x128xf32>
    %mul3A_147 = arith.mulf %mul3A_146, %add3A_141 : vector<256x128xf32>
    %select_n3A_148 = arith.select %gt3A_144, %add3A_141, %mul3A_147 : vector<256x128xi1>, vector<256x128xf32>
    %dot_general3A_149 = arith.constant dense<0.000000e+00> : vector<256x128xf32>
    %dot_general3A_150 = tpu.matmul %select_n3A_148, %get3A_27, %dot_general3A_149 {dimension_numbers = #tpu.dot_dimension_numbers<[1], [0], [0], [1], [0, 0, 1, 1], [], []>, transpose_lhs_hint = false} : vector<256x128xf32>, vector<128x128xf32>, vector<256x128xf32> -> vector<256x128xf32>
    %add3A_151 = vector.broadcast %slice3A_24 : vector<1x128xf32> to vector<256x128xf32>
    %add3A_152 = arith.addf %dot_general3A_150, %add3A_151 : vector<256x128xf32>
    %reduce_sum3A_153 = arith.constant dense<0.000000e+00> : vector<128xf32>
    %reduce_sum3A_154 = vector.multi_reduction <add>, %add3A_152, %reduce_sum3A_153 [0] : vector<256x128xf32> to vector<128xf32>
    %broadcast_in_dim3A_155 = vector.shape_cast %reduce_sum3A_154 : vector<128xf32> to vector<1x128xf32>
    %add3A_156 = arith.addf %add3A_121, %broadcast_in_dim3A_155 : vector<1x128xf32>
    %mul3A_157 = arith.mulf %add3A_152, %add3A_152 : vector<256x128xf32>
    %reduce_sum3A_158 = arith.constant dense<0.000000e+00> : vector<128xf32>
    %reduce_sum3A_159 = vector.multi_reduction <add>, %mul3A_157, %reduce_sum3A_158 [0] : vector<256x128xf32> to vector<128xf32>
    %broadcast_in_dim3A_160 = vector.shape_cast %reduce_sum3A_159 : vector<128xf32> to vector<1x128xf32>
    %add3A_161 = arith.addf %add3A_126, %broadcast_in_dim3A_160 : vector<1x128xf32>
    %max3A_162 = arith.maximumf %max3A_127, %add3A_152 : vector<256x128xf32>
    %min3A_163 = arith.minimumf %min3A_128, %add3A_152 : vector<256x128xf32>
    %get3A_164 = arith.constant 4 : index
    %get3A_165 = arith.constant 0 : index
    %get3A_166 = arith.constant 0 : index
    %get3A_167 = vector.load %arg1[%get3A_164, %get3A_165, %get3A_166] : memref<20x256x128xf32, #tpu.memory_space<vmem>>, vector<1x256x128xf32>
    %get3A_168 = vector.shape_cast %get3A_167 : vector<1x256x128xf32> to vector<256x128xf32>
    %sub3A_169 = arith.subf %get3A_168, %get3A_1 : vector<256x128xf32>
    %dot_general3A_170 = arith.constant dense<0.000000e+00> : vector<256x128xf32>
    %dot_general3A_171 = tpu.matmul %sub3A_169, %get3A_4, %dot_general3A_170 {dimension_numbers = #tpu.dot_dimension_numbers<[1], [0], [0], [1], [0, 0, 1, 1], [], []>, transpose_lhs_hint = false} : vector<256x128xf32>, vector<128x128xf32>, vector<256x128xf32> -> vector<256x128xf32>
    %add3A_172 = arith.addf %dot_general3A_171, %add3A_12 : vector<256x128xf32>
    %mul3A_173 = vector.broadcast %slice3A_16 : vector<1x128xf32> to vector<256x128xf32>
    %mul3A_174 = arith.mulf %add3A_172, %mul3A_173 : vector<256x128xf32>
    %add3A_175 = vector.broadcast %slice3A_20 : vector<1x128xf32> to vector<256x128xf32>
    %add3A_176 = arith.addf %mul3A_174, %add3A_175 : vector<256x128xf32>
    %gt3A_177 = arith.constant 0.000000e+00 : f32
    %gt3A_178 = vector.broadcast %gt3A_177 : f32 to vector<256x128xf32>
    %gt3A_179 = arith.cmpf ogt, %add3A_176, %gt3A_178 : vector<256x128xf32>
    %mul3A_180 = arith.constant 2.000000e-01 : f32
    %mul3A_181 = vector.broadcast %mul3A_180 : f32 to vector<256x128xf32>
    %mul3A_182 = arith.mulf %mul3A_181, %add3A_176 : vector<256x128xf32>
    %select_n3A_183 = arith.select %gt3A_179, %add3A_176, %mul3A_182 : vector<256x128xi1>, vector<256x128xf32>
    %dot_general3A_184 = arith.constant dense<0.000000e+00> : vector<256x128xf32>
    %dot_general3A_185 = tpu.matmul %select_n3A_183, %get3A_27, %dot_general3A_184 {dimension_numbers = #tpu.dot_dimension_numbers<[1], [0], [0], [1], [0, 0, 1, 1], [], []>, transpose_lhs_hint = false} : vector<256x128xf32>, vector<128x128xf32>, vector<256x128xf32> -> vector<256x128xf32>
    %add3A_186 = vector.broadcast %slice3A_24 : vector<1x128xf32> to vector<256x128xf32>
    %add3A_187 = arith.addf %dot_general3A_185, %add3A_186 : vector<256x128xf32>
    %reduce_sum3A_188 = arith.constant dense<0.000000e+00> : vector<128xf32>
    %reduce_sum3A_189 = vector.multi_reduction <add>, %add3A_187, %reduce_sum3A_188 [0] : vector<256x128xf32> to vector<128xf32>
    %broadcast_in_dim3A_190 = vector.shape_cast %reduce_sum3A_189 : vector<128xf32> to vector<1x128xf32>
    %add3A_191 = arith.addf %add3A_156, %broadcast_in_dim3A_190 : vector<1x128xf32>
    %mul3A_192 = arith.mulf %add3A_187, %add3A_187 : vector<256x128xf32>
    %reduce_sum3A_193 = arith.constant dense<0.000000e+00> : vector<128xf32>
    %reduce_sum3A_194 = vector.multi_reduction <add>, %mul3A_192, %reduce_sum3A_193 [0] : vector<256x128xf32> to vector<128xf32>
    %broadcast_in_dim3A_195 = vector.shape_cast %reduce_sum3A_194 : vector<128xf32> to vector<1x128xf32>
    %add3A_196 = arith.addf %add3A_161, %broadcast_in_dim3A_195 : vector<1x128xf32>
    %max3A_197 = arith.maximumf %max3A_162, %add3A_187 : vector<256x128xf32>
    %min3A_198 = arith.minimumf %min3A_163, %add3A_187 : vector<256x128xf32>
    %get3A_199 = arith.constant 5 : index
    %get3A_200 = arith.constant 0 : index
    %get3A_201 = arith.constant 0 : index
    %get3A_202 = vector.load %arg1[%get3A_199, %get3A_200, %get3A_201] : memref<20x256x128xf32, #tpu.memory_space<vmem>>, vector<1x256x128xf32>
    %get3A_203 = vector.shape_cast %get3A_202 : vector<1x256x128xf32> to vector<256x128xf32>
    %sub3A_204 = arith.subf %get3A_203, %get3A_1 : vector<256x128xf32>
    %dot_general3A_205 = arith.constant dense<0.000000e+00> : vector<256x128xf32>
    %dot_general3A_206 = tpu.matmul %sub3A_204, %get3A_4, %dot_general3A_205 {dimension_numbers = #tpu.dot_dimension_numbers<[1], [0], [0], [1], [0, 0, 1, 1], [], []>, transpose_lhs_hint = false} : vector<256x128xf32>, vector<128x128xf32>, vector<256x128xf32> -> vector<256x128xf32>
    %add3A_207 = arith.addf %dot_general3A_206, %add3A_12 : vector<256x128xf32>
    %mul3A_208 = vector.broadcast %slice3A_16 : vector<1x128xf32> to vector<256x128xf32>
    %mul3A_209 = arith.mulf %add3A_207, %mul3A_208 : vector<256x128xf32>
    %add3A_210 = vector.broadcast %slice3A_20 : vector<1x128xf32> to vector<256x128xf32>
    %add3A_211 = arith.addf %mul3A_209, %add3A_210 : vector<256x128xf32>
    %gt3A_212 = arith.constant 0.000000e+00 : f32
    %gt3A_213 = vector.broadcast %gt3A_212 : f32 to vector<256x128xf32>
    %gt3A_214 = arith.cmpf ogt, %add3A_211, %gt3A_213 : vector<256x128xf32>
    %mul3A_215 = arith.constant 2.000000e-01 : f32
    %mul3A_216 = vector.broadcast %mul3A_215 : f32 to vector<256x128xf32>
    %mul3A_217 = arith.mulf %mul3A_216, %add3A_211 : vector<256x128xf32>
    %select_n3A_218 = arith.select %gt3A_214, %add3A_211, %mul3A_217 : vector<256x128xi1>, vector<256x128xf32>
    %dot_general3A_219 = arith.constant dense<0.000000e+00> : vector<256x128xf32>
    %dot_general3A_220 = tpu.matmul %select_n3A_218, %get3A_27, %dot_general3A_219 {dimension_numbers = #tpu.dot_dimension_numbers<[1], [0], [0], [1], [0, 0, 1, 1], [], []>, transpose_lhs_hint = false} : vector<256x128xf32>, vector<128x128xf32>, vector<256x128xf32> -> vector<256x128xf32>
    %add3A_221 = vector.broadcast %slice3A_24 : vector<1x128xf32> to vector<256x128xf32>
    %add3A_222 = arith.addf %dot_general3A_220, %add3A_221 : vector<256x128xf32>
    %reduce_sum3A_223 = arith.constant dense<0.000000e+00> : vector<128xf32>
    %reduce_sum3A_224 = vector.multi_reduction <add>, %add3A_222, %reduce_sum3A_223 [0] : vector<256x128xf32> to vector<128xf32>
    %broadcast_in_dim3A_225 = vector.shape_cast %reduce_sum3A_224 : vector<128xf32> to vector<1x128xf32>
    %add3A_226 = arith.addf %add3A_191, %broadcast_in_dim3A_225 : vector<1x128xf32>
    %mul3A_227 = arith.mulf %add3A_222, %add3A_222 : vector<256x128xf32>
    %reduce_sum3A_228 = arith.constant dense<0.000000e+00> : vector<128xf32>
    %reduce_sum3A_229 = vector.multi_reduction <add>, %mul3A_227, %reduce_sum3A_228 [0] : vector<256x128xf32> to vector<128xf32>
    %broadcast_in_dim3A_230 = vector.shape_cast %reduce_sum3A_229 : vector<128xf32> to vector<1x128xf32>
    %add3A_231 = arith.addf %add3A_196, %broadcast_in_dim3A_230 : vector<1x128xf32>
    %max3A_232 = arith.maximumf %max3A_197, %add3A_222 : vector<256x128xf32>
    %min3A_233 = arith.minimumf %min3A_198, %add3A_222 : vector<256x128xf32>
    %get3A_234 = arith.constant 6 : index
    %get3A_235 = arith.constant 0 : index
    %get3A_236 = arith.constant 0 : index
    %get3A_237 = vector.load %arg1[%get3A_234, %get3A_235, %get3A_236] : memref<20x256x128xf32, #tpu.memory_space<vmem>>, vector<1x256x128xf32>
    %get3A_238 = vector.shape_cast %get3A_237 : vector<1x256x128xf32> to vector<256x128xf32>
    %sub3A_239 = arith.subf %get3A_238, %get3A_1 : vector<256x128xf32>
    %dot_general3A_240 = arith.constant dense<0.000000e+00> : vector<256x128xf32>
    %dot_general3A_241 = tpu.matmul %sub3A_239, %get3A_4, %dot_general3A_240 {dimension_numbers = #tpu.dot_dimension_numbers<[1], [0], [0], [1], [0, 0, 1, 1], [], []>, transpose_lhs_hint = false} : vector<256x128xf32>, vector<128x128xf32>, vector<256x128xf32> -> vector<256x128xf32>
    %add3A_242 = arith.addf %dot_general3A_241, %add3A_12 : vector<256x128xf32>
    %mul3A_243 = vector.broadcast %slice3A_16 : vector<1x128xf32> to vector<256x128xf32>
    %mul3A_244 = arith.mulf %add3A_242, %mul3A_243 : vector<256x128xf32>
    %add3A_245 = vector.broadcast %slice3A_20 : vector<1x128xf32> to vector<256x128xf32>
    %add3A_246 = arith.addf %mul3A_244, %add3A_245 : vector<256x128xf32>
    %gt3A_247 = arith.constant 0.000000e+00 : f32
    %gt3A_248 = vector.broadcast %gt3A_247 : f32 to vector<256x128xf32>
    %gt3A_249 = arith.cmpf ogt, %add3A_246, %gt3A_248 : vector<256x128xf32>
    %mul3A_250 = arith.constant 2.000000e-01 : f32
    %mul3A_251 = vector.broadcast %mul3A_250 : f32 to vector<256x128xf32>
    %mul3A_252 = arith.mulf %mul3A_251, %add3A_246 : vector<256x128xf32>
    %select_n3A_253 = arith.select %gt3A_249, %add3A_246, %mul3A_252 : vector<256x128xi1>, vector<256x128xf32>
    %dot_general3A_254 = arith.constant dense<0.000000e+00> : vector<256x128xf32>
    %dot_general3A_255 = tpu.matmul %select_n3A_253, %get3A_27, %dot_general3A_254 {dimension_numbers = #tpu.dot_dimension_numbers<[1], [0], [0], [1], [0, 0, 1, 1], [], []>, transpose_lhs_hint = false} : vector<256x128xf32>, vector<128x128xf32>, vector<256x128xf32> -> vector<256x128xf32>
    %add3A_256 = vector.broadcast %slice3A_24 : vector<1x128xf32> to vector<256x128xf32>
    %add3A_257 = arith.addf %dot_general3A_255, %add3A_256 : vector<256x128xf32>
    %reduce_sum3A_258 = arith.constant dense<0.000000e+00> : vector<128xf32>
    %reduce_sum3A_259 = vector.multi_reduction <add>, %add3A_257, %reduce_sum3A_258 [0] : vector<256x128xf32> to vector<128xf32>
    %broadcast_in_dim3A_260 = vector.shape_cast %reduce_sum3A_259 : vector<128xf32> to vector<1x128xf32>
    %add3A_261 = arith.addf %add3A_226, %broadcast_in_dim3A_260 : vector<1x128xf32>
    %mul3A_262 = arith.mulf %add3A_257, %add3A_257 : vector<256x128xf32>
    %reduce_sum3A_263 = arith.constant dense<0.000000e+00> : vector<128xf32>
    %reduce_sum3A_264 = vector.multi_reduction <add>, %mul3A_262, %reduce_sum3A_263 [0] : vector<256x128xf32> to vector<128xf32>
    %broadcast_in_dim3A_265 = vector.shape_cast %reduce_sum3A_264 : vector<128xf32> to vector<1x128xf32>
    %add3A_266 = arith.addf %add3A_231, %broadcast_in_dim3A_265 : vector<1x128xf32>
    %max3A_267 = arith.maximumf %max3A_232, %add3A_257 : vector<256x128xf32>
    %min3A_268 = arith.minimumf %min3A_233, %add3A_257 : vector<256x128xf32>
    %get3A_269 = arith.constant 7 : index
    %get3A_270 = arith.constant 0 : index
    %get3A_271 = arith.constant 0 : index
    %get3A_272 = vector.load %arg1[%get3A_269, %get3A_270, %get3A_271] : memref<20x256x128xf32, #tpu.memory_space<vmem>>, vector<1x256x128xf32>
    %get3A_273 = vector.shape_cast %get3A_272 : vector<1x256x128xf32> to vector<256x128xf32>
    %sub3A_274 = arith.subf %get3A_273, %get3A_1 : vector<256x128xf32>
    %dot_general3A_275 = arith.constant dense<0.000000e+00> : vector<256x128xf32>
    %dot_general3A_276 = tpu.matmul %sub3A_274, %get3A_4, %dot_general3A_275 {dimension_numbers = #tpu.dot_dimension_numbers<[1], [0], [0], [1], [0, 0, 1, 1], [], []>, transpose_lhs_hint = false} : vector<256x128xf32>, vector<128x128xf32>, vector<256x128xf32> -> vector<256x128xf32>
    %add3A_277 = arith.addf %dot_general3A_276, %add3A_12 : vector<256x128xf32>
    %mul3A_278 = vector.broadcast %slice3A_16 : vector<1x128xf32> to vector<256x128xf32>
    %mul3A_279 = arith.mulf %add3A_277, %mul3A_278 : vector<256x128xf32>
    %add3A_280 = vector.broadcast %slice3A_20 : vector<1x128xf32> to vector<256x128xf32>
    %add3A_281 = arith.addf %mul3A_279, %add3A_280 : vector<256x128xf32>
    %gt3A_282 = arith.constant 0.000000e+00 : f32
    %gt3A_283 = vector.broadcast %gt3A_282 : f32 to vector<256x128xf32>
    %gt3A_284 = arith.cmpf ogt, %add3A_281, %gt3A_283 : vector<256x128xf32>
    %mul3A_285 = arith.constant 2.000000e-01 : f32
    %mul3A_286 = vector.broadcast %mul3A_285 : f32 to vector<256x128xf32>
    %mul3A_287 = arith.mulf %mul3A_286, %add3A_281 : vector<256x128xf32>
    %select_n3A_288 = arith.select %gt3A_284, %add3A_281, %mul3A_287 : vector<256x128xi1>, vector<256x128xf32>
    %dot_general3A_289 = arith.constant dense<0.000000e+00> : vector<256x128xf32>
    %dot_general3A_290 = tpu.matmul %select_n3A_288, %get3A_27, %dot_general3A_289 {dimension_numbers = #tpu.dot_dimension_numbers<[1], [0], [0], [1], [0, 0, 1, 1], [], []>, transpose_lhs_hint = false} : vector<256x128xf32>, vector<128x128xf32>, vector<256x128xf32> -> vector<256x128xf32>
    %add3A_291 = vector.broadcast %slice3A_24 : vector<1x128xf32> to vector<256x128xf32>
    %add3A_292 = arith.addf %dot_general3A_290, %add3A_291 : vector<256x128xf32>
    %reduce_sum3A_293 = arith.constant dense<0.000000e+00> : vector<128xf32>
    %reduce_sum3A_294 = vector.multi_reduction <add>, %add3A_292, %reduce_sum3A_293 [0] : vector<256x128xf32> to vector<128xf32>
    %broadcast_in_dim3A_295 = vector.shape_cast %reduce_sum3A_294 : vector<128xf32> to vector<1x128xf32>
    %add3A_296 = arith.addf %add3A_261, %broadcast_in_dim3A_295 : vector<1x128xf32>
    %mul3A_297 = arith.mulf %add3A_292, %add3A_292 : vector<256x128xf32>
    %reduce_sum3A_298 = arith.constant dense<0.000000e+00> : vector<128xf32>
    %reduce_sum3A_299 = vector.multi_reduction <add>, %mul3A_297, %reduce_sum3A_298 [0] : vector<256x128xf32> to vector<128xf32>
    %broadcast_in_dim3A_300 = vector.shape_cast %reduce_sum3A_299 : vector<128xf32> to vector<1x128xf32>
    %add3A_301 = arith.addf %add3A_266, %broadcast_in_dim3A_300 : vector<1x128xf32>
    %max3A_302 = arith.maximumf %max3A_267, %add3A_292 : vector<256x128xf32>
    %min3A_303 = arith.minimumf %min3A_268, %add3A_292 : vector<256x128xf32>
    %get3A_304 = arith.constant 8 : index
    %get3A_305 = arith.constant 0 : index
    %get3A_306 = arith.constant 0 : index
    %get3A_307 = vector.load %arg1[%get3A_304, %get3A_305, %get3A_306] : memref<20x256x128xf32, #tpu.memory_space<vmem>>, vector<1x256x128xf32>
    %get3A_308 = vector.shape_cast %get3A_307 : vector<1x256x128xf32> to vector<256x128xf32>
    %sub3A_309 = arith.subf %get3A_308, %get3A_1 : vector<256x128xf32>
    %dot_general3A_310 = arith.constant dense<0.000000e+00> : vector<256x128xf32>
    %dot_general3A_311 = tpu.matmul %sub3A_309, %get3A_4, %dot_general3A_310 {dimension_numbers = #tpu.dot_dimension_numbers<[1], [0], [0], [1], [0, 0, 1, 1], [], []>, transpose_lhs_hint = false} : vector<256x128xf32>, vector<128x128xf32>, vector<256x128xf32> -> vector<256x128xf32>
    %add3A_312 = arith.addf %dot_general3A_311, %add3A_12 : vector<256x128xf32>
    %mul3A_313 = vector.broadcast %slice3A_16 : vector<1x128xf32> to vector<256x128xf32>
    %mul3A_314 = arith.mulf %add3A_312, %mul3A_313 : vector<256x128xf32>
    %add3A_315 = vector.broadcast %slice3A_20 : vector<1x128xf32> to vector<256x128xf32>
    %add3A_316 = arith.addf %mul3A_314, %add3A_315 : vector<256x128xf32>
    %gt3A_317 = arith.constant 0.000000e+00 : f32
    %gt3A_318 = vector.broadcast %gt3A_317 : f32 to vector<256x128xf32>
    %gt3A_319 = arith.cmpf ogt, %add3A_316, %gt3A_318 : vector<256x128xf32>
    %mul3A_320 = arith.constant 2.000000e-01 : f32
    %mul3A_321 = vector.broadcast %mul3A_320 : f32 to vector<256x128xf32>
    %mul3A_322 = arith.mulf %mul3A_321, %add3A_316 : vector<256x128xf32>
    %select_n3A_323 = arith.select %gt3A_319, %add3A_316, %mul3A_322 : vector<256x128xi1>, vector<256x128xf32>
    %dot_general3A_324 = arith.constant dense<0.000000e+00> : vector<256x128xf32>
    %dot_general3A_325 = tpu.matmul %select_n3A_323, %get3A_27, %dot_general3A_324 {dimension_numbers = #tpu.dot_dimension_numbers<[1], [0], [0], [1], [0, 0, 1, 1], [], []>, transpose_lhs_hint = false} : vector<256x128xf32>, vector<128x128xf32>, vector<256x128xf32> -> vector<256x128xf32>
    %add3A_326 = vector.broadcast %slice3A_24 : vector<1x128xf32> to vector<256x128xf32>
    %add3A_327 = arith.addf %dot_general3A_325, %add3A_326 : vector<256x128xf32>
    %reduce_sum3A_328 = arith.constant dense<0.000000e+00> : vector<128xf32>
    %reduce_sum3A_329 = vector.multi_reduction <add>, %add3A_327, %reduce_sum3A_328 [0] : vector<256x128xf32> to vector<128xf32>
    %broadcast_in_dim3A_330 = vector.shape_cast %reduce_sum3A_329 : vector<128xf32> to vector<1x128xf32>
    %add3A_331 = arith.addf %add3A_296, %broadcast_in_dim3A_330 : vector<1x128xf32>
    %mul3A_332 = arith.mulf %add3A_327, %add3A_327 : vector<256x128xf32>
    %reduce_sum3A_333 = arith.constant dense<0.000000e+00> : vector<128xf32>
    %reduce_sum3A_334 = vector.multi_reduction <add>, %mul3A_332, %reduce_sum3A_333 [0] : vector<256x128xf32> to vector<128xf32>
    %broadcast_in_dim3A_335 = vector.shape_cast %reduce_sum3A_334 : vector<128xf32> to vector<1x128xf32>
    %add3A_336 = arith.addf %add3A_301, %broadcast_in_dim3A_335 : vector<1x128xf32>
    %max3A_337 = arith.maximumf %max3A_302, %add3A_327 : vector<256x128xf32>
    %min3A_338 = arith.minimumf %min3A_303, %add3A_327 : vector<256x128xf32>
    %get3A_339 = arith.constant 9 : index
    %get3A_340 = arith.constant 0 : index
    %get3A_341 = arith.constant 0 : index
    %get3A_342 = vector.load %arg1[%get3A_339, %get3A_340, %get3A_341] : memref<20x256x128xf32, #tpu.memory_space<vmem>>, vector<1x256x128xf32>
    %get3A_343 = vector.shape_cast %get3A_342 : vector<1x256x128xf32> to vector<256x128xf32>
    %sub3A_344 = arith.subf %get3A_343, %get3A_1 : vector<256x128xf32>
    %dot_general3A_345 = arith.constant dense<0.000000e+00> : vector<256x128xf32>
    %dot_general3A_346 = tpu.matmul %sub3A_344, %get3A_4, %dot_general3A_345 {dimension_numbers = #tpu.dot_dimension_numbers<[1], [0], [0], [1], [0, 0, 1, 1], [], []>, transpose_lhs_hint = false} : vector<256x128xf32>, vector<128x128xf32>, vector<256x128xf32> -> vector<256x128xf32>
    %add3A_347 = arith.addf %dot_general3A_346, %add3A_12 : vector<256x128xf32>
    %mul3A_348 = vector.broadcast %slice3A_16 : vector<1x128xf32> to vector<256x128xf32>
    %mul3A_349 = arith.mulf %add3A_347, %mul3A_348 : vector<256x128xf32>
    %add3A_350 = vector.broadcast %slice3A_20 : vector<1x128xf32> to vector<256x128xf32>
    %add3A_351 = arith.addf %mul3A_349, %add3A_350 : vector<256x128xf32>
    %gt3A_352 = arith.constant 0.000000e+00 : f32
    %gt3A_353 = vector.broadcast %gt3A_352 : f32 to vector<256x128xf32>
    %gt3A_354 = arith.cmpf ogt, %add3A_351, %gt3A_353 : vector<256x128xf32>
    %mul3A_355 = arith.constant 2.000000e-01 : f32
    %mul3A_356 = vector.broadcast %mul3A_355 : f32 to vector<256x128xf32>
    %mul3A_357 = arith.mulf %mul3A_356, %add3A_351 : vector<256x128xf32>
    %select_n3A_358 = arith.select %gt3A_354, %add3A_351, %mul3A_357 : vector<256x128xi1>, vector<256x128xf32>
    %dot_general3A_359 = arith.constant dense<0.000000e+00> : vector<256x128xf32>
    %dot_general3A_360 = tpu.matmul %select_n3A_358, %get3A_27, %dot_general3A_359 {dimension_numbers = #tpu.dot_dimension_numbers<[1], [0], [0], [1], [0, 0, 1, 1], [], []>, transpose_lhs_hint = false} : vector<256x128xf32>, vector<128x128xf32>, vector<256x128xf32> -> vector<256x128xf32>
    %add3A_361 = vector.broadcast %slice3A_24 : vector<1x128xf32> to vector<256x128xf32>
    %add3A_362 = arith.addf %dot_general3A_360, %add3A_361 : vector<256x128xf32>
    %reduce_sum3A_363 = arith.constant dense<0.000000e+00> : vector<128xf32>
    %reduce_sum3A_364 = vector.multi_reduction <add>, %add3A_362, %reduce_sum3A_363 [0] : vector<256x128xf32> to vector<128xf32>
    %broadcast_in_dim3A_365 = vector.shape_cast %reduce_sum3A_364 : vector<128xf32> to vector<1x128xf32>
    %add3A_366 = arith.addf %add3A_331, %broadcast_in_dim3A_365 : vector<1x128xf32>
    %mul3A_367 = arith.mulf %add3A_362, %add3A_362 : vector<256x128xf32>
    %reduce_sum3A_368 = arith.constant dense<0.000000e+00> : vector<128xf32>
    %reduce_sum3A_369 = vector.multi_reduction <add>, %mul3A_367, %reduce_sum3A_368 [0] : vector<256x128xf32> to vector<128xf32>
    %broadcast_in_dim3A_370 = vector.shape_cast %reduce_sum3A_369 : vector<128xf32> to vector<1x128xf32>
    %add3A_371 = arith.addf %add3A_336, %broadcast_in_dim3A_370 : vector<1x128xf32>
    %max3A_372 = arith.maximumf %max3A_337, %add3A_362 : vector<256x128xf32>
    %min3A_373 = arith.minimumf %min3A_338, %add3A_362 : vector<256x128xf32>
    %get3A_374 = arith.constant 10 : index
    %get3A_375 = arith.constant 0 : index
    %get3A_376 = arith.constant 0 : index
    %get3A_377 = vector.load %arg1[%get3A_374, %get3A_375, %get3A_376] : memref<20x256x128xf32, #tpu.memory_space<vmem>>, vector<1x256x128xf32>
    %get3A_378 = vector.shape_cast %get3A_377 : vector<1x256x128xf32> to vector<256x128xf32>
    %sub3A_379 = arith.subf %get3A_378, %get3A_1 : vector<256x128xf32>
    %dot_general3A_380 = arith.constant dense<0.000000e+00> : vector<256x128xf32>
    %dot_general3A_381 = tpu.matmul %sub3A_379, %get3A_4, %dot_general3A_380 {dimension_numbers = #tpu.dot_dimension_numbers<[1], [0], [0], [1], [0, 0, 1, 1], [], []>, transpose_lhs_hint = false} : vector<256x128xf32>, vector<128x128xf32>, vector<256x128xf32> -> vector<256x128xf32>
    %add3A_382 = arith.addf %dot_general3A_381, %add3A_12 : vector<256x128xf32>
    %mul3A_383 = vector.broadcast %slice3A_16 : vector<1x128xf32> to vector<256x128xf32>
    %mul3A_384 = arith.mulf %add3A_382, %mul3A_383 : vector<256x128xf32>
    %add3A_385 = vector.broadcast %slice3A_20 : vector<1x128xf32> to vector<256x128xf32>
    %add3A_386 = arith.addf %mul3A_384, %add3A_385 : vector<256x128xf32>
    %gt3A_387 = arith.constant 0.000000e+00 : f32
    %gt3A_388 = vector.broadcast %gt3A_387 : f32 to vector<256x128xf32>
    %gt3A_389 = arith.cmpf ogt, %add3A_386, %gt3A_388 : vector<256x128xf32>
    %mul3A_390 = arith.constant 2.000000e-01 : f32
    %mul3A_391 = vector.broadcast %mul3A_390 : f32 to vector<256x128xf32>
    %mul3A_392 = arith.mulf %mul3A_391, %add3A_386 : vector<256x128xf32>
    %select_n3A_393 = arith.select %gt3A_389, %add3A_386, %mul3A_392 : vector<256x128xi1>, vector<256x128xf32>
    %dot_general3A_394 = arith.constant dense<0.000000e+00> : vector<256x128xf32>
    %dot_general3A_395 = tpu.matmul %select_n3A_393, %get3A_27, %dot_general3A_394 {dimension_numbers = #tpu.dot_dimension_numbers<[1], [0], [0], [1], [0, 0, 1, 1], [], []>, transpose_lhs_hint = false} : vector<256x128xf32>, vector<128x128xf32>, vector<256x128xf32> -> vector<256x128xf32>
    %add3A_396 = vector.broadcast %slice3A_24 : vector<1x128xf32> to vector<256x128xf32>
    %add3A_397 = arith.addf %dot_general3A_395, %add3A_396 : vector<256x128xf32>
    %reduce_sum3A_398 = arith.constant dense<0.000000e+00> : vector<128xf32>
    %reduce_sum3A_399 = vector.multi_reduction <add>, %add3A_397, %reduce_sum3A_398 [0] : vector<256x128xf32> to vector<128xf32>
    %broadcast_in_dim3A_400 = vector.shape_cast %reduce_sum3A_399 : vector<128xf32> to vector<1x128xf32>
    %add3A_401 = arith.addf %add3A_366, %broadcast_in_dim3A_400 : vector<1x128xf32>
    %mul3A_402 = arith.mulf %add3A_397, %add3A_397 : vector<256x128xf32>
    %reduce_sum3A_403 = arith.constant dense<0.000000e+00> : vector<128xf32>
    %reduce_sum3A_404 = vector.multi_reduction <add>, %mul3A_402, %reduce_sum3A_403 [0] : vector<256x128xf32> to vector<128xf32>
    %broadcast_in_dim3A_405 = vector.shape_cast %reduce_sum3A_404 : vector<128xf32> to vector<1x128xf32>
    %add3A_406 = arith.addf %add3A_371, %broadcast_in_dim3A_405 : vector<1x128xf32>
    %max3A_407 = arith.maximumf %max3A_372, %add3A_397 : vector<256x128xf32>
    %min3A_408 = arith.minimumf %min3A_373, %add3A_397 : vector<256x128xf32>
    %get3A_409 = arith.constant 11 : index
    %get3A_410 = arith.constant 0 : index
    %get3A_411 = arith.constant 0 : index
    %get3A_412 = vector.load %arg1[%get3A_409, %get3A_410, %get3A_411] : memref<20x256x128xf32, #tpu.memory_space<vmem>>, vector<1x256x128xf32>
    %get3A_413 = vector.shape_cast %get3A_412 : vector<1x256x128xf32> to vector<256x128xf32>
    %sub3A_414 = arith.subf %get3A_413, %get3A_1 : vector<256x128xf32>
    %dot_general3A_415 = arith.constant dense<0.000000e+00> : vector<256x128xf32>
    %dot_general3A_416 = tpu.matmul %sub3A_414, %get3A_4, %dot_general3A_415 {dimension_numbers = #tpu.dot_dimension_numbers<[1], [0], [0], [1], [0, 0, 1, 1], [], []>, transpose_lhs_hint = false} : vector<256x128xf32>, vector<128x128xf32>, vector<256x128xf32> -> vector<256x128xf32>
    %add3A_417 = arith.addf %dot_general3A_416, %add3A_12 : vector<256x128xf32>
    %mul3A_418 = vector.broadcast %slice3A_16 : vector<1x128xf32> to vector<256x128xf32>
    %mul3A_419 = arith.mulf %add3A_417, %mul3A_418 : vector<256x128xf32>
    %add3A_420 = vector.broadcast %slice3A_20 : vector<1x128xf32> to vector<256x128xf32>
    %add3A_421 = arith.addf %mul3A_419, %add3A_420 : vector<256x128xf32>
    %gt3A_422 = arith.constant 0.000000e+00 : f32
    %gt3A_423 = vector.broadcast %gt3A_422 : f32 to vector<256x128xf32>
    %gt3A_424 = arith.cmpf ogt, %add3A_421, %gt3A_423 : vector<256x128xf32>
    %mul3A_425 = arith.constant 2.000000e-01 : f32
    %mul3A_426 = vector.broadcast %mul3A_425 : f32 to vector<256x128xf32>
    %mul3A_427 = arith.mulf %mul3A_426, %add3A_421 : vector<256x128xf32>
    %select_n3A_428 = arith.select %gt3A_424, %add3A_421, %mul3A_427 : vector<256x128xi1>, vector<256x128xf32>
    %dot_general3A_429 = arith.constant dense<0.000000e+00> : vector<256x128xf32>
    %dot_general3A_430 = tpu.matmul %select_n3A_428, %get3A_27, %dot_general3A_429 {dimension_numbers = #tpu.dot_dimension_numbers<[1], [0], [0], [1], [0, 0, 1, 1], [], []>, transpose_lhs_hint = false} : vector<256x128xf32>, vector<128x128xf32>, vector<256x128xf32> -> vector<256x128xf32>
    %add3A_431 = vector.broadcast %slice3A_24 : vector<1x128xf32> to vector<256x128xf32>
    %add3A_432 = arith.addf %dot_general3A_430, %add3A_431 : vector<256x128xf32>
    %reduce_sum3A_433 = arith.constant dense<0.000000e+00> : vector<128xf32>
    %reduce_sum3A_434 = vector.multi_reduction <add>, %add3A_432, %reduce_sum3A_433 [0] : vector<256x128xf32> to vector<128xf32>
    %broadcast_in_dim3A_435 = vector.shape_cast %reduce_sum3A_434 : vector<128xf32> to vector<1x128xf32>
    %add3A_436 = arith.addf %add3A_401, %broadcast_in_dim3A_435 : vector<1x128xf32>
    %mul3A_437 = arith.mulf %add3A_432, %add3A_432 : vector<256x128xf32>
    %reduce_sum3A_438 = arith.constant dense<0.000000e+00> : vector<128xf32>
    %reduce_sum3A_439 = vector.multi_reduction <add>, %mul3A_437, %reduce_sum3A_438 [0] : vector<256x128xf32> to vector<128xf32>
    %broadcast_in_dim3A_440 = vector.shape_cast %reduce_sum3A_439 : vector<128xf32> to vector<1x128xf32>
    %add3A_441 = arith.addf %add3A_406, %broadcast_in_dim3A_440 : vector<1x128xf32>
    %max3A_442 = arith.maximumf %max3A_407, %add3A_432 : vector<256x128xf32>
    %min3A_443 = arith.minimumf %min3A_408, %add3A_432 : vector<256x128xf32>
    %get3A_444 = arith.constant 12 : index
    %get3A_445 = arith.constant 0 : index
    %get3A_446 = arith.constant 0 : index
    %get3A_447 = vector.load %arg1[%get3A_444, %get3A_445, %get3A_446] : memref<20x256x128xf32, #tpu.memory_space<vmem>>, vector<1x256x128xf32>
    %get3A_448 = vector.shape_cast %get3A_447 : vector<1x256x128xf32> to vector<256x128xf32>
    %sub3A_449 = arith.subf %get3A_448, %get3A_1 : vector<256x128xf32>
    %dot_general3A_450 = arith.constant dense<0.000000e+00> : vector<256x128xf32>
    %dot_general3A_451 = tpu.matmul %sub3A_449, %get3A_4, %dot_general3A_450 {dimension_numbers = #tpu.dot_dimension_numbers<[1], [0], [0], [1], [0, 0, 1, 1], [], []>, transpose_lhs_hint = false} : vector<256x128xf32>, vector<128x128xf32>, vector<256x128xf32> -> vector<256x128xf32>
    %add3A_452 = arith.addf %dot_general3A_451, %add3A_12 : vector<256x128xf32>
    %mul3A_453 = vector.broadcast %slice3A_16 : vector<1x128xf32> to vector<256x128xf32>
    %mul3A_454 = arith.mulf %add3A_452, %mul3A_453 : vector<256x128xf32>
    %add3A_455 = vector.broadcast %slice3A_20 : vector<1x128xf32> to vector<256x128xf32>
    %add3A_456 = arith.addf %mul3A_454, %add3A_455 : vector<256x128xf32>
    %gt3A_457 = arith.constant 0.000000e+00 : f32
    %gt3A_458 = vector.broadcast %gt3A_457 : f32 to vector<256x128xf32>
    %gt3A_459 = arith.cmpf ogt, %add3A_456, %gt3A_458 : vector<256x128xf32>
    %mul3A_460 = arith.constant 2.000000e-01 : f32
    %mul3A_461 = vector.broadcast %mul3A_460 : f32 to vector<256x128xf32>
    %mul3A_462 = arith.mulf %mul3A_461, %add3A_456 : vector<256x128xf32>
    %select_n3A_463 = arith.select %gt3A_459, %add3A_456, %mul3A_462 : vector<256x128xi1>, vector<256x128xf32>
    %dot_general3A_464 = arith.constant dense<0.000000e+00> : vector<256x128xf32>
    %dot_general3A_465 = tpu.matmul %select_n3A_463, %get3A_27, %dot_general3A_464 {dimension_numbers = #tpu.dot_dimension_numbers<[1], [0], [0], [1], [0, 0, 1, 1], [], []>, transpose_lhs_hint = false} : vector<256x128xf32>, vector<128x128xf32>, vector<256x128xf32> -> vector<256x128xf32>
    %add3A_466 = vector.broadcast %slice3A_24 : vector<1x128xf32> to vector<256x128xf32>
    %add3A_467 = arith.addf %dot_general3A_465, %add3A_466 : vector<256x128xf32>
    %reduce_sum3A_468 = arith.constant dense<0.000000e+00> : vector<128xf32>
    %reduce_sum3A_469 = vector.multi_reduction <add>, %add3A_467, %reduce_sum3A_468 [0] : vector<256x128xf32> to vector<128xf32>
    %broadcast_in_dim3A_470 = vector.shape_cast %reduce_sum3A_469 : vector<128xf32> to vector<1x128xf32>
    %add3A_471 = arith.addf %add3A_436, %broadcast_in_dim3A_470 : vector<1x128xf32>
    %mul3A_472 = arith.mulf %add3A_467, %add3A_467 : vector<256x128xf32>
    %reduce_sum3A_473 = arith.constant dense<0.000000e+00> : vector<128xf32>
    %reduce_sum3A_474 = vector.multi_reduction <add>, %mul3A_472, %reduce_sum3A_473 [0] : vector<256x128xf32> to vector<128xf32>
    %broadcast_in_dim3A_475 = vector.shape_cast %reduce_sum3A_474 : vector<128xf32> to vector<1x128xf32>
    %add3A_476 = arith.addf %add3A_441, %broadcast_in_dim3A_475 : vector<1x128xf32>
    %max3A_477 = arith.maximumf %max3A_442, %add3A_467 : vector<256x128xf32>
    %min3A_478 = arith.minimumf %min3A_443, %add3A_467 : vector<256x128xf32>
    %get3A_479 = arith.constant 13 : index
    %get3A_480 = arith.constant 0 : index
    %get3A_481 = arith.constant 0 : index
    %get3A_482 = vector.load %arg1[%get3A_479, %get3A_480, %get3A_481] : memref<20x256x128xf32, #tpu.memory_space<vmem>>, vector<1x256x128xf32>
    %get3A_483 = vector.shape_cast %get3A_482 : vector<1x256x128xf32> to vector<256x128xf32>
    %sub3A_484 = arith.subf %get3A_483, %get3A_1 : vector<256x128xf32>
    %dot_general3A_485 = arith.constant dense<0.000000e+00> : vector<256x128xf32>
    %dot_general3A_486 = tpu.matmul %sub3A_484, %get3A_4, %dot_general3A_485 {dimension_numbers = #tpu.dot_dimension_numbers<[1], [0], [0], [1], [0, 0, 1, 1], [], []>, transpose_lhs_hint = false} : vector<256x128xf32>, vector<128x128xf32>, vector<256x128xf32> -> vector<256x128xf32>
    %add3A_487 = arith.addf %dot_general3A_486, %add3A_12 : vector<256x128xf32>
    %mul3A_488 = vector.broadcast %slice3A_16 : vector<1x128xf32> to vector<256x128xf32>
    %mul3A_489 = arith.mulf %add3A_487, %mul3A_488 : vector<256x128xf32>
    %add3A_490 = vector.broadcast %slice3A_20 : vector<1x128xf32> to vector<256x128xf32>
    %add3A_491 = arith.addf %mul3A_489, %add3A_490 : vector<256x128xf32>
    %gt3A_492 = arith.constant 0.000000e+00 : f32
    %gt3A_493 = vector.broadcast %gt3A_492 : f32 to vector<256x128xf32>
    %gt3A_494 = arith.cmpf ogt, %add3A_491, %gt3A_493 : vector<256x128xf32>
    %mul3A_495 = arith.constant 2.000000e-01 : f32
    %mul3A_496 = vector.broadcast %mul3A_495 : f32 to vector<256x128xf32>
    %mul3A_497 = arith.mulf %mul3A_496, %add3A_491 : vector<256x128xf32>
    %select_n3A_498 = arith.select %gt3A_494, %add3A_491, %mul3A_497 : vector<256x128xi1>, vector<256x128xf32>
    %dot_general3A_499 = arith.constant dense<0.000000e+00> : vector<256x128xf32>
    %dot_general3A_500 = tpu.matmul %select_n3A_498, %get3A_27, %dot_general3A_499 {dimension_numbers = #tpu.dot_dimension_numbers<[1], [0], [0], [1], [0, 0, 1, 1], [], []>, transpose_lhs_hint = false} : vector<256x128xf32>, vector<128x128xf32>, vector<256x128xf32> -> vector<256x128xf32>
    %add3A_501 = vector.broadcast %slice3A_24 : vector<1x128xf32> to vector<256x128xf32>
    %add3A_502 = arith.addf %dot_general3A_500, %add3A_501 : vector<256x128xf32>
    %reduce_sum3A_503 = arith.constant dense<0.000000e+00> : vector<128xf32>
    %reduce_sum3A_504 = vector.multi_reduction <add>, %add3A_502, %reduce_sum3A_503 [0] : vector<256x128xf32> to vector<128xf32>
    %broadcast_in_dim3A_505 = vector.shape_cast %reduce_sum3A_504 : vector<128xf32> to vector<1x128xf32>
    %add3A_506 = arith.addf %add3A_471, %broadcast_in_dim3A_505 : vector<1x128xf32>
    %mul3A_507 = arith.mulf %add3A_502, %add3A_502 : vector<256x128xf32>
    %reduce_sum3A_508 = arith.constant dense<0.000000e+00> : vector<128xf32>
    %reduce_sum3A_509 = vector.multi_reduction <add>, %mul3A_507, %reduce_sum3A_508 [0] : vector<256x128xf32> to vector<128xf32>
    %broadcast_in_dim3A_510 = vector.shape_cast %reduce_sum3A_509 : vector<128xf32> to vector<1x128xf32>
    %add3A_511 = arith.addf %add3A_476, %broadcast_in_dim3A_510 : vector<1x128xf32>
    %max3A_512 = arith.maximumf %max3A_477, %add3A_502 : vector<256x128xf32>
    %min3A_513 = arith.minimumf %min3A_478, %add3A_502 : vector<256x128xf32>
    %get3A_514 = arith.constant 14 : index
    %get3A_515 = arith.constant 0 : index
    %get3A_516 = arith.constant 0 : index
    %get3A_517 = vector.load %arg1[%get3A_514, %get3A_515, %get3A_516] : memref<20x256x128xf32, #tpu.memory_space<vmem>>, vector<1x256x128xf32>
    %get3A_518 = vector.shape_cast %get3A_517 : vector<1x256x128xf32> to vector<256x128xf32>
    %sub3A_519 = arith.subf %get3A_518, %get3A_1 : vector<256x128xf32>
    %dot_general3A_520 = arith.constant dense<0.000000e+00> : vector<256x128xf32>
    %dot_general3A_521 = tpu.matmul %sub3A_519, %get3A_4, %dot_general3A_520 {dimension_numbers = #tpu.dot_dimension_numbers<[1], [0], [0], [1], [0, 0, 1, 1], [], []>, transpose_lhs_hint = false} : vector<256x128xf32>, vector<128x128xf32>, vector<256x128xf32> -> vector<256x128xf32>
    %add3A_522 = arith.addf %dot_general3A_521, %add3A_12 : vector<256x128xf32>
    %mul3A_523 = vector.broadcast %slice3A_16 : vector<1x128xf32> to vector<256x128xf32>
    %mul3A_524 = arith.mulf %add3A_522, %mul3A_523 : vector<256x128xf32>
    %add3A_525 = vector.broadcast %slice3A_20 : vector<1x128xf32> to vector<256x128xf32>
    %add3A_526 = arith.addf %mul3A_524, %add3A_525 : vector<256x128xf32>
    %gt3A_527 = arith.constant 0.000000e+00 : f32
    %gt3A_528 = vector.broadcast %gt3A_527 : f32 to vector<256x128xf32>
    %gt3A_529 = arith.cmpf ogt, %add3A_526, %gt3A_528 : vector<256x128xf32>
    %mul3A_530 = arith.constant 2.000000e-01 : f32
    %mul3A_531 = vector.broadcast %mul3A_530 : f32 to vector<256x128xf32>
    %mul3A_532 = arith.mulf %mul3A_531, %add3A_526 : vector<256x128xf32>
    %select_n3A_533 = arith.select %gt3A_529, %add3A_526, %mul3A_532 : vector<256x128xi1>, vector<256x128xf32>
    %dot_general3A_534 = arith.constant dense<0.000000e+00> : vector<256x128xf32>
    %dot_general3A_535 = tpu.matmul %select_n3A_533, %get3A_27, %dot_general3A_534 {dimension_numbers = #tpu.dot_dimension_numbers<[1], [0], [0], [1], [0, 0, 1, 1], [], []>, transpose_lhs_hint = false} : vector<256x128xf32>, vector<128x128xf32>, vector<256x128xf32> -> vector<256x128xf32>
    %add3A_536 = vector.broadcast %slice3A_24 : vector<1x128xf32> to vector<256x128xf32>
    %add3A_537 = arith.addf %dot_general3A_535, %add3A_536 : vector<256x128xf32>
    %reduce_sum3A_538 = arith.constant dense<0.000000e+00> : vector<128xf32>
    %reduce_sum3A_539 = vector.multi_reduction <add>, %add3A_537, %reduce_sum3A_538 [0] : vector<256x128xf32> to vector<128xf32>
    %broadcast_in_dim3A_540 = vector.shape_cast %reduce_sum3A_539 : vector<128xf32> to vector<1x128xf32>
    %add3A_541 = arith.addf %add3A_506, %broadcast_in_dim3A_540 : vector<1x128xf32>
    %mul3A_542 = arith.mulf %add3A_537, %add3A_537 : vector<256x128xf32>
    %reduce_sum3A_543 = arith.constant dense<0.000000e+00> : vector<128xf32>
    %reduce_sum3A_544 = vector.multi_reduction <add>, %mul3A_542, %reduce_sum3A_543 [0] : vector<256x128xf32> to vector<128xf32>
    %broadcast_in_dim3A_545 = vector.shape_cast %reduce_sum3A_544 : vector<128xf32> to vector<1x128xf32>
    %add3A_546 = arith.addf %add3A_511, %broadcast_in_dim3A_545 : vector<1x128xf32>
    %max3A_547 = arith.maximumf %max3A_512, %add3A_537 : vector<256x128xf32>
    %min3A_548 = arith.minimumf %min3A_513, %add3A_537 : vector<256x128xf32>
    %get3A_549 = arith.constant 15 : index
    %get3A_550 = arith.constant 0 : index
    %get3A_551 = arith.constant 0 : index
    %get3A_552 = vector.load %arg1[%get3A_549, %get3A_550, %get3A_551] : memref<20x256x128xf32, #tpu.memory_space<vmem>>, vector<1x256x128xf32>
    %get3A_553 = vector.shape_cast %get3A_552 : vector<1x256x128xf32> to vector<256x128xf32>
    %sub3A_554 = arith.subf %get3A_553, %get3A_1 : vector<256x128xf32>
    %dot_general3A_555 = arith.constant dense<0.000000e+00> : vector<256x128xf32>
    %dot_general3A_556 = tpu.matmul %sub3A_554, %get3A_4, %dot_general3A_555 {dimension_numbers = #tpu.dot_dimension_numbers<[1], [0], [0], [1], [0, 0, 1, 1], [], []>, transpose_lhs_hint = false} : vector<256x128xf32>, vector<128x128xf32>, vector<256x128xf32> -> vector<256x128xf32>
    %add3A_557 = arith.addf %dot_general3A_556, %add3A_12 : vector<256x128xf32>
    %mul3A_558 = vector.broadcast %slice3A_16 : vector<1x128xf32> to vector<256x128xf32>
    %mul3A_559 = arith.mulf %add3A_557, %mul3A_558 : vector<256x128xf32>
    %add3A_560 = vector.broadcast %slice3A_20 : vector<1x128xf32> to vector<256x128xf32>
    %add3A_561 = arith.addf %mul3A_559, %add3A_560 : vector<256x128xf32>
    %gt3A_562 = arith.constant 0.000000e+00 : f32
    %gt3A_563 = vector.broadcast %gt3A_562 : f32 to vector<256x128xf32>
    %gt3A_564 = arith.cmpf ogt, %add3A_561, %gt3A_563 : vector<256x128xf32>
    %mul3A_565 = arith.constant 2.000000e-01 : f32
    %mul3A_566 = vector.broadcast %mul3A_565 : f32 to vector<256x128xf32>
    %mul3A_567 = arith.mulf %mul3A_566, %add3A_561 : vector<256x128xf32>
    %select_n3A_568 = arith.select %gt3A_564, %add3A_561, %mul3A_567 : vector<256x128xi1>, vector<256x128xf32>
    %dot_general3A_569 = arith.constant dense<0.000000e+00> : vector<256x128xf32>
    %dot_general3A_570 = tpu.matmul %select_n3A_568, %get3A_27, %dot_general3A_569 {dimension_numbers = #tpu.dot_dimension_numbers<[1], [0], [0], [1], [0, 0, 1, 1], [], []>, transpose_lhs_hint = false} : vector<256x128xf32>, vector<128x128xf32>, vector<256x128xf32> -> vector<256x128xf32>
    %add3A_571 = vector.broadcast %slice3A_24 : vector<1x128xf32> to vector<256x128xf32>
    %add3A_572 = arith.addf %dot_general3A_570, %add3A_571 : vector<256x128xf32>
    %reduce_sum3A_573 = arith.constant dense<0.000000e+00> : vector<128xf32>
    %reduce_sum3A_574 = vector.multi_reduction <add>, %add3A_572, %reduce_sum3A_573 [0] : vector<256x128xf32> to vector<128xf32>
    %broadcast_in_dim3A_575 = vector.shape_cast %reduce_sum3A_574 : vector<128xf32> to vector<1x128xf32>
    %add3A_576 = arith.addf %add3A_541, %broadcast_in_dim3A_575 : vector<1x128xf32>
    %mul3A_577 = arith.mulf %add3A_572, %add3A_572 : vector<256x128xf32>
    %reduce_sum3A_578 = arith.constant dense<0.000000e+00> : vector<128xf32>
    %reduce_sum3A_579 = vector.multi_reduction <add>, %mul3A_577, %reduce_sum3A_578 [0] : vector<256x128xf32> to vector<128xf32>
    %broadcast_in_dim3A_580 = vector.shape_cast %reduce_sum3A_579 : vector<128xf32> to vector<1x128xf32>
    %add3A_581 = arith.addf %add3A_546, %broadcast_in_dim3A_580 : vector<1x128xf32>
    %max3A_582 = arith.maximumf %max3A_547, %add3A_572 : vector<256x128xf32>
    %min3A_583 = arith.minimumf %min3A_548, %add3A_572 : vector<256x128xf32>
    %get3A_584 = arith.constant 16 : index
    %get3A_585 = arith.constant 0 : index
    %get3A_586 = arith.constant 0 : index
    %get3A_587 = vector.load %arg1[%get3A_584, %get3A_585, %get3A_586] : memref<20x256x128xf32, #tpu.memory_space<vmem>>, vector<1x256x128xf32>
    %get3A_588 = vector.shape_cast %get3A_587 : vector<1x256x128xf32> to vector<256x128xf32>
    %sub3A_589 = arith.subf %get3A_588, %get3A_1 : vector<256x128xf32>
    %dot_general3A_590 = arith.constant dense<0.000000e+00> : vector<256x128xf32>
    %dot_general3A_591 = tpu.matmul %sub3A_589, %get3A_4, %dot_general3A_590 {dimension_numbers = #tpu.dot_dimension_numbers<[1], [0], [0], [1], [0, 0, 1, 1], [], []>, transpose_lhs_hint = false} : vector<256x128xf32>, vector<128x128xf32>, vector<256x128xf32> -> vector<256x128xf32>
    %add3A_592 = arith.addf %dot_general3A_591, %add3A_12 : vector<256x128xf32>
    %mul3A_593 = vector.broadcast %slice3A_16 : vector<1x128xf32> to vector<256x128xf32>
    %mul3A_594 = arith.mulf %add3A_592, %mul3A_593 : vector<256x128xf32>
    %add3A_595 = vector.broadcast %slice3A_20 : vector<1x128xf32> to vector<256x128xf32>
    %add3A_596 = arith.addf %mul3A_594, %add3A_595 : vector<256x128xf32>
    %gt3A_597 = arith.constant 0.000000e+00 : f32
    %gt3A_598 = vector.broadcast %gt3A_597 : f32 to vector<256x128xf32>
    %gt3A_599 = arith.cmpf ogt, %add3A_596, %gt3A_598 : vector<256x128xf32>
    %mul3A_600 = arith.constant 2.000000e-01 : f32
    %mul3A_601 = vector.broadcast %mul3A_600 : f32 to vector<256x128xf32>
    %mul3A_602 = arith.mulf %mul3A_601, %add3A_596 : vector<256x128xf32>
    %select_n3A_603 = arith.select %gt3A_599, %add3A_596, %mul3A_602 : vector<256x128xi1>, vector<256x128xf32>
    %dot_general3A_604 = arith.constant dense<0.000000e+00> : vector<256x128xf32>
    %dot_general3A_605 = tpu.matmul %select_n3A_603, %get3A_27, %dot_general3A_604 {dimension_numbers = #tpu.dot_dimension_numbers<[1], [0], [0], [1], [0, 0, 1, 1], [], []>, transpose_lhs_hint = false} : vector<256x128xf32>, vector<128x128xf32>, vector<256x128xf32> -> vector<256x128xf32>
    %add3A_606 = vector.broadcast %slice3A_24 : vector<1x128xf32> to vector<256x128xf32>
    %add3A_607 = arith.addf %dot_general3A_605, %add3A_606 : vector<256x128xf32>
    %reduce_sum3A_608 = arith.constant dense<0.000000e+00> : vector<128xf32>
    %reduce_sum3A_609 = vector.multi_reduction <add>, %add3A_607, %reduce_sum3A_608 [0] : vector<256x128xf32> to vector<128xf32>
    %broadcast_in_dim3A_610 = vector.shape_cast %reduce_sum3A_609 : vector<128xf32> to vector<1x128xf32>
    %add3A_611 = arith.addf %add3A_576, %broadcast_in_dim3A_610 : vector<1x128xf32>
    %mul3A_612 = arith.mulf %add3A_607, %add3A_607 : vector<256x128xf32>
    %reduce_sum3A_613 = arith.constant dense<0.000000e+00> : vector<128xf32>
    %reduce_sum3A_614 = vector.multi_reduction <add>, %mul3A_612, %reduce_sum3A_613 [0] : vector<256x128xf32> to vector<128xf32>
    %broadcast_in_dim3A_615 = vector.shape_cast %reduce_sum3A_614 : vector<128xf32> to vector<1x128xf32>
    %add3A_616 = arith.addf %add3A_581, %broadcast_in_dim3A_615 : vector<1x128xf32>
    %max3A_617 = arith.maximumf %max3A_582, %add3A_607 : vector<256x128xf32>
    %min3A_618 = arith.minimumf %min3A_583, %add3A_607 : vector<256x128xf32>
    %get3A_619 = arith.constant 17 : index
    %get3A_620 = arith.constant 0 : index
    %get3A_621 = arith.constant 0 : index
    %get3A_622 = vector.load %arg1[%get3A_619, %get3A_620, %get3A_621] : memref<20x256x128xf32, #tpu.memory_space<vmem>>, vector<1x256x128xf32>
    %get3A_623 = vector.shape_cast %get3A_622 : vector<1x256x128xf32> to vector<256x128xf32>
    %sub3A_624 = arith.subf %get3A_623, %get3A_1 : vector<256x128xf32>
    %dot_general3A_625 = arith.constant dense<0.000000e+00> : vector<256x128xf32>
    %dot_general3A_626 = tpu.matmul %sub3A_624, %get3A_4, %dot_general3A_625 {dimension_numbers = #tpu.dot_dimension_numbers<[1], [0], [0], [1], [0, 0, 1, 1], [], []>, transpose_lhs_hint = false} : vector<256x128xf32>, vector<128x128xf32>, vector<256x128xf32> -> vector<256x128xf32>
    %add3A_627 = arith.addf %dot_general3A_626, %add3A_12 : vector<256x128xf32>
    %mul3A_628 = vector.broadcast %slice3A_16 : vector<1x128xf32> to vector<256x128xf32>
    %mul3A_629 = arith.mulf %add3A_627, %mul3A_628 : vector<256x128xf32>
    %add3A_630 = vector.broadcast %slice3A_20 : vector<1x128xf32> to vector<256x128xf32>
    %add3A_631 = arith.addf %mul3A_629, %add3A_630 : vector<256x128xf32>
    %gt3A_632 = arith.constant 0.000000e+00 : f32
    %gt3A_633 = vector.broadcast %gt3A_632 : f32 to vector<256x128xf32>
    %gt3A_634 = arith.cmpf ogt, %add3A_631, %gt3A_633 : vector<256x128xf32>
    %mul3A_635 = arith.constant 2.000000e-01 : f32
    %mul3A_636 = vector.broadcast %mul3A_635 : f32 to vector<256x128xf32>
    %mul3A_637 = arith.mulf %mul3A_636, %add3A_631 : vector<256x128xf32>
    %select_n3A_638 = arith.select %gt3A_634, %add3A_631, %mul3A_637 : vector<256x128xi1>, vector<256x128xf32>
    %dot_general3A_639 = arith.constant dense<0.000000e+00> : vector<256x128xf32>
    %dot_general3A_640 = tpu.matmul %select_n3A_638, %get3A_27, %dot_general3A_639 {dimension_numbers = #tpu.dot_dimension_numbers<[1], [0], [0], [1], [0, 0, 1, 1], [], []>, transpose_lhs_hint = false} : vector<256x128xf32>, vector<128x128xf32>, vector<256x128xf32> -> vector<256x128xf32>
    %add3A_641 = vector.broadcast %slice3A_24 : vector<1x128xf32> to vector<256x128xf32>
    %add3A_642 = arith.addf %dot_general3A_640, %add3A_641 : vector<256x128xf32>
    %reduce_sum3A_643 = arith.constant dense<0.000000e+00> : vector<128xf32>
    %reduce_sum3A_644 = vector.multi_reduction <add>, %add3A_642, %reduce_sum3A_643 [0] : vector<256x128xf32> to vector<128xf32>
    %broadcast_in_dim3A_645 = vector.shape_cast %reduce_sum3A_644 : vector<128xf32> to vector<1x128xf32>
    %add3A_646 = arith.addf %add3A_611, %broadcast_in_dim3A_645 : vector<1x128xf32>
    %mul3A_647 = arith.mulf %add3A_642, %add3A_642 : vector<256x128xf32>
    %reduce_sum3A_648 = arith.constant dense<0.000000e+00> : vector<128xf32>
    %reduce_sum3A_649 = vector.multi_reduction <add>, %mul3A_647, %reduce_sum3A_648 [0] : vector<256x128xf32> to vector<128xf32>
    %broadcast_in_dim3A_650 = vector.shape_cast %reduce_sum3A_649 : vector<128xf32> to vector<1x128xf32>
    %add3A_651 = arith.addf %add3A_616, %broadcast_in_dim3A_650 : vector<1x128xf32>
    %max3A_652 = arith.maximumf %max3A_617, %add3A_642 : vector<256x128xf32>
    %min3A_653 = arith.minimumf %min3A_618, %add3A_642 : vector<256x128xf32>
    %get3A_654 = arith.constant 18 : index
    %get3A_655 = arith.constant 0 : index
    %get3A_656 = arith.constant 0 : index
    %get3A_657 = vector.load %arg1[%get3A_654, %get3A_655, %get3A_656] : memref<20x256x128xf32, #tpu.memory_space<vmem>>, vector<1x256x128xf32>
    %get3A_658 = vector.shape_cast %get3A_657 : vector<1x256x128xf32> to vector<256x128xf32>
    %sub3A_659 = arith.subf %get3A_658, %get3A_1 : vector<256x128xf32>
    %dot_general3A_660 = arith.constant dense<0.000000e+00> : vector<256x128xf32>
    %dot_general3A_661 = tpu.matmul %sub3A_659, %get3A_4, %dot_general3A_660 {dimension_numbers = #tpu.dot_dimension_numbers<[1], [0], [0], [1], [0, 0, 1, 1], [], []>, transpose_lhs_hint = false} : vector<256x128xf32>, vector<128x128xf32>, vector<256x128xf32> -> vector<256x128xf32>
    %add3A_662 = arith.addf %dot_general3A_661, %add3A_12 : vector<256x128xf32>
    %mul3A_663 = vector.broadcast %slice3A_16 : vector<1x128xf32> to vector<256x128xf32>
    %mul3A_664 = arith.mulf %add3A_662, %mul3A_663 : vector<256x128xf32>
    %add3A_665 = vector.broadcast %slice3A_20 : vector<1x128xf32> to vector<256x128xf32>
    %add3A_666 = arith.addf %mul3A_664, %add3A_665 : vector<256x128xf32>
    %gt3A_667 = arith.constant 0.000000e+00 : f32
    %gt3A_668 = vector.broadcast %gt3A_667 : f32 to vector<256x128xf32>
    %gt3A_669 = arith.cmpf ogt, %add3A_666, %gt3A_668 : vector<256x128xf32>
    %mul3A_670 = arith.constant 2.000000e-01 : f32
    %mul3A_671 = vector.broadcast %mul3A_670 : f32 to vector<256x128xf32>
    %mul3A_672 = arith.mulf %mul3A_671, %add3A_666 : vector<256x128xf32>
    %select_n3A_673 = arith.select %gt3A_669, %add3A_666, %mul3A_672 : vector<256x128xi1>, vector<256x128xf32>
    %dot_general3A_674 = arith.constant dense<0.000000e+00> : vector<256x128xf32>
    %dot_general3A_675 = tpu.matmul %select_n3A_673, %get3A_27, %dot_general3A_674 {dimension_numbers = #tpu.dot_dimension_numbers<[1], [0], [0], [1], [0, 0, 1, 1], [], []>, transpose_lhs_hint = false} : vector<256x128xf32>, vector<128x128xf32>, vector<256x128xf32> -> vector<256x128xf32>
    %add3A_676 = vector.broadcast %slice3A_24 : vector<1x128xf32> to vector<256x128xf32>
    %add3A_677 = arith.addf %dot_general3A_675, %add3A_676 : vector<256x128xf32>
    %reduce_sum3A_678 = arith.constant dense<0.000000e+00> : vector<128xf32>
    %reduce_sum3A_679 = vector.multi_reduction <add>, %add3A_677, %reduce_sum3A_678 [0] : vector<256x128xf32> to vector<128xf32>
    %broadcast_in_dim3A_680 = vector.shape_cast %reduce_sum3A_679 : vector<128xf32> to vector<1x128xf32>
    %add3A_681 = arith.addf %add3A_646, %broadcast_in_dim3A_680 : vector<1x128xf32>
    %mul3A_682 = arith.mulf %add3A_677, %add3A_677 : vector<256x128xf32>
    %reduce_sum3A_683 = arith.constant dense<0.000000e+00> : vector<128xf32>
    %reduce_sum3A_684 = vector.multi_reduction <add>, %mul3A_682, %reduce_sum3A_683 [0] : vector<256x128xf32> to vector<128xf32>
    %broadcast_in_dim3A_685 = vector.shape_cast %reduce_sum3A_684 : vector<128xf32> to vector<1x128xf32>
    %add3A_686 = arith.addf %add3A_651, %broadcast_in_dim3A_685 : vector<1x128xf32>
    %max3A_687 = arith.maximumf %max3A_652, %add3A_677 : vector<256x128xf32>
    %min3A_688 = arith.minimumf %min3A_653, %add3A_677 : vector<256x128xf32>
    %get3A_689 = arith.constant 19 : index
    %get3A_690 = arith.constant 0 : index
    %get3A_691 = arith.constant 0 : index
    %get3A_692 = vector.load %arg1[%get3A_689, %get3A_690, %get3A_691] : memref<20x256x128xf32, #tpu.memory_space<vmem>>, vector<1x256x128xf32>
    %get3A_693 = vector.shape_cast %get3A_692 : vector<1x256x128xf32> to vector<256x128xf32>
    %sub3A_694 = arith.subf %get3A_693, %get3A_1 : vector<256x128xf32>
    %dot_general3A_695 = arith.constant dense<0.000000e+00> : vector<256x128xf32>
    %dot_general3A_696 = tpu.matmul %sub3A_694, %get3A_4, %dot_general3A_695 {dimension_numbers = #tpu.dot_dimension_numbers<[1], [0], [0], [1], [0, 0, 1, 1], [], []>, transpose_lhs_hint = false} : vector<256x128xf32>, vector<128x128xf32>, vector<256x128xf32> -> vector<256x128xf32>
    %add3A_697 = arith.addf %dot_general3A_696, %add3A_12 : vector<256x128xf32>
    %mul3A_698 = vector.broadcast %slice3A_16 : vector<1x128xf32> to vector<256x128xf32>
    %mul3A_699 = arith.mulf %add3A_697, %mul3A_698 : vector<256x128xf32>
    %add3A_700 = vector.broadcast %slice3A_20 : vector<1x128xf32> to vector<256x128xf32>
    %add3A_701 = arith.addf %mul3A_699, %add3A_700 : vector<256x128xf32>
    %gt3A_702 = arith.constant 0.000000e+00 : f32
    %gt3A_703 = vector.broadcast %gt3A_702 : f32 to vector<256x128xf32>
    %gt3A_704 = arith.cmpf ogt, %add3A_701, %gt3A_703 : vector<256x128xf32>
    %mul3A_705 = arith.constant 2.000000e-01 : f32
    %mul3A_706 = vector.broadcast %mul3A_705 : f32 to vector<256x128xf32>
    %mul3A_707 = arith.mulf %mul3A_706, %add3A_701 : vector<256x128xf32>
    %select_n3A_708 = arith.select %gt3A_704, %add3A_701, %mul3A_707 : vector<256x128xi1>, vector<256x128xf32>
    %dot_general3A_709 = arith.constant dense<0.000000e+00> : vector<256x128xf32>
    %dot_general3A_710 = tpu.matmul %select_n3A_708, %get3A_27, %dot_general3A_709 {dimension_numbers = #tpu.dot_dimension_numbers<[1], [0], [0], [1], [0, 0, 1, 1], [], []>, transpose_lhs_hint = false} : vector<256x128xf32>, vector<128x128xf32>, vector<256x128xf32> -> vector<256x128xf32>
    %add3A_711 = vector.broadcast %slice3A_24 : vector<1x128xf32> to vector<256x128xf32>
    %add3A_712 = arith.addf %dot_general3A_710, %add3A_711 : vector<256x128xf32>
    %reduce_sum3A_713 = arith.constant dense<0.000000e+00> : vector<128xf32>
    %reduce_sum3A_714 = vector.multi_reduction <add>, %add3A_712, %reduce_sum3A_713 [0] : vector<256x128xf32> to vector<128xf32>
    %broadcast_in_dim3A_715 = vector.shape_cast %reduce_sum3A_714 : vector<128xf32> to vector<1x128xf32>
    %add3A_716 = arith.addf %add3A_681, %broadcast_in_dim3A_715 : vector<1x128xf32>
    %mul3A_717 = arith.mulf %add3A_712, %add3A_712 : vector<256x128xf32>
    %reduce_sum3A_718 = arith.constant dense<0.000000e+00> : vector<128xf32>
    %reduce_sum3A_719 = vector.multi_reduction <add>, %mul3A_717, %reduce_sum3A_718 [0] : vector<256x128xf32> to vector<128xf32>
    %broadcast_in_dim3A_720 = vector.shape_cast %reduce_sum3A_719 : vector<128xf32> to vector<1x128xf32>
    %add3A_721 = arith.addf %add3A_686, %broadcast_in_dim3A_720 : vector<1x128xf32>
    %max3A_722 = arith.maximumf %max3A_687, %add3A_712 : vector<256x128xf32>
    %min3A_723 = arith.minimumf %min3A_688, %add3A_712 : vector<256x128xf32>
    %swap3A = arith.constant 0 : index
    %swap3A_724 = arith.constant 0 : index
    %swap3A_725 = vector.load %arg10[%swap3A, %swap3A_724] : memref<256x128xf32, #tpu.memory_space<vmem>>, vector<256x128xf32>
    tpu.vector_store %arg10[%swap3A, %swap3A_724], %max3A_722 {strides = array<i32>} : memref<256x128xf32, #tpu.memory_space<vmem>>, vector<256x128xf32>,
    %swap3A_726 = arith.constant 0 : index
    %swap3A_727 = arith.constant 0 : index
    %swap3A_728 = vector.load %arg11[%swap3A_726, %swap3A_727] : memref<256x128xf32, #tpu.memory_space<vmem>>, vector<256x128xf32>
    tpu.vector_store %arg11[%swap3A_726, %swap3A_727], %min3A_723 {strides = array<i32>} : memref<256x128xf32, #tpu.memory_space<vmem>>, vector<256x128xf32>,
    %get3A_729 = arith.constant 0 : index
    %get3A_730 = arith.constant 0 : index
    %get3A_731 = vector.load %arg12[%get3A_729, %get3A_730] : memref<8x128xf32, #tpu.memory_space<vmem>>, vector<8x128xf32>
    %broadcast_in_dim3A_732 = vector.shape_cast %add3A_716 : vector<1x128xf32> to vector<1x128xf32>
    %broadcast_in_dim3A_733 = vector.broadcast %broadcast_in_dim3A_732 : vector<1x128xf32> to vector<8x128xf32>
    %add3A_734 = arith.addf %get3A_731, %broadcast_in_dim3A_733 : vector<8x128xf32>
    %swap3A_735 = arith.constant 0 : index
    %swap3A_736 = arith.constant 0 : index
    %swap3A_737 = vector.load %arg12[%swap3A_735, %swap3A_736] : memref<8x128xf32, #tpu.memory_space<vmem>>, vector<8x128xf32>
    tpu.vector_store %arg12[%swap3A_735, %swap3A_736], %add3A_734 {strides = array<i32>} : memref<8x128xf32, #tpu.memory_space<vmem>>, vector<8x128xf32>,
    %get3A_738 = arith.constant 0 : index
    %get3A_739 = arith.constant 0 : index
    %get3A_740 = vector.load %arg13[%get3A_738, %get3A_739] : memref<8x128xf32, #tpu.memory_space<vmem>>, vector<8x128xf32>
    %broadcast_in_dim3A_741 = vector.shape_cast %add3A_721 : vector<1x128xf32> to vector<1x128xf32>
    %broadcast_in_dim3A_742 = vector.broadcast %broadcast_in_dim3A_741 : vector<1x128xf32> to vector<8x128xf32>
    %add3A_743 = arith.addf %get3A_740, %broadcast_in_dim3A_742 : vector<8x128xf32>
    %swap3A_744 = arith.constant 0 : index
    %swap3A_745 = arith.constant 0 : index
    %swap3A_746 = vector.load %arg13[%swap3A_744, %swap3A_745] : memref<8x128xf32, #tpu.memory_space<vmem>>, vector<8x128xf32>
    tpu.vector_store %arg13[%swap3A_744, %swap3A_745], %add3A_743 {strides = array<i32>} : memref<8x128xf32, #tpu.memory_space<vmem>>, vector<8x128xf32>,
    return
  }
  func.func @transform_0(%arg0: i32) -> (i32, i32, i32) {
    %c0_i32 = arith.constant 0 : i32
    %c0_i32_0 = arith.constant 0 : i32
    %c0_i32_1 = arith.constant 0 : i32
    return %c0_i32, %arg0, %c0_i32_0 : i32, i32, i32
  }
  func.func @transform_1(%arg0: i32) -> (i32, i32) {
    %c0_i32 = arith.constant 0 : i32
    %c0_i32_0 = arith.constant 0 : i32
    return %arg0, %c0_i32 : i32, i32
  }
  func.func @transform_2(%arg0: i32) -> (i32, i32) {
    %c0_i32 = arith.constant 0 : i32
    %c0_i32_0 = arith.constant 0 : i32
    %c0_i32_1 = arith.constant 0 : i32
    return %c0_i32, %c0_i32_0 : i32, i32
  }
  func.func @transform_3(%arg0: i32) -> (i32, i32) {
    %c0_i32 = arith.constant 0 : i32
    %c0_i32_0 = arith.constant 0 : i32
    %c0_i32_1 = arith.constant 0 : i32
    return %c0_i32, %c0_i32_0 : i32, i32
  }
  func.func @transform_4(%arg0: i32) -> (i32, i32) {
    %c0_i32 = arith.constant 0 : i32
    %c0_i32_0 = arith.constant 0 : i32
    %c0_i32_1 = arith.constant 0 : i32
    return %c0_i32, %c0_i32_0 : i32, i32
  }
  func.func @transform_5(%arg0: i32) -> (i32, i32) {
    %c0_i32 = arith.constant 0 : i32
    %c0_i32_0 = arith.constant 0 : i32
    %c0_i32_1 = arith.constant 0 : i32
    return %c0_i32, %c0_i32_0 : i32, i32
  }
  func.func @transform_6(%arg0: i32) -> (i32, i32) {
    %c0_i32 = arith.constant 0 : i32
    %c0_i32_0 = arith.constant 0 : i32
    %c0_i32_1 = arith.constant 0 : i32
    return %c0_i32, %c0_i32_0 : i32, i32
  }
  func.func @transform_7(%arg0: i32) -> (i32, i32) {
    %c0_i32 = arith.constant 0 : i32
    %c0_i32_0 = arith.constant 0 : i32
    %c0_i32_1 = arith.constant 0 : i32
    return %c0_i32, %c0_i32_0 : i32, i32
  }
  func.func @transform_8(%arg0: i32) -> (i32, i32) {
    %c0_i32 = arith.constant 0 : i32
    %c0_i32_0 = arith.constant 0 : i32
    %c0_i32_1 = arith.constant 0 : i32
    return %c0_i32, %c0_i32_0 : i32, i32
  }
  func.func @transform_9(%arg0: i32) -> (i32, i32) {
    %c0_i32 = arith.constant 0 : i32
    %c0_i32_0 = arith.constant 0 : i32
    return %arg0, %c0_i32 : i32, i32
  }
  func.func @transform_10(%arg0: i32) -> (i32, i32) {
    %c0_i32 = arith.constant 0 : i32
    %c0_i32_0 = arith.constant 0 : i32
    return %arg0, %c0_i32 : i32, i32
  }
  func.func @transform_11(%arg0: i32) -> (i32, i32) {
    %c0_i32 = arith.constant 0 : i32
    %c0_i32_0 = arith.constant 0 : i32
    %c0_i32_1 = arith.constant 0 : i32
    return %c0_i32, %c0_i32_0 : i32, i32
  }
  func.func @transform_12(%arg0: i32) -> (i32, i32) {
    %c0_i32 = arith.constant 0 : i32
    %c0_i32_0 = arith.constant 0 : i32
    %c0_i32_1 = arith.constant 0 : i32
    return %c0_i32, %c0_i32_0 : i32, i32
  }
}

module attributes {stable_mosaic.version = 14 : i64} {
  func.func @_finalize_body(%arg0: i32, %arg1: memref<512x128xf32, #tpu.memory_space<vmem>>, %arg2: memref<512x128xf32, #tpu.memory_space<vmem>>, %arg3: memref<8x128xf32, #tpu.memory_space<vmem>>, %arg4: memref<8x128xf32, #tpu.memory_space<vmem>>, %arg5: memref<512x128xf32, #tpu.memory_space<vmem>>) attributes {dimension_semantics = [#tpu.dimension_semantics<arbitrary>], iteration_bounds = array<i64: 32>, scalar_prefetch = 0 : i64, scratch_operands = 0 : i64, tpu.core_type = #tpu.core_type<tc>, window_params = [{transform_indices = @transform_0, window_bounds = array<i64: 512, 128>}, {transform_indices = @transform_1, window_bounds = array<i64: 512, 128>}, {pipeline_mode = #tpu.pipeline_mode<synchronous>, transform_indices = @transform_2, window_bounds = array<i64: 8, 128>}, {pipeline_mode = #tpu.pipeline_mode<synchronous>, transform_indices = @transform_3, window_bounds = array<i64: 8, 128>}, {transform_indices = @transform_4, window_bounds = array<i64: 512, 128>}]} {
    %get3A = arith.constant 0 : index
    %get3A_0 = arith.constant 0 : index
    %get3A_1 = vector.load %arg3[%get3A, %get3A_0] : memref<8x128xf32, #tpu.memory_space<vmem>>, vector<8x128xf32>
    %slice3A = vector.extract_strided_slice %get3A_1 {offsets = [0, 0], sizes = [1, 128], strides = [1, 1]} : vector<8x128xf32> to vector<1x128xf32>
    %get3A_2 = arith.constant 0 : index
    %get3A_3 = arith.constant 0 : index
    %get3A_4 = vector.load %arg4[%get3A_2, %get3A_3] : memref<8x128xf32, #tpu.memory_space<vmem>>, vector<8x128xf32>
    %slice3A_5 = vector.extract_strided_slice %get3A_4 {offsets = [0, 0], sizes = [1, 128], strides = [1, 1]} : vector<8x128xf32> to vector<1x128xf32>
    %ge3A = arith.constant 0.000000e+00 : f32
    %ge3A_6 = vector.broadcast %ge3A : f32 to vector<1x128xf32>
    %ge3A_7 = arith.cmpf oge, %slice3A, %ge3A_6 : vector<1x128xf32>
    %get3A_8 = arith.constant 0 : index
    %get3A_9 = arith.constant 0 : index
    %get3A_10 = vector.load %arg1[%get3A_8, %get3A_9] : memref<512x128xf32, #tpu.memory_space<vmem>>, vector<512x128xf32>
    %get3A_11 = arith.constant 0 : index
    %get3A_12 = arith.constant 0 : index
    %get3A_13 = vector.load %arg2[%get3A_11, %get3A_12] : memref<512x128xf32, #tpu.memory_space<vmem>>, vector<512x128xf32>
    %broadcast_in_dim3A = vector.shape_cast %ge3A_7 : vector<1x128xi1> to vector<1x128xi1>
    %broadcast_in_dim3A_14 = vector.broadcast %broadcast_in_dim3A : vector<1x128xi1> to vector<512x128xi1>
    %select_n3A = arith.select %broadcast_in_dim3A_14, %get3A_10, %get3A_13 : vector<512x128xi1>, vector<512x128xf32>
    %mul3A = vector.broadcast %slice3A : vector<1x128xf32> to vector<512x128xf32>
    %mul3A_15 = arith.mulf %select_n3A, %mul3A : vector<512x128xf32>
    %add3A = vector.broadcast %slice3A_5 : vector<1x128xf32> to vector<512x128xf32>
    %add3A_16 = arith.addf %mul3A_15, %add3A : vector<512x128xf32>
    %gt3A = arith.constant 0.000000e+00 : f32
    %gt3A_17 = vector.broadcast %gt3A : f32 to vector<512x128xf32>
    %gt3A_18 = arith.cmpf ogt, %add3A_16, %gt3A_17 : vector<512x128xf32>
    %mul3A_19 = arith.constant 2.000000e-01 : f32
    %mul3A_20 = vector.broadcast %mul3A_19 : f32 to vector<512x128xf32>
    %mul3A_21 = arith.mulf %mul3A_20, %add3A_16 : vector<512x128xf32>
    %select_n3A_22 = arith.select %gt3A_18, %add3A_16, %mul3A_21 : vector<512x128xi1>, vector<512x128xf32>
    %swap3A = arith.constant 0 : index
    %swap3A_23 = arith.constant 0 : index
    %swap3A_24 = vector.load %arg5[%swap3A, %swap3A_23] : memref<512x128xf32, #tpu.memory_space<vmem>>, vector<512x128xf32>
    tpu.vector_store %arg5[%swap3A, %swap3A_23], %select_n3A_22 {strides = array<i32>} : memref<512x128xf32, #tpu.memory_space<vmem>>, vector<512x128xf32>,
    return
  }
  func.func @transform_0(%arg0: i32) -> (i32, i32) {
    %c0_i32 = arith.constant 0 : i32
    %c0_i32_0 = arith.constant 0 : i32
    return %arg0, %c0_i32 : i32, i32
  }
  func.func @transform_1(%arg0: i32) -> (i32, i32) {
    %c0_i32 = arith.constant 0 : i32
    %c0_i32_0 = arith.constant 0 : i32
    return %arg0, %c0_i32 : i32, i32
  }
  func.func @transform_2(%arg0: i32) -> (i32, i32) {
    %c0_i32 = arith.constant 0 : i32
    %c0_i32_0 = arith.constant 0 : i32
    %c0_i32_1 = arith.constant 0 : i32
    return %c0_i32, %c0_i32_0 : i32, i32
  }
  func.func @transform_3(%arg0: i32) -> (i32, i32) {
    %c0_i32 = arith.constant 0 : i32
    %c0_i32_0 = arith.constant 0 : i32
    %c0_i32_1 = arith.constant 0 : i32
    return %c0_i32, %c0_i32_0 : i32, i32
  }
  func.func @transform_4(%arg0: i32) -> (i32, i32) {
    %c0_i32 = arith.constant 0 : i32
    %c0_i32_0 = arith.constant 0 : i32
    return %arg0, %c0_i32 : i32, i32
  }
}

module attributes {stable_mosaic.version = 14 : i64} {
  func.func @_knn_body(%arg0: i32, %arg1: i32, %arg2: memref<128x32xf32, #tpu.memory_space<vmem>>, %arg3: memref<1x32x2048xf32, #tpu.memory_space<vmem>>, %arg4: memref<128x20xi32, #tpu.memory_space<vmem>>) attributes {dimension_semantics = [#tpu.dimension_semantics<arbitrary>, #tpu.dimension_semantics<arbitrary>], iteration_bounds = array<i64: 8, 16>, scalar_prefetch = 0 : i64, scratch_operands = 0 : i64, tpu.core_type = #tpu.core_type<tc>, window_params = [{transform_indices = @transform_0, window_bounds = array<i64: 128, 32>}, {transform_indices = @transform_1, window_bounds = array<i64: 1, 32, 2048>}, {transform_indices = @transform_2, window_bounds = array<i64: 128, 20>}]} {
    %get3A = arith.constant 0 : index
    %get3A_0 = arith.constant 0 : index
    %get3A_1 = vector.load %arg2[%get3A, %get3A_0] : memref<128x32xf32, #tpu.memory_space<vmem>>, vector<128x32xf32>
    %get3A_2 = arith.constant 0 : index
    %get3A_3 = arith.constant 0 : index
    %get3A_4 = arith.constant 0 : index
    %get3A_5 = vector.load %arg3[%get3A_2, %get3A_3, %get3A_4] : memref<1x32x2048xf32, #tpu.memory_space<vmem>>, vector<1x32x2048xf32>
    %get3A_6 = vector.shape_cast %get3A_5 : vector<1x32x2048xf32> to vector<32x2048xf32>
    %dot_general3A = arith.constant dense<0.000000e+00> : vector<128x2048xf32>
    %dot_general3A_7 = tpu.matmul %get3A_1, %get3A_6, %dot_general3A {dimension_numbers = #tpu.dot_dimension_numbers<[1], [0], [0], [1], [0, 0, 1, 1], [], []>, transpose_lhs_hint = false} : vector<128x32xf32>, vector<32x2048xf32>, vector<128x2048xf32> -> vector<128x2048xf32>
    %mul3A = arith.mulf %get3A_1, %get3A_1 : vector<128x32xf32>
    %reduce_sum3A = arith.constant dense<0.000000e+00> : vector<128xf32>
    %reduce_sum3A_8 = vector.multi_reduction <add>, %mul3A, %reduce_sum3A [1] : vector<128x32xf32> to vector<128xf32>
    %broadcast_in_dim3A = vector.shape_cast %reduce_sum3A_8 : vector<128xf32> to vector<128x1xf32>
    %mul3A_9 = arith.mulf %get3A_6, %get3A_6 : vector<32x2048xf32>
    %reduce_sum3A_10 = arith.constant dense<0.000000e+00> : vector<2048xf32>
    %reduce_sum3A_11 = vector.multi_reduction <add>, %mul3A_9, %reduce_sum3A_10 [0] : vector<32x2048xf32> to vector<2048xf32>
    %broadcast_in_dim3A_12 = vector.shape_cast %reduce_sum3A_11 : vector<2048xf32> to vector<1x2048xf32>
    %mul3A_13 = arith.constant 2.000000e+00 : f32
    %mul3A_14 = vector.broadcast %mul3A_13 : f32 to vector<128x2048xf32>
    %mul3A_15 = arith.mulf %mul3A_14, %dot_general3A_7 : vector<128x2048xf32>
    %sub3A = vector.broadcast %broadcast_in_dim3A : vector<128x1xf32> to vector<128x2048xf32>
    %sub3A_16 = arith.subf %mul3A_15, %sub3A : vector<128x2048xf32>
    %sub3A_17 = vector.broadcast %broadcast_in_dim3A_12 : vector<1x2048xf32> to vector<128x2048xf32>
    %sub3A_18 = arith.subf %sub3A_16, %sub3A_17 : vector<128x2048xf32>
    %iota3A = tpu.iota {dimensions = array<i32: 1>} : vector<128x2048xi32>
    %convert_element_type3A = arith.sitofp %iota3A : vector<128x2048xi32> to vector<128x2048xf32>
    %iota3A_19 = tpu.iota {dimensions = array<i32: 1>} : vector<128x20xi32>
    %broadcast_in_dim3A_20 = arith.constant 0.000000e+00 : f32
    %broadcast_in_dim3A_21 = vector.broadcast %broadcast_in_dim3A_20 : f32 to vector<128x20xf32>
    %reduce_max3A = arith.constant dense<0xFF800000> : vector<128xf32>
    %reduce_max3A_22 = vector.multi_reduction <maximumf>, %sub3A_18, %reduce_max3A [1] : vector<128x2048xf32> to vector<128xf32>
    %broadcast_in_dim3A_23 = vector.shape_cast %reduce_max3A_22 : vector<128xf32> to vector<128x1xf32>
    %ge3A = vector.broadcast %broadcast_in_dim3A_23 : vector<128x1xf32> to vector<128x2048xf32>
    %ge3A_24 = arith.cmpf oge, %sub3A_18, %ge3A : vector<128x2048xf32>
    %jit3A = arith.constant 4.096000e+03 : f32
    %broadcast_in_dim3A_25 = vector.broadcast %jit3A : f32 to vector<128x2048xf32>
    %select_n3A = arith.select %ge3A_24, %convert_element_type3A, %broadcast_in_dim3A_25 : vector<128x2048xi1>, vector<128x2048xf32>
    %reduce_min3A = arith.constant dense<0x7F800000> : vector<128xf32>
    %reduce_min3A_26 = vector.multi_reduction <minimumf>, %select_n3A, %reduce_min3A [1] : vector<128x2048xf32> to vector<128xf32>
    %broadcast_in_dim3A_27 = vector.shape_cast %reduce_min3A_26 : vector<128xf32> to vector<128x1xf32>
    %eq3A = arith.constant 0 : i32
    %eq3A_28 = vector.broadcast %eq3A : i32 to vector<128x20xi32>
    %eq3A_29 = arith.cmpi eq, %iota3A_19, %eq3A_28 : vector<128x20xi32>
    %broadcast_in_dim3A_30 = vector.shape_cast %broadcast_in_dim3A_27 : vector<128x1xf32> to vector<128x1xf32>
    %broadcast_in_dim3A_31 = vector.broadcast %broadcast_in_dim3A_30 : vector<128x1xf32> to vector<128x20xf32>
    %select_n3A_32 = arith.select %eq3A_29, %broadcast_in_dim3A_31, %broadcast_in_dim3A_21 : vector<128x20xi1>, vector<128x20xf32>
    %eq3A_33 = vector.broadcast %broadcast_in_dim3A_27 : vector<128x1xf32> to vector<128x2048xf32>
    %eq3A_34 = arith.cmpf oeq, %convert_element_type3A, %eq3A_33 : vector<128x2048xf32>
    %jit3A_35 = arith.constant -3.000000e+38 : f32
    %broadcast_in_dim3A_36 = vector.broadcast %jit3A_35 : f32 to vector<128x2048xf32>
    %select_n3A_37 = arith.select %eq3A_34, %broadcast_in_dim3A_36, %sub3A_18 : vector<128x2048xi1>, vector<128x2048xf32>
    %reduce_max3A_38 = arith.constant dense<0xFF800000> : vector<128xf32>
    %reduce_max3A_39 = vector.multi_reduction <maximumf>, %select_n3A_37, %reduce_max3A_38 [1] : vector<128x2048xf32> to vector<128xf32>
    %broadcast_in_dim3A_40 = vector.shape_cast %reduce_max3A_39 : vector<128xf32> to vector<128x1xf32>
    %ge3A_41 = vector.broadcast %broadcast_in_dim3A_40 : vector<128x1xf32> to vector<128x2048xf32>
    %ge3A_42 = arith.cmpf oge, %select_n3A_37, %ge3A_41 : vector<128x2048xf32>
    %jit3A_43 = arith.constant 4.096000e+03 : f32
    %broadcast_in_dim3A_44 = vector.broadcast %jit3A_43 : f32 to vector<128x2048xf32>
    %select_n3A_45 = arith.select %ge3A_42, %convert_element_type3A, %broadcast_in_dim3A_44 : vector<128x2048xi1>, vector<128x2048xf32>
    %reduce_min3A_46 = arith.constant dense<0x7F800000> : vector<128xf32>
    %reduce_min3A_47 = vector.multi_reduction <minimumf>, %select_n3A_45, %reduce_min3A_46 [1] : vector<128x2048xf32> to vector<128xf32>
    %broadcast_in_dim3A_48 = vector.shape_cast %reduce_min3A_47 : vector<128xf32> to vector<128x1xf32>
    %eq3A_49 = arith.constant 1 : i32
    %eq3A_50 = vector.broadcast %eq3A_49 : i32 to vector<128x20xi32>
    %eq3A_51 = arith.cmpi eq, %iota3A_19, %eq3A_50 : vector<128x20xi32>
    %broadcast_in_dim3A_52 = vector.shape_cast %broadcast_in_dim3A_48 : vector<128x1xf32> to vector<128x1xf32>
    %broadcast_in_dim3A_53 = vector.broadcast %broadcast_in_dim3A_52 : vector<128x1xf32> to vector<128x20xf32>
    %select_n3A_54 = arith.select %eq3A_51, %broadcast_in_dim3A_53, %select_n3A_32 : vector<128x20xi1>, vector<128x20xf32>
    %eq3A_55 = vector.broadcast %broadcast_in_dim3A_48 : vector<128x1xf32> to vector<128x2048xf32>
    %eq3A_56 = arith.cmpf oeq, %convert_element_type3A, %eq3A_55 : vector<128x2048xf32>
    %jit3A_57 = arith.constant -3.000000e+38 : f32
    %broadcast_in_dim3A_58 = vector.broadcast %jit3A_57 : f32 to vector<128x2048xf32>
    %select_n3A_59 = arith.select %eq3A_56, %broadcast_in_dim3A_58, %select_n3A_37 : vector<128x2048xi1>, vector<128x2048xf32>
    %reduce_max3A_60 = arith.constant dense<0xFF800000> : vector<128xf32>
    %reduce_max3A_61 = vector.multi_reduction <maximumf>, %select_n3A_59, %reduce_max3A_60 [1] : vector<128x2048xf32> to vector<128xf32>
    %broadcast_in_dim3A_62 = vector.shape_cast %reduce_max3A_61 : vector<128xf32> to vector<128x1xf32>
    %ge3A_63 = vector.broadcast %broadcast_in_dim3A_62 : vector<128x1xf32> to vector<128x2048xf32>
    %ge3A_64 = arith.cmpf oge, %select_n3A_59, %ge3A_63 : vector<128x2048xf32>
    %jit3A_65 = arith.constant 4.096000e+03 : f32
    %broadcast_in_dim3A_66 = vector.broadcast %jit3A_65 : f32 to vector<128x2048xf32>
    %select_n3A_67 = arith.select %ge3A_64, %convert_element_type3A, %broadcast_in_dim3A_66 : vector<128x2048xi1>, vector<128x2048xf32>
    %reduce_min3A_68 = arith.constant dense<0x7F800000> : vector<128xf32>
    %reduce_min3A_69 = vector.multi_reduction <minimumf>, %select_n3A_67, %reduce_min3A_68 [1] : vector<128x2048xf32> to vector<128xf32>
    %broadcast_in_dim3A_70 = vector.shape_cast %reduce_min3A_69 : vector<128xf32> to vector<128x1xf32>
    %eq3A_71 = arith.constant 2 : i32
    %eq3A_72 = vector.broadcast %eq3A_71 : i32 to vector<128x20xi32>
    %eq3A_73 = arith.cmpi eq, %iota3A_19, %eq3A_72 : vector<128x20xi32>
    %broadcast_in_dim3A_74 = vector.shape_cast %broadcast_in_dim3A_70 : vector<128x1xf32> to vector<128x1xf32>
    %broadcast_in_dim3A_75 = vector.broadcast %broadcast_in_dim3A_74 : vector<128x1xf32> to vector<128x20xf32>
    %select_n3A_76 = arith.select %eq3A_73, %broadcast_in_dim3A_75, %select_n3A_54 : vector<128x20xi1>, vector<128x20xf32>
    %eq3A_77 = vector.broadcast %broadcast_in_dim3A_70 : vector<128x1xf32> to vector<128x2048xf32>
    %eq3A_78 = arith.cmpf oeq, %convert_element_type3A, %eq3A_77 : vector<128x2048xf32>
    %jit3A_79 = arith.constant -3.000000e+38 : f32
    %broadcast_in_dim3A_80 = vector.broadcast %jit3A_79 : f32 to vector<128x2048xf32>
    %select_n3A_81 = arith.select %eq3A_78, %broadcast_in_dim3A_80, %select_n3A_59 : vector<128x2048xi1>, vector<128x2048xf32>
    %reduce_max3A_82 = arith.constant dense<0xFF800000> : vector<128xf32>
    %reduce_max3A_83 = vector.multi_reduction <maximumf>, %select_n3A_81, %reduce_max3A_82 [1] : vector<128x2048xf32> to vector<128xf32>
    %broadcast_in_dim3A_84 = vector.shape_cast %reduce_max3A_83 : vector<128xf32> to vector<128x1xf32>
    %ge3A_85 = vector.broadcast %broadcast_in_dim3A_84 : vector<128x1xf32> to vector<128x2048xf32>
    %ge3A_86 = arith.cmpf oge, %select_n3A_81, %ge3A_85 : vector<128x2048xf32>
    %jit3A_87 = arith.constant 4.096000e+03 : f32
    %broadcast_in_dim3A_88 = vector.broadcast %jit3A_87 : f32 to vector<128x2048xf32>
    %select_n3A_89 = arith.select %ge3A_86, %convert_element_type3A, %broadcast_in_dim3A_88 : vector<128x2048xi1>, vector<128x2048xf32>
    %reduce_min3A_90 = arith.constant dense<0x7F800000> : vector<128xf32>
    %reduce_min3A_91 = vector.multi_reduction <minimumf>, %select_n3A_89, %reduce_min3A_90 [1] : vector<128x2048xf32> to vector<128xf32>
    %broadcast_in_dim3A_92 = vector.shape_cast %reduce_min3A_91 : vector<128xf32> to vector<128x1xf32>
    %eq3A_93 = arith.constant 3 : i32
    %eq3A_94 = vector.broadcast %eq3A_93 : i32 to vector<128x20xi32>
    %eq3A_95 = arith.cmpi eq, %iota3A_19, %eq3A_94 : vector<128x20xi32>
    %broadcast_in_dim3A_96 = vector.shape_cast %broadcast_in_dim3A_92 : vector<128x1xf32> to vector<128x1xf32>
    %broadcast_in_dim3A_97 = vector.broadcast %broadcast_in_dim3A_96 : vector<128x1xf32> to vector<128x20xf32>
    %select_n3A_98 = arith.select %eq3A_95, %broadcast_in_dim3A_97, %select_n3A_76 : vector<128x20xi1>, vector<128x20xf32>
    %eq3A_99 = vector.broadcast %broadcast_in_dim3A_92 : vector<128x1xf32> to vector<128x2048xf32>
    %eq3A_100 = arith.cmpf oeq, %convert_element_type3A, %eq3A_99 : vector<128x2048xf32>
    %jit3A_101 = arith.constant -3.000000e+38 : f32
    %broadcast_in_dim3A_102 = vector.broadcast %jit3A_101 : f32 to vector<128x2048xf32>
    %select_n3A_103 = arith.select %eq3A_100, %broadcast_in_dim3A_102, %select_n3A_81 : vector<128x2048xi1>, vector<128x2048xf32>
    %reduce_max3A_104 = arith.constant dense<0xFF800000> : vector<128xf32>
    %reduce_max3A_105 = vector.multi_reduction <maximumf>, %select_n3A_103, %reduce_max3A_104 [1] : vector<128x2048xf32> to vector<128xf32>
    %broadcast_in_dim3A_106 = vector.shape_cast %reduce_max3A_105 : vector<128xf32> to vector<128x1xf32>
    %ge3A_107 = vector.broadcast %broadcast_in_dim3A_106 : vector<128x1xf32> to vector<128x2048xf32>
    %ge3A_108 = arith.cmpf oge, %select_n3A_103, %ge3A_107 : vector<128x2048xf32>
    %jit3A_109 = arith.constant 4.096000e+03 : f32
    %broadcast_in_dim3A_110 = vector.broadcast %jit3A_109 : f32 to vector<128x2048xf32>
    %select_n3A_111 = arith.select %ge3A_108, %convert_element_type3A, %broadcast_in_dim3A_110 : vector<128x2048xi1>, vector<128x2048xf32>
    %reduce_min3A_112 = arith.constant dense<0x7F800000> : vector<128xf32>
    %reduce_min3A_113 = vector.multi_reduction <minimumf>, %select_n3A_111, %reduce_min3A_112 [1] : vector<128x2048xf32> to vector<128xf32>
    %broadcast_in_dim3A_114 = vector.shape_cast %reduce_min3A_113 : vector<128xf32> to vector<128x1xf32>
    %eq3A_115 = arith.constant 4 : i32
    %eq3A_116 = vector.broadcast %eq3A_115 : i32 to vector<128x20xi32>
    %eq3A_117 = arith.cmpi eq, %iota3A_19, %eq3A_116 : vector<128x20xi32>
    %broadcast_in_dim3A_118 = vector.shape_cast %broadcast_in_dim3A_114 : vector<128x1xf32> to vector<128x1xf32>
    %broadcast_in_dim3A_119 = vector.broadcast %broadcast_in_dim3A_118 : vector<128x1xf32> to vector<128x20xf32>
    %select_n3A_120 = arith.select %eq3A_117, %broadcast_in_dim3A_119, %select_n3A_98 : vector<128x20xi1>, vector<128x20xf32>
    %eq3A_121 = vector.broadcast %broadcast_in_dim3A_114 : vector<128x1xf32> to vector<128x2048xf32>
    %eq3A_122 = arith.cmpf oeq, %convert_element_type3A, %eq3A_121 : vector<128x2048xf32>
    %jit3A_123 = arith.constant -3.000000e+38 : f32
    %broadcast_in_dim3A_124 = vector.broadcast %jit3A_123 : f32 to vector<128x2048xf32>
    %select_n3A_125 = arith.select %eq3A_122, %broadcast_in_dim3A_124, %select_n3A_103 : vector<128x2048xi1>, vector<128x2048xf32>
    %reduce_max3A_126 = arith.constant dense<0xFF800000> : vector<128xf32>
    %reduce_max3A_127 = vector.multi_reduction <maximumf>, %select_n3A_125, %reduce_max3A_126 [1] : vector<128x2048xf32> to vector<128xf32>
    %broadcast_in_dim3A_128 = vector.shape_cast %reduce_max3A_127 : vector<128xf32> to vector<128x1xf32>
    %ge3A_129 = vector.broadcast %broadcast_in_dim3A_128 : vector<128x1xf32> to vector<128x2048xf32>
    %ge3A_130 = arith.cmpf oge, %select_n3A_125, %ge3A_129 : vector<128x2048xf32>
    %jit3A_131 = arith.constant 4.096000e+03 : f32
    %broadcast_in_dim3A_132 = vector.broadcast %jit3A_131 : f32 to vector<128x2048xf32>
    %select_n3A_133 = arith.select %ge3A_130, %convert_element_type3A, %broadcast_in_dim3A_132 : vector<128x2048xi1>, vector<128x2048xf32>
    %reduce_min3A_134 = arith.constant dense<0x7F800000> : vector<128xf32>
    %reduce_min3A_135 = vector.multi_reduction <minimumf>, %select_n3A_133, %reduce_min3A_134 [1] : vector<128x2048xf32> to vector<128xf32>
    %broadcast_in_dim3A_136 = vector.shape_cast %reduce_min3A_135 : vector<128xf32> to vector<128x1xf32>
    %eq3A_137 = arith.constant 5 : i32
    %eq3A_138 = vector.broadcast %eq3A_137 : i32 to vector<128x20xi32>
    %eq3A_139 = arith.cmpi eq, %iota3A_19, %eq3A_138 : vector<128x20xi32>
    %broadcast_in_dim3A_140 = vector.shape_cast %broadcast_in_dim3A_136 : vector<128x1xf32> to vector<128x1xf32>
    %broadcast_in_dim3A_141 = vector.broadcast %broadcast_in_dim3A_140 : vector<128x1xf32> to vector<128x20xf32>
    %select_n3A_142 = arith.select %eq3A_139, %broadcast_in_dim3A_141, %select_n3A_120 : vector<128x20xi1>, vector<128x20xf32>
    %eq3A_143 = vector.broadcast %broadcast_in_dim3A_136 : vector<128x1xf32> to vector<128x2048xf32>
    %eq3A_144 = arith.cmpf oeq, %convert_element_type3A, %eq3A_143 : vector<128x2048xf32>
    %jit3A_145 = arith.constant -3.000000e+38 : f32
    %broadcast_in_dim3A_146 = vector.broadcast %jit3A_145 : f32 to vector<128x2048xf32>
    %select_n3A_147 = arith.select %eq3A_144, %broadcast_in_dim3A_146, %select_n3A_125 : vector<128x2048xi1>, vector<128x2048xf32>
    %reduce_max3A_148 = arith.constant dense<0xFF800000> : vector<128xf32>
    %reduce_max3A_149 = vector.multi_reduction <maximumf>, %select_n3A_147, %reduce_max3A_148 [1] : vector<128x2048xf32> to vector<128xf32>
    %broadcast_in_dim3A_150 = vector.shape_cast %reduce_max3A_149 : vector<128xf32> to vector<128x1xf32>
    %ge3A_151 = vector.broadcast %broadcast_in_dim3A_150 : vector<128x1xf32> to vector<128x2048xf32>
    %ge3A_152 = arith.cmpf oge, %select_n3A_147, %ge3A_151 : vector<128x2048xf32>
    %jit3A_153 = arith.constant 4.096000e+03 : f32
    %broadcast_in_dim3A_154 = vector.broadcast %jit3A_153 : f32 to vector<128x2048xf32>
    %select_n3A_155 = arith.select %ge3A_152, %convert_element_type3A, %broadcast_in_dim3A_154 : vector<128x2048xi1>, vector<128x2048xf32>
    %reduce_min3A_156 = arith.constant dense<0x7F800000> : vector<128xf32>
    %reduce_min3A_157 = vector.multi_reduction <minimumf>, %select_n3A_155, %reduce_min3A_156 [1] : vector<128x2048xf32> to vector<128xf32>
    %broadcast_in_dim3A_158 = vector.shape_cast %reduce_min3A_157 : vector<128xf32> to vector<128x1xf32>
    %eq3A_159 = arith.constant 6 : i32
    %eq3A_160 = vector.broadcast %eq3A_159 : i32 to vector<128x20xi32>
    %eq3A_161 = arith.cmpi eq, %iota3A_19, %eq3A_160 : vector<128x20xi32>
    %broadcast_in_dim3A_162 = vector.shape_cast %broadcast_in_dim3A_158 : vector<128x1xf32> to vector<128x1xf32>
    %broadcast_in_dim3A_163 = vector.broadcast %broadcast_in_dim3A_162 : vector<128x1xf32> to vector<128x20xf32>
    %select_n3A_164 = arith.select %eq3A_161, %broadcast_in_dim3A_163, %select_n3A_142 : vector<128x20xi1>, vector<128x20xf32>
    %eq3A_165 = vector.broadcast %broadcast_in_dim3A_158 : vector<128x1xf32> to vector<128x2048xf32>
    %eq3A_166 = arith.cmpf oeq, %convert_element_type3A, %eq3A_165 : vector<128x2048xf32>
    %jit3A_167 = arith.constant -3.000000e+38 : f32
    %broadcast_in_dim3A_168 = vector.broadcast %jit3A_167 : f32 to vector<128x2048xf32>
    %select_n3A_169 = arith.select %eq3A_166, %broadcast_in_dim3A_168, %select_n3A_147 : vector<128x2048xi1>, vector<128x2048xf32>
    %reduce_max3A_170 = arith.constant dense<0xFF800000> : vector<128xf32>
    %reduce_max3A_171 = vector.multi_reduction <maximumf>, %select_n3A_169, %reduce_max3A_170 [1] : vector<128x2048xf32> to vector<128xf32>
    %broadcast_in_dim3A_172 = vector.shape_cast %reduce_max3A_171 : vector<128xf32> to vector<128x1xf32>
    %ge3A_173 = vector.broadcast %broadcast_in_dim3A_172 : vector<128x1xf32> to vector<128x2048xf32>
    %ge3A_174 = arith.cmpf oge, %select_n3A_169, %ge3A_173 : vector<128x2048xf32>
    %jit3A_175 = arith.constant 4.096000e+03 : f32
    %broadcast_in_dim3A_176 = vector.broadcast %jit3A_175 : f32 to vector<128x2048xf32>
    %select_n3A_177 = arith.select %ge3A_174, %convert_element_type3A, %broadcast_in_dim3A_176 : vector<128x2048xi1>, vector<128x2048xf32>
    %reduce_min3A_178 = arith.constant dense<0x7F800000> : vector<128xf32>
    %reduce_min3A_179 = vector.multi_reduction <minimumf>, %select_n3A_177, %reduce_min3A_178 [1] : vector<128x2048xf32> to vector<128xf32>
    %broadcast_in_dim3A_180 = vector.shape_cast %reduce_min3A_179 : vector<128xf32> to vector<128x1xf32>
    %eq3A_181 = arith.constant 7 : i32
    %eq3A_182 = vector.broadcast %eq3A_181 : i32 to vector<128x20xi32>
    %eq3A_183 = arith.cmpi eq, %iota3A_19, %eq3A_182 : vector<128x20xi32>
    %broadcast_in_dim3A_184 = vector.shape_cast %broadcast_in_dim3A_180 : vector<128x1xf32> to vector<128x1xf32>
    %broadcast_in_dim3A_185 = vector.broadcast %broadcast_in_dim3A_184 : vector<128x1xf32> to vector<128x20xf32>
    %select_n3A_186 = arith.select %eq3A_183, %broadcast_in_dim3A_185, %select_n3A_164 : vector<128x20xi1>, vector<128x20xf32>
    %eq3A_187 = vector.broadcast %broadcast_in_dim3A_180 : vector<128x1xf32> to vector<128x2048xf32>
    %eq3A_188 = arith.cmpf oeq, %convert_element_type3A, %eq3A_187 : vector<128x2048xf32>
    %jit3A_189 = arith.constant -3.000000e+38 : f32
    %broadcast_in_dim3A_190 = vector.broadcast %jit3A_189 : f32 to vector<128x2048xf32>
    %select_n3A_191 = arith.select %eq3A_188, %broadcast_in_dim3A_190, %select_n3A_169 : vector<128x2048xi1>, vector<128x2048xf32>
    %reduce_max3A_192 = arith.constant dense<0xFF800000> : vector<128xf32>
    %reduce_max3A_193 = vector.multi_reduction <maximumf>, %select_n3A_191, %reduce_max3A_192 [1] : vector<128x2048xf32> to vector<128xf32>
    %broadcast_in_dim3A_194 = vector.shape_cast %reduce_max3A_193 : vector<128xf32> to vector<128x1xf32>
    %ge3A_195 = vector.broadcast %broadcast_in_dim3A_194 : vector<128x1xf32> to vector<128x2048xf32>
    %ge3A_196 = arith.cmpf oge, %select_n3A_191, %ge3A_195 : vector<128x2048xf32>
    %jit3A_197 = arith.constant 4.096000e+03 : f32
    %broadcast_in_dim3A_198 = vector.broadcast %jit3A_197 : f32 to vector<128x2048xf32>
    %select_n3A_199 = arith.select %ge3A_196, %convert_element_type3A, %broadcast_in_dim3A_198 : vector<128x2048xi1>, vector<128x2048xf32>
    %reduce_min3A_200 = arith.constant dense<0x7F800000> : vector<128xf32>
    %reduce_min3A_201 = vector.multi_reduction <minimumf>, %select_n3A_199, %reduce_min3A_200 [1] : vector<128x2048xf32> to vector<128xf32>
    %broadcast_in_dim3A_202 = vector.shape_cast %reduce_min3A_201 : vector<128xf32> to vector<128x1xf32>
    %eq3A_203 = arith.constant 8 : i32
    %eq3A_204 = vector.broadcast %eq3A_203 : i32 to vector<128x20xi32>
    %eq3A_205 = arith.cmpi eq, %iota3A_19, %eq3A_204 : vector<128x20xi32>
    %broadcast_in_dim3A_206 = vector.shape_cast %broadcast_in_dim3A_202 : vector<128x1xf32> to vector<128x1xf32>
    %broadcast_in_dim3A_207 = vector.broadcast %broadcast_in_dim3A_206 : vector<128x1xf32> to vector<128x20xf32>
    %select_n3A_208 = arith.select %eq3A_205, %broadcast_in_dim3A_207, %select_n3A_186 : vector<128x20xi1>, vector<128x20xf32>
    %eq3A_209 = vector.broadcast %broadcast_in_dim3A_202 : vector<128x1xf32> to vector<128x2048xf32>
    %eq3A_210 = arith.cmpf oeq, %convert_element_type3A, %eq3A_209 : vector<128x2048xf32>
    %jit3A_211 = arith.constant -3.000000e+38 : f32
    %broadcast_in_dim3A_212 = vector.broadcast %jit3A_211 : f32 to vector<128x2048xf32>
    %select_n3A_213 = arith.select %eq3A_210, %broadcast_in_dim3A_212, %select_n3A_191 : vector<128x2048xi1>, vector<128x2048xf32>
    %reduce_max3A_214 = arith.constant dense<0xFF800000> : vector<128xf32>
    %reduce_max3A_215 = vector.multi_reduction <maximumf>, %select_n3A_213, %reduce_max3A_214 [1] : vector<128x2048xf32> to vector<128xf32>
    %broadcast_in_dim3A_216 = vector.shape_cast %reduce_max3A_215 : vector<128xf32> to vector<128x1xf32>
    %ge3A_217 = vector.broadcast %broadcast_in_dim3A_216 : vector<128x1xf32> to vector<128x2048xf32>
    %ge3A_218 = arith.cmpf oge, %select_n3A_213, %ge3A_217 : vector<128x2048xf32>
    %jit3A_219 = arith.constant 4.096000e+03 : f32
    %broadcast_in_dim3A_220 = vector.broadcast %jit3A_219 : f32 to vector<128x2048xf32>
    %select_n3A_221 = arith.select %ge3A_218, %convert_element_type3A, %broadcast_in_dim3A_220 : vector<128x2048xi1>, vector<128x2048xf32>
    %reduce_min3A_222 = arith.constant dense<0x7F800000> : vector<128xf32>
    %reduce_min3A_223 = vector.multi_reduction <minimumf>, %select_n3A_221, %reduce_min3A_222 [1] : vector<128x2048xf32> to vector<128xf32>
    %broadcast_in_dim3A_224 = vector.shape_cast %reduce_min3A_223 : vector<128xf32> to vector<128x1xf32>
    %eq3A_225 = arith.constant 9 : i32
    %eq3A_226 = vector.broadcast %eq3A_225 : i32 to vector<128x20xi32>
    %eq3A_227 = arith.cmpi eq, %iota3A_19, %eq3A_226 : vector<128x20xi32>
    %broadcast_in_dim3A_228 = vector.shape_cast %broadcast_in_dim3A_224 : vector<128x1xf32> to vector<128x1xf32>
    %broadcast_in_dim3A_229 = vector.broadcast %broadcast_in_dim3A_228 : vector<128x1xf32> to vector<128x20xf32>
    %select_n3A_230 = arith.select %eq3A_227, %broadcast_in_dim3A_229, %select_n3A_208 : vector<128x20xi1>, vector<128x20xf32>
    %eq3A_231 = vector.broadcast %broadcast_in_dim3A_224 : vector<128x1xf32> to vector<128x2048xf32>
    %eq3A_232 = arith.cmpf oeq, %convert_element_type3A, %eq3A_231 : vector<128x2048xf32>
    %jit3A_233 = arith.constant -3.000000e+38 : f32
    %broadcast_in_dim3A_234 = vector.broadcast %jit3A_233 : f32 to vector<128x2048xf32>
    %select_n3A_235 = arith.select %eq3A_232, %broadcast_in_dim3A_234, %select_n3A_213 : vector<128x2048xi1>, vector<128x2048xf32>
    %reduce_max3A_236 = arith.constant dense<0xFF800000> : vector<128xf32>
    %reduce_max3A_237 = vector.multi_reduction <maximumf>, %select_n3A_235, %reduce_max3A_236 [1] : vector<128x2048xf32> to vector<128xf32>
    %broadcast_in_dim3A_238 = vector.shape_cast %reduce_max3A_237 : vector<128xf32> to vector<128x1xf32>
    %ge3A_239 = vector.broadcast %broadcast_in_dim3A_238 : vector<128x1xf32> to vector<128x2048xf32>
    %ge3A_240 = arith.cmpf oge, %select_n3A_235, %ge3A_239 : vector<128x2048xf32>
    %jit3A_241 = arith.constant 4.096000e+03 : f32
    %broadcast_in_dim3A_242 = vector.broadcast %jit3A_241 : f32 to vector<128x2048xf32>
    %select_n3A_243 = arith.select %ge3A_240, %convert_element_type3A, %broadcast_in_dim3A_242 : vector<128x2048xi1>, vector<128x2048xf32>
    %reduce_min3A_244 = arith.constant dense<0x7F800000> : vector<128xf32>
    %reduce_min3A_245 = vector.multi_reduction <minimumf>, %select_n3A_243, %reduce_min3A_244 [1] : vector<128x2048xf32> to vector<128xf32>
    %broadcast_in_dim3A_246 = vector.shape_cast %reduce_min3A_245 : vector<128xf32> to vector<128x1xf32>
    %eq3A_247 = arith.constant 10 : i32
    %eq3A_248 = vector.broadcast %eq3A_247 : i32 to vector<128x20xi32>
    %eq3A_249 = arith.cmpi eq, %iota3A_19, %eq3A_248 : vector<128x20xi32>
    %broadcast_in_dim3A_250 = vector.shape_cast %broadcast_in_dim3A_246 : vector<128x1xf32> to vector<128x1xf32>
    %broadcast_in_dim3A_251 = vector.broadcast %broadcast_in_dim3A_250 : vector<128x1xf32> to vector<128x20xf32>
    %select_n3A_252 = arith.select %eq3A_249, %broadcast_in_dim3A_251, %select_n3A_230 : vector<128x20xi1>, vector<128x20xf32>
    %eq3A_253 = vector.broadcast %broadcast_in_dim3A_246 : vector<128x1xf32> to vector<128x2048xf32>
    %eq3A_254 = arith.cmpf oeq, %convert_element_type3A, %eq3A_253 : vector<128x2048xf32>
    %jit3A_255 = arith.constant -3.000000e+38 : f32
    %broadcast_in_dim3A_256 = vector.broadcast %jit3A_255 : f32 to vector<128x2048xf32>
    %select_n3A_257 = arith.select %eq3A_254, %broadcast_in_dim3A_256, %select_n3A_235 : vector<128x2048xi1>, vector<128x2048xf32>
    %reduce_max3A_258 = arith.constant dense<0xFF800000> : vector<128xf32>
    %reduce_max3A_259 = vector.multi_reduction <maximumf>, %select_n3A_257, %reduce_max3A_258 [1] : vector<128x2048xf32> to vector<128xf32>
    %broadcast_in_dim3A_260 = vector.shape_cast %reduce_max3A_259 : vector<128xf32> to vector<128x1xf32>
    %ge3A_261 = vector.broadcast %broadcast_in_dim3A_260 : vector<128x1xf32> to vector<128x2048xf32>
    %ge3A_262 = arith.cmpf oge, %select_n3A_257, %ge3A_261 : vector<128x2048xf32>
    %jit3A_263 = arith.constant 4.096000e+03 : f32
    %broadcast_in_dim3A_264 = vector.broadcast %jit3A_263 : f32 to vector<128x2048xf32>
    %select_n3A_265 = arith.select %ge3A_262, %convert_element_type3A, %broadcast_in_dim3A_264 : vector<128x2048xi1>, vector<128x2048xf32>
    %reduce_min3A_266 = arith.constant dense<0x7F800000> : vector<128xf32>
    %reduce_min3A_267 = vector.multi_reduction <minimumf>, %select_n3A_265, %reduce_min3A_266 [1] : vector<128x2048xf32> to vector<128xf32>
    %broadcast_in_dim3A_268 = vector.shape_cast %reduce_min3A_267 : vector<128xf32> to vector<128x1xf32>
    %eq3A_269 = arith.constant 11 : i32
    %eq3A_270 = vector.broadcast %eq3A_269 : i32 to vector<128x20xi32>
    %eq3A_271 = arith.cmpi eq, %iota3A_19, %eq3A_270 : vector<128x20xi32>
    %broadcast_in_dim3A_272 = vector.shape_cast %broadcast_in_dim3A_268 : vector<128x1xf32> to vector<128x1xf32>
    %broadcast_in_dim3A_273 = vector.broadcast %broadcast_in_dim3A_272 : vector<128x1xf32> to vector<128x20xf32>
    %select_n3A_274 = arith.select %eq3A_271, %broadcast_in_dim3A_273, %select_n3A_252 : vector<128x20xi1>, vector<128x20xf32>
    %eq3A_275 = vector.broadcast %broadcast_in_dim3A_268 : vector<128x1xf32> to vector<128x2048xf32>
    %eq3A_276 = arith.cmpf oeq, %convert_element_type3A, %eq3A_275 : vector<128x2048xf32>
    %jit3A_277 = arith.constant -3.000000e+38 : f32
    %broadcast_in_dim3A_278 = vector.broadcast %jit3A_277 : f32 to vector<128x2048xf32>
    %select_n3A_279 = arith.select %eq3A_276, %broadcast_in_dim3A_278, %select_n3A_257 : vector<128x2048xi1>, vector<128x2048xf32>
    %reduce_max3A_280 = arith.constant dense<0xFF800000> : vector<128xf32>
    %reduce_max3A_281 = vector.multi_reduction <maximumf>, %select_n3A_279, %reduce_max3A_280 [1] : vector<128x2048xf32> to vector<128xf32>
    %broadcast_in_dim3A_282 = vector.shape_cast %reduce_max3A_281 : vector<128xf32> to vector<128x1xf32>
    %ge3A_283 = vector.broadcast %broadcast_in_dim3A_282 : vector<128x1xf32> to vector<128x2048xf32>
    %ge3A_284 = arith.cmpf oge, %select_n3A_279, %ge3A_283 : vector<128x2048xf32>
    %jit3A_285 = arith.constant 4.096000e+03 : f32
    %broadcast_in_dim3A_286 = vector.broadcast %jit3A_285 : f32 to vector<128x2048xf32>
    %select_n3A_287 = arith.select %ge3A_284, %convert_element_type3A, %broadcast_in_dim3A_286 : vector<128x2048xi1>, vector<128x2048xf32>
    %reduce_min3A_288 = arith.constant dense<0x7F800000> : vector<128xf32>
    %reduce_min3A_289 = vector.multi_reduction <minimumf>, %select_n3A_287, %reduce_min3A_288 [1] : vector<128x2048xf32> to vector<128xf32>
    %broadcast_in_dim3A_290 = vector.shape_cast %reduce_min3A_289 : vector<128xf32> to vector<128x1xf32>
    %eq3A_291 = arith.constant 12 : i32
    %eq3A_292 = vector.broadcast %eq3A_291 : i32 to vector<128x20xi32>
    %eq3A_293 = arith.cmpi eq, %iota3A_19, %eq3A_292 : vector<128x20xi32>
    %broadcast_in_dim3A_294 = vector.shape_cast %broadcast_in_dim3A_290 : vector<128x1xf32> to vector<128x1xf32>
    %broadcast_in_dim3A_295 = vector.broadcast %broadcast_in_dim3A_294 : vector<128x1xf32> to vector<128x20xf32>
    %select_n3A_296 = arith.select %eq3A_293, %broadcast_in_dim3A_295, %select_n3A_274 : vector<128x20xi1>, vector<128x20xf32>
    %eq3A_297 = vector.broadcast %broadcast_in_dim3A_290 : vector<128x1xf32> to vector<128x2048xf32>
    %eq3A_298 = arith.cmpf oeq, %convert_element_type3A, %eq3A_297 : vector<128x2048xf32>
    %jit3A_299 = arith.constant -3.000000e+38 : f32
    %broadcast_in_dim3A_300 = vector.broadcast %jit3A_299 : f32 to vector<128x2048xf32>
    %select_n3A_301 = arith.select %eq3A_298, %broadcast_in_dim3A_300, %select_n3A_279 : vector<128x2048xi1>, vector<128x2048xf32>
    %reduce_max3A_302 = arith.constant dense<0xFF800000> : vector<128xf32>
    %reduce_max3A_303 = vector.multi_reduction <maximumf>, %select_n3A_301, %reduce_max3A_302 [1] : vector<128x2048xf32> to vector<128xf32>
    %broadcast_in_dim3A_304 = vector.shape_cast %reduce_max3A_303 : vector<128xf32> to vector<128x1xf32>
    %ge3A_305 = vector.broadcast %broadcast_in_dim3A_304 : vector<128x1xf32> to vector<128x2048xf32>
    %ge3A_306 = arith.cmpf oge, %select_n3A_301, %ge3A_305 : vector<128x2048xf32>
    %jit3A_307 = arith.constant 4.096000e+03 : f32
    %broadcast_in_dim3A_308 = vector.broadcast %jit3A_307 : f32 to vector<128x2048xf32>
    %select_n3A_309 = arith.select %ge3A_306, %convert_element_type3A, %broadcast_in_dim3A_308 : vector<128x2048xi1>, vector<128x2048xf32>
    %reduce_min3A_310 = arith.constant dense<0x7F800000> : vector<128xf32>
    %reduce_min3A_311 = vector.multi_reduction <minimumf>, %select_n3A_309, %reduce_min3A_310 [1] : vector<128x2048xf32> to vector<128xf32>
    %broadcast_in_dim3A_312 = vector.shape_cast %reduce_min3A_311 : vector<128xf32> to vector<128x1xf32>
    %eq3A_313 = arith.constant 13 : i32
    %eq3A_314 = vector.broadcast %eq3A_313 : i32 to vector<128x20xi32>
    %eq3A_315 = arith.cmpi eq, %iota3A_19, %eq3A_314 : vector<128x20xi32>
    %broadcast_in_dim3A_316 = vector.shape_cast %broadcast_in_dim3A_312 : vector<128x1xf32> to vector<128x1xf32>
    %broadcast_in_dim3A_317 = vector.broadcast %broadcast_in_dim3A_316 : vector<128x1xf32> to vector<128x20xf32>
    %select_n3A_318 = arith.select %eq3A_315, %broadcast_in_dim3A_317, %select_n3A_296 : vector<128x20xi1>, vector<128x20xf32>
    %eq3A_319 = vector.broadcast %broadcast_in_dim3A_312 : vector<128x1xf32> to vector<128x2048xf32>
    %eq3A_320 = arith.cmpf oeq, %convert_element_type3A, %eq3A_319 : vector<128x2048xf32>
    %jit3A_321 = arith.constant -3.000000e+38 : f32
    %broadcast_in_dim3A_322 = vector.broadcast %jit3A_321 : f32 to vector<128x2048xf32>
    %select_n3A_323 = arith.select %eq3A_320, %broadcast_in_dim3A_322, %select_n3A_301 : vector<128x2048xi1>, vector<128x2048xf32>
    %reduce_max3A_324 = arith.constant dense<0xFF800000> : vector<128xf32>
    %reduce_max3A_325 = vector.multi_reduction <maximumf>, %select_n3A_323, %reduce_max3A_324 [1] : vector<128x2048xf32> to vector<128xf32>
    %broadcast_in_dim3A_326 = vector.shape_cast %reduce_max3A_325 : vector<128xf32> to vector<128x1xf32>
    %ge3A_327 = vector.broadcast %broadcast_in_dim3A_326 : vector<128x1xf32> to vector<128x2048xf32>
    %ge3A_328 = arith.cmpf oge, %select_n3A_323, %ge3A_327 : vector<128x2048xf32>
    %jit3A_329 = arith.constant 4.096000e+03 : f32
    %broadcast_in_dim3A_330 = vector.broadcast %jit3A_329 : f32 to vector<128x2048xf32>
    %select_n3A_331 = arith.select %ge3A_328, %convert_element_type3A, %broadcast_in_dim3A_330 : vector<128x2048xi1>, vector<128x2048xf32>
    %reduce_min3A_332 = arith.constant dense<0x7F800000> : vector<128xf32>
    %reduce_min3A_333 = vector.multi_reduction <minimumf>, %select_n3A_331, %reduce_min3A_332 [1] : vector<128x2048xf32> to vector<128xf32>
    %broadcast_in_dim3A_334 = vector.shape_cast %reduce_min3A_333 : vector<128xf32> to vector<128x1xf32>
    %eq3A_335 = arith.constant 14 : i32
    %eq3A_336 = vector.broadcast %eq3A_335 : i32 to vector<128x20xi32>
    %eq3A_337 = arith.cmpi eq, %iota3A_19, %eq3A_336 : vector<128x20xi32>
    %broadcast_in_dim3A_338 = vector.shape_cast %broadcast_in_dim3A_334 : vector<128x1xf32> to vector<128x1xf32>
    %broadcast_in_dim3A_339 = vector.broadcast %broadcast_in_dim3A_338 : vector<128x1xf32> to vector<128x20xf32>
    %select_n3A_340 = arith.select %eq3A_337, %broadcast_in_dim3A_339, %select_n3A_318 : vector<128x20xi1>, vector<128x20xf32>
    %eq3A_341 = vector.broadcast %broadcast_in_dim3A_334 : vector<128x1xf32> to vector<128x2048xf32>
    %eq3A_342 = arith.cmpf oeq, %convert_element_type3A, %eq3A_341 : vector<128x2048xf32>
    %jit3A_343 = arith.constant -3.000000e+38 : f32
    %broadcast_in_dim3A_344 = vector.broadcast %jit3A_343 : f32 to vector<128x2048xf32>
    %select_n3A_345 = arith.select %eq3A_342, %broadcast_in_dim3A_344, %select_n3A_323 : vector<128x2048xi1>, vector<128x2048xf32>
    %reduce_max3A_346 = arith.constant dense<0xFF800000> : vector<128xf32>
    %reduce_max3A_347 = vector.multi_reduction <maximumf>, %select_n3A_345, %reduce_max3A_346 [1] : vector<128x2048xf32> to vector<128xf32>
    %broadcast_in_dim3A_348 = vector.shape_cast %reduce_max3A_347 : vector<128xf32> to vector<128x1xf32>
    %ge3A_349 = vector.broadcast %broadcast_in_dim3A_348 : vector<128x1xf32> to vector<128x2048xf32>
    %ge3A_350 = arith.cmpf oge, %select_n3A_345, %ge3A_349 : vector<128x2048xf32>
    %jit3A_351 = arith.constant 4.096000e+03 : f32
    %broadcast_in_dim3A_352 = vector.broadcast %jit3A_351 : f32 to vector<128x2048xf32>
    %select_n3A_353 = arith.select %ge3A_350, %convert_element_type3A, %broadcast_in_dim3A_352 : vector<128x2048xi1>, vector<128x2048xf32>
    %reduce_min3A_354 = arith.constant dense<0x7F800000> : vector<128xf32>
    %reduce_min3A_355 = vector.multi_reduction <minimumf>, %select_n3A_353, %reduce_min3A_354 [1] : vector<128x2048xf32> to vector<128xf32>
    %broadcast_in_dim3A_356 = vector.shape_cast %reduce_min3A_355 : vector<128xf32> to vector<128x1xf32>
    %eq3A_357 = arith.constant 15 : i32
    %eq3A_358 = vector.broadcast %eq3A_357 : i32 to vector<128x20xi32>
    %eq3A_359 = arith.cmpi eq, %iota3A_19, %eq3A_358 : vector<128x20xi32>
    %broadcast_in_dim3A_360 = vector.shape_cast %broadcast_in_dim3A_356 : vector<128x1xf32> to vector<128x1xf32>
    %broadcast_in_dim3A_361 = vector.broadcast %broadcast_in_dim3A_360 : vector<128x1xf32> to vector<128x20xf32>
    %select_n3A_362 = arith.select %eq3A_359, %broadcast_in_dim3A_361, %select_n3A_340 : vector<128x20xi1>, vector<128x20xf32>
    %eq3A_363 = vector.broadcast %broadcast_in_dim3A_356 : vector<128x1xf32> to vector<128x2048xf32>
    %eq3A_364 = arith.cmpf oeq, %convert_element_type3A, %eq3A_363 : vector<128x2048xf32>
    %jit3A_365 = arith.constant -3.000000e+38 : f32
    %broadcast_in_dim3A_366 = vector.broadcast %jit3A_365 : f32 to vector<128x2048xf32>
    %select_n3A_367 = arith.select %eq3A_364, %broadcast_in_dim3A_366, %select_n3A_345 : vector<128x2048xi1>, vector<128x2048xf32>
    %reduce_max3A_368 = arith.constant dense<0xFF800000> : vector<128xf32>
    %reduce_max3A_369 = vector.multi_reduction <maximumf>, %select_n3A_367, %reduce_max3A_368 [1] : vector<128x2048xf32> to vector<128xf32>
    %broadcast_in_dim3A_370 = vector.shape_cast %reduce_max3A_369 : vector<128xf32> to vector<128x1xf32>
    %ge3A_371 = vector.broadcast %broadcast_in_dim3A_370 : vector<128x1xf32> to vector<128x2048xf32>
    %ge3A_372 = arith.cmpf oge, %select_n3A_367, %ge3A_371 : vector<128x2048xf32>
    %jit3A_373 = arith.constant 4.096000e+03 : f32
    %broadcast_in_dim3A_374 = vector.broadcast %jit3A_373 : f32 to vector<128x2048xf32>
    %select_n3A_375 = arith.select %ge3A_372, %convert_element_type3A, %broadcast_in_dim3A_374 : vector<128x2048xi1>, vector<128x2048xf32>
    %reduce_min3A_376 = arith.constant dense<0x7F800000> : vector<128xf32>
    %reduce_min3A_377 = vector.multi_reduction <minimumf>, %select_n3A_375, %reduce_min3A_376 [1] : vector<128x2048xf32> to vector<128xf32>
    %broadcast_in_dim3A_378 = vector.shape_cast %reduce_min3A_377 : vector<128xf32> to vector<128x1xf32>
    %eq3A_379 = arith.constant 16 : i32
    %eq3A_380 = vector.broadcast %eq3A_379 : i32 to vector<128x20xi32>
    %eq3A_381 = arith.cmpi eq, %iota3A_19, %eq3A_380 : vector<128x20xi32>
    %broadcast_in_dim3A_382 = vector.shape_cast %broadcast_in_dim3A_378 : vector<128x1xf32> to vector<128x1xf32>
    %broadcast_in_dim3A_383 = vector.broadcast %broadcast_in_dim3A_382 : vector<128x1xf32> to vector<128x20xf32>
    %select_n3A_384 = arith.select %eq3A_381, %broadcast_in_dim3A_383, %select_n3A_362 : vector<128x20xi1>, vector<128x20xf32>
    %eq3A_385 = vector.broadcast %broadcast_in_dim3A_378 : vector<128x1xf32> to vector<128x2048xf32>
    %eq3A_386 = arith.cmpf oeq, %convert_element_type3A, %eq3A_385 : vector<128x2048xf32>
    %jit3A_387 = arith.constant -3.000000e+38 : f32
    %broadcast_in_dim3A_388 = vector.broadcast %jit3A_387 : f32 to vector<128x2048xf32>
    %select_n3A_389 = arith.select %eq3A_386, %broadcast_in_dim3A_388, %select_n3A_367 : vector<128x2048xi1>, vector<128x2048xf32>
    %reduce_max3A_390 = arith.constant dense<0xFF800000> : vector<128xf32>
    %reduce_max3A_391 = vector.multi_reduction <maximumf>, %select_n3A_389, %reduce_max3A_390 [1] : vector<128x2048xf32> to vector<128xf32>
    %broadcast_in_dim3A_392 = vector.shape_cast %reduce_max3A_391 : vector<128xf32> to vector<128x1xf32>
    %ge3A_393 = vector.broadcast %broadcast_in_dim3A_392 : vector<128x1xf32> to vector<128x2048xf32>
    %ge3A_394 = arith.cmpf oge, %select_n3A_389, %ge3A_393 : vector<128x2048xf32>
    %jit3A_395 = arith.constant 4.096000e+03 : f32
    %broadcast_in_dim3A_396 = vector.broadcast %jit3A_395 : f32 to vector<128x2048xf32>
    %select_n3A_397 = arith.select %ge3A_394, %convert_element_type3A, %broadcast_in_dim3A_396 : vector<128x2048xi1>, vector<128x2048xf32>
    %reduce_min3A_398 = arith.constant dense<0x7F800000> : vector<128xf32>
    %reduce_min3A_399 = vector.multi_reduction <minimumf>, %select_n3A_397, %reduce_min3A_398 [1] : vector<128x2048xf32> to vector<128xf32>
    %broadcast_in_dim3A_400 = vector.shape_cast %reduce_min3A_399 : vector<128xf32> to vector<128x1xf32>
    %eq3A_401 = arith.constant 17 : i32
    %eq3A_402 = vector.broadcast %eq3A_401 : i32 to vector<128x20xi32>
    %eq3A_403 = arith.cmpi eq, %iota3A_19, %eq3A_402 : vector<128x20xi32>
    %broadcast_in_dim3A_404 = vector.shape_cast %broadcast_in_dim3A_400 : vector<128x1xf32> to vector<128x1xf32>
    %broadcast_in_dim3A_405 = vector.broadcast %broadcast_in_dim3A_404 : vector<128x1xf32> to vector<128x20xf32>
    %select_n3A_406 = arith.select %eq3A_403, %broadcast_in_dim3A_405, %select_n3A_384 : vector<128x20xi1>, vector<128x20xf32>
    %eq3A_407 = vector.broadcast %broadcast_in_dim3A_400 : vector<128x1xf32> to vector<128x2048xf32>
    %eq3A_408 = arith.cmpf oeq, %convert_element_type3A, %eq3A_407 : vector<128x2048xf32>
    %jit3A_409 = arith.constant -3.000000e+38 : f32
    %broadcast_in_dim3A_410 = vector.broadcast %jit3A_409 : f32 to vector<128x2048xf32>
    %select_n3A_411 = arith.select %eq3A_408, %broadcast_in_dim3A_410, %select_n3A_389 : vector<128x2048xi1>, vector<128x2048xf32>
    %reduce_max3A_412 = arith.constant dense<0xFF800000> : vector<128xf32>
    %reduce_max3A_413 = vector.multi_reduction <maximumf>, %select_n3A_411, %reduce_max3A_412 [1] : vector<128x2048xf32> to vector<128xf32>
    %broadcast_in_dim3A_414 = vector.shape_cast %reduce_max3A_413 : vector<128xf32> to vector<128x1xf32>
    %ge3A_415 = vector.broadcast %broadcast_in_dim3A_414 : vector<128x1xf32> to vector<128x2048xf32>
    %ge3A_416 = arith.cmpf oge, %select_n3A_411, %ge3A_415 : vector<128x2048xf32>
    %jit3A_417 = arith.constant 4.096000e+03 : f32
    %broadcast_in_dim3A_418 = vector.broadcast %jit3A_417 : f32 to vector<128x2048xf32>
    %select_n3A_419 = arith.select %ge3A_416, %convert_element_type3A, %broadcast_in_dim3A_418 : vector<128x2048xi1>, vector<128x2048xf32>
    %reduce_min3A_420 = arith.constant dense<0x7F800000> : vector<128xf32>
    %reduce_min3A_421 = vector.multi_reduction <minimumf>, %select_n3A_419, %reduce_min3A_420 [1] : vector<128x2048xf32> to vector<128xf32>
    %broadcast_in_dim3A_422 = vector.shape_cast %reduce_min3A_421 : vector<128xf32> to vector<128x1xf32>
    %eq3A_423 = arith.constant 18 : i32
    %eq3A_424 = vector.broadcast %eq3A_423 : i32 to vector<128x20xi32>
    %eq3A_425 = arith.cmpi eq, %iota3A_19, %eq3A_424 : vector<128x20xi32>
    %broadcast_in_dim3A_426 = vector.shape_cast %broadcast_in_dim3A_422 : vector<128x1xf32> to vector<128x1xf32>
    %broadcast_in_dim3A_427 = vector.broadcast %broadcast_in_dim3A_426 : vector<128x1xf32> to vector<128x20xf32>
    %select_n3A_428 = arith.select %eq3A_425, %broadcast_in_dim3A_427, %select_n3A_406 : vector<128x20xi1>, vector<128x20xf32>
    %eq3A_429 = vector.broadcast %broadcast_in_dim3A_422 : vector<128x1xf32> to vector<128x2048xf32>
    %eq3A_430 = arith.cmpf oeq, %convert_element_type3A, %eq3A_429 : vector<128x2048xf32>
    %jit3A_431 = arith.constant -3.000000e+38 : f32
    %broadcast_in_dim3A_432 = vector.broadcast %jit3A_431 : f32 to vector<128x2048xf32>
    %select_n3A_433 = arith.select %eq3A_430, %broadcast_in_dim3A_432, %select_n3A_411 : vector<128x2048xi1>, vector<128x2048xf32>
    %reduce_max3A_434 = arith.constant dense<0xFF800000> : vector<128xf32>
    %reduce_max3A_435 = vector.multi_reduction <maximumf>, %select_n3A_433, %reduce_max3A_434 [1] : vector<128x2048xf32> to vector<128xf32>
    %broadcast_in_dim3A_436 = vector.shape_cast %reduce_max3A_435 : vector<128xf32> to vector<128x1xf32>
    %ge3A_437 = vector.broadcast %broadcast_in_dim3A_436 : vector<128x1xf32> to vector<128x2048xf32>
    %ge3A_438 = arith.cmpf oge, %select_n3A_433, %ge3A_437 : vector<128x2048xf32>
    %jit3A_439 = arith.constant 4.096000e+03 : f32
    %broadcast_in_dim3A_440 = vector.broadcast %jit3A_439 : f32 to vector<128x2048xf32>
    %select_n3A_441 = arith.select %ge3A_438, %convert_element_type3A, %broadcast_in_dim3A_440 : vector<128x2048xi1>, vector<128x2048xf32>
    %reduce_min3A_442 = arith.constant dense<0x7F800000> : vector<128xf32>
    %reduce_min3A_443 = vector.multi_reduction <minimumf>, %select_n3A_441, %reduce_min3A_442 [1] : vector<128x2048xf32> to vector<128xf32>
    %broadcast_in_dim3A_444 = vector.shape_cast %reduce_min3A_443 : vector<128xf32> to vector<128x1xf32>
    %eq3A_445 = arith.constant 19 : i32
    %eq3A_446 = vector.broadcast %eq3A_445 : i32 to vector<128x20xi32>
    %eq3A_447 = arith.cmpi eq, %iota3A_19, %eq3A_446 : vector<128x20xi32>
    %broadcast_in_dim3A_448 = vector.shape_cast %broadcast_in_dim3A_444 : vector<128x1xf32> to vector<128x1xf32>
    %broadcast_in_dim3A_449 = vector.broadcast %broadcast_in_dim3A_448 : vector<128x1xf32> to vector<128x20xf32>
    %select_n3A_450 = arith.select %eq3A_447, %broadcast_in_dim3A_449, %select_n3A_428 : vector<128x20xi1>, vector<128x20xf32>
    %convert_element_type3A_451 = arith.fptosi %select_n3A_450 : vector<128x20xf32> to vector<128x20xi32>
    %mul3A_452 = arith.constant 2048 : i32
    %mul3A_453 = arith.muli %arg0, %mul3A_452 : i32
    %add3A = vector.broadcast %mul3A_453 : i32 to vector<128x20xi32>
    %add3A_454 = arith.addi %convert_element_type3A_451, %add3A : vector<128x20xi32>
    %swap3A = arith.constant 0 : index
    %swap3A_455 = arith.constant 0 : index
    %swap3A_456 = vector.load %arg4[%swap3A, %swap3A_455] : memref<128x20xi32, #tpu.memory_space<vmem>>, vector<128x20xi32>
    tpu.vector_store %arg4[%swap3A, %swap3A_455], %add3A_454 {strides = array<i32>} : memref<128x20xi32, #tpu.memory_space<vmem>>, vector<128x20xi32>,
    return
  }
  func.func @transform_0(%arg0: i32, %arg1: i32) -> (i32, i32) {
    %mul3A = arith.constant 16 : i32
    %mul3A_0 = arith.muli %arg0, %mul3A : i32
    %add3A = arith.addi %mul3A_0, %arg1 : i32
    %c0_i32 = arith.constant 0 : i32
    %c0_i32_1 = arith.constant 0 : i32
    return %add3A, %c0_i32 : i32, i32
  }
  func.func @transform_1(%arg0: i32, %arg1: i32) -> (i32, i32, i32) {
    %c0_i32 = arith.constant 0 : i32
    %c0_i32_0 = arith.constant 0 : i32
    %c0_i32_1 = arith.constant 0 : i32
    return %arg0, %c0_i32, %c0_i32_0 : i32, i32, i32
  }
  func.func @transform_2(%arg0: i32, %arg1: i32) -> (i32, i32) {
    %mul3A = arith.constant 16 : i32
    %mul3A_0 = arith.muli %arg0, %mul3A : i32
    %add3A = arith.addi %mul3A_0, %arg1 : i32
    %c0_i32 = arith.constant 0 : i32
    %c0_i32_1 = arith.constant 0 : i32
    return %add3A, %c0_i32 : i32, i32
  }
}

module attributes {stable_mosaic.version = 14 : i64} {
  func.func @_edge_main_body(%arg0: i32, %arg1: memref<20x256x128xf32, #tpu.memory_space<vmem>>, %arg2: memref<256x128xf32, #tpu.memory_space<vmem>>, %arg3: memref<128x128xf32, #tpu.memory_space<vmem>>, %arg4: memref<128x128xf32, #tpu.memory_space<vmem>>, %arg5: memref<8x128xf32, #tpu.memory_space<vmem>>, %arg6: memref<8x128xf32, #tpu.memory_space<vmem>>, %arg7: memref<8x128xf32, #tpu.memory_space<vmem>>, %arg8: memref<128x256xf32, #tpu.memory_space<vmem>>, %arg9: memref<8x256xf32, #tpu.memory_space<vmem>>, %arg10: memref<256x256xf32, #tpu.memory_space<vmem>>, %arg11: memref<256x256xf32, #tpu.memory_space<vmem>>, %arg12: memref<8x256xf32, #tpu.memory_space<vmem>>, %arg13: memref<8x256xf32, #tpu.memory_space<vmem>>) attributes {dimension_semantics = [#tpu.dimension_semantics<arbitrary>], iteration_bounds = array<i64: 64>, scalar_prefetch = 0 : i64, scratch_operands = 0 : i64, tpu.core_type = #tpu.core_type<tc>, window_params = [{transform_indices = @transform_0, window_bounds = array<i64: 20, 256, 128>}, {transform_indices = @transform_1, window_bounds = array<i64: 256, 128>}, {pipeline_mode = #tpu.pipeline_mode<synchronous>, transform_indices = @transform_2, window_bounds = array<i64: 128, 128>}, {pipeline_mode = #tpu.pipeline_mode<synchronous>, transform_indices = @transform_3, window_bounds = array<i64: 128, 128>}, {pipeline_mode = #tpu.pipeline_mode<synchronous>, transform_indices = @transform_4, window_bounds = array<i64: 8, 128>}, {pipeline_mode = #tpu.pipeline_mode<synchronous>, transform_indices = @transform_5, window_bounds = array<i64: 8, 128>}, {pipeline_mode = #tpu.pipeline_mode<synchronous>, transform_indices = @transform_6, window_bounds = array<i64: 8, 128>}, {pipeline_mode = #tpu.pipeline_mode<synchronous>, transform_indices = @transform_7, window_bounds = array<i64: 128, 256>}, {pipeline_mode = #tpu.pipeline_mode<synchronous>, transform_indices = @transform_8, window_bounds = array<i64: 8, 256>}, {transform_indices = @transform_9, window_bounds = array<i64: 256, 256>}, {transform_indices = @transform_10, window_bounds = array<i64: 256, 256>}, {pipeline_mode = #tpu.pipeline_mode<synchronous>, transform_indices = @transform_11, window_bounds = array<i64: 8, 256>}, {pipeline_mode = #tpu.pipeline_mode<synchronous>, transform_indices = @transform_12, window_bounds = array<i64: 8, 256>}]} {
    %get3A = arith.constant 0 : index
    %get3A_0 = arith.constant 0 : index
    %get3A_1 = vector.load %arg2[%get3A, %get3A_0] : memref<256x128xf32, #tpu.memory_space<vmem>>, vector<256x128xf32>
    %get3A_2 = arith.constant 0 : index
    %get3A_3 = arith.constant 0 : index
    %get3A_4 = vector.load %arg3[%get3A_2, %get3A_3] : memref<128x128xf32, #tpu.memory_space<vmem>>, vector<128x128xf32>
    %get3A_5 = arith.constant 0 : index
    %get3A_6 = arith.constant 0 : index
    %get3A_7 = vector.load %arg4[%get3A_5, %get3A_6] : memref<128x128xf32, #tpu.memory_space<vmem>>, vector<128x128xf32>
    %dot_general3A = arith.constant dense<0.000000e+00> : vector<256x128xf32>
    %dot_general3A_8 = tpu.matmul %get3A_1, %get3A_7, %dot_general3A {dimension_numbers = #tpu.dot_dimension_numbers<[1], [0], [0], [1], [0, 0, 1, 1], [], []>, transpose_lhs_hint = false} : vector<256x128xf32>, vector<128x128xf32>, vector<256x128xf32> -> vector<256x128xf32>
    %get3A_9 = arith.constant 0 : index
    %get3A_10 = arith.constant 0 : index
    %get3A_11 = vector.load %arg5[%get3A_9, %get3A_10] : memref<8x128xf32, #tpu.memory_space<vmem>>, vector<8x128xf32>
    %slice3A = vector.extract_strided_slice %get3A_11 {offsets = [0, 0], sizes = [1, 128], strides = [1, 1]} : vector<8x128xf32> to vector<1x128xf32>
    %add3A = vector.broadcast %slice3A : vector<1x128xf32> to vector<256x128xf32>
    %add3A_12 = arith.addf %dot_general3A_8, %add3A : vector<256x128xf32>
    %get3A_13 = arith.constant 0 : index
    %get3A_14 = arith.constant 0 : index
    %get3A_15 = vector.load %arg6[%get3A_13, %get3A_14] : memref<8x128xf32, #tpu.memory_space<vmem>>, vector<8x128xf32>
    %slice3A_16 = vector.extract_strided_slice %get3A_15 {offsets = [0, 0], sizes = [1, 128], strides = [1, 1]} : vector<8x128xf32> to vector<1x128xf32>
    %get3A_17 = arith.constant 0 : index
    %get3A_18 = arith.constant 0 : index
    %get3A_19 = vector.load %arg7[%get3A_17, %get3A_18] : memref<8x128xf32, #tpu.memory_space<vmem>>, vector<8x128xf32>
    %slice3A_20 = vector.extract_strided_slice %get3A_19 {offsets = [0, 0], sizes = [1, 128], strides = [1, 1]} : vector<8x128xf32> to vector<1x128xf32>
    %get3A_21 = arith.constant 0 : index
    %get3A_22 = arith.constant 0 : index
    %get3A_23 = vector.load %arg9[%get3A_21, %get3A_22] : memref<8x256xf32, #tpu.memory_space<vmem>>, vector<8x256xf32>
    %slice3A_24 = vector.extract_strided_slice %get3A_23 {offsets = [0, 0], sizes = [1, 256], strides = [1, 1]} : vector<8x256xf32> to vector<1x256xf32>
    %get3A_25 = arith.constant 0 : index
    %get3A_26 = arith.constant 0 : index
    %get3A_27 = vector.load %arg8[%get3A_25, %get3A_26] : memref<128x256xf32, #tpu.memory_space<vmem>>, vector<128x256xf32>
    %eq3A = arith.constant 0 : i32
    %eq3A_28 = arith.cmpi eq, %arg0, %eq3A : i32
    %convert_element_type3A = arith.extui %eq3A_28 : i1 to i32
    %cond3A = arith.constant 0 : i32
    %cond3A_29 = arith.cmpi ne, %convert_element_type3A, %cond3A : i32
    scf.if %cond3A_29 {
      %broadcast_in_dim3A_747 = arith.constant 0.000000e+00 : f32
      %broadcast_in_dim3A_748 = vector.broadcast %broadcast_in_dim3A_747 : f32 to vector<8x256xf32>
      %swap3A_749 = arith.constant 0 : index
      %swap3A_750 = arith.constant 0 : index
      %swap3A_751 = vector.load %arg12[%swap3A_749, %swap3A_750] : memref<8x256xf32, #tpu.memory_space<vmem>>, vector<8x256xf32>
      tpu.vector_store %arg12[%swap3A_749, %swap3A_750], %broadcast_in_dim3A_748 {strides = array<i32>} : memref<8x256xf32, #tpu.memory_space<vmem>>, vector<8x256xf32>,
      %broadcast_in_dim3A_752 = arith.constant 0.000000e+00 : f32
      %broadcast_in_dim3A_753 = vector.broadcast %broadcast_in_dim3A_752 : f32 to vector<8x256xf32>
      %swap3A_754 = arith.constant 0 : index
      %swap3A_755 = arith.constant 0 : index
      %swap3A_756 = vector.load %arg13[%swap3A_754, %swap3A_755] : memref<8x256xf32, #tpu.memory_space<vmem>>, vector<8x256xf32>
      tpu.vector_store %arg13[%swap3A_754, %swap3A_755], %broadcast_in_dim3A_753 {strides = array<i32>} : memref<8x256xf32, #tpu.memory_space<vmem>>, vector<8x256xf32>,
    } else {
    }
    %broadcast_in_dim3A = arith.constant 0.000000e+00 : f32
    %broadcast_in_dim3A_30 = vector.broadcast %broadcast_in_dim3A : f32 to vector<1x256xf32>
    %broadcast_in_dim3A_31 = arith.constant 0.000000e+00 : f32
    %broadcast_in_dim3A_32 = vector.broadcast %broadcast_in_dim3A_31 : f32 to vector<1x256xf32>
    %get3A_33 = arith.constant 0 : index
    %get3A_34 = arith.constant 0 : index
    %get3A_35 = arith.constant 0 : index
    %get3A_36 = vector.load %arg1[%get3A_33, %get3A_34, %get3A_35] : memref<20x256x128xf32, #tpu.memory_space<vmem>>, vector<1x256x128xf32>
    %get3A_37 = vector.shape_cast %get3A_36 : vector<1x256x128xf32> to vector<256x128xf32>
    %sub3A = arith.subf %get3A_37, %get3A_1 : vector<256x128xf32>
    %dot_general3A_38 = arith.constant dense<0.000000e+00> : vector<256x128xf32>
    %dot_general3A_39 = tpu.matmul %sub3A, %get3A_4, %dot_general3A_38 {dimension_numbers = #tpu.dot_dimension_numbers<[1], [0], [0], [1], [0, 0, 1, 1], [], []>, transpose_lhs_hint = false} : vector<256x128xf32>, vector<128x128xf32>, vector<256x128xf32> -> vector<256x128xf32>
    %add3A_40 = arith.addf %dot_general3A_39, %add3A_12 : vector<256x128xf32>
    %mul3A = vector.broadcast %slice3A_16 : vector<1x128xf32> to vector<256x128xf32>
    %mul3A_41 = arith.mulf %add3A_40, %mul3A : vector<256x128xf32>
    %add3A_42 = vector.broadcast %slice3A_20 : vector<1x128xf32> to vector<256x128xf32>
    %add3A_43 = arith.addf %mul3A_41, %add3A_42 : vector<256x128xf32>
    %gt3A = arith.constant 0.000000e+00 : f32
    %gt3A_44 = vector.broadcast %gt3A : f32 to vector<256x128xf32>
    %gt3A_45 = arith.cmpf ogt, %add3A_43, %gt3A_44 : vector<256x128xf32>
    %mul3A_46 = arith.constant 2.000000e-01 : f32
    %mul3A_47 = vector.broadcast %mul3A_46 : f32 to vector<256x128xf32>
    %mul3A_48 = arith.mulf %mul3A_47, %add3A_43 : vector<256x128xf32>
    %select_n3A = arith.select %gt3A_45, %add3A_43, %mul3A_48 : vector<256x128xi1>, vector<256x128xf32>
    %dot_general3A_49 = arith.constant dense<0.000000e+00> : vector<256x256xf32>
    %dot_general3A_50 = tpu.matmul %select_n3A, %get3A_27, %dot_general3A_49 {dimension_numbers = #tpu.dot_dimension_numbers<[1], [0], [0], [1], [0, 0, 1, 1], [], []>, transpose_lhs_hint = false} : vector<256x128xf32>, vector<128x256xf32>, vector<256x256xf32> -> vector<256x256xf32>
    %add3A_51 = vector.broadcast %slice3A_24 : vector<1x256xf32> to vector<256x256xf32>
    %add3A_52 = arith.addf %dot_general3A_50, %add3A_51 : vector<256x256xf32>
    %reduce_sum3A = arith.constant dense<0.000000e+00> : vector<256xf32>
    %reduce_sum3A_53 = vector.multi_reduction <add>, %add3A_52, %reduce_sum3A [0] : vector<256x256xf32> to vector<256xf32>
    %broadcast_in_dim3A_54 = vector.shape_cast %reduce_sum3A_53 : vector<256xf32> to vector<1x256xf32>
    %add3A_55 = arith.addf %broadcast_in_dim3A_30, %broadcast_in_dim3A_54 : vector<1x256xf32>
    %mul3A_56 = arith.mulf %add3A_52, %add3A_52 : vector<256x256xf32>
    %reduce_sum3A_57 = arith.constant dense<0.000000e+00> : vector<256xf32>
    %reduce_sum3A_58 = vector.multi_reduction <add>, %mul3A_56, %reduce_sum3A_57 [0] : vector<256x256xf32> to vector<256xf32>
    %broadcast_in_dim3A_59 = vector.shape_cast %reduce_sum3A_58 : vector<256xf32> to vector<1x256xf32>
    %add3A_60 = arith.addf %broadcast_in_dim3A_32, %broadcast_in_dim3A_59 : vector<1x256xf32>
    %get3A_61 = arith.constant 1 : index
    %get3A_62 = arith.constant 0 : index
    %get3A_63 = arith.constant 0 : index
    %get3A_64 = vector.load %arg1[%get3A_61, %get3A_62, %get3A_63] : memref<20x256x128xf32, #tpu.memory_space<vmem>>, vector<1x256x128xf32>
    %get3A_65 = vector.shape_cast %get3A_64 : vector<1x256x128xf32> to vector<256x128xf32>
    %sub3A_66 = arith.subf %get3A_65, %get3A_1 : vector<256x128xf32>
    %dot_general3A_67 = arith.constant dense<0.000000e+00> : vector<256x128xf32>
    %dot_general3A_68 = tpu.matmul %sub3A_66, %get3A_4, %dot_general3A_67 {dimension_numbers = #tpu.dot_dimension_numbers<[1], [0], [0], [1], [0, 0, 1, 1], [], []>, transpose_lhs_hint = false} : vector<256x128xf32>, vector<128x128xf32>, vector<256x128xf32> -> vector<256x128xf32>
    %add3A_69 = arith.addf %dot_general3A_68, %add3A_12 : vector<256x128xf32>
    %mul3A_70 = vector.broadcast %slice3A_16 : vector<1x128xf32> to vector<256x128xf32>
    %mul3A_71 = arith.mulf %add3A_69, %mul3A_70 : vector<256x128xf32>
    %add3A_72 = vector.broadcast %slice3A_20 : vector<1x128xf32> to vector<256x128xf32>
    %add3A_73 = arith.addf %mul3A_71, %add3A_72 : vector<256x128xf32>
    %gt3A_74 = arith.constant 0.000000e+00 : f32
    %gt3A_75 = vector.broadcast %gt3A_74 : f32 to vector<256x128xf32>
    %gt3A_76 = arith.cmpf ogt, %add3A_73, %gt3A_75 : vector<256x128xf32>
    %mul3A_77 = arith.constant 2.000000e-01 : f32
    %mul3A_78 = vector.broadcast %mul3A_77 : f32 to vector<256x128xf32>
    %mul3A_79 = arith.mulf %mul3A_78, %add3A_73 : vector<256x128xf32>
    %select_n3A_80 = arith.select %gt3A_76, %add3A_73, %mul3A_79 : vector<256x128xi1>, vector<256x128xf32>
    %dot_general3A_81 = arith.constant dense<0.000000e+00> : vector<256x256xf32>
    %dot_general3A_82 = tpu.matmul %select_n3A_80, %get3A_27, %dot_general3A_81 {dimension_numbers = #tpu.dot_dimension_numbers<[1], [0], [0], [1], [0, 0, 1, 1], [], []>, transpose_lhs_hint = false} : vector<256x128xf32>, vector<128x256xf32>, vector<256x256xf32> -> vector<256x256xf32>
    %add3A_83 = vector.broadcast %slice3A_24 : vector<1x256xf32> to vector<256x256xf32>
    %add3A_84 = arith.addf %dot_general3A_82, %add3A_83 : vector<256x256xf32>
    %reduce_sum3A_85 = arith.constant dense<0.000000e+00> : vector<256xf32>
    %reduce_sum3A_86 = vector.multi_reduction <add>, %add3A_84, %reduce_sum3A_85 [0] : vector<256x256xf32> to vector<256xf32>
    %broadcast_in_dim3A_87 = vector.shape_cast %reduce_sum3A_86 : vector<256xf32> to vector<1x256xf32>
    %add3A_88 = arith.addf %add3A_55, %broadcast_in_dim3A_87 : vector<1x256xf32>
    %mul3A_89 = arith.mulf %add3A_84, %add3A_84 : vector<256x256xf32>
    %reduce_sum3A_90 = arith.constant dense<0.000000e+00> : vector<256xf32>
    %reduce_sum3A_91 = vector.multi_reduction <add>, %mul3A_89, %reduce_sum3A_90 [0] : vector<256x256xf32> to vector<256xf32>
    %broadcast_in_dim3A_92 = vector.shape_cast %reduce_sum3A_91 : vector<256xf32> to vector<1x256xf32>
    %add3A_93 = arith.addf %add3A_60, %broadcast_in_dim3A_92 : vector<1x256xf32>
    %max3A = arith.maximumf %add3A_52, %add3A_84 : vector<256x256xf32>
    %min3A = arith.minimumf %add3A_52, %add3A_84 : vector<256x256xf32>
    %get3A_94 = arith.constant 2 : index
    %get3A_95 = arith.constant 0 : index
    %get3A_96 = arith.constant 0 : index
    %get3A_97 = vector.load %arg1[%get3A_94, %get3A_95, %get3A_96] : memref<20x256x128xf32, #tpu.memory_space<vmem>>, vector<1x256x128xf32>
    %get3A_98 = vector.shape_cast %get3A_97 : vector<1x256x128xf32> to vector<256x128xf32>
    %sub3A_99 = arith.subf %get3A_98, %get3A_1 : vector<256x128xf32>
    %dot_general3A_100 = arith.constant dense<0.000000e+00> : vector<256x128xf32>
    %dot_general3A_101 = tpu.matmul %sub3A_99, %get3A_4, %dot_general3A_100 {dimension_numbers = #tpu.dot_dimension_numbers<[1], [0], [0], [1], [0, 0, 1, 1], [], []>, transpose_lhs_hint = false} : vector<256x128xf32>, vector<128x128xf32>, vector<256x128xf32> -> vector<256x128xf32>
    %add3A_102 = arith.addf %dot_general3A_101, %add3A_12 : vector<256x128xf32>
    %mul3A_103 = vector.broadcast %slice3A_16 : vector<1x128xf32> to vector<256x128xf32>
    %mul3A_104 = arith.mulf %add3A_102, %mul3A_103 : vector<256x128xf32>
    %add3A_105 = vector.broadcast %slice3A_20 : vector<1x128xf32> to vector<256x128xf32>
    %add3A_106 = arith.addf %mul3A_104, %add3A_105 : vector<256x128xf32>
    %gt3A_107 = arith.constant 0.000000e+00 : f32
    %gt3A_108 = vector.broadcast %gt3A_107 : f32 to vector<256x128xf32>
    %gt3A_109 = arith.cmpf ogt, %add3A_106, %gt3A_108 : vector<256x128xf32>
    %mul3A_110 = arith.constant 2.000000e-01 : f32
    %mul3A_111 = vector.broadcast %mul3A_110 : f32 to vector<256x128xf32>
    %mul3A_112 = arith.mulf %mul3A_111, %add3A_106 : vector<256x128xf32>
    %select_n3A_113 = arith.select %gt3A_109, %add3A_106, %mul3A_112 : vector<256x128xi1>, vector<256x128xf32>
    %dot_general3A_114 = arith.constant dense<0.000000e+00> : vector<256x256xf32>
    %dot_general3A_115 = tpu.matmul %select_n3A_113, %get3A_27, %dot_general3A_114 {dimension_numbers = #tpu.dot_dimension_numbers<[1], [0], [0], [1], [0, 0, 1, 1], [], []>, transpose_lhs_hint = false} : vector<256x128xf32>, vector<128x256xf32>, vector<256x256xf32> -> vector<256x256xf32>
    %add3A_116 = vector.broadcast %slice3A_24 : vector<1x256xf32> to vector<256x256xf32>
    %add3A_117 = arith.addf %dot_general3A_115, %add3A_116 : vector<256x256xf32>
    %reduce_sum3A_118 = arith.constant dense<0.000000e+00> : vector<256xf32>
    %reduce_sum3A_119 = vector.multi_reduction <add>, %add3A_117, %reduce_sum3A_118 [0] : vector<256x256xf32> to vector<256xf32>
    %broadcast_in_dim3A_120 = vector.shape_cast %reduce_sum3A_119 : vector<256xf32> to vector<1x256xf32>
    %add3A_121 = arith.addf %add3A_88, %broadcast_in_dim3A_120 : vector<1x256xf32>
    %mul3A_122 = arith.mulf %add3A_117, %add3A_117 : vector<256x256xf32>
    %reduce_sum3A_123 = arith.constant dense<0.000000e+00> : vector<256xf32>
    %reduce_sum3A_124 = vector.multi_reduction <add>, %mul3A_122, %reduce_sum3A_123 [0] : vector<256x256xf32> to vector<256xf32>
    %broadcast_in_dim3A_125 = vector.shape_cast %reduce_sum3A_124 : vector<256xf32> to vector<1x256xf32>
    %add3A_126 = arith.addf %add3A_93, %broadcast_in_dim3A_125 : vector<1x256xf32>
    %max3A_127 = arith.maximumf %max3A, %add3A_117 : vector<256x256xf32>
    %min3A_128 = arith.minimumf %min3A, %add3A_117 : vector<256x256xf32>
    %get3A_129 = arith.constant 3 : index
    %get3A_130 = arith.constant 0 : index
    %get3A_131 = arith.constant 0 : index
    %get3A_132 = vector.load %arg1[%get3A_129, %get3A_130, %get3A_131] : memref<20x256x128xf32, #tpu.memory_space<vmem>>, vector<1x256x128xf32>
    %get3A_133 = vector.shape_cast %get3A_132 : vector<1x256x128xf32> to vector<256x128xf32>
    %sub3A_134 = arith.subf %get3A_133, %get3A_1 : vector<256x128xf32>
    %dot_general3A_135 = arith.constant dense<0.000000e+00> : vector<256x128xf32>
    %dot_general3A_136 = tpu.matmul %sub3A_134, %get3A_4, %dot_general3A_135 {dimension_numbers = #tpu.dot_dimension_numbers<[1], [0], [0], [1], [0, 0, 1, 1], [], []>, transpose_lhs_hint = false} : vector<256x128xf32>, vector<128x128xf32>, vector<256x128xf32> -> vector<256x128xf32>
    %add3A_137 = arith.addf %dot_general3A_136, %add3A_12 : vector<256x128xf32>
    %mul3A_138 = vector.broadcast %slice3A_16 : vector<1x128xf32> to vector<256x128xf32>
    %mul3A_139 = arith.mulf %add3A_137, %mul3A_138 : vector<256x128xf32>
    %add3A_140 = vector.broadcast %slice3A_20 : vector<1x128xf32> to vector<256x128xf32>
    %add3A_141 = arith.addf %mul3A_139, %add3A_140 : vector<256x128xf32>
    %gt3A_142 = arith.constant 0.000000e+00 : f32
    %gt3A_143 = vector.broadcast %gt3A_142 : f32 to vector<256x128xf32>
    %gt3A_144 = arith.cmpf ogt, %add3A_141, %gt3A_143 : vector<256x128xf32>
    %mul3A_145 = arith.constant 2.000000e-01 : f32
    %mul3A_146 = vector.broadcast %mul3A_145 : f32 to vector<256x128xf32>
    %mul3A_147 = arith.mulf %mul3A_146, %add3A_141 : vector<256x128xf32>
    %select_n3A_148 = arith.select %gt3A_144, %add3A_141, %mul3A_147 : vector<256x128xi1>, vector<256x128xf32>
    %dot_general3A_149 = arith.constant dense<0.000000e+00> : vector<256x256xf32>
    %dot_general3A_150 = tpu.matmul %select_n3A_148, %get3A_27, %dot_general3A_149 {dimension_numbers = #tpu.dot_dimension_numbers<[1], [0], [0], [1], [0, 0, 1, 1], [], []>, transpose_lhs_hint = false} : vector<256x128xf32>, vector<128x256xf32>, vector<256x256xf32> -> vector<256x256xf32>
    %add3A_151 = vector.broadcast %slice3A_24 : vector<1x256xf32> to vector<256x256xf32>
    %add3A_152 = arith.addf %dot_general3A_150, %add3A_151 : vector<256x256xf32>
    %reduce_sum3A_153 = arith.constant dense<0.000000e+00> : vector<256xf32>
    %reduce_sum3A_154 = vector.multi_reduction <add>, %add3A_152, %reduce_sum3A_153 [0] : vector<256x256xf32> to vector<256xf32>
    %broadcast_in_dim3A_155 = vector.shape_cast %reduce_sum3A_154 : vector<256xf32> to vector<1x256xf32>
    %add3A_156 = arith.addf %add3A_121, %broadcast_in_dim3A_155 : vector<1x256xf32>
    %mul3A_157 = arith.mulf %add3A_152, %add3A_152 : vector<256x256xf32>
    %reduce_sum3A_158 = arith.constant dense<0.000000e+00> : vector<256xf32>
    %reduce_sum3A_159 = vector.multi_reduction <add>, %mul3A_157, %reduce_sum3A_158 [0] : vector<256x256xf32> to vector<256xf32>
    %broadcast_in_dim3A_160 = vector.shape_cast %reduce_sum3A_159 : vector<256xf32> to vector<1x256xf32>
    %add3A_161 = arith.addf %add3A_126, %broadcast_in_dim3A_160 : vector<1x256xf32>
    %max3A_162 = arith.maximumf %max3A_127, %add3A_152 : vector<256x256xf32>
    %min3A_163 = arith.minimumf %min3A_128, %add3A_152 : vector<256x256xf32>
    %get3A_164 = arith.constant 4 : index
    %get3A_165 = arith.constant 0 : index
    %get3A_166 = arith.constant 0 : index
    %get3A_167 = vector.load %arg1[%get3A_164, %get3A_165, %get3A_166] : memref<20x256x128xf32, #tpu.memory_space<vmem>>, vector<1x256x128xf32>
    %get3A_168 = vector.shape_cast %get3A_167 : vector<1x256x128xf32> to vector<256x128xf32>
    %sub3A_169 = arith.subf %get3A_168, %get3A_1 : vector<256x128xf32>
    %dot_general3A_170 = arith.constant dense<0.000000e+00> : vector<256x128xf32>
    %dot_general3A_171 = tpu.matmul %sub3A_169, %get3A_4, %dot_general3A_170 {dimension_numbers = #tpu.dot_dimension_numbers<[1], [0], [0], [1], [0, 0, 1, 1], [], []>, transpose_lhs_hint = false} : vector<256x128xf32>, vector<128x128xf32>, vector<256x128xf32> -> vector<256x128xf32>
    %add3A_172 = arith.addf %dot_general3A_171, %add3A_12 : vector<256x128xf32>
    %mul3A_173 = vector.broadcast %slice3A_16 : vector<1x128xf32> to vector<256x128xf32>
    %mul3A_174 = arith.mulf %add3A_172, %mul3A_173 : vector<256x128xf32>
    %add3A_175 = vector.broadcast %slice3A_20 : vector<1x128xf32> to vector<256x128xf32>
    %add3A_176 = arith.addf %mul3A_174, %add3A_175 : vector<256x128xf32>
    %gt3A_177 = arith.constant 0.000000e+00 : f32
    %gt3A_178 = vector.broadcast %gt3A_177 : f32 to vector<256x128xf32>
    %gt3A_179 = arith.cmpf ogt, %add3A_176, %gt3A_178 : vector<256x128xf32>
    %mul3A_180 = arith.constant 2.000000e-01 : f32
    %mul3A_181 = vector.broadcast %mul3A_180 : f32 to vector<256x128xf32>
    %mul3A_182 = arith.mulf %mul3A_181, %add3A_176 : vector<256x128xf32>
    %select_n3A_183 = arith.select %gt3A_179, %add3A_176, %mul3A_182 : vector<256x128xi1>, vector<256x128xf32>
    %dot_general3A_184 = arith.constant dense<0.000000e+00> : vector<256x256xf32>
    %dot_general3A_185 = tpu.matmul %select_n3A_183, %get3A_27, %dot_general3A_184 {dimension_numbers = #tpu.dot_dimension_numbers<[1], [0], [0], [1], [0, 0, 1, 1], [], []>, transpose_lhs_hint = false} : vector<256x128xf32>, vector<128x256xf32>, vector<256x256xf32> -> vector<256x256xf32>
    %add3A_186 = vector.broadcast %slice3A_24 : vector<1x256xf32> to vector<256x256xf32>
    %add3A_187 = arith.addf %dot_general3A_185, %add3A_186 : vector<256x256xf32>
    %reduce_sum3A_188 = arith.constant dense<0.000000e+00> : vector<256xf32>
    %reduce_sum3A_189 = vector.multi_reduction <add>, %add3A_187, %reduce_sum3A_188 [0] : vector<256x256xf32> to vector<256xf32>
    %broadcast_in_dim3A_190 = vector.shape_cast %reduce_sum3A_189 : vector<256xf32> to vector<1x256xf32>
    %add3A_191 = arith.addf %add3A_156, %broadcast_in_dim3A_190 : vector<1x256xf32>
    %mul3A_192 = arith.mulf %add3A_187, %add3A_187 : vector<256x256xf32>
    %reduce_sum3A_193 = arith.constant dense<0.000000e+00> : vector<256xf32>
    %reduce_sum3A_194 = vector.multi_reduction <add>, %mul3A_192, %reduce_sum3A_193 [0] : vector<256x256xf32> to vector<256xf32>
    %broadcast_in_dim3A_195 = vector.shape_cast %reduce_sum3A_194 : vector<256xf32> to vector<1x256xf32>
    %add3A_196 = arith.addf %add3A_161, %broadcast_in_dim3A_195 : vector<1x256xf32>
    %max3A_197 = arith.maximumf %max3A_162, %add3A_187 : vector<256x256xf32>
    %min3A_198 = arith.minimumf %min3A_163, %add3A_187 : vector<256x256xf32>
    %get3A_199 = arith.constant 5 : index
    %get3A_200 = arith.constant 0 : index
    %get3A_201 = arith.constant 0 : index
    %get3A_202 = vector.load %arg1[%get3A_199, %get3A_200, %get3A_201] : memref<20x256x128xf32, #tpu.memory_space<vmem>>, vector<1x256x128xf32>
    %get3A_203 = vector.shape_cast %get3A_202 : vector<1x256x128xf32> to vector<256x128xf32>
    %sub3A_204 = arith.subf %get3A_203, %get3A_1 : vector<256x128xf32>
    %dot_general3A_205 = arith.constant dense<0.000000e+00> : vector<256x128xf32>
    %dot_general3A_206 = tpu.matmul %sub3A_204, %get3A_4, %dot_general3A_205 {dimension_numbers = #tpu.dot_dimension_numbers<[1], [0], [0], [1], [0, 0, 1, 1], [], []>, transpose_lhs_hint = false} : vector<256x128xf32>, vector<128x128xf32>, vector<256x128xf32> -> vector<256x128xf32>
    %add3A_207 = arith.addf %dot_general3A_206, %add3A_12 : vector<256x128xf32>
    %mul3A_208 = vector.broadcast %slice3A_16 : vector<1x128xf32> to vector<256x128xf32>
    %mul3A_209 = arith.mulf %add3A_207, %mul3A_208 : vector<256x128xf32>
    %add3A_210 = vector.broadcast %slice3A_20 : vector<1x128xf32> to vector<256x128xf32>
    %add3A_211 = arith.addf %mul3A_209, %add3A_210 : vector<256x128xf32>
    %gt3A_212 = arith.constant 0.000000e+00 : f32
    %gt3A_213 = vector.broadcast %gt3A_212 : f32 to vector<256x128xf32>
    %gt3A_214 = arith.cmpf ogt, %add3A_211, %gt3A_213 : vector<256x128xf32>
    %mul3A_215 = arith.constant 2.000000e-01 : f32
    %mul3A_216 = vector.broadcast %mul3A_215 : f32 to vector<256x128xf32>
    %mul3A_217 = arith.mulf %mul3A_216, %add3A_211 : vector<256x128xf32>
    %select_n3A_218 = arith.select %gt3A_214, %add3A_211, %mul3A_217 : vector<256x128xi1>, vector<256x128xf32>
    %dot_general3A_219 = arith.constant dense<0.000000e+00> : vector<256x256xf32>
    %dot_general3A_220 = tpu.matmul %select_n3A_218, %get3A_27, %dot_general3A_219 {dimension_numbers = #tpu.dot_dimension_numbers<[1], [0], [0], [1], [0, 0, 1, 1], [], []>, transpose_lhs_hint = false} : vector<256x128xf32>, vector<128x256xf32>, vector<256x256xf32> -> vector<256x256xf32>
    %add3A_221 = vector.broadcast %slice3A_24 : vector<1x256xf32> to vector<256x256xf32>
    %add3A_222 = arith.addf %dot_general3A_220, %add3A_221 : vector<256x256xf32>
    %reduce_sum3A_223 = arith.constant dense<0.000000e+00> : vector<256xf32>
    %reduce_sum3A_224 = vector.multi_reduction <add>, %add3A_222, %reduce_sum3A_223 [0] : vector<256x256xf32> to vector<256xf32>
    %broadcast_in_dim3A_225 = vector.shape_cast %reduce_sum3A_224 : vector<256xf32> to vector<1x256xf32>
    %add3A_226 = arith.addf %add3A_191, %broadcast_in_dim3A_225 : vector<1x256xf32>
    %mul3A_227 = arith.mulf %add3A_222, %add3A_222 : vector<256x256xf32>
    %reduce_sum3A_228 = arith.constant dense<0.000000e+00> : vector<256xf32>
    %reduce_sum3A_229 = vector.multi_reduction <add>, %mul3A_227, %reduce_sum3A_228 [0] : vector<256x256xf32> to vector<256xf32>
    %broadcast_in_dim3A_230 = vector.shape_cast %reduce_sum3A_229 : vector<256xf32> to vector<1x256xf32>
    %add3A_231 = arith.addf %add3A_196, %broadcast_in_dim3A_230 : vector<1x256xf32>
    %max3A_232 = arith.maximumf %max3A_197, %add3A_222 : vector<256x256xf32>
    %min3A_233 = arith.minimumf %min3A_198, %add3A_222 : vector<256x256xf32>
    %get3A_234 = arith.constant 6 : index
    %get3A_235 = arith.constant 0 : index
    %get3A_236 = arith.constant 0 : index
    %get3A_237 = vector.load %arg1[%get3A_234, %get3A_235, %get3A_236] : memref<20x256x128xf32, #tpu.memory_space<vmem>>, vector<1x256x128xf32>
    %get3A_238 = vector.shape_cast %get3A_237 : vector<1x256x128xf32> to vector<256x128xf32>
    %sub3A_239 = arith.subf %get3A_238, %get3A_1 : vector<256x128xf32>
    %dot_general3A_240 = arith.constant dense<0.000000e+00> : vector<256x128xf32>
    %dot_general3A_241 = tpu.matmul %sub3A_239, %get3A_4, %dot_general3A_240 {dimension_numbers = #tpu.dot_dimension_numbers<[1], [0], [0], [1], [0, 0, 1, 1], [], []>, transpose_lhs_hint = false} : vector<256x128xf32>, vector<128x128xf32>, vector<256x128xf32> -> vector<256x128xf32>
    %add3A_242 = arith.addf %dot_general3A_241, %add3A_12 : vector<256x128xf32>
    %mul3A_243 = vector.broadcast %slice3A_16 : vector<1x128xf32> to vector<256x128xf32>
    %mul3A_244 = arith.mulf %add3A_242, %mul3A_243 : vector<256x128xf32>
    %add3A_245 = vector.broadcast %slice3A_20 : vector<1x128xf32> to vector<256x128xf32>
    %add3A_246 = arith.addf %mul3A_244, %add3A_245 : vector<256x128xf32>
    %gt3A_247 = arith.constant 0.000000e+00 : f32
    %gt3A_248 = vector.broadcast %gt3A_247 : f32 to vector<256x128xf32>
    %gt3A_249 = arith.cmpf ogt, %add3A_246, %gt3A_248 : vector<256x128xf32>
    %mul3A_250 = arith.constant 2.000000e-01 : f32
    %mul3A_251 = vector.broadcast %mul3A_250 : f32 to vector<256x128xf32>
    %mul3A_252 = arith.mulf %mul3A_251, %add3A_246 : vector<256x128xf32>
    %select_n3A_253 = arith.select %gt3A_249, %add3A_246, %mul3A_252 : vector<256x128xi1>, vector<256x128xf32>
    %dot_general3A_254 = arith.constant dense<0.000000e+00> : vector<256x256xf32>
    %dot_general3A_255 = tpu.matmul %select_n3A_253, %get3A_27, %dot_general3A_254 {dimension_numbers = #tpu.dot_dimension_numbers<[1], [0], [0], [1], [0, 0, 1, 1], [], []>, transpose_lhs_hint = false} : vector<256x128xf32>, vector<128x256xf32>, vector<256x256xf32> -> vector<256x256xf32>
    %add3A_256 = vector.broadcast %slice3A_24 : vector<1x256xf32> to vector<256x256xf32>
    %add3A_257 = arith.addf %dot_general3A_255, %add3A_256 : vector<256x256xf32>
    %reduce_sum3A_258 = arith.constant dense<0.000000e+00> : vector<256xf32>
    %reduce_sum3A_259 = vector.multi_reduction <add>, %add3A_257, %reduce_sum3A_258 [0] : vector<256x256xf32> to vector<256xf32>
    %broadcast_in_dim3A_260 = vector.shape_cast %reduce_sum3A_259 : vector<256xf32> to vector<1x256xf32>
    %add3A_261 = arith.addf %add3A_226, %broadcast_in_dim3A_260 : vector<1x256xf32>
    %mul3A_262 = arith.mulf %add3A_257, %add3A_257 : vector<256x256xf32>
    %reduce_sum3A_263 = arith.constant dense<0.000000e+00> : vector<256xf32>
    %reduce_sum3A_264 = vector.multi_reduction <add>, %mul3A_262, %reduce_sum3A_263 [0] : vector<256x256xf32> to vector<256xf32>
    %broadcast_in_dim3A_265 = vector.shape_cast %reduce_sum3A_264 : vector<256xf32> to vector<1x256xf32>
    %add3A_266 = arith.addf %add3A_231, %broadcast_in_dim3A_265 : vector<1x256xf32>
    %max3A_267 = arith.maximumf %max3A_232, %add3A_257 : vector<256x256xf32>
    %min3A_268 = arith.minimumf %min3A_233, %add3A_257 : vector<256x256xf32>
    %get3A_269 = arith.constant 7 : index
    %get3A_270 = arith.constant 0 : index
    %get3A_271 = arith.constant 0 : index
    %get3A_272 = vector.load %arg1[%get3A_269, %get3A_270, %get3A_271] : memref<20x256x128xf32, #tpu.memory_space<vmem>>, vector<1x256x128xf32>
    %get3A_273 = vector.shape_cast %get3A_272 : vector<1x256x128xf32> to vector<256x128xf32>
    %sub3A_274 = arith.subf %get3A_273, %get3A_1 : vector<256x128xf32>
    %dot_general3A_275 = arith.constant dense<0.000000e+00> : vector<256x128xf32>
    %dot_general3A_276 = tpu.matmul %sub3A_274, %get3A_4, %dot_general3A_275 {dimension_numbers = #tpu.dot_dimension_numbers<[1], [0], [0], [1], [0, 0, 1, 1], [], []>, transpose_lhs_hint = false} : vector<256x128xf32>, vector<128x128xf32>, vector<256x128xf32> -> vector<256x128xf32>
    %add3A_277 = arith.addf %dot_general3A_276, %add3A_12 : vector<256x128xf32>
    %mul3A_278 = vector.broadcast %slice3A_16 : vector<1x128xf32> to vector<256x128xf32>
    %mul3A_279 = arith.mulf %add3A_277, %mul3A_278 : vector<256x128xf32>
    %add3A_280 = vector.broadcast %slice3A_20 : vector<1x128xf32> to vector<256x128xf32>
    %add3A_281 = arith.addf %mul3A_279, %add3A_280 : vector<256x128xf32>
    %gt3A_282 = arith.constant 0.000000e+00 : f32
    %gt3A_283 = vector.broadcast %gt3A_282 : f32 to vector<256x128xf32>
    %gt3A_284 = arith.cmpf ogt, %add3A_281, %gt3A_283 : vector<256x128xf32>
    %mul3A_285 = arith.constant 2.000000e-01 : f32
    %mul3A_286 = vector.broadcast %mul3A_285 : f32 to vector<256x128xf32>
    %mul3A_287 = arith.mulf %mul3A_286, %add3A_281 : vector<256x128xf32>
    %select_n3A_288 = arith.select %gt3A_284, %add3A_281, %mul3A_287 : vector<256x128xi1>, vector<256x128xf32>
    %dot_general3A_289 = arith.constant dense<0.000000e+00> : vector<256x256xf32>
    %dot_general3A_290 = tpu.matmul %select_n3A_288, %get3A_27, %dot_general3A_289 {dimension_numbers = #tpu.dot_dimension_numbers<[1], [0], [0], [1], [0, 0, 1, 1], [], []>, transpose_lhs_hint = false} : vector<256x128xf32>, vector<128x256xf32>, vector<256x256xf32> -> vector<256x256xf32>
    %add3A_291 = vector.broadcast %slice3A_24 : vector<1x256xf32> to vector<256x256xf32>
    %add3A_292 = arith.addf %dot_general3A_290, %add3A_291 : vector<256x256xf32>
    %reduce_sum3A_293 = arith.constant dense<0.000000e+00> : vector<256xf32>
    %reduce_sum3A_294 = vector.multi_reduction <add>, %add3A_292, %reduce_sum3A_293 [0] : vector<256x256xf32> to vector<256xf32>
    %broadcast_in_dim3A_295 = vector.shape_cast %reduce_sum3A_294 : vector<256xf32> to vector<1x256xf32>
    %add3A_296 = arith.addf %add3A_261, %broadcast_in_dim3A_295 : vector<1x256xf32>
    %mul3A_297 = arith.mulf %add3A_292, %add3A_292 : vector<256x256xf32>
    %reduce_sum3A_298 = arith.constant dense<0.000000e+00> : vector<256xf32>
    %reduce_sum3A_299 = vector.multi_reduction <add>, %mul3A_297, %reduce_sum3A_298 [0] : vector<256x256xf32> to vector<256xf32>
    %broadcast_in_dim3A_300 = vector.shape_cast %reduce_sum3A_299 : vector<256xf32> to vector<1x256xf32>
    %add3A_301 = arith.addf %add3A_266, %broadcast_in_dim3A_300 : vector<1x256xf32>
    %max3A_302 = arith.maximumf %max3A_267, %add3A_292 : vector<256x256xf32>
    %min3A_303 = arith.minimumf %min3A_268, %add3A_292 : vector<256x256xf32>
    %get3A_304 = arith.constant 8 : index
    %get3A_305 = arith.constant 0 : index
    %get3A_306 = arith.constant 0 : index
    %get3A_307 = vector.load %arg1[%get3A_304, %get3A_305, %get3A_306] : memref<20x256x128xf32, #tpu.memory_space<vmem>>, vector<1x256x128xf32>
    %get3A_308 = vector.shape_cast %get3A_307 : vector<1x256x128xf32> to vector<256x128xf32>
    %sub3A_309 = arith.subf %get3A_308, %get3A_1 : vector<256x128xf32>
    %dot_general3A_310 = arith.constant dense<0.000000e+00> : vector<256x128xf32>
    %dot_general3A_311 = tpu.matmul %sub3A_309, %get3A_4, %dot_general3A_310 {dimension_numbers = #tpu.dot_dimension_numbers<[1], [0], [0], [1], [0, 0, 1, 1], [], []>, transpose_lhs_hint = false} : vector<256x128xf32>, vector<128x128xf32>, vector<256x128xf32> -> vector<256x128xf32>
    %add3A_312 = arith.addf %dot_general3A_311, %add3A_12 : vector<256x128xf32>
    %mul3A_313 = vector.broadcast %slice3A_16 : vector<1x128xf32> to vector<256x128xf32>
    %mul3A_314 = arith.mulf %add3A_312, %mul3A_313 : vector<256x128xf32>
    %add3A_315 = vector.broadcast %slice3A_20 : vector<1x128xf32> to vector<256x128xf32>
    %add3A_316 = arith.addf %mul3A_314, %add3A_315 : vector<256x128xf32>
    %gt3A_317 = arith.constant 0.000000e+00 : f32
    %gt3A_318 = vector.broadcast %gt3A_317 : f32 to vector<256x128xf32>
    %gt3A_319 = arith.cmpf ogt, %add3A_316, %gt3A_318 : vector<256x128xf32>
    %mul3A_320 = arith.constant 2.000000e-01 : f32
    %mul3A_321 = vector.broadcast %mul3A_320 : f32 to vector<256x128xf32>
    %mul3A_322 = arith.mulf %mul3A_321, %add3A_316 : vector<256x128xf32>
    %select_n3A_323 = arith.select %gt3A_319, %add3A_316, %mul3A_322 : vector<256x128xi1>, vector<256x128xf32>
    %dot_general3A_324 = arith.constant dense<0.000000e+00> : vector<256x256xf32>
    %dot_general3A_325 = tpu.matmul %select_n3A_323, %get3A_27, %dot_general3A_324 {dimension_numbers = #tpu.dot_dimension_numbers<[1], [0], [0], [1], [0, 0, 1, 1], [], []>, transpose_lhs_hint = false} : vector<256x128xf32>, vector<128x256xf32>, vector<256x256xf32> -> vector<256x256xf32>
    %add3A_326 = vector.broadcast %slice3A_24 : vector<1x256xf32> to vector<256x256xf32>
    %add3A_327 = arith.addf %dot_general3A_325, %add3A_326 : vector<256x256xf32>
    %reduce_sum3A_328 = arith.constant dense<0.000000e+00> : vector<256xf32>
    %reduce_sum3A_329 = vector.multi_reduction <add>, %add3A_327, %reduce_sum3A_328 [0] : vector<256x256xf32> to vector<256xf32>
    %broadcast_in_dim3A_330 = vector.shape_cast %reduce_sum3A_329 : vector<256xf32> to vector<1x256xf32>
    %add3A_331 = arith.addf %add3A_296, %broadcast_in_dim3A_330 : vector<1x256xf32>
    %mul3A_332 = arith.mulf %add3A_327, %add3A_327 : vector<256x256xf32>
    %reduce_sum3A_333 = arith.constant dense<0.000000e+00> : vector<256xf32>
    %reduce_sum3A_334 = vector.multi_reduction <add>, %mul3A_332, %reduce_sum3A_333 [0] : vector<256x256xf32> to vector<256xf32>
    %broadcast_in_dim3A_335 = vector.shape_cast %reduce_sum3A_334 : vector<256xf32> to vector<1x256xf32>
    %add3A_336 = arith.addf %add3A_301, %broadcast_in_dim3A_335 : vector<1x256xf32>
    %max3A_337 = arith.maximumf %max3A_302, %add3A_327 : vector<256x256xf32>
    %min3A_338 = arith.minimumf %min3A_303, %add3A_327 : vector<256x256xf32>
    %get3A_339 = arith.constant 9 : index
    %get3A_340 = arith.constant 0 : index
    %get3A_341 = arith.constant 0 : index
    %get3A_342 = vector.load %arg1[%get3A_339, %get3A_340, %get3A_341] : memref<20x256x128xf32, #tpu.memory_space<vmem>>, vector<1x256x128xf32>
    %get3A_343 = vector.shape_cast %get3A_342 : vector<1x256x128xf32> to vector<256x128xf32>
    %sub3A_344 = arith.subf %get3A_343, %get3A_1 : vector<256x128xf32>
    %dot_general3A_345 = arith.constant dense<0.000000e+00> : vector<256x128xf32>
    %dot_general3A_346 = tpu.matmul %sub3A_344, %get3A_4, %dot_general3A_345 {dimension_numbers = #tpu.dot_dimension_numbers<[1], [0], [0], [1], [0, 0, 1, 1], [], []>, transpose_lhs_hint = false} : vector<256x128xf32>, vector<128x128xf32>, vector<256x128xf32> -> vector<256x128xf32>
    %add3A_347 = arith.addf %dot_general3A_346, %add3A_12 : vector<256x128xf32>
    %mul3A_348 = vector.broadcast %slice3A_16 : vector<1x128xf32> to vector<256x128xf32>
    %mul3A_349 = arith.mulf %add3A_347, %mul3A_348 : vector<256x128xf32>
    %add3A_350 = vector.broadcast %slice3A_20 : vector<1x128xf32> to vector<256x128xf32>
    %add3A_351 = arith.addf %mul3A_349, %add3A_350 : vector<256x128xf32>
    %gt3A_352 = arith.constant 0.000000e+00 : f32
    %gt3A_353 = vector.broadcast %gt3A_352 : f32 to vector<256x128xf32>
    %gt3A_354 = arith.cmpf ogt, %add3A_351, %gt3A_353 : vector<256x128xf32>
    %mul3A_355 = arith.constant 2.000000e-01 : f32
    %mul3A_356 = vector.broadcast %mul3A_355 : f32 to vector<256x128xf32>
    %mul3A_357 = arith.mulf %mul3A_356, %add3A_351 : vector<256x128xf32>
    %select_n3A_358 = arith.select %gt3A_354, %add3A_351, %mul3A_357 : vector<256x128xi1>, vector<256x128xf32>
    %dot_general3A_359 = arith.constant dense<0.000000e+00> : vector<256x256xf32>
    %dot_general3A_360 = tpu.matmul %select_n3A_358, %get3A_27, %dot_general3A_359 {dimension_numbers = #tpu.dot_dimension_numbers<[1], [0], [0], [1], [0, 0, 1, 1], [], []>, transpose_lhs_hint = false} : vector<256x128xf32>, vector<128x256xf32>, vector<256x256xf32> -> vector<256x256xf32>
    %add3A_361 = vector.broadcast %slice3A_24 : vector<1x256xf32> to vector<256x256xf32>
    %add3A_362 = arith.addf %dot_general3A_360, %add3A_361 : vector<256x256xf32>
    %reduce_sum3A_363 = arith.constant dense<0.000000e+00> : vector<256xf32>
    %reduce_sum3A_364 = vector.multi_reduction <add>, %add3A_362, %reduce_sum3A_363 [0] : vector<256x256xf32> to vector<256xf32>
    %broadcast_in_dim3A_365 = vector.shape_cast %reduce_sum3A_364 : vector<256xf32> to vector<1x256xf32>
    %add3A_366 = arith.addf %add3A_331, %broadcast_in_dim3A_365 : vector<1x256xf32>
    %mul3A_367 = arith.mulf %add3A_362, %add3A_362 : vector<256x256xf32>
    %reduce_sum3A_368 = arith.constant dense<0.000000e+00> : vector<256xf32>
    %reduce_sum3A_369 = vector.multi_reduction <add>, %mul3A_367, %reduce_sum3A_368 [0] : vector<256x256xf32> to vector<256xf32>
    %broadcast_in_dim3A_370 = vector.shape_cast %reduce_sum3A_369 : vector<256xf32> to vector<1x256xf32>
    %add3A_371 = arith.addf %add3A_336, %broadcast_in_dim3A_370 : vector<1x256xf32>
    %max3A_372 = arith.maximumf %max3A_337, %add3A_362 : vector<256x256xf32>
    %min3A_373 = arith.minimumf %min3A_338, %add3A_362 : vector<256x256xf32>
    %get3A_374 = arith.constant 10 : index
    %get3A_375 = arith.constant 0 : index
    %get3A_376 = arith.constant 0 : index
    %get3A_377 = vector.load %arg1[%get3A_374, %get3A_375, %get3A_376] : memref<20x256x128xf32, #tpu.memory_space<vmem>>, vector<1x256x128xf32>
    %get3A_378 = vector.shape_cast %get3A_377 : vector<1x256x128xf32> to vector<256x128xf32>
    %sub3A_379 = arith.subf %get3A_378, %get3A_1 : vector<256x128xf32>
    %dot_general3A_380 = arith.constant dense<0.000000e+00> : vector<256x128xf32>
    %dot_general3A_381 = tpu.matmul %sub3A_379, %get3A_4, %dot_general3A_380 {dimension_numbers = #tpu.dot_dimension_numbers<[1], [0], [0], [1], [0, 0, 1, 1], [], []>, transpose_lhs_hint = false} : vector<256x128xf32>, vector<128x128xf32>, vector<256x128xf32> -> vector<256x128xf32>
    %add3A_382 = arith.addf %dot_general3A_381, %add3A_12 : vector<256x128xf32>
    %mul3A_383 = vector.broadcast %slice3A_16 : vector<1x128xf32> to vector<256x128xf32>
    %mul3A_384 = arith.mulf %add3A_382, %mul3A_383 : vector<256x128xf32>
    %add3A_385 = vector.broadcast %slice3A_20 : vector<1x128xf32> to vector<256x128xf32>
    %add3A_386 = arith.addf %mul3A_384, %add3A_385 : vector<256x128xf32>
    %gt3A_387 = arith.constant 0.000000e+00 : f32
    %gt3A_388 = vector.broadcast %gt3A_387 : f32 to vector<256x128xf32>
    %gt3A_389 = arith.cmpf ogt, %add3A_386, %gt3A_388 : vector<256x128xf32>
    %mul3A_390 = arith.constant 2.000000e-01 : f32
    %mul3A_391 = vector.broadcast %mul3A_390 : f32 to vector<256x128xf32>
    %mul3A_392 = arith.mulf %mul3A_391, %add3A_386 : vector<256x128xf32>
    %select_n3A_393 = arith.select %gt3A_389, %add3A_386, %mul3A_392 : vector<256x128xi1>, vector<256x128xf32>
    %dot_general3A_394 = arith.constant dense<0.000000e+00> : vector<256x256xf32>
    %dot_general3A_395 = tpu.matmul %select_n3A_393, %get3A_27, %dot_general3A_394 {dimension_numbers = #tpu.dot_dimension_numbers<[1], [0], [0], [1], [0, 0, 1, 1], [], []>, transpose_lhs_hint = false} : vector<256x128xf32>, vector<128x256xf32>, vector<256x256xf32> -> vector<256x256xf32>
    %add3A_396 = vector.broadcast %slice3A_24 : vector<1x256xf32> to vector<256x256xf32>
    %add3A_397 = arith.addf %dot_general3A_395, %add3A_396 : vector<256x256xf32>
    %reduce_sum3A_398 = arith.constant dense<0.000000e+00> : vector<256xf32>
    %reduce_sum3A_399 = vector.multi_reduction <add>, %add3A_397, %reduce_sum3A_398 [0] : vector<256x256xf32> to vector<256xf32>
    %broadcast_in_dim3A_400 = vector.shape_cast %reduce_sum3A_399 : vector<256xf32> to vector<1x256xf32>
    %add3A_401 = arith.addf %add3A_366, %broadcast_in_dim3A_400 : vector<1x256xf32>
    %mul3A_402 = arith.mulf %add3A_397, %add3A_397 : vector<256x256xf32>
    %reduce_sum3A_403 = arith.constant dense<0.000000e+00> : vector<256xf32>
    %reduce_sum3A_404 = vector.multi_reduction <add>, %mul3A_402, %reduce_sum3A_403 [0] : vector<256x256xf32> to vector<256xf32>
    %broadcast_in_dim3A_405 = vector.shape_cast %reduce_sum3A_404 : vector<256xf32> to vector<1x256xf32>
    %add3A_406 = arith.addf %add3A_371, %broadcast_in_dim3A_405 : vector<1x256xf32>
    %max3A_407 = arith.maximumf %max3A_372, %add3A_397 : vector<256x256xf32>
    %min3A_408 = arith.minimumf %min3A_373, %add3A_397 : vector<256x256xf32>
    %get3A_409 = arith.constant 11 : index
    %get3A_410 = arith.constant 0 : index
    %get3A_411 = arith.constant 0 : index
    %get3A_412 = vector.load %arg1[%get3A_409, %get3A_410, %get3A_411] : memref<20x256x128xf32, #tpu.memory_space<vmem>>, vector<1x256x128xf32>
    %get3A_413 = vector.shape_cast %get3A_412 : vector<1x256x128xf32> to vector<256x128xf32>
    %sub3A_414 = arith.subf %get3A_413, %get3A_1 : vector<256x128xf32>
    %dot_general3A_415 = arith.constant dense<0.000000e+00> : vector<256x128xf32>
    %dot_general3A_416 = tpu.matmul %sub3A_414, %get3A_4, %dot_general3A_415 {dimension_numbers = #tpu.dot_dimension_numbers<[1], [0], [0], [1], [0, 0, 1, 1], [], []>, transpose_lhs_hint = false} : vector<256x128xf32>, vector<128x128xf32>, vector<256x128xf32> -> vector<256x128xf32>
    %add3A_417 = arith.addf %dot_general3A_416, %add3A_12 : vector<256x128xf32>
    %mul3A_418 = vector.broadcast %slice3A_16 : vector<1x128xf32> to vector<256x128xf32>
    %mul3A_419 = arith.mulf %add3A_417, %mul3A_418 : vector<256x128xf32>
    %add3A_420 = vector.broadcast %slice3A_20 : vector<1x128xf32> to vector<256x128xf32>
    %add3A_421 = arith.addf %mul3A_419, %add3A_420 : vector<256x128xf32>
    %gt3A_422 = arith.constant 0.000000e+00 : f32
    %gt3A_423 = vector.broadcast %gt3A_422 : f32 to vector<256x128xf32>
    %gt3A_424 = arith.cmpf ogt, %add3A_421, %gt3A_423 : vector<256x128xf32>
    %mul3A_425 = arith.constant 2.000000e-01 : f32
    %mul3A_426 = vector.broadcast %mul3A_425 : f32 to vector<256x128xf32>
    %mul3A_427 = arith.mulf %mul3A_426, %add3A_421 : vector<256x128xf32>
    %select_n3A_428 = arith.select %gt3A_424, %add3A_421, %mul3A_427 : vector<256x128xi1>, vector<256x128xf32>
    %dot_general3A_429 = arith.constant dense<0.000000e+00> : vector<256x256xf32>
    %dot_general3A_430 = tpu.matmul %select_n3A_428, %get3A_27, %dot_general3A_429 {dimension_numbers = #tpu.dot_dimension_numbers<[1], [0], [0], [1], [0, 0, 1, 1], [], []>, transpose_lhs_hint = false} : vector<256x128xf32>, vector<128x256xf32>, vector<256x256xf32> -> vector<256x256xf32>
    %add3A_431 = vector.broadcast %slice3A_24 : vector<1x256xf32> to vector<256x256xf32>
    %add3A_432 = arith.addf %dot_general3A_430, %add3A_431 : vector<256x256xf32>
    %reduce_sum3A_433 = arith.constant dense<0.000000e+00> : vector<256xf32>
    %reduce_sum3A_434 = vector.multi_reduction <add>, %add3A_432, %reduce_sum3A_433 [0] : vector<256x256xf32> to vector<256xf32>
    %broadcast_in_dim3A_435 = vector.shape_cast %reduce_sum3A_434 : vector<256xf32> to vector<1x256xf32>
    %add3A_436 = arith.addf %add3A_401, %broadcast_in_dim3A_435 : vector<1x256xf32>
    %mul3A_437 = arith.mulf %add3A_432, %add3A_432 : vector<256x256xf32>
    %reduce_sum3A_438 = arith.constant dense<0.000000e+00> : vector<256xf32>
    %reduce_sum3A_439 = vector.multi_reduction <add>, %mul3A_437, %reduce_sum3A_438 [0] : vector<256x256xf32> to vector<256xf32>
    %broadcast_in_dim3A_440 = vector.shape_cast %reduce_sum3A_439 : vector<256xf32> to vector<1x256xf32>
    %add3A_441 = arith.addf %add3A_406, %broadcast_in_dim3A_440 : vector<1x256xf32>
    %max3A_442 = arith.maximumf %max3A_407, %add3A_432 : vector<256x256xf32>
    %min3A_443 = arith.minimumf %min3A_408, %add3A_432 : vector<256x256xf32>
    %get3A_444 = arith.constant 12 : index
    %get3A_445 = arith.constant 0 : index
    %get3A_446 = arith.constant 0 : index
    %get3A_447 = vector.load %arg1[%get3A_444, %get3A_445, %get3A_446] : memref<20x256x128xf32, #tpu.memory_space<vmem>>, vector<1x256x128xf32>
    %get3A_448 = vector.shape_cast %get3A_447 : vector<1x256x128xf32> to vector<256x128xf32>
    %sub3A_449 = arith.subf %get3A_448, %get3A_1 : vector<256x128xf32>
    %dot_general3A_450 = arith.constant dense<0.000000e+00> : vector<256x128xf32>
    %dot_general3A_451 = tpu.matmul %sub3A_449, %get3A_4, %dot_general3A_450 {dimension_numbers = #tpu.dot_dimension_numbers<[1], [0], [0], [1], [0, 0, 1, 1], [], []>, transpose_lhs_hint = false} : vector<256x128xf32>, vector<128x128xf32>, vector<256x128xf32> -> vector<256x128xf32>
    %add3A_452 = arith.addf %dot_general3A_451, %add3A_12 : vector<256x128xf32>
    %mul3A_453 = vector.broadcast %slice3A_16 : vector<1x128xf32> to vector<256x128xf32>
    %mul3A_454 = arith.mulf %add3A_452, %mul3A_453 : vector<256x128xf32>
    %add3A_455 = vector.broadcast %slice3A_20 : vector<1x128xf32> to vector<256x128xf32>
    %add3A_456 = arith.addf %mul3A_454, %add3A_455 : vector<256x128xf32>
    %gt3A_457 = arith.constant 0.000000e+00 : f32
    %gt3A_458 = vector.broadcast %gt3A_457 : f32 to vector<256x128xf32>
    %gt3A_459 = arith.cmpf ogt, %add3A_456, %gt3A_458 : vector<256x128xf32>
    %mul3A_460 = arith.constant 2.000000e-01 : f32
    %mul3A_461 = vector.broadcast %mul3A_460 : f32 to vector<256x128xf32>
    %mul3A_462 = arith.mulf %mul3A_461, %add3A_456 : vector<256x128xf32>
    %select_n3A_463 = arith.select %gt3A_459, %add3A_456, %mul3A_462 : vector<256x128xi1>, vector<256x128xf32>
    %dot_general3A_464 = arith.constant dense<0.000000e+00> : vector<256x256xf32>
    %dot_general3A_465 = tpu.matmul %select_n3A_463, %get3A_27, %dot_general3A_464 {dimension_numbers = #tpu.dot_dimension_numbers<[1], [0], [0], [1], [0, 0, 1, 1], [], []>, transpose_lhs_hint = false} : vector<256x128xf32>, vector<128x256xf32>, vector<256x256xf32> -> vector<256x256xf32>
    %add3A_466 = vector.broadcast %slice3A_24 : vector<1x256xf32> to vector<256x256xf32>
    %add3A_467 = arith.addf %dot_general3A_465, %add3A_466 : vector<256x256xf32>
    %reduce_sum3A_468 = arith.constant dense<0.000000e+00> : vector<256xf32>
    %reduce_sum3A_469 = vector.multi_reduction <add>, %add3A_467, %reduce_sum3A_468 [0] : vector<256x256xf32> to vector<256xf32>
    %broadcast_in_dim3A_470 = vector.shape_cast %reduce_sum3A_469 : vector<256xf32> to vector<1x256xf32>
    %add3A_471 = arith.addf %add3A_436, %broadcast_in_dim3A_470 : vector<1x256xf32>
    %mul3A_472 = arith.mulf %add3A_467, %add3A_467 : vector<256x256xf32>
    %reduce_sum3A_473 = arith.constant dense<0.000000e+00> : vector<256xf32>
    %reduce_sum3A_474 = vector.multi_reduction <add>, %mul3A_472, %reduce_sum3A_473 [0] : vector<256x256xf32> to vector<256xf32>
    %broadcast_in_dim3A_475 = vector.shape_cast %reduce_sum3A_474 : vector<256xf32> to vector<1x256xf32>
    %add3A_476 = arith.addf %add3A_441, %broadcast_in_dim3A_475 : vector<1x256xf32>
    %max3A_477 = arith.maximumf %max3A_442, %add3A_467 : vector<256x256xf32>
    %min3A_478 = arith.minimumf %min3A_443, %add3A_467 : vector<256x256xf32>
    %get3A_479 = arith.constant 13 : index
    %get3A_480 = arith.constant 0 : index
    %get3A_481 = arith.constant 0 : index
    %get3A_482 = vector.load %arg1[%get3A_479, %get3A_480, %get3A_481] : memref<20x256x128xf32, #tpu.memory_space<vmem>>, vector<1x256x128xf32>
    %get3A_483 = vector.shape_cast %get3A_482 : vector<1x256x128xf32> to vector<256x128xf32>
    %sub3A_484 = arith.subf %get3A_483, %get3A_1 : vector<256x128xf32>
    %dot_general3A_485 = arith.constant dense<0.000000e+00> : vector<256x128xf32>
    %dot_general3A_486 = tpu.matmul %sub3A_484, %get3A_4, %dot_general3A_485 {dimension_numbers = #tpu.dot_dimension_numbers<[1], [0], [0], [1], [0, 0, 1, 1], [], []>, transpose_lhs_hint = false} : vector<256x128xf32>, vector<128x128xf32>, vector<256x128xf32> -> vector<256x128xf32>
    %add3A_487 = arith.addf %dot_general3A_486, %add3A_12 : vector<256x128xf32>
    %mul3A_488 = vector.broadcast %slice3A_16 : vector<1x128xf32> to vector<256x128xf32>
    %mul3A_489 = arith.mulf %add3A_487, %mul3A_488 : vector<256x128xf32>
    %add3A_490 = vector.broadcast %slice3A_20 : vector<1x128xf32> to vector<256x128xf32>
    %add3A_491 = arith.addf %mul3A_489, %add3A_490 : vector<256x128xf32>
    %gt3A_492 = arith.constant 0.000000e+00 : f32
    %gt3A_493 = vector.broadcast %gt3A_492 : f32 to vector<256x128xf32>
    %gt3A_494 = arith.cmpf ogt, %add3A_491, %gt3A_493 : vector<256x128xf32>
    %mul3A_495 = arith.constant 2.000000e-01 : f32
    %mul3A_496 = vector.broadcast %mul3A_495 : f32 to vector<256x128xf32>
    %mul3A_497 = arith.mulf %mul3A_496, %add3A_491 : vector<256x128xf32>
    %select_n3A_498 = arith.select %gt3A_494, %add3A_491, %mul3A_497 : vector<256x128xi1>, vector<256x128xf32>
    %dot_general3A_499 = arith.constant dense<0.000000e+00> : vector<256x256xf32>
    %dot_general3A_500 = tpu.matmul %select_n3A_498, %get3A_27, %dot_general3A_499 {dimension_numbers = #tpu.dot_dimension_numbers<[1], [0], [0], [1], [0, 0, 1, 1], [], []>, transpose_lhs_hint = false} : vector<256x128xf32>, vector<128x256xf32>, vector<256x256xf32> -> vector<256x256xf32>
    %add3A_501 = vector.broadcast %slice3A_24 : vector<1x256xf32> to vector<256x256xf32>
    %add3A_502 = arith.addf %dot_general3A_500, %add3A_501 : vector<256x256xf32>
    %reduce_sum3A_503 = arith.constant dense<0.000000e+00> : vector<256xf32>
    %reduce_sum3A_504 = vector.multi_reduction <add>, %add3A_502, %reduce_sum3A_503 [0] : vector<256x256xf32> to vector<256xf32>
    %broadcast_in_dim3A_505 = vector.shape_cast %reduce_sum3A_504 : vector<256xf32> to vector<1x256xf32>
    %add3A_506 = arith.addf %add3A_471, %broadcast_in_dim3A_505 : vector<1x256xf32>
    %mul3A_507 = arith.mulf %add3A_502, %add3A_502 : vector<256x256xf32>
    %reduce_sum3A_508 = arith.constant dense<0.000000e+00> : vector<256xf32>
    %reduce_sum3A_509 = vector.multi_reduction <add>, %mul3A_507, %reduce_sum3A_508 [0] : vector<256x256xf32> to vector<256xf32>
    %broadcast_in_dim3A_510 = vector.shape_cast %reduce_sum3A_509 : vector<256xf32> to vector<1x256xf32>
    %add3A_511 = arith.addf %add3A_476, %broadcast_in_dim3A_510 : vector<1x256xf32>
    %max3A_512 = arith.maximumf %max3A_477, %add3A_502 : vector<256x256xf32>
    %min3A_513 = arith.minimumf %min3A_478, %add3A_502 : vector<256x256xf32>
    %get3A_514 = arith.constant 14 : index
    %get3A_515 = arith.constant 0 : index
    %get3A_516 = arith.constant 0 : index
    %get3A_517 = vector.load %arg1[%get3A_514, %get3A_515, %get3A_516] : memref<20x256x128xf32, #tpu.memory_space<vmem>>, vector<1x256x128xf32>
    %get3A_518 = vector.shape_cast %get3A_517 : vector<1x256x128xf32> to vector<256x128xf32>
    %sub3A_519 = arith.subf %get3A_518, %get3A_1 : vector<256x128xf32>
    %dot_general3A_520 = arith.constant dense<0.000000e+00> : vector<256x128xf32>
    %dot_general3A_521 = tpu.matmul %sub3A_519, %get3A_4, %dot_general3A_520 {dimension_numbers = #tpu.dot_dimension_numbers<[1], [0], [0], [1], [0, 0, 1, 1], [], []>, transpose_lhs_hint = false} : vector<256x128xf32>, vector<128x128xf32>, vector<256x128xf32> -> vector<256x128xf32>
    %add3A_522 = arith.addf %dot_general3A_521, %add3A_12 : vector<256x128xf32>
    %mul3A_523 = vector.broadcast %slice3A_16 : vector<1x128xf32> to vector<256x128xf32>
    %mul3A_524 = arith.mulf %add3A_522, %mul3A_523 : vector<256x128xf32>
    %add3A_525 = vector.broadcast %slice3A_20 : vector<1x128xf32> to vector<256x128xf32>
    %add3A_526 = arith.addf %mul3A_524, %add3A_525 : vector<256x128xf32>
    %gt3A_527 = arith.constant 0.000000e+00 : f32
    %gt3A_528 = vector.broadcast %gt3A_527 : f32 to vector<256x128xf32>
    %gt3A_529 = arith.cmpf ogt, %add3A_526, %gt3A_528 : vector<256x128xf32>
    %mul3A_530 = arith.constant 2.000000e-01 : f32
    %mul3A_531 = vector.broadcast %mul3A_530 : f32 to vector<256x128xf32>
    %mul3A_532 = arith.mulf %mul3A_531, %add3A_526 : vector<256x128xf32>
    %select_n3A_533 = arith.select %gt3A_529, %add3A_526, %mul3A_532 : vector<256x128xi1>, vector<256x128xf32>
    %dot_general3A_534 = arith.constant dense<0.000000e+00> : vector<256x256xf32>
    %dot_general3A_535 = tpu.matmul %select_n3A_533, %get3A_27, %dot_general3A_534 {dimension_numbers = #tpu.dot_dimension_numbers<[1], [0], [0], [1], [0, 0, 1, 1], [], []>, transpose_lhs_hint = false} : vector<256x128xf32>, vector<128x256xf32>, vector<256x256xf32> -> vector<256x256xf32>
    %add3A_536 = vector.broadcast %slice3A_24 : vector<1x256xf32> to vector<256x256xf32>
    %add3A_537 = arith.addf %dot_general3A_535, %add3A_536 : vector<256x256xf32>
    %reduce_sum3A_538 = arith.constant dense<0.000000e+00> : vector<256xf32>
    %reduce_sum3A_539 = vector.multi_reduction <add>, %add3A_537, %reduce_sum3A_538 [0] : vector<256x256xf32> to vector<256xf32>
    %broadcast_in_dim3A_540 = vector.shape_cast %reduce_sum3A_539 : vector<256xf32> to vector<1x256xf32>
    %add3A_541 = arith.addf %add3A_506, %broadcast_in_dim3A_540 : vector<1x256xf32>
    %mul3A_542 = arith.mulf %add3A_537, %add3A_537 : vector<256x256xf32>
    %reduce_sum3A_543 = arith.constant dense<0.000000e+00> : vector<256xf32>
    %reduce_sum3A_544 = vector.multi_reduction <add>, %mul3A_542, %reduce_sum3A_543 [0] : vector<256x256xf32> to vector<256xf32>
    %broadcast_in_dim3A_545 = vector.shape_cast %reduce_sum3A_544 : vector<256xf32> to vector<1x256xf32>
    %add3A_546 = arith.addf %add3A_511, %broadcast_in_dim3A_545 : vector<1x256xf32>
    %max3A_547 = arith.maximumf %max3A_512, %add3A_537 : vector<256x256xf32>
    %min3A_548 = arith.minimumf %min3A_513, %add3A_537 : vector<256x256xf32>
    %get3A_549 = arith.constant 15 : index
    %get3A_550 = arith.constant 0 : index
    %get3A_551 = arith.constant 0 : index
    %get3A_552 = vector.load %arg1[%get3A_549, %get3A_550, %get3A_551] : memref<20x256x128xf32, #tpu.memory_space<vmem>>, vector<1x256x128xf32>
    %get3A_553 = vector.shape_cast %get3A_552 : vector<1x256x128xf32> to vector<256x128xf32>
    %sub3A_554 = arith.subf %get3A_553, %get3A_1 : vector<256x128xf32>
    %dot_general3A_555 = arith.constant dense<0.000000e+00> : vector<256x128xf32>
    %dot_general3A_556 = tpu.matmul %sub3A_554, %get3A_4, %dot_general3A_555 {dimension_numbers = #tpu.dot_dimension_numbers<[1], [0], [0], [1], [0, 0, 1, 1], [], []>, transpose_lhs_hint = false} : vector<256x128xf32>, vector<128x128xf32>, vector<256x128xf32> -> vector<256x128xf32>
    %add3A_557 = arith.addf %dot_general3A_556, %add3A_12 : vector<256x128xf32>
    %mul3A_558 = vector.broadcast %slice3A_16 : vector<1x128xf32> to vector<256x128xf32>
    %mul3A_559 = arith.mulf %add3A_557, %mul3A_558 : vector<256x128xf32>
    %add3A_560 = vector.broadcast %slice3A_20 : vector<1x128xf32> to vector<256x128xf32>
    %add3A_561 = arith.addf %mul3A_559, %add3A_560 : vector<256x128xf32>
    %gt3A_562 = arith.constant 0.000000e+00 : f32
    %gt3A_563 = vector.broadcast %gt3A_562 : f32 to vector<256x128xf32>
    %gt3A_564 = arith.cmpf ogt, %add3A_561, %gt3A_563 : vector<256x128xf32>
    %mul3A_565 = arith.constant 2.000000e-01 : f32
    %mul3A_566 = vector.broadcast %mul3A_565 : f32 to vector<256x128xf32>
    %mul3A_567 = arith.mulf %mul3A_566, %add3A_561 : vector<256x128xf32>
    %select_n3A_568 = arith.select %gt3A_564, %add3A_561, %mul3A_567 : vector<256x128xi1>, vector<256x128xf32>
    %dot_general3A_569 = arith.constant dense<0.000000e+00> : vector<256x256xf32>
    %dot_general3A_570 = tpu.matmul %select_n3A_568, %get3A_27, %dot_general3A_569 {dimension_numbers = #tpu.dot_dimension_numbers<[1], [0], [0], [1], [0, 0, 1, 1], [], []>, transpose_lhs_hint = false} : vector<256x128xf32>, vector<128x256xf32>, vector<256x256xf32> -> vector<256x256xf32>
    %add3A_571 = vector.broadcast %slice3A_24 : vector<1x256xf32> to vector<256x256xf32>
    %add3A_572 = arith.addf %dot_general3A_570, %add3A_571 : vector<256x256xf32>
    %reduce_sum3A_573 = arith.constant dense<0.000000e+00> : vector<256xf32>
    %reduce_sum3A_574 = vector.multi_reduction <add>, %add3A_572, %reduce_sum3A_573 [0] : vector<256x256xf32> to vector<256xf32>
    %broadcast_in_dim3A_575 = vector.shape_cast %reduce_sum3A_574 : vector<256xf32> to vector<1x256xf32>
    %add3A_576 = arith.addf %add3A_541, %broadcast_in_dim3A_575 : vector<1x256xf32>
    %mul3A_577 = arith.mulf %add3A_572, %add3A_572 : vector<256x256xf32>
    %reduce_sum3A_578 = arith.constant dense<0.000000e+00> : vector<256xf32>
    %reduce_sum3A_579 = vector.multi_reduction <add>, %mul3A_577, %reduce_sum3A_578 [0] : vector<256x256xf32> to vector<256xf32>
    %broadcast_in_dim3A_580 = vector.shape_cast %reduce_sum3A_579 : vector<256xf32> to vector<1x256xf32>
    %add3A_581 = arith.addf %add3A_546, %broadcast_in_dim3A_580 : vector<1x256xf32>
    %max3A_582 = arith.maximumf %max3A_547, %add3A_572 : vector<256x256xf32>
    %min3A_583 = arith.minimumf %min3A_548, %add3A_572 : vector<256x256xf32>
    %get3A_584 = arith.constant 16 : index
    %get3A_585 = arith.constant 0 : index
    %get3A_586 = arith.constant 0 : index
    %get3A_587 = vector.load %arg1[%get3A_584, %get3A_585, %get3A_586] : memref<20x256x128xf32, #tpu.memory_space<vmem>>, vector<1x256x128xf32>
    %get3A_588 = vector.shape_cast %get3A_587 : vector<1x256x128xf32> to vector<256x128xf32>
    %sub3A_589 = arith.subf %get3A_588, %get3A_1 : vector<256x128xf32>
    %dot_general3A_590 = arith.constant dense<0.000000e+00> : vector<256x128xf32>
    %dot_general3A_591 = tpu.matmul %sub3A_589, %get3A_4, %dot_general3A_590 {dimension_numbers = #tpu.dot_dimension_numbers<[1], [0], [0], [1], [0, 0, 1, 1], [], []>, transpose_lhs_hint = false} : vector<256x128xf32>, vector<128x128xf32>, vector<256x128xf32> -> vector<256x128xf32>
    %add3A_592 = arith.addf %dot_general3A_591, %add3A_12 : vector<256x128xf32>
    %mul3A_593 = vector.broadcast %slice3A_16 : vector<1x128xf32> to vector<256x128xf32>
    %mul3A_594 = arith.mulf %add3A_592, %mul3A_593 : vector<256x128xf32>
    %add3A_595 = vector.broadcast %slice3A_20 : vector<1x128xf32> to vector<256x128xf32>
    %add3A_596 = arith.addf %mul3A_594, %add3A_595 : vector<256x128xf32>
    %gt3A_597 = arith.constant 0.000000e+00 : f32
    %gt3A_598 = vector.broadcast %gt3A_597 : f32 to vector<256x128xf32>
    %gt3A_599 = arith.cmpf ogt, %add3A_596, %gt3A_598 : vector<256x128xf32>
    %mul3A_600 = arith.constant 2.000000e-01 : f32
    %mul3A_601 = vector.broadcast %mul3A_600 : f32 to vector<256x128xf32>
    %mul3A_602 = arith.mulf %mul3A_601, %add3A_596 : vector<256x128xf32>
    %select_n3A_603 = arith.select %gt3A_599, %add3A_596, %mul3A_602 : vector<256x128xi1>, vector<256x128xf32>
    %dot_general3A_604 = arith.constant dense<0.000000e+00> : vector<256x256xf32>
    %dot_general3A_605 = tpu.matmul %select_n3A_603, %get3A_27, %dot_general3A_604 {dimension_numbers = #tpu.dot_dimension_numbers<[1], [0], [0], [1], [0, 0, 1, 1], [], []>, transpose_lhs_hint = false} : vector<256x128xf32>, vector<128x256xf32>, vector<256x256xf32> -> vector<256x256xf32>
    %add3A_606 = vector.broadcast %slice3A_24 : vector<1x256xf32> to vector<256x256xf32>
    %add3A_607 = arith.addf %dot_general3A_605, %add3A_606 : vector<256x256xf32>
    %reduce_sum3A_608 = arith.constant dense<0.000000e+00> : vector<256xf32>
    %reduce_sum3A_609 = vector.multi_reduction <add>, %add3A_607, %reduce_sum3A_608 [0] : vector<256x256xf32> to vector<256xf32>
    %broadcast_in_dim3A_610 = vector.shape_cast %reduce_sum3A_609 : vector<256xf32> to vector<1x256xf32>
    %add3A_611 = arith.addf %add3A_576, %broadcast_in_dim3A_610 : vector<1x256xf32>
    %mul3A_612 = arith.mulf %add3A_607, %add3A_607 : vector<256x256xf32>
    %reduce_sum3A_613 = arith.constant dense<0.000000e+00> : vector<256xf32>
    %reduce_sum3A_614 = vector.multi_reduction <add>, %mul3A_612, %reduce_sum3A_613 [0] : vector<256x256xf32> to vector<256xf32>
    %broadcast_in_dim3A_615 = vector.shape_cast %reduce_sum3A_614 : vector<256xf32> to vector<1x256xf32>
    %add3A_616 = arith.addf %add3A_581, %broadcast_in_dim3A_615 : vector<1x256xf32>
    %max3A_617 = arith.maximumf %max3A_582, %add3A_607 : vector<256x256xf32>
    %min3A_618 = arith.minimumf %min3A_583, %add3A_607 : vector<256x256xf32>
    %get3A_619 = arith.constant 17 : index
    %get3A_620 = arith.constant 0 : index
    %get3A_621 = arith.constant 0 : index
    %get3A_622 = vector.load %arg1[%get3A_619, %get3A_620, %get3A_621] : memref<20x256x128xf32, #tpu.memory_space<vmem>>, vector<1x256x128xf32>
    %get3A_623 = vector.shape_cast %get3A_622 : vector<1x256x128xf32> to vector<256x128xf32>
    %sub3A_624 = arith.subf %get3A_623, %get3A_1 : vector<256x128xf32>
    %dot_general3A_625 = arith.constant dense<0.000000e+00> : vector<256x128xf32>
    %dot_general3A_626 = tpu.matmul %sub3A_624, %get3A_4, %dot_general3A_625 {dimension_numbers = #tpu.dot_dimension_numbers<[1], [0], [0], [1], [0, 0, 1, 1], [], []>, transpose_lhs_hint = false} : vector<256x128xf32>, vector<128x128xf32>, vector<256x128xf32> -> vector<256x128xf32>
    %add3A_627 = arith.addf %dot_general3A_626, %add3A_12 : vector<256x128xf32>
    %mul3A_628 = vector.broadcast %slice3A_16 : vector<1x128xf32> to vector<256x128xf32>
    %mul3A_629 = arith.mulf %add3A_627, %mul3A_628 : vector<256x128xf32>
    %add3A_630 = vector.broadcast %slice3A_20 : vector<1x128xf32> to vector<256x128xf32>
    %add3A_631 = arith.addf %mul3A_629, %add3A_630 : vector<256x128xf32>
    %gt3A_632 = arith.constant 0.000000e+00 : f32
    %gt3A_633 = vector.broadcast %gt3A_632 : f32 to vector<256x128xf32>
    %gt3A_634 = arith.cmpf ogt, %add3A_631, %gt3A_633 : vector<256x128xf32>
    %mul3A_635 = arith.constant 2.000000e-01 : f32
    %mul3A_636 = vector.broadcast %mul3A_635 : f32 to vector<256x128xf32>
    %mul3A_637 = arith.mulf %mul3A_636, %add3A_631 : vector<256x128xf32>
    %select_n3A_638 = arith.select %gt3A_634, %add3A_631, %mul3A_637 : vector<256x128xi1>, vector<256x128xf32>
    %dot_general3A_639 = arith.constant dense<0.000000e+00> : vector<256x256xf32>
    %dot_general3A_640 = tpu.matmul %select_n3A_638, %get3A_27, %dot_general3A_639 {dimension_numbers = #tpu.dot_dimension_numbers<[1], [0], [0], [1], [0, 0, 1, 1], [], []>, transpose_lhs_hint = false} : vector<256x128xf32>, vector<128x256xf32>, vector<256x256xf32> -> vector<256x256xf32>
    %add3A_641 = vector.broadcast %slice3A_24 : vector<1x256xf32> to vector<256x256xf32>
    %add3A_642 = arith.addf %dot_general3A_640, %add3A_641 : vector<256x256xf32>
    %reduce_sum3A_643 = arith.constant dense<0.000000e+00> : vector<256xf32>
    %reduce_sum3A_644 = vector.multi_reduction <add>, %add3A_642, %reduce_sum3A_643 [0] : vector<256x256xf32> to vector<256xf32>
    %broadcast_in_dim3A_645 = vector.shape_cast %reduce_sum3A_644 : vector<256xf32> to vector<1x256xf32>
    %add3A_646 = arith.addf %add3A_611, %broadcast_in_dim3A_645 : vector<1x256xf32>
    %mul3A_647 = arith.mulf %add3A_642, %add3A_642 : vector<256x256xf32>
    %reduce_sum3A_648 = arith.constant dense<0.000000e+00> : vector<256xf32>
    %reduce_sum3A_649 = vector.multi_reduction <add>, %mul3A_647, %reduce_sum3A_648 [0] : vector<256x256xf32> to vector<256xf32>
    %broadcast_in_dim3A_650 = vector.shape_cast %reduce_sum3A_649 : vector<256xf32> to vector<1x256xf32>
    %add3A_651 = arith.addf %add3A_616, %broadcast_in_dim3A_650 : vector<1x256xf32>
    %max3A_652 = arith.maximumf %max3A_617, %add3A_642 : vector<256x256xf32>
    %min3A_653 = arith.minimumf %min3A_618, %add3A_642 : vector<256x256xf32>
    %get3A_654 = arith.constant 18 : index
    %get3A_655 = arith.constant 0 : index
    %get3A_656 = arith.constant 0 : index
    %get3A_657 = vector.load %arg1[%get3A_654, %get3A_655, %get3A_656] : memref<20x256x128xf32, #tpu.memory_space<vmem>>, vector<1x256x128xf32>
    %get3A_658 = vector.shape_cast %get3A_657 : vector<1x256x128xf32> to vector<256x128xf32>
    %sub3A_659 = arith.subf %get3A_658, %get3A_1 : vector<256x128xf32>
    %dot_general3A_660 = arith.constant dense<0.000000e+00> : vector<256x128xf32>
    %dot_general3A_661 = tpu.matmul %sub3A_659, %get3A_4, %dot_general3A_660 {dimension_numbers = #tpu.dot_dimension_numbers<[1], [0], [0], [1], [0, 0, 1, 1], [], []>, transpose_lhs_hint = false} : vector<256x128xf32>, vector<128x128xf32>, vector<256x128xf32> -> vector<256x128xf32>
    %add3A_662 = arith.addf %dot_general3A_661, %add3A_12 : vector<256x128xf32>
    %mul3A_663 = vector.broadcast %slice3A_16 : vector<1x128xf32> to vector<256x128xf32>
    %mul3A_664 = arith.mulf %add3A_662, %mul3A_663 : vector<256x128xf32>
    %add3A_665 = vector.broadcast %slice3A_20 : vector<1x128xf32> to vector<256x128xf32>
    %add3A_666 = arith.addf %mul3A_664, %add3A_665 : vector<256x128xf32>
    %gt3A_667 = arith.constant 0.000000e+00 : f32
    %gt3A_668 = vector.broadcast %gt3A_667 : f32 to vector<256x128xf32>
    %gt3A_669 = arith.cmpf ogt, %add3A_666, %gt3A_668 : vector<256x128xf32>
    %mul3A_670 = arith.constant 2.000000e-01 : f32
    %mul3A_671 = vector.broadcast %mul3A_670 : f32 to vector<256x128xf32>
    %mul3A_672 = arith.mulf %mul3A_671, %add3A_666 : vector<256x128xf32>
    %select_n3A_673 = arith.select %gt3A_669, %add3A_666, %mul3A_672 : vector<256x128xi1>, vector<256x128xf32>
    %dot_general3A_674 = arith.constant dense<0.000000e+00> : vector<256x256xf32>
    %dot_general3A_675 = tpu.matmul %select_n3A_673, %get3A_27, %dot_general3A_674 {dimension_numbers = #tpu.dot_dimension_numbers<[1], [0], [0], [1], [0, 0, 1, 1], [], []>, transpose_lhs_hint = false} : vector<256x128xf32>, vector<128x256xf32>, vector<256x256xf32> -> vector<256x256xf32>
    %add3A_676 = vector.broadcast %slice3A_24 : vector<1x256xf32> to vector<256x256xf32>
    %add3A_677 = arith.addf %dot_general3A_675, %add3A_676 : vector<256x256xf32>
    %reduce_sum3A_678 = arith.constant dense<0.000000e+00> : vector<256xf32>
    %reduce_sum3A_679 = vector.multi_reduction <add>, %add3A_677, %reduce_sum3A_678 [0] : vector<256x256xf32> to vector<256xf32>
    %broadcast_in_dim3A_680 = vector.shape_cast %reduce_sum3A_679 : vector<256xf32> to vector<1x256xf32>
    %add3A_681 = arith.addf %add3A_646, %broadcast_in_dim3A_680 : vector<1x256xf32>
    %mul3A_682 = arith.mulf %add3A_677, %add3A_677 : vector<256x256xf32>
    %reduce_sum3A_683 = arith.constant dense<0.000000e+00> : vector<256xf32>
    %reduce_sum3A_684 = vector.multi_reduction <add>, %mul3A_682, %reduce_sum3A_683 [0] : vector<256x256xf32> to vector<256xf32>
    %broadcast_in_dim3A_685 = vector.shape_cast %reduce_sum3A_684 : vector<256xf32> to vector<1x256xf32>
    %add3A_686 = arith.addf %add3A_651, %broadcast_in_dim3A_685 : vector<1x256xf32>
    %max3A_687 = arith.maximumf %max3A_652, %add3A_677 : vector<256x256xf32>
    %min3A_688 = arith.minimumf %min3A_653, %add3A_677 : vector<256x256xf32>
    %get3A_689 = arith.constant 19 : index
    %get3A_690 = arith.constant 0 : index
    %get3A_691 = arith.constant 0 : index
    %get3A_692 = vector.load %arg1[%get3A_689, %get3A_690, %get3A_691] : memref<20x256x128xf32, #tpu.memory_space<vmem>>, vector<1x256x128xf32>
    %get3A_693 = vector.shape_cast %get3A_692 : vector<1x256x128xf32> to vector<256x128xf32>
    %sub3A_694 = arith.subf %get3A_693, %get3A_1 : vector<256x128xf32>
    %dot_general3A_695 = arith.constant dense<0.000000e+00> : vector<256x128xf32>
    %dot_general3A_696 = tpu.matmul %sub3A_694, %get3A_4, %dot_general3A_695 {dimension_numbers = #tpu.dot_dimension_numbers<[1], [0], [0], [1], [0, 0, 1, 1], [], []>, transpose_lhs_hint = false} : vector<256x128xf32>, vector<128x128xf32>, vector<256x128xf32> -> vector<256x128xf32>
    %add3A_697 = arith.addf %dot_general3A_696, %add3A_12 : vector<256x128xf32>
    %mul3A_698 = vector.broadcast %slice3A_16 : vector<1x128xf32> to vector<256x128xf32>
    %mul3A_699 = arith.mulf %add3A_697, %mul3A_698 : vector<256x128xf32>
    %add3A_700 = vector.broadcast %slice3A_20 : vector<1x128xf32> to vector<256x128xf32>
    %add3A_701 = arith.addf %mul3A_699, %add3A_700 : vector<256x128xf32>
    %gt3A_702 = arith.constant 0.000000e+00 : f32
    %gt3A_703 = vector.broadcast %gt3A_702 : f32 to vector<256x128xf32>
    %gt3A_704 = arith.cmpf ogt, %add3A_701, %gt3A_703 : vector<256x128xf32>
    %mul3A_705 = arith.constant 2.000000e-01 : f32
    %mul3A_706 = vector.broadcast %mul3A_705 : f32 to vector<256x128xf32>
    %mul3A_707 = arith.mulf %mul3A_706, %add3A_701 : vector<256x128xf32>
    %select_n3A_708 = arith.select %gt3A_704, %add3A_701, %mul3A_707 : vector<256x128xi1>, vector<256x128xf32>
    %dot_general3A_709 = arith.constant dense<0.000000e+00> : vector<256x256xf32>
    %dot_general3A_710 = tpu.matmul %select_n3A_708, %get3A_27, %dot_general3A_709 {dimension_numbers = #tpu.dot_dimension_numbers<[1], [0], [0], [1], [0, 0, 1, 1], [], []>, transpose_lhs_hint = false} : vector<256x128xf32>, vector<128x256xf32>, vector<256x256xf32> -> vector<256x256xf32>
    %add3A_711 = vector.broadcast %slice3A_24 : vector<1x256xf32> to vector<256x256xf32>
    %add3A_712 = arith.addf %dot_general3A_710, %add3A_711 : vector<256x256xf32>
    %reduce_sum3A_713 = arith.constant dense<0.000000e+00> : vector<256xf32>
    %reduce_sum3A_714 = vector.multi_reduction <add>, %add3A_712, %reduce_sum3A_713 [0] : vector<256x256xf32> to vector<256xf32>
    %broadcast_in_dim3A_715 = vector.shape_cast %reduce_sum3A_714 : vector<256xf32> to vector<1x256xf32>
    %add3A_716 = arith.addf %add3A_681, %broadcast_in_dim3A_715 : vector<1x256xf32>
    %mul3A_717 = arith.mulf %add3A_712, %add3A_712 : vector<256x256xf32>
    %reduce_sum3A_718 = arith.constant dense<0.000000e+00> : vector<256xf32>
    %reduce_sum3A_719 = vector.multi_reduction <add>, %mul3A_717, %reduce_sum3A_718 [0] : vector<256x256xf32> to vector<256xf32>
    %broadcast_in_dim3A_720 = vector.shape_cast %reduce_sum3A_719 : vector<256xf32> to vector<1x256xf32>
    %add3A_721 = arith.addf %add3A_686, %broadcast_in_dim3A_720 : vector<1x256xf32>
    %max3A_722 = arith.maximumf %max3A_687, %add3A_712 : vector<256x256xf32>
    %min3A_723 = arith.minimumf %min3A_688, %add3A_712 : vector<256x256xf32>
    %swap3A = arith.constant 0 : index
    %swap3A_724 = arith.constant 0 : index
    %swap3A_725 = vector.load %arg10[%swap3A, %swap3A_724] : memref<256x256xf32, #tpu.memory_space<vmem>>, vector<256x256xf32>
    tpu.vector_store %arg10[%swap3A, %swap3A_724], %max3A_722 {strides = array<i32>} : memref<256x256xf32, #tpu.memory_space<vmem>>, vector<256x256xf32>,
    %swap3A_726 = arith.constant 0 : index
    %swap3A_727 = arith.constant 0 : index
    %swap3A_728 = vector.load %arg11[%swap3A_726, %swap3A_727] : memref<256x256xf32, #tpu.memory_space<vmem>>, vector<256x256xf32>
    tpu.vector_store %arg11[%swap3A_726, %swap3A_727], %min3A_723 {strides = array<i32>} : memref<256x256xf32, #tpu.memory_space<vmem>>, vector<256x256xf32>,
    %get3A_729 = arith.constant 0 : index
    %get3A_730 = arith.constant 0 : index
    %get3A_731 = vector.load %arg12[%get3A_729, %get3A_730] : memref<8x256xf32, #tpu.memory_space<vmem>>, vector<8x256xf32>
    %broadcast_in_dim3A_732 = vector.shape_cast %add3A_716 : vector<1x256xf32> to vector<1x256xf32>
    %broadcast_in_dim3A_733 = vector.broadcast %broadcast_in_dim3A_732 : vector<1x256xf32> to vector<8x256xf32>
    %add3A_734 = arith.addf %get3A_731, %broadcast_in_dim3A_733 : vector<8x256xf32>
    %swap3A_735 = arith.constant 0 : index
    %swap3A_736 = arith.constant 0 : index
    %swap3A_737 = vector.load %arg12[%swap3A_735, %swap3A_736] : memref<8x256xf32, #tpu.memory_space<vmem>>, vector<8x256xf32>
    tpu.vector_store %arg12[%swap3A_735, %swap3A_736], %add3A_734 {strides = array<i32>} : memref<8x256xf32, #tpu.memory_space<vmem>>, vector<8x256xf32>,
    %get3A_738 = arith.constant 0 : index
    %get3A_739 = arith.constant 0 : index
    %get3A_740 = vector.load %arg13[%get3A_738, %get3A_739] : memref<8x256xf32, #tpu.memory_space<vmem>>, vector<8x256xf32>
    %broadcast_in_dim3A_741 = vector.shape_cast %add3A_721 : vector<1x256xf32> to vector<1x256xf32>
    %broadcast_in_dim3A_742 = vector.broadcast %broadcast_in_dim3A_741 : vector<1x256xf32> to vector<8x256xf32>
    %add3A_743 = arith.addf %get3A_740, %broadcast_in_dim3A_742 : vector<8x256xf32>
    %swap3A_744 = arith.constant 0 : index
    %swap3A_745 = arith.constant 0 : index
    %swap3A_746 = vector.load %arg13[%swap3A_744, %swap3A_745] : memref<8x256xf32, #tpu.memory_space<vmem>>, vector<8x256xf32>
    tpu.vector_store %arg13[%swap3A_744, %swap3A_745], %add3A_743 {strides = array<i32>} : memref<8x256xf32, #tpu.memory_space<vmem>>, vector<8x256xf32>,
    return
  }
  func.func @transform_0(%arg0: i32) -> (i32, i32, i32) {
    %c0_i32 = arith.constant 0 : i32
    %c0_i32_0 = arith.constant 0 : i32
    %c0_i32_1 = arith.constant 0 : i32
    return %c0_i32, %arg0, %c0_i32_0 : i32, i32, i32
  }
  func.func @transform_1(%arg0: i32) -> (i32, i32) {
    %c0_i32 = arith.constant 0 : i32
    %c0_i32_0 = arith.constant 0 : i32
    return %arg0, %c0_i32 : i32, i32
  }
  func.func @transform_2(%arg0: i32) -> (i32, i32) {
    %c0_i32 = arith.constant 0 : i32
    %c0_i32_0 = arith.constant 0 : i32
    %c0_i32_1 = arith.constant 0 : i32
    return %c0_i32, %c0_i32_0 : i32, i32
  }
  func.func @transform_3(%arg0: i32) -> (i32, i32) {
    %c0_i32 = arith.constant 0 : i32
    %c0_i32_0 = arith.constant 0 : i32
    %c0_i32_1 = arith.constant 0 : i32
    return %c0_i32, %c0_i32_0 : i32, i32
  }
  func.func @transform_4(%arg0: i32) -> (i32, i32) {
    %c0_i32 = arith.constant 0 : i32
    %c0_i32_0 = arith.constant 0 : i32
    %c0_i32_1 = arith.constant 0 : i32
    return %c0_i32, %c0_i32_0 : i32, i32
  }
  func.func @transform_5(%arg0: i32) -> (i32, i32) {
    %c0_i32 = arith.constant 0 : i32
    %c0_i32_0 = arith.constant 0 : i32
    %c0_i32_1 = arith.constant 0 : i32
    return %c0_i32, %c0_i32_0 : i32, i32
  }
  func.func @transform_6(%arg0: i32) -> (i32, i32) {
    %c0_i32 = arith.constant 0 : i32
    %c0_i32_0 = arith.constant 0 : i32
    %c0_i32_1 = arith.constant 0 : i32
    return %c0_i32, %c0_i32_0 : i32, i32
  }
  func.func @transform_7(%arg0: i32) -> (i32, i32) {
    %c0_i32 = arith.constant 0 : i32
    %c0_i32_0 = arith.constant 0 : i32
    %c0_i32_1 = arith.constant 0 : i32
    return %c0_i32, %c0_i32_0 : i32, i32
  }
  func.func @transform_8(%arg0: i32) -> (i32, i32) {
    %c0_i32 = arith.constant 0 : i32
    %c0_i32_0 = arith.constant 0 : i32
    %c0_i32_1 = arith.constant 0 : i32
    return %c0_i32, %c0_i32_0 : i32, i32
  }
  func.func @transform_9(%arg0: i32) -> (i32, i32) {
    %c0_i32 = arith.constant 0 : i32
    %c0_i32_0 = arith.constant 0 : i32
    return %arg0, %c0_i32 : i32, i32
  }
  func.func @transform_10(%arg0: i32) -> (i32, i32) {
    %c0_i32 = arith.constant 0 : i32
    %c0_i32_0 = arith.constant 0 : i32
    return %arg0, %c0_i32 : i32, i32
  }
  func.func @transform_11(%arg0: i32) -> (i32, i32) {
    %c0_i32 = arith.constant 0 : i32
    %c0_i32_0 = arith.constant 0 : i32
    %c0_i32_1 = arith.constant 0 : i32
    return %c0_i32, %c0_i32_0 : i32, i32
  }
  func.func @transform_12(%arg0: i32) -> (i32, i32) {
    %c0_i32 = arith.constant 0 : i32
    %c0_i32_0 = arith.constant 0 : i32
    %c0_i32_1 = arith.constant 0 : i32
    return %c0_i32, %c0_i32_0 : i32, i32
  }
}

module attributes {stable_mosaic.version = 14 : i64} {
  func.func @_final1_body(%arg0: i32, %arg1: memref<512x32xf32, #tpu.memory_space<vmem>>, %arg2: memref<512x256xf32, #tpu.memory_space<vmem>>, %arg3: memref<512x256xf32, #tpu.memory_space<vmem>>, %arg4: memref<8x256xf32, #tpu.memory_space<vmem>>, %arg5: memref<8x256xf32, #tpu.memory_space<vmem>>, %arg6: memref<32x384xf32, #tpu.memory_space<vmem>>, %arg7: memref<256x384xf32, #tpu.memory_space<vmem>>, %arg8: memref<8x384xf32, #tpu.memory_space<vmem>>, %arg9: memref<512x384xf32, #tpu.memory_space<vmem>>, %arg10: memref<8x384xf32, #tpu.memory_space<vmem>>, %arg11: memref<8x384xf32, #tpu.memory_space<vmem>>) attributes {dimension_semantics = [#tpu.dimension_semantics<arbitrary>], iteration_bounds = array<i64: 32>, scalar_prefetch = 0 : i64, scratch_operands = 0 : i64, tpu.core_type = #tpu.core_type<tc>, window_params = [{transform_indices = @transform_0, window_bounds = array<i64: 512, 32>}, {transform_indices = @transform_1, window_bounds = array<i64: 512, 256>}, {transform_indices = @transform_2, window_bounds = array<i64: 512, 256>}, {pipeline_mode = #tpu.pipeline_mode<synchronous>, transform_indices = @transform_3, window_bounds = array<i64: 8, 256>}, {pipeline_mode = #tpu.pipeline_mode<synchronous>, transform_indices = @transform_4, window_bounds = array<i64: 8, 256>}, {pipeline_mode = #tpu.pipeline_mode<synchronous>, transform_indices = @transform_5, window_bounds = array<i64: 32, 384>}, {pipeline_mode = #tpu.pipeline_mode<synchronous>, transform_indices = @transform_6, window_bounds = array<i64: 256, 384>}, {pipeline_mode = #tpu.pipeline_mode<synchronous>, transform_indices = @transform_7, window_bounds = array<i64: 8, 384>}, {transform_indices = @transform_8, window_bounds = array<i64: 512, 384>}, {pipeline_mode = #tpu.pipeline_mode<synchronous>, transform_indices = @transform_9, window_bounds = array<i64: 8, 384>}, {pipeline_mode = #tpu.pipeline_mode<synchronous>, transform_indices = @transform_10, window_bounds = array<i64: 8, 384>}]} {
    %get3A = arith.constant 0 : index
    %get3A_0 = arith.constant 0 : index
    %get3A_1 = vector.load %arg4[%get3A, %get3A_0] : memref<8x256xf32, #tpu.memory_space<vmem>>, vector<8x256xf32>
    %slice3A = vector.extract_strided_slice %get3A_1 {offsets = [0, 0], sizes = [1, 256], strides = [1, 1]} : vector<8x256xf32> to vector<1x256xf32>
    %get3A_2 = arith.constant 0 : index
    %get3A_3 = arith.constant 0 : index
    %get3A_4 = vector.load %arg5[%get3A_2, %get3A_3] : memref<8x256xf32, #tpu.memory_space<vmem>>, vector<8x256xf32>
    %slice3A_5 = vector.extract_strided_slice %get3A_4 {offsets = [0, 0], sizes = [1, 256], strides = [1, 1]} : vector<8x256xf32> to vector<1x256xf32>
    %ge3A = arith.constant 0.000000e+00 : f32
    %ge3A_6 = vector.broadcast %ge3A : f32 to vector<1x256xf32>
    %ge3A_7 = arith.cmpf oge, %slice3A, %ge3A_6 : vector<1x256xf32>
    %get3A_8 = arith.constant 0 : index
    %get3A_9 = arith.constant 0 : index
    %get3A_10 = vector.load %arg2[%get3A_8, %get3A_9] : memref<512x256xf32, #tpu.memory_space<vmem>>, vector<512x256xf32>
    %get3A_11 = arith.constant 0 : index
    %get3A_12 = arith.constant 0 : index
    %get3A_13 = vector.load %arg3[%get3A_11, %get3A_12] : memref<512x256xf32, #tpu.memory_space<vmem>>, vector<512x256xf32>
    %broadcast_in_dim3A = vector.shape_cast %ge3A_7 : vector<1x256xi1> to vector<1x256xi1>
    %broadcast_in_dim3A_14 = vector.broadcast %broadcast_in_dim3A : vector<1x256xi1> to vector<512x256xi1>
    %select_n3A = arith.select %broadcast_in_dim3A_14, %get3A_10, %get3A_13 : vector<512x256xi1>, vector<512x256xf32>
    %mul3A = vector.broadcast %slice3A : vector<1x256xf32> to vector<512x256xf32>
    %mul3A_15 = arith.mulf %select_n3A, %mul3A : vector<512x256xf32>
    %add3A = vector.broadcast %slice3A_5 : vector<1x256xf32> to vector<512x256xf32>
    %add3A_16 = arith.addf %mul3A_15, %add3A : vector<512x256xf32>
    %gt3A = arith.constant 0.000000e+00 : f32
    %gt3A_17 = vector.broadcast %gt3A : f32 to vector<512x256xf32>
    %gt3A_18 = arith.cmpf ogt, %add3A_16, %gt3A_17 : vector<512x256xf32>
    %mul3A_19 = arith.constant 2.000000e-01 : f32
    %mul3A_20 = vector.broadcast %mul3A_19 : f32 to vector<512x256xf32>
    %mul3A_21 = arith.mulf %mul3A_20, %add3A_16 : vector<512x256xf32>
    %select_n3A_22 = arith.select %gt3A_18, %add3A_16, %mul3A_21 : vector<512x256xi1>, vector<512x256xf32>
    %get3A_23 = arith.constant 0 : index
    %get3A_24 = arith.constant 0 : index
    %get3A_25 = vector.load %arg1[%get3A_23, %get3A_24] : memref<512x32xf32, #tpu.memory_space<vmem>>, vector<512x32xf32>
    %get3A_26 = arith.constant 0 : index
    %get3A_27 = arith.constant 0 : index
    %get3A_28 = vector.load %arg6[%get3A_26, %get3A_27] : memref<32x384xf32, #tpu.memory_space<vmem>>, vector<32x384xf32>
    %dot_general3A = arith.constant dense<0.000000e+00> : vector<512x384xf32>
    %dot_general3A_29 = tpu.matmul %get3A_25, %get3A_28, %dot_general3A {dimension_numbers = #tpu.dot_dimension_numbers<[1], [0], [0], [1], [0, 0, 1, 1], [], []>, transpose_lhs_hint = false} : vector<512x32xf32>, vector<32x384xf32>, vector<512x384xf32> -> vector<512x384xf32>
    %get3A_30 = arith.constant 0 : index
    %get3A_31 = arith.constant 0 : index
    %get3A_32 = vector.load %arg7[%get3A_30, %get3A_31] : memref<256x384xf32, #tpu.memory_space<vmem>>, vector<256x384xf32>
    %dot_general3A_33 = arith.constant dense<0.000000e+00> : vector<512x384xf32>
    %dot_general3A_34 = tpu.matmul %select_n3A_22, %get3A_32, %dot_general3A_33 {dimension_numbers = #tpu.dot_dimension_numbers<[1], [0], [0], [1], [0, 0, 1, 1], [], []>, transpose_lhs_hint = false} : vector<512x256xf32>, vector<256x384xf32>, vector<512x384xf32> -> vector<512x384xf32>
    %add3A_35 = arith.addf %dot_general3A_29, %dot_general3A_34 : vector<512x384xf32>
    %get3A_36 = arith.constant 0 : index
    %get3A_37 = arith.constant 0 : index
    %get3A_38 = vector.load %arg8[%get3A_36, %get3A_37] : memref<8x384xf32, #tpu.memory_space<vmem>>, vector<8x384xf32>
    %slice3A_39 = vector.extract_strided_slice %get3A_38 {offsets = [0, 0], sizes = [1, 384], strides = [1, 1]} : vector<8x384xf32> to vector<1x384xf32>
    %add3A_40 = vector.broadcast %slice3A_39 : vector<1x384xf32> to vector<512x384xf32>
    %add3A_41 = arith.addf %add3A_35, %add3A_40 : vector<512x384xf32>
    %swap3A = arith.constant 0 : index
    %swap3A_42 = arith.constant 0 : index
    %swap3A_43 = vector.load %arg9[%swap3A, %swap3A_42] : memref<512x384xf32, #tpu.memory_space<vmem>>, vector<512x384xf32>
    tpu.vector_store %arg9[%swap3A, %swap3A_42], %add3A_41 {strides = array<i32>} : memref<512x384xf32, #tpu.memory_space<vmem>>, vector<512x384xf32>,
    %eq3A = arith.constant 0 : i32
    %eq3A_44 = arith.cmpi eq, %arg0, %eq3A : i32
    %convert_element_type3A = arith.extui %eq3A_44 : i1 to i32
    %cond3A = arith.constant 0 : i32
    %cond3A_45 = arith.cmpi ne, %convert_element_type3A, %cond3A : i32
    scf.if %cond3A_45 {
      %broadcast_in_dim3A_70 = arith.constant 0.000000e+00 : f32
      %broadcast_in_dim3A_71 = vector.broadcast %broadcast_in_dim3A_70 : f32 to vector<8x384xf32>
      %swap3A_72 = arith.constant 0 : index
      %swap3A_73 = arith.constant 0 : index
      %swap3A_74 = vector.load %arg10[%swap3A_72, %swap3A_73] : memref<8x384xf32, #tpu.memory_space<vmem>>, vector<8x384xf32>
      tpu.vector_store %arg10[%swap3A_72, %swap3A_73], %broadcast_in_dim3A_71 {strides = array<i32>} : memref<8x384xf32, #tpu.memory_space<vmem>>, vector<8x384xf32>,
      %broadcast_in_dim3A_75 = arith.constant 0.000000e+00 : f32
      %broadcast_in_dim3A_76 = vector.broadcast %broadcast_in_dim3A_75 : f32 to vector<8x384xf32>
      %swap3A_77 = arith.constant 0 : index
      %swap3A_78 = arith.constant 0 : index
      %swap3A_79 = vector.load %arg11[%swap3A_77, %swap3A_78] : memref<8x384xf32, #tpu.memory_space<vmem>>, vector<8x384xf32>
      tpu.vector_store %arg11[%swap3A_77, %swap3A_78], %broadcast_in_dim3A_76 {strides = array<i32>} : memref<8x384xf32, #tpu.memory_space<vmem>>, vector<8x384xf32>,
    } else {
    }
    %get3A_46 = arith.constant 0 : index
    %get3A_47 = arith.constant 0 : index
    %get3A_48 = vector.load %arg10[%get3A_46, %get3A_47] : memref<8x384xf32, #tpu.memory_space<vmem>>, vector<8x384xf32>
    %reduce_sum3A = arith.constant dense<0.000000e+00> : vector<384xf32>
    %reduce_sum3A_49 = vector.multi_reduction <add>, %add3A_41, %reduce_sum3A [0] : vector<512x384xf32> to vector<384xf32>
    %broadcast_in_dim3A_50 = vector.shape_cast %reduce_sum3A_49 : vector<384xf32> to vector<1x384xf32>
    %broadcast_in_dim3A_51 = vector.shape_cast %broadcast_in_dim3A_50 : vector<1x384xf32> to vector<1x384xf32>
    %broadcast_in_dim3A_52 = vector.broadcast %broadcast_in_dim3A_51 : vector<1x384xf32> to vector<8x384xf32>
    %add3A_53 = arith.addf %get3A_48, %broadcast_in_dim3A_52 : vector<8x384xf32>
    %swap3A_54 = arith.constant 0 : index
    %swap3A_55 = arith.constant 0 : index
    %swap3A_56 = vector.load %arg10[%swap3A_54, %swap3A_55] : memref<8x384xf32, #tpu.memory_space<vmem>>, vector<8x384xf32>
    tpu.vector_store %arg10[%swap3A_54, %swap3A_55], %add3A_53 {strides = array<i32>} : memref<8x384xf32, #tpu.memory_space<vmem>>, vector<8x384xf32>,
    %get3A_57 = arith.constant 0 : index
    %get3A_58 = arith.constant 0 : index
    %get3A_59 = vector.load %arg11[%get3A_57, %get3A_58] : memref<8x384xf32, #tpu.memory_space<vmem>>, vector<8x384xf32>
    %mul3A_60 = arith.mulf %add3A_41, %add3A_41 : vector<512x384xf32>
    %reduce_sum3A_61 = arith.constant dense<0.000000e+00> : vector<384xf32>
    %reduce_sum3A_62 = vector.multi_reduction <add>, %mul3A_60, %reduce_sum3A_61 [0] : vector<512x384xf32> to vector<384xf32>
    %broadcast_in_dim3A_63 = vector.shape_cast %reduce_sum3A_62 : vector<384xf32> to vector<1x384xf32>
    %broadcast_in_dim3A_64 = vector.shape_cast %broadcast_in_dim3A_63 : vector<1x384xf32> to vector<1x384xf32>
    %broadcast_in_dim3A_65 = vector.broadcast %broadcast_in_dim3A_64 : vector<1x384xf32> to vector<8x384xf32>
    %add3A_66 = arith.addf %get3A_59, %broadcast_in_dim3A_65 : vector<8x384xf32>
    %swap3A_67 = arith.constant 0 : index
    %swap3A_68 = arith.constant 0 : index
    %swap3A_69 = vector.load %arg11[%swap3A_67, %swap3A_68] : memref<8x384xf32, #tpu.memory_space<vmem>>, vector<8x384xf32>
    tpu.vector_store %arg11[%swap3A_67, %swap3A_68], %add3A_66 {strides = array<i32>} : memref<8x384xf32, #tpu.memory_space<vmem>>, vector<8x384xf32>,
    return
  }
  func.func @transform_0(%arg0: i32) -> (i32, i32) {
    %c0_i32 = arith.constant 0 : i32
    %c0_i32_0 = arith.constant 0 : i32
    return %arg0, %c0_i32 : i32, i32
  }
  func.func @transform_1(%arg0: i32) -> (i32, i32) {
    %c0_i32 = arith.constant 0 : i32
    %c0_i32_0 = arith.constant 0 : i32
    return %arg0, %c0_i32 : i32, i32
  }
  func.func @transform_2(%arg0: i32) -> (i32, i32) {
    %c0_i32 = arith.constant 0 : i32
    %c0_i32_0 = arith.constant 0 : i32
    return %arg0, %c0_i32 : i32, i32
  }
  func.func @transform_3(%arg0: i32) -> (i32, i32) {
    %c0_i32 = arith.constant 0 : i32
    %c0_i32_0 = arith.constant 0 : i32
    %c0_i32_1 = arith.constant 0 : i32
    return %c0_i32, %c0_i32_0 : i32, i32
  }
  func.func @transform_4(%arg0: i32) -> (i32, i32) {
    %c0_i32 = arith.constant 0 : i32
    %c0_i32_0 = arith.constant 0 : i32
    %c0_i32_1 = arith.constant 0 : i32
    return %c0_i32, %c0_i32_0 : i32, i32
  }
  func.func @transform_5(%arg0: i32) -> (i32, i32) {
    %c0_i32 = arith.constant 0 : i32
    %c0_i32_0 = arith.constant 0 : i32
    %c0_i32_1 = arith.constant 0 : i32
    return %c0_i32, %c0_i32_0 : i32, i32
  }
  func.func @transform_6(%arg0: i32) -> (i32, i32) {
    %c0_i32 = arith.constant 0 : i32
    %c0_i32_0 = arith.constant 0 : i32
    %c0_i32_1 = arith.constant 0 : i32
    return %c0_i32, %c0_i32_0 : i32, i32
  }
  func.func @transform_7(%arg0: i32) -> (i32, i32) {
    %c0_i32 = arith.constant 0 : i32
    %c0_i32_0 = arith.constant 0 : i32
    %c0_i32_1 = arith.constant 0 : i32
    return %c0_i32, %c0_i32_0 : i32, i32
  }
  func.func @transform_8(%arg0: i32) -> (i32, i32) {
    %c0_i32 = arith.constant 0 : i32
    %c0_i32_0 = arith.constant 0 : i32
    return %arg0, %c0_i32 : i32, i32
  }
  func.func @transform_9(%arg0: i32) -> (i32, i32) {
    %c0_i32 = arith.constant 0 : i32
    %c0_i32_0 = arith.constant 0 : i32
    %c0_i32_1 = arith.constant 0 : i32
    return %c0_i32, %c0_i32_0 : i32, i32
  }
  func.func @transform_10(%arg0: i32) -> (i32, i32) {
    %c0_i32 = arith.constant 0 : i32
    %c0_i32_0 = arith.constant 0 : i32
    %c0_i32_1 = arith.constant 0 : i32
    return %c0_i32, %c0_i32_0 : i32, i32
  }
}

module attributes {stable_mosaic.version = 14 : i64} {
  func.func @_final2_body(%arg0: i32, %arg1: memref<512x384xf32, #tpu.memory_space<vmem>>, %arg2: memref<8x384xf32, #tpu.memory_space<vmem>>, %arg3: memref<8x384xf32, #tpu.memory_space<vmem>>, %arg4: memref<384x256xf32, #tpu.memory_space<vmem>>, %arg5: memref<8x256xf32, #tpu.memory_space<vmem>>, %arg6: memref<512x256xf32, #tpu.memory_space<vmem>>, %arg7: memref<8x256xf32, #tpu.memory_space<vmem>>, %arg8: memref<8x256xf32, #tpu.memory_space<vmem>>) attributes {dimension_semantics = [#tpu.dimension_semantics<arbitrary>], iteration_bounds = array<i64: 32>, scalar_prefetch = 0 : i64, scratch_operands = 0 : i64, tpu.core_type = #tpu.core_type<tc>, window_params = [{transform_indices = @transform_0, window_bounds = array<i64: 512, 384>}, {pipeline_mode = #tpu.pipeline_mode<synchronous>, transform_indices = @transform_1, window_bounds = array<i64: 8, 384>}, {pipeline_mode = #tpu.pipeline_mode<synchronous>, transform_indices = @transform_2, window_bounds = array<i64: 8, 384>}, {pipeline_mode = #tpu.pipeline_mode<synchronous>, transform_indices = @transform_3, window_bounds = array<i64: 384, 256>}, {pipeline_mode = #tpu.pipeline_mode<synchronous>, transform_indices = @transform_4, window_bounds = array<i64: 8, 256>}, {transform_indices = @transform_5, window_bounds = array<i64: 512, 256>}, {pipeline_mode = #tpu.pipeline_mode<synchronous>, transform_indices = @transform_6, window_bounds = array<i64: 8, 256>}, {pipeline_mode = #tpu.pipeline_mode<synchronous>, transform_indices = @transform_7, window_bounds = array<i64: 8, 256>}]} {
    %get3A = arith.constant 0 : index
    %get3A_0 = arith.constant 0 : index
    %get3A_1 = vector.load %arg1[%get3A, %get3A_0] : memref<512x384xf32, #tpu.memory_space<vmem>>, vector<512x384xf32>
    %get3A_2 = arith.constant 0 : index
    %get3A_3 = arith.constant 0 : index
    %get3A_4 = vector.load %arg2[%get3A_2, %get3A_3] : memref<8x384xf32, #tpu.memory_space<vmem>>, vector<8x384xf32>
    %slice3A = vector.extract_strided_slice %get3A_4 {offsets = [0, 0], sizes = [1, 384], strides = [1, 1]} : vector<8x384xf32> to vector<1x384xf32>
    %mul3A = vector.broadcast %slice3A : vector<1x384xf32> to vector<512x384xf32>
    %mul3A_5 = arith.mulf %get3A_1, %mul3A : vector<512x384xf32>
    %get3A_6 = arith.constant 0 : index
    %get3A_7 = arith.constant 0 : index
    %get3A_8 = vector.load %arg3[%get3A_6, %get3A_7] : memref<8x384xf32, #tpu.memory_space<vmem>>, vector<8x384xf32>
    %slice3A_9 = vector.extract_strided_slice %get3A_8 {offsets = [0, 0], sizes = [1, 384], strides = [1, 1]} : vector<8x384xf32> to vector<1x384xf32>
    %add3A = vector.broadcast %slice3A_9 : vector<1x384xf32> to vector<512x384xf32>
    %add3A_10 = arith.addf %mul3A_5, %add3A : vector<512x384xf32>
    %gt3A = arith.constant 0.000000e+00 : f32
    %gt3A_11 = vector.broadcast %gt3A : f32 to vector<512x384xf32>
    %gt3A_12 = arith.cmpf ogt, %add3A_10, %gt3A_11 : vector<512x384xf32>
    %mul3A_13 = arith.constant 2.000000e-01 : f32
    %mul3A_14 = vector.broadcast %mul3A_13 : f32 to vector<512x384xf32>
    %mul3A_15 = arith.mulf %mul3A_14, %add3A_10 : vector<512x384xf32>
    %select_n3A = arith.select %gt3A_12, %add3A_10, %mul3A_15 : vector<512x384xi1>, vector<512x384xf32>
    %get3A_16 = arith.constant 0 : index
    %get3A_17 = arith.constant 0 : index
    %get3A_18 = vector.load %arg4[%get3A_16, %get3A_17] : memref<384x256xf32, #tpu.memory_space<vmem>>, vector<384x256xf32>
    %dot_general3A = arith.constant dense<0.000000e+00> : vector<512x256xf32>
    %dot_general3A_19 = tpu.matmul %select_n3A, %get3A_18, %dot_general3A {dimension_numbers = #tpu.dot_dimension_numbers<[1], [0], [0], [1], [0, 0, 1, 1], [], []>, transpose_lhs_hint = false} : vector<512x384xf32>, vector<384x256xf32>, vector<512x256xf32> -> vector<512x256xf32>
    %get3A_20 = arith.constant 0 : index
    %get3A_21 = arith.constant 0 : index
    %get3A_22 = vector.load %arg5[%get3A_20, %get3A_21] : memref<8x256xf32, #tpu.memory_space<vmem>>, vector<8x256xf32>
    %slice3A_23 = vector.extract_strided_slice %get3A_22 {offsets = [0, 0], sizes = [1, 256], strides = [1, 1]} : vector<8x256xf32> to vector<1x256xf32>
    %add3A_24 = vector.broadcast %slice3A_23 : vector<1x256xf32> to vector<512x256xf32>
    %add3A_25 = arith.addf %dot_general3A_19, %add3A_24 : vector<512x256xf32>
    %swap3A = arith.constant 0 : index
    %swap3A_26 = arith.constant 0 : index
    %swap3A_27 = vector.load %arg6[%swap3A, %swap3A_26] : memref<512x256xf32, #tpu.memory_space<vmem>>, vector<512x256xf32>
    tpu.vector_store %arg6[%swap3A, %swap3A_26], %add3A_25 {strides = array<i32>} : memref<512x256xf32, #tpu.memory_space<vmem>>, vector<512x256xf32>,
    %eq3A = arith.constant 0 : i32
    %eq3A_28 = arith.cmpi eq, %arg0, %eq3A : i32
    %convert_element_type3A = arith.extui %eq3A_28 : i1 to i32
    %cond3A = arith.constant 0 : i32
    %cond3A_29 = arith.cmpi ne, %convert_element_type3A, %cond3A : i32
    scf.if %cond3A_29 {
      %broadcast_in_dim3A_53 = arith.constant 0.000000e+00 : f32
      %broadcast_in_dim3A_54 = vector.broadcast %broadcast_in_dim3A_53 : f32 to vector<8x256xf32>
      %swap3A_55 = arith.constant 0 : index
      %swap3A_56 = arith.constant 0 : index
      %swap3A_57 = vector.load %arg7[%swap3A_55, %swap3A_56] : memref<8x256xf32, #tpu.memory_space<vmem>>, vector<8x256xf32>
      tpu.vector_store %arg7[%swap3A_55, %swap3A_56], %broadcast_in_dim3A_54 {strides = array<i32>} : memref<8x256xf32, #tpu.memory_space<vmem>>, vector<8x256xf32>,
      %broadcast_in_dim3A_58 = arith.constant 0.000000e+00 : f32
      %broadcast_in_dim3A_59 = vector.broadcast %broadcast_in_dim3A_58 : f32 to vector<8x256xf32>
      %swap3A_60 = arith.constant 0 : index
      %swap3A_61 = arith.constant 0 : index
      %swap3A_62 = vector.load %arg8[%swap3A_60, %swap3A_61] : memref<8x256xf32, #tpu.memory_space<vmem>>, vector<8x256xf32>
      tpu.vector_store %arg8[%swap3A_60, %swap3A_61], %broadcast_in_dim3A_59 {strides = array<i32>} : memref<8x256xf32, #tpu.memory_space<vmem>>, vector<8x256xf32>,
    } else {
    }
    %get3A_30 = arith.constant 0 : index
    %get3A_31 = arith.constant 0 : index
    %get3A_32 = vector.load %arg7[%get3A_30, %get3A_31] : memref<8x256xf32, #tpu.memory_space<vmem>>, vector<8x256xf32>
    %reduce_sum3A = arith.constant dense<0.000000e+00> : vector<256xf32>
    %reduce_sum3A_33 = vector.multi_reduction <add>, %add3A_25, %reduce_sum3A [0] : vector<512x256xf32> to vector<256xf32>
    %broadcast_in_dim3A = vector.shape_cast %reduce_sum3A_33 : vector<256xf32> to vector<1x256xf32>
    %broadcast_in_dim3A_34 = vector.shape_cast %broadcast_in_dim3A : vector<1x256xf32> to vector<1x256xf32>
    %broadcast_in_dim3A_35 = vector.broadcast %broadcast_in_dim3A_34 : vector<1x256xf32> to vector<8x256xf32>
    %add3A_36 = arith.addf %get3A_32, %broadcast_in_dim3A_35 : vector<8x256xf32>
    %swap3A_37 = arith.constant 0 : index
    %swap3A_38 = arith.constant 0 : index
    %swap3A_39 = vector.load %arg7[%swap3A_37, %swap3A_38] : memref<8x256xf32, #tpu.memory_space<vmem>>, vector<8x256xf32>
    tpu.vector_store %arg7[%swap3A_37, %swap3A_38], %add3A_36 {strides = array<i32>} : memref<8x256xf32, #tpu.memory_space<vmem>>, vector<8x256xf32>,
    %get3A_40 = arith.constant 0 : index
    %get3A_41 = arith.constant 0 : index
    %get3A_42 = vector.load %arg8[%get3A_40, %get3A_41] : memref<8x256xf32, #tpu.memory_space<vmem>>, vector<8x256xf32>
    %mul3A_43 = arith.mulf %add3A_25, %add3A_25 : vector<512x256xf32>
    %reduce_sum3A_44 = arith.constant dense<0.000000e+00> : vector<256xf32>
    %reduce_sum3A_45 = vector.multi_reduction <add>, %mul3A_43, %reduce_sum3A_44 [0] : vector<512x256xf32> to vector<256xf32>
    %broadcast_in_dim3A_46 = vector.shape_cast %reduce_sum3A_45 : vector<256xf32> to vector<1x256xf32>
    %broadcast_in_dim3A_47 = vector.shape_cast %broadcast_in_dim3A_46 : vector<1x256xf32> to vector<1x256xf32>
    %broadcast_in_dim3A_48 = vector.broadcast %broadcast_in_dim3A_47 : vector<1x256xf32> to vector<8x256xf32>
    %add3A_49 = arith.addf %get3A_42, %broadcast_in_dim3A_48 : vector<8x256xf32>
    %swap3A_50 = arith.constant 0 : index
    %swap3A_51 = arith.constant 0 : index
    %swap3A_52 = vector.load %arg8[%swap3A_50, %swap3A_51] : memref<8x256xf32, #tpu.memory_space<vmem>>, vector<8x256xf32>
    tpu.vector_store %arg8[%swap3A_50, %swap3A_51], %add3A_49 {strides = array<i32>} : memref<8x256xf32, #tpu.memory_space<vmem>>, vector<8x256xf32>,
    return
  }
  func.func @transform_0(%arg0: i32) -> (i32, i32) {
    %c0_i32 = arith.constant 0 : i32
    %c0_i32_0 = arith.constant 0 : i32
    return %arg0, %c0_i32 : i32, i32
  }
  func.func @transform_1(%arg0: i32) -> (i32, i32) {
    %c0_i32 = arith.constant 0 : i32
    %c0_i32_0 = arith.constant 0 : i32
    %c0_i32_1 = arith.constant 0 : i32
    return %c0_i32, %c0_i32_0 : i32, i32
  }
  func.func @transform_2(%arg0: i32) -> (i32, i32) {
    %c0_i32 = arith.constant 0 : i32
    %c0_i32_0 = arith.constant 0 : i32
    %c0_i32_1 = arith.constant 0 : i32
    return %c0_i32, %c0_i32_0 : i32, i32
  }
  func.func @transform_3(%arg0: i32) -> (i32, i32) {
    %c0_i32 = arith.constant 0 : i32
    %c0_i32_0 = arith.constant 0 : i32
    %c0_i32_1 = arith.constant 0 : i32
    return %c0_i32, %c0_i32_0 : i32, i32
  }
  func.func @transform_4(%arg0: i32) -> (i32, i32) {
    %c0_i32 = arith.constant 0 : i32
    %c0_i32_0 = arith.constant 0 : i32
    %c0_i32_1 = arith.constant 0 : i32
    return %c0_i32, %c0_i32_0 : i32, i32
  }
  func.func @transform_5(%arg0: i32) -> (i32, i32) {
    %c0_i32 = arith.constant 0 : i32
    %c0_i32_0 = arith.constant 0 : i32
    return %arg0, %c0_i32 : i32, i32
  }
  func.func @transform_6(%arg0: i32) -> (i32, i32) {
    %c0_i32 = arith.constant 0 : i32
    %c0_i32_0 = arith.constant 0 : i32
    %c0_i32_1 = arith.constant 0 : i32
    return %c0_i32, %c0_i32_0 : i32, i32
  }
  func.func @transform_7(%arg0: i32) -> (i32, i32) {
    %c0_i32 = arith.constant 0 : i32
    %c0_i32_0 = arith.constant 0 : i32
    %c0_i32_1 = arith.constant 0 : i32
    return %c0_i32, %c0_i32_0 : i32, i32
  }
}

module attributes {stable_mosaic.version = 14 : i64} {
  func.func @body(%arg0: i32, %arg1: memref<512x256xf32, #tpu.memory_space<vmem>>, %arg2: memref<8x256xf32, #tpu.memory_space<vmem>>, %arg3: memref<8x256xf32, #tpu.memory_space<vmem>>, %arg4: memref<512x256xf32, #tpu.memory_space<vmem>>) attributes {dimension_semantics = [#tpu.dimension_semantics<arbitrary>], iteration_bounds = array<i64: 32>, scalar_prefetch = 0 : i64, scratch_operands = 0 : i64, tpu.core_type = #tpu.core_type<tc>, window_params = [{transform_indices = @transform_0, window_bounds = array<i64: 512, 256>}, {pipeline_mode = #tpu.pipeline_mode<synchronous>, transform_indices = @transform_1, window_bounds = array<i64: 8, 256>}, {pipeline_mode = #tpu.pipeline_mode<synchronous>, transform_indices = @transform_2, window_bounds = array<i64: 8, 256>}, {transform_indices = @transform_3, window_bounds = array<i64: 512, 256>}]} {
    %get3A = arith.constant 0 : index
    %get3A_0 = arith.constant 0 : index
    %get3A_1 = vector.load %arg1[%get3A, %get3A_0] : memref<512x256xf32, #tpu.memory_space<vmem>>, vector<512x256xf32>
    %get3A_2 = arith.constant 0 : index
    %get3A_3 = arith.constant 0 : index
    %get3A_4 = vector.load %arg2[%get3A_2, %get3A_3] : memref<8x256xf32, #tpu.memory_space<vmem>>, vector<8x256xf32>
    %slice3A = vector.extract_strided_slice %get3A_4 {offsets = [0, 0], sizes = [1, 256], strides = [1, 1]} : vector<8x256xf32> to vector<1x256xf32>
    %mul3A = vector.broadcast %slice3A : vector<1x256xf32> to vector<512x256xf32>
    %mul3A_5 = arith.mulf %get3A_1, %mul3A : vector<512x256xf32>
    %get3A_6 = arith.constant 0 : index
    %get3A_7 = arith.constant 0 : index
    %get3A_8 = vector.load %arg3[%get3A_6, %get3A_7] : memref<8x256xf32, #tpu.memory_space<vmem>>, vector<8x256xf32>
    %slice3A_9 = vector.extract_strided_slice %get3A_8 {offsets = [0, 0], sizes = [1, 256], strides = [1, 1]} : vector<8x256xf32> to vector<1x256xf32>
    %add3A = vector.broadcast %slice3A_9 : vector<1x256xf32> to vector<512x256xf32>
    %add3A_10 = arith.addf %mul3A_5, %add3A : vector<512x256xf32>
    %gt3A = arith.constant 0.000000e+00 : f32
    %gt3A_11 = vector.broadcast %gt3A : f32 to vector<512x256xf32>
    %gt3A_12 = arith.cmpf ogt, %add3A_10, %gt3A_11 : vector<512x256xf32>
    %mul3A_13 = arith.constant 2.000000e-01 : f32
    %mul3A_14 = vector.broadcast %mul3A_13 : f32 to vector<512x256xf32>
    %mul3A_15 = arith.mulf %mul3A_14, %add3A_10 : vector<512x256xf32>
    %select_n3A = arith.select %gt3A_12, %add3A_10, %mul3A_15 : vector<512x256xi1>, vector<512x256xf32>
    %swap3A = arith.constant 0 : index
    %swap3A_16 = arith.constant 0 : index
    %swap3A_17 = vector.load %arg4[%swap3A, %swap3A_16] : memref<512x256xf32, #tpu.memory_space<vmem>>, vector<512x256xf32>
    tpu.vector_store %arg4[%swap3A, %swap3A_16], %select_n3A {strides = array<i32>} : memref<512x256xf32, #tpu.memory_space<vmem>>, vector<512x256xf32>,
    return
  }
  func.func @transform_0(%arg0: i32) -> (i32, i32) {
    %c0_i32 = arith.constant 0 : i32
    %c0_i32_0 = arith.constant 0 : i32
    return %arg0, %c0_i32 : i32, i32
  }
  func.func @transform_1(%arg0: i32) -> (i32, i32) {
    %c0_i32 = arith.constant 0 : i32
    %c0_i32_0 = arith.constant 0 : i32
    %c0_i32_1 = arith.constant 0 : i32
    return %c0_i32, %c0_i32_0 : i32, i32
  }
  func.func @transform_2(%arg0: i32) -> (i32, i32) {
    %c0_i32 = arith.constant 0 : i32
    %c0_i32_0 = arith.constant 0 : i32
    %c0_i32_1 = arith.constant 0 : i32
    return %c0_i32, %c0_i32_0 : i32, i32
  }
  func.func @transform_3(%arg0: i32) -> (i32, i32) {
    %c0_i32 = arith.constant 0 : i32
    %c0_i32_0 = arith.constant 0 : i32
    return %arg0, %c0_i32 : i32, i32
  }
}

</mosaic_0001>

<sc_bundles>
// kernel: kernel.14.cloned.1.call-start
scs
__scs_entry_jumppad:
0x0: {  	(pc) =	sbr.rel $0x88, $3  }
0x1: {  	(tag) =	ssettag $0x0;
	lr =	simm.s32 $0x1  }
0x2: {  	[smem:$0x3F88] =	sst lr;
	_ =	strace $0xD0000000  }
0x3: {  	_ = 	snop  }
0x4: {  	_ = 	snop  }
0x5: {  	_ = 	snop  }
0x6: {  	_ = 	snop  }
0x7: {  	_ = 	snop  }
__scs_overlays_trampoline_lowered:
0x8: {  	[smem:$0x3F97] =	sst s0  }
0x9: {  	[smem:$0x3F98] =	sst s1  }
0xa: {  	[smem:$0x3F99] =	sst s2  }
0xb: {  	[smem:$0x3F9A] =	sst s3  }
0xc: {  	[smem:$0x3F9B] =	sst s4  }
0xd: {  	[smem:$0x3F9C] =	sst s5  }
0xe: {  	[smem:$0x3F9D] =	sst s6  }
0xf: {  	[smem:$0x3F9E] =	sst s7  }
0x10: {  	[smem:$0x3F9F] =	sst s8  }
0x11: {  	[smem:$0x3FA0] =	sst s9;
	s0 =	simm.s32 @!p0 $0x0  }
0x12: {  	s1 =	sld [smem:$0x3F86];
	s0 =	simm.s32 @p0 $0x1  }
0x13: {  	[smem:$0x3FA1] =	sst s0;
	s0 =	simm.s32 @!p1 $0x0  }
0x14: {  	s2 =	sld [smem:$0x3F85];
	s0 =	simm.s32 @p1 $0x1  }
0x15: {  	[smem:$0x3FA2] =	sst s0;
	s0 =	simm.s32 @!p2 $0x0  }
0x16: {  	s3 =	sld [smem:$0x3FDB];
	s0 =	simm.s32 @p2 $0x1  }
0x17: {  	s4 =	simm.s32 $0x1BF5;
	[smem:$0x3FA4] =	sst s0  }
0x18: {  	s0 =	sld [smem:$0x3F87];
	_ =	swait.ge [sflag:s4], $0x0  }
0x19: {  	s7 =	sld [smem:$0x3F88]  }
0x1a: {  	s8 =	sadd.s32 $0xFFFFE003, lr  }
0x1b: {  	s9 =	sadd.s32 $0xFFFFFEF7, lr;
	s5 =	simm.s32 $0xFFFFFFFF;
	p2 =	slt.u32 s8, $0xFFFFF086  }
0x1c: {  	p1 =	slt.u32 s9, $0xF7A;
	s5 =	simm.s32 @!p2 $0x0  }
0x1d: {  	s5 =	simm.s32 @p1 $0x1;
	p0 =	seq.s32 s7, s2  }
0x1e: {  	s7 =	smul.u32 @!p0 $0xF7A, s2;
	p2 =	seq.s32 @!p0 s5, $0x0  }
0x1f: {  	s9 =	smul.u32 $0xF7A, s1;
	s8 =	simm.s32 @!p0 $0x1BF5;
	p2 =	por !p2, p0  }
0x20: {  	[sflag:s8] =	ssyncset.s32 @!p0 $0xFFFFF086;
	s6 =	sadd.s32 @!p0 s3, s7;
	s7 =	simm.s32 @!p0 $0x108  }
0x21: {  	s3 =	sadd.s32 s3, s9;
	s6 =	sadd.s32 @!p0 $0x88, s6;
	s7 =	simm.s32 @p2 $0x1082  }
0x22: {  	[simem:s7], [sflag:s8] =	dma.local @!p0 [hbm:s6], $0xF7A  }
0x23: {  	s9 =	sor.u32 $0xD0000000, s2;
	s6 =	simm.s32 $0x108;
	_ =	swait.ge @!p0 [sflag:s8], $0x0  }
0x24: {  	s3 =	sadd.s32 $0x88, s3;
	s6 =	simm.s32 @!p1 $0x1082;
	[sflag:s4] =	ssyncset.s32 $0xFFFFF086  }
0x25: {  	[simem:s6], [sflag:s4] =	dma.local [hbm:s3], $0xF7A  }
0x26: {  	[smem:$0x3F88] =	sst s1;
	(tag) =	ssettag s2;
	_ =	strace s9  }
0x27: {  	s1 =	sld [smem:$0x3F98]  }
0x28: {  	s2 =	sld [smem:$0x3F99]  }
0x29: {  	s4 =	sld [smem:$0x3F9B]  }
0x2a: {  	p0 =	seq.s32 s5, $0x0;
	s5 =	sld [smem:$0x3F9C]  }
0x2b: {  	s6 =	sld [smem:$0x3F9D]  }
0x2c: {  	s7 =	sld [smem:$0x3F9E]  }
0x2d: {  	s3 =	simm.s32 $0x108;
	s8 =	sld [smem:$0x3F9F]  }
0x2e: {  	s3 =	simm.s32 @!p0 $0x1082;
	s9 =	sld [smem:$0x3FA0]  }
0x2f: {  	lr =	sadd.s32 s0, s3;
	s0 =	sld [smem:$0x3F97]  }
0x30: {  	s3 =	sld [smem:$0x3F9A]  }
0x31: {  	[smem:$0x3FA3] =	sst s10  }
0x32: {  	s10 =	sld [smem:$0x3FA1];
	_ =	sdelay $0x3  }
0x33: {  	p0 =	seq.s32 s10, $0x1;
	s10 =	sld [smem:$0x3FA3];
	_ =	sdelay $0x3  }
0x34: {  	[smem:$0x3FA3] =	sst s10  }
0x35: {  	s10 =	sld [smem:$0x3FA2];
	_ =	sdelay $0x3  }
0x36: {  	p1 =	seq.s32 s10, $0x1;
	s10 =	sld [smem:$0x3FA3];
	_ =	sdelay $0x3  }
0x37: {  	[smem:$0x3FA3] =	sst s10  }
0x38: {  	s10 =	sld [smem:$0x3FA4]  }
0x39: {  	_ = 	snop;
	(pc) =	sbr.ind lr, $3  }
0x3a: {  	_ = 	snop  }
0x3b: {  	_ = 	snop  }
0x3c: {  	p2 =	seq.s32 s10, $0x1;
	s10 =	sld [smem:$0x3FA3]  }
0x3d: {  	_ =	shalt  }
0x3e: {  	_ =	shalt  }
0x3f: {  	_ =	shalt  }
0x40: {  	_ =	shalt  }
0x41: {  	_ =	shalt  }
0x42: {  	_ =	shalt  }
0x43: {  	_ =	shalt  }
0x44: {  	_ =	shalt  }
0x45: {  	_ =	shalt  }
0x46: {  	_ =	shalt  }
0x47: {  	_ =	shalt  }
0x48: {  	_ =	shalt  }
0x49: {  	_ =	shalt  }
0x4a: {  	_ =	shalt  }
0x4b: {  	_ =	shalt  }
0x4c: {  	_ =	shalt  }
0x4d: {  	_ =	shalt  }
0x4e: {  	_ =	shalt  }
0x4f: {  	_ =	shalt  }
0x50: {  	_ =	shalt  }
0x51: {  	_ =	shalt  }
0x52: {  	_ =	shalt  }
0x53: {  	_ =	shalt  }
0x54: {  	_ =	shalt  }
0x55: {  	_ =	shalt  }
0x56: {  	_ =	shalt  }
0x57: {  	_ =	shalt  }
0x58: {  	_ =	shalt  }
0x59: {  	_ =	shalt  }
0x5a: {  	_ =	shalt  }
0x5b: {  	_ =	shalt  }
0x5c: {  	_ =	shalt  }
0x5d: {  	_ =	shalt  }
0x5e: {  	_ =	shalt  }
0x5f: {  	_ =	shalt  }
0x60: {  	_ =	shalt  }
0x61: {  	_ =	shalt  }
0x62: {  	_ =	shalt  }
0x63: {  	_ =	shalt  }
0x64: {  	_ =	shalt  }
0x65: {  	_ =	shalt  }
0x66: {  	_ =	shalt  }
0x67: {  	_ =	shalt  }
0x68: {  	_ =	shalt  }
0x69: {  	_ =	shalt  }
0x6a: {  	_ =	shalt  }
0x6b: {  	_ =	shalt  }
0x6c: {  	_ =	shalt  }
0x6d: {  	_ =	shalt  }
0x6e: {  	_ =	shalt  }
0x6f: {  	_ =	shalt  }
0x70: {  	_ =	shalt  }
0x71: {  	_ =	shalt  }
0x72: {  	_ =	shalt  }
0x73: {  	_ =	shalt  }
0x74: {  	_ =	shalt  }
0x75: {  	_ =	shalt  }
0x76: {  	_ =	shalt  }
0x77: {  	_ =	shalt  }
0x78: {  	_ =	shalt  }
0x79: {  	_ =	shalt  }
0x7a: {  	_ =	shalt  }
0x7b: {  	_ =	shalt  }
0x7c: {  	_ =	shalt  }
0x7d: {  	_ =	shalt  }
0x7e: {  	_ =	shalt  }
0x7f: {  	_ =	shalt  }
0x80: {  	_ =	shalt  }
0x81: {  	_ =	shalt  }
0x82: {  	_ =	shalt  }
0x83: {  	_ =	shalt  }
0x84: {  	_ =	shalt  }
0x85: {  	_ =	shalt  }
0x86: {  	_ =	shalt  }
0x87: {  	_ =	shalt  }
.Lfunc_end0:
.L_simem_size_0:
called_computation_lowered:
.L_overlay_start_0:
0x88: {  	s2 =	sld [smem:$0x3FD9]  }
0x89: {  	s3 =	sld [smem:$0x3FFE];
	_ =	sdelay $0x1  }
0x8a: {  	s1 =	srdreg.scid  }
0x8b: {  	s0 =	sand.u32 $0x1, s1  }
0x8c: {  	s17 =	sshll.u32 s0, $0xA;
	s2 =	sadd.s32 s3, s2  }
0x8d: {  	s2 =	sadd.s32 s2, s17  }
0x8e: {  	[smem:$0x3FAF] =	sst s2  }
0x8f: {  	_ = 	snop  }
0x90: {  	s2 =	sld [smem:$0x3FD0];
	(tm) =	ssettm $0x1  }
0x91: {  	s18 =	sld [smem:$0x3FFB];
	_ =	sdelay $0x3  }
0x92: {  	_ =	strace s18  }
0x93: {  	s3 =	sld [smem:$0x3FFC];
	_ =	sdelay $0x3  }
0x94: {  	_ =	strace s3  }
0x95: {  	s3 =	sld [smem:$0x3FFD];
	_ =	sdelay $0x3  }
0x96: {  	_ =	strace s3  }
0x97: {  	_ =	strace $0x8FFFFFFF  }
0x98: {  	s19 =	sld [smem:$0x3FDB];
	_ =	sdelay $0x1  }
0x99: {  	s4 =	simm.s32 $_scs_section_size  }
0x9a: {  	s5 =	simm.s32 $_size__tile_overlayer_lowered;
	s6 =	simm.s32 $_tile_overlayer_lowered  }
0x9b: {  	s22 =	simm.s32 $0x1BFF;
	s21 =	sshll.u32 s6, $0x1;
	s3 =	sadd.s32 s4, s19  }
0x9c: {  	s7 =	simm.s32 $0x0;
	s20 =	sshll.u32 s5, $0x1;
	s5 =	sadd.s32 s21, s3  }
0x9d: {  	[timem:s7], [sflag:s22] =	dma.local [hbm:s5], s20  }
0x9e: {  	_ =	swait.ge [sflag:s22], s20  }
0x9f: {  	s4 =	ssub.s32 $0x0, s20;
	[sflag:s22] =	ssyncset.done $0x0  }
0xa0: {  	[sflag:s22] =	ssyncadd.s32 s4;
	_ =	sdelay $0x1  }
0xa1: {  	s23 =	simm.s32 $0x1B8B  }
0xa2: {  	_ =	swait.ge [sflag:s23], $0x1  }
0xa3: {  	[sflag:s23] =	ssyncset.done $0x0  }
0xa4: {  	s25 =	simm.s32 $0x1B8E;
	s24 =	sld [smem:$0x3FFE];
	[sflag:s23] =	ssyncadd.s32 $0xFFFFFFFF  }
0xa5: {  	s26 =	simm.s32 $execute0_lowered;
	[smem:$0x3FD2] =	sst s25  }
0xa6: {  	s5 =	sshll.u32 s26, $0x1;
	_ =	strace $0x80000046;
	[dreg:$0x1] =	wrdreg $0xFFFFFFFF  }
0xa7: {  	s28 =	simm.s32 $_size_execute0_lowered;
	s3 =	sadd.s32 s3, s5;
	[dreg:$0x0] =	wrdreg $0x0  }
0xa8: {  	s5 =	sshll.u32 s28, $0x1;
	[dreg:$0x2] =	wrdreg s3  }
0xa9: {  	[dreg:$0x3] =	wrdreg s5  }
0xaa: {  	[dreg:$0x4] =	wrdreg $0xC0  }
0xab: {  	_ =	task [dreg:s7], $0x5FFFF  }
0xac: {  	[dreg:$0x1] =	wrdreg $0xFFFFFFFF  }
0xad: {  	[dreg:$0x0] =	wrdreg $0x60  }
0xae: {  	[dreg:$0x2] =	wrdreg s2  }
0xaf: {  	[dreg:$0x3] =	wrdreg s24  }
0xb0: {  	[dreg:$0x4] =	wrdreg $0x9  }
0xb1: {  	_ =	task.clear_ibuf [dreg:s7], $0x5FFFF;
	_ =	strace $0x90000046  }
0xb2: {  	s29 =	simm.s32 $0x9;
	_ =	strace $0x80000048  }
0xb3: {  	_ =	swait.ge [sflag:s29], $0x1  }
0xb4: {  	[sflag:s29] =	ssyncadd.s32 $0xFFFFFFFF  }
0xb5: {  	_ =	strace $0x90000048  }
0xb6: {  	_ =	sfence  }
0xb7: {  	s30 =	sld [smem:$0x0];
	_ =	sdelay $0x2  }
0xb8: {  	s31 =	sshll.u32 s1, $0xD;
	s1 =	sshrl.u32 s1, $0x2  }
0xb9: {  	s3 =	sand.u32 $0x4000, s31;
	s1 =	sadd.s32 s1, s30  }
0xba: {  	s0 =	sor.u32 s3, s0;
	s1 =	sshll.u32 s1, $0x11  }
0xbb: {  	s0 =	sor.u32 s1, s0  }
0xbc: {  	s0 =	sadd.s32 $0x8F2B, s0  }
0xbd: {  	[sflag:s0] =	ssyncadd.remote.s32 $0x1  }
0xbe: {  	_ =	sfence.sel $0xFFFF  }
0xbf: {  	[dreg:$0x0] =	wrdreg $0xFFFFFFFF;
	(pc) =	sbr.abs _section_cstart, $3  }
0xc0: {  	[dreg:$0x1] =	wrdreg $0xFFFFFFFF  }
0xc1: {  	_ =	task.clear_ibuf [dreg:s7], $0x2FFFF;
	_ =	strace $0x9FFFFFFF  }
0xc2: {  	(tm) =	ssettm $0x7FFFFFFF  }
0xc3: {  	_ =	shalt  }
tec
execute0_lowered:
.L_overlay_start_1:
0x0: {  	(tag) =	ssettag $0x1  }
0x1: {  	s1 =	rddreg [dreg:$0x0]  }
0x2: {  	s5 =	rddreg [dreg:$0x1]  }
0x3: {  	s0 =	rddreg [dreg:$0x2];
	s2 =	simm.s32 $0x0;
	s3 =	srdreg.scid  }
0x4: {  	s15 =	simm.s32 $0x200;
	s16 =	simm.s32 $0x1;
	s17 =	simm.s32 $0x8200  }
0x5: {  	s18 =	simm.s32 $0x2;
	s19 =	simm.s32 $0x3;
	s20 =	simm.s32 $0x0  }
0x6: {  	[smem:$0x7FF] =	sst s2;
	s9 =	sand.u32 $0x1, s3;
	s4 =	sadd.s32 $0x5A00, s5  }
0x7: {  	s3 =	stileid.u32;
	s11 =	sadd.s32 $0xFA00, s5;
	_ =	strace $0x80000047  }
0x8: {  	s6 =	ssub.s32 $0x2, s9;
	s8 =	sshll.u32 s3, $0xA;
	s10 =	sshll.u32 s9, $0x9  }
0x9: {  	s13 =	sshll.u32 s3, $0xE;
	s14 =	sshll.u32 s9, $0xD;
	s7 =	sshrl.u32 s6, $0x1  }
0xa: {  	s12 =	sor.u32 s10, s8;
	s13 =	sadd.s32 s13, s11;
	s24 =	ssub.s32 s6, s7  }
0xb: {  	s25 =	sshrl.u32 s12, $0x3;
	s10 =	sor.u32 $0x100, s12;
	s26 =	sshll.u32 s12, $0x4  }
0xc: {  	s29 =	sadd.s32 s14, s13;
	s30 =	sor.u32 $0x4100, s12;
	s13 =	simm.s32 $0x4  }
0xd: {  	s14 =	simm.s32 $0x100;
	s5 =	smax.u32 s24, $0x1;
	s6 =	sadd.s32 s4, s25  }
0xe: {  	s28 =	sshrl.u32 s10, $0x3;
	s7 =	sadd.s32 s11, s26;
	s10 =	sshll.u32 s10, $0x4  }
0xf: {  	s31 =	sshrl.u32 s30, $0x3;
	s8 =	sadd.s32 s4, s28;
	s9 =	sadd.s32 s11, s10  }
0x10: {  	s10 =	sadd.s32 $0x40000, s29;
	s11 =	sor.u32 $0x4000, s12;
	s12 =	sadd.s32 s31, s4  }
.LBB2_1:
0x11: {  	[tilespmem:s2], [sflag:$0x4] =	stream.linear.gather [hbm4b:s6+s2], $0x100, $0x38;
	[tilespmem:$0x10200] =	vst v63  }
0x12: {  	_ =	swait.ge [sflag:s13], $0x100  }
0x13: {  	[sflag:s13] =	ssyncset.done $0x0  }
0x14: {  	[sflag:s13] =	ssyncadd.s32 $0xFFFFFF00  }
0x15: {  	[tilespmem:s15], [sflag:$0x1] =	stream.indirect.gather [hbm4b:s1+s14], $0x80, s2, s14, $0xb8;
	[tilespmem:$0x10200] =	vst v63  }
0x16: {  	_ =	swait.ge [sflag:s16], $0x8000  }
0x17: {  	[sflag:s16] =	ssyncset.done $0x0  }
0x18: {  	[sflag:s16] =	ssyncadd.s32 $0xFFFF8000  }
0x19: {  	[hbm4b:s7+s2] =	stream.linear.scatter [tilespmem:s15], [sflag:$0x2], $0x8000, $0x38;
	[tilespmem:$0x10200] =	vst v63  }
0x1a: {  	_ = 	snop  }
0x1b: {  	[tilespmem:s14], [sflag:$0x4] =	stream.linear.gather [hbm4b:s8+s2], $0x100, $0x38;
	[tilespmem:$0x10200] =	vst v63  }
0x1c: {  	_ =	swait.ge [sflag:s13], $0x100  }
0x1d: {  	[sflag:s13] =	ssyncset.done $0x0  }
0x1e: {  	[sflag:s13] =	ssyncadd.s32 $0xFFFFFF00  }
0x1f: {  	[tilespmem:s17], [sflag:$0x1] =	stream.indirect.gather [hbm4b:s1+s14], $0x80, s14, s14, $0xb8;
	[tilespmem:$0x10200] =	vst v63  }
0x20: {  	_ =	swait.ge [sflag:s16], $0x8000  }
0x21: {  	[sflag:s16] =	ssyncset.done $0x0  }
0x22: {  	s21 =	sshrl.u32 s11, $0x3;
	[sflag:s16] =	ssyncadd.s32 $0xFFFF8000  }
0x23: {  	[hbm4b:s9+s2] =	stream.linear.scatter [tilespmem:s17], [sflag:$0x3], $0x8000, $0x38;
	[tilespmem:$0x10200] =	vst v63  }
0x24: {  	s21 =	sadd.s32 s4, s21  }
0x25: {  	[tilespmem:s2], [sflag:$0x4] =	stream.linear.gather [hbm4b:s21+s2], $0x100, $0x38;
	[tilespmem:$0x10200] =	vst v63  }
0x26: {  	_ =	swait.ge [sflag:s13], $0x100  }
0x27: {  	[sflag:s13] =	ssyncset.done $0x0  }
0x28: {  	[sflag:s13] =	ssyncadd.s32 $0xFFFFFF00  }
0x29: {  	_ =	swait.ge [sflag:s18], $0x8000  }
0x2a: {  	[sflag:s18] =	ssyncset.done $0x0  }
0x2b: {  	[sflag:s18] =	ssyncadd.s32 $0xFFFF8000  }
0x2c: {  	[tilespmem:s15], [sflag:$0x1] =	stream.indirect.gather [hbm4b:s1+s14], $0x80, s2, s14, $0xb8;
	[tilespmem:$0x10200] =	vst v63  }
0x2d: {  	_ =	swait.ge [sflag:s16], $0x8000  }
0x2e: {  	[sflag:s16] =	ssyncset.done $0x0  }
0x2f: {  	[sflag:s16] =	ssyncadd.s32 $0xFFFF8000  }
0x30: {  	[hbm4b:s10+s2] =	stream.linear.scatter [tilespmem:s15], [sflag:$0x2], $0x8000, $0x38;
	[tilespmem:$0x10200] =	vst v63  }
0x31: {  	s31 =	sadd.s32 $0x0, s12  }
0x32: {  	[tilespmem:s14], [sflag:$0x4] =	stream.linear.gather [hbm4b:s31+s2], $0x100, $0x38;
	[tilespmem:$0x10200] =	vst v63  }
0x33: {  	_ =	swait.ge [sflag:s13], $0x100  }
0x34: {  	[sflag:s13] =	ssyncset.done $0x0  }
0x35: {  	[sflag:s13] =	ssyncadd.s32 $0xFFFFFF00  }
0x36: {  	_ =	swait.ge [sflag:s19], $0x8000  }
0x37: {  	[sflag:s19] =	ssyncset.done $0x0  }
0x38: {  	s25 =	sadd.s32 $0x4000, s11;
	[sflag:s19] =	ssyncadd.s32 $0xFFFF8000  }
0x39: {  	[tilespmem:s17], [sflag:$0x1] =	stream.indirect.gather [hbm4b:s1+s14], $0x80, s14, s14, $0xb8;
	[tilespmem:$0x10200] =	vst v63  }
0x3a: {  	s22 =	simm.s32 $0x800;
	s24 =	simm.s32 $0x1000;
	_ =	swait.ge [sflag:s16], $0x8000  }
0x3b: {  	s26 =	sadd.s32 $0x1000, s10;
	s23 =	sshrl.u32 s25, $0x3;
	[sflag:s16] =	ssyncset.done $0x0  }
0x3c: {  	s25 =	sadd.s32 $0x4000, s25;
	s21 =	sadd.s32 $0x40000, s10;
	[sflag:s16] =	ssyncadd.s32 $0xFFFF8000  }
.LBB2_2:
0x3d: {  	[hbm4b:s26+s2] =	stream.linear.scatter [tilespmem:s17], [sflag:$0x3], $0x8000, $0x38;
	[tilespmem:$0x10200] =	vst v63  }
0x3e: {  	p0 =	sne.s32 s24, $0x9000;
	s26 =	sadd.s32 s4, s23;
	s23 =	sshrl.u32 s25, $0x3  }
0x3f: {  	[tilespmem:s2], [sflag:$0x4] =	stream.linear.gather [hbm4b:s26+s2], $0x100, $0x38;
	[tilespmem:$0x10200] =	vst v63  }
0x40: {  	s26 =	smov.u32 s24;
	s24 =	sadd.s32 $0x800, s24;
	_ =	swait.ge [sflag:s13], $0x100  }
0x41: {  	s28 =	smov.u32 s21;
	[sflag:s13] =	ssyncset.done $0x0  }
0x42: {  	[sflag:s13] =	ssyncadd.s32 $0xFFFFFF00  }
0x43: {  	_ =	swait.ge [sflag:s18], $0x8000  }
0x44: {  	[sflag:s18] =	ssyncset.done $0x0  }
0x45: {  	[sflag:s18] =	ssyncadd.s32 $0xFFFF8000  }
0x46: {  	[tilespmem:s15], [sflag:$0x1] =	stream.indirect.gather [hbm4b:s1+s14], $0x80, s2, s14, $0xb8;
	[tilespmem:$0x10200] =	vst v63  }
0x47: {  	_ =	swait.ge [sflag:s16], $0x8000  }
0x48: {  	[sflag:s16] =	ssyncset.done $0x0  }
0x49: {  	[sflag:s16] =	ssyncadd.s32 $0xFFFF8000  }
0x4a: {  	[hbm4b:s21+s2] =	stream.linear.scatter [tilespmem:s15], [sflag:$0x2], $0x8000, $0x38;
	[tilespmem:$0x10200] =	vst v63  }
0x4b: {  	s29 =	sadd.s32 s22, s12;
	s22 =	smov.u32 s26  }
0x4c: {  	[tilespmem:s14], [sflag:$0x4] =	stream.linear.gather [hbm4b:s29+s2], $0x100, $0x38;
	[tilespmem:$0x10200] =	vst v63  }
0x4d: {  	_ =	swait.ge [sflag:s13], $0x100  }
0x4e: {  	[sflag:s13] =	ssyncset.done $0x0  }
0x4f: {  	[sflag:s13] =	ssyncadd.s32 $0xFFFFFF00  }
0x50: {  	_ =	swait.ge [sflag:s19], $0x8000  }
0x51: {  	[sflag:s19] =	ssyncset.done $0x0  }
.Ltmp0:
0x52: {  	[sflag:s19] =	ssyncadd.s32 $0xFFFF8000;
	(pc) =	sbr.rel @p0 .LBB2_2-.Ltmp0, $4  }
0x53: {  	[tilespmem:s17], [sflag:$0x1] =	stream.indirect.gather [hbm4b:s1+s14], $0x80, s14, s14, $0xb8;
	[tilespmem:$0x10200] =	vst v63  }
0x54: {  	_ =	swait.ge [sflag:s16], $0x8000  }
0x55: {  	s21 =	sadd.s32 $0x40000, s21;
	[sflag:s16] =	ssyncset.done $0x0  }
0x56: {  	s25 =	sadd.s32 $0x4000, s25;
	s26 =	sadd.s32 $0x1000, s28;
	[sflag:s16] =	ssyncadd.s32 $0xFFFF8000  }
0x57: {  	[hbm4b:s26+s2] =	stream.linear.scatter [tilespmem:s17], [sflag:$0x3], $0x8000, $0x38;
	[tilespmem:$0x10200] =	vst v63  }
0x58: {  	s23 =	sadd.s32 s4, s23  }
0x59: {  	[tilespmem:s2], [sflag:$0x4] =	stream.linear.gather [hbm4b:s23+s2], $0x100, $0x38;
	[tilespmem:$0x10200] =	vst v63  }
0x5a: {  	_ =	swait.ge [sflag:s13], $0x100  }
0x5b: {  	[sflag:s13] =	ssyncset.done $0x0  }
0x5c: {  	[sflag:s13] =	ssyncadd.s32 $0xFFFFFF00  }
0x5d: {  	_ =	swait.ge [sflag:s18], $0x8000  }
0x5e: {  	[sflag:s18] =	ssyncset.done $0x0  }
0x5f: {  	[sflag:s18] =	ssyncadd.s32 $0xFFFF8000  }
0x60: {  	[tilespmem:s15], [sflag:$0x1] =	stream.indirect.gather [hbm4b:s1+s14], $0x80, s2, s14, $0xb8;
	[tilespmem:$0x10200] =	vst v63  }
0x61: {  	_ =	swait.ge [sflag:s16], $0x8000  }
0x62: {  	[sflag:s16] =	ssyncset.done $0x0  }
0x63: {  	[sflag:s16] =	ssyncadd.s32 $0xFFFF8000  }
0x64: {  	[hbm4b:s21+s2] =	stream.linear.scatter [tilespmem:s15], [sflag:$0x2], $0x8000, $0x38;
	[tilespmem:$0x10200] =	vst v63  }
0x65: {  	s22 =	sadd.s32 s22, s12  }
0x66: {  	[tilespmem:s14], [sflag:$0x4] =	stream.linear.gather [hbm4b:s22+s2], $0x100, $0x38;
	[tilespmem:$0x10200] =	vst v63  }
0x67: {  	_ =	swait.ge [sflag:s13], $0x100  }
0x68: {  	[sflag:s13] =	ssyncset.done $0x0  }
0x69: {  	[sflag:s13] =	ssyncadd.s32 $0xFFFFFF00  }
0x6a: {  	_ =	swait.ge [sflag:s19], $0x8000  }
0x6b: {  	[sflag:s19] =	ssyncset.done $0x0  }
0x6c: {  	[sflag:s19] =	ssyncadd.s32 $0xFFFF8000  }
0x6d: {  	[tilespmem:s17], [sflag:$0x1] =	stream.indirect.gather [hbm4b:s1+s14], $0x80, s14, s14, $0xb8;
	[tilespmem:$0x10200] =	vst v63  }
0x6e: {  	_ =	swait.ge [sflag:s16], $0x8000  }
0x6f: {  	[sflag:s16] =	ssyncset.done $0x0  }
0x70: {  	s31 =	sadd.s32 $0x1000, s21;
	s20 =	sadd.s32 $0x1, s20;
	[sflag:s16] =	ssyncadd.s32 $0xFFFF8000  }
0x71: {  	[hbm4b:s31+s2] =	stream.linear.scatter [tilespmem:s17], [sflag:$0x3], $0x8000, $0x38;
	[tilespmem:$0x10200] =	vst v63  }
0x72: {  	p0 =	sne.s32 s20, s5;
	_ =	swait.ge [sflag:s18], $0x8000  }
.Ltmp1:
0x73: {  	[sflag:s18] =	ssyncset.done $0x0;
	(pc) =	sbr.rel @p0 .LBB2_1-.Ltmp1, $4  }
0x74: {  	[sflag:s18] =	ssyncadd.s32 $0xFFFF8000  }
0x75: {  	_ =	swait.ge [sflag:s19], $0x8000  }
0x76: {  	[sflag:s19] =	ssyncset.done $0x0  }
0x77: {  	[sflag:s19] =	ssyncadd.s32 $0xFFFF8000  }
0x78: {  	_ =	sfence.sel $0x180000  }
0x79: {  	[bflag:$0x0] =	sbarrier.arrive $0xFFFF  }
0x7a: {  	p0 =	sne.s32 s3, $0x0;
	_ =	strace $0x90000047  }
0x7b: {  	s0 =	sadd.s32 @!p0 $0x100000, s0;
	[bflag:$0x2] =	sbarrier.arrive $0xFFFF  }
0x7c: {  	[sflag:s0] =	ssyncadd.tile.s32 @!p0 $0x1;
	_ =	shalt  }
.Lfunc_end2:
_tile_overlayer_lowered:
.L_overlay_start_2:
0x7d: {  	(tag) =	ssettag $0x2  }
0x7e: {  	s0 =	rddreg [dreg:$0x0];
	s2 =	stileid.u32  }
0x7f: {  	s1 =	rddreg [dreg:$0x1];
	p0 =	sne.s32 s2, $0x0  }
0x80: {  	s3 =	rddreg [dreg:$0x2];
	[bflag:$0x3] =	sbarrier.arrive $0xFFFF;
	s2 =	simm.s32 @!p0 $0x1C04  }
0x81: {  	[timem:s3], [sflag:s2] =	dma.local @!p0 [hbm:s0], s1  }
0x82: {  	s0 =	simm.s32 @!p0 $0x4  }
0x83: {  	_ =	swait.ge @!p0 [sflag:s0], s1  }
0x84: {  	s1 =	ssub.s32 @!p0 $0x0, s1;
	[sflag:s0] =	ssyncset.done @!p0 $0x0  }
0x85: {  	[sflag:s0] =	ssyncadd.s32 @!p0 s1  }
0x86: {  	[bflag:$0x3] =	sbarrier.arrive $0xFFFF  }
0x87: {  	_ =	shalt  }

// kernel: kernel.17.cloned.1.call-start
scs
__scs_entry_jumppad:
0x0: {  	(pc) =	sbr.rel $0x88, $3  }
0x1: {  	(tag) =	ssettag $0x0;
	lr =	simm.s32 $0x1  }
0x2: {  	[smem:$0x3F88] =	sst lr;
	_ =	strace $0xD0000000  }
0x3: {  	_ = 	snop  }
0x4: {  	_ = 	snop  }
0x5: {  	_ = 	snop  }
0x6: {  	_ = 	snop  }
0x7: {  	_ = 	snop  }
__scs_overlays_trampoline_lowered:
0x8: {  	[smem:$0x3F97] =	sst s0  }
0x9: {  	[smem:$0x3F98] =	sst s1  }
0xa: {  	[smem:$0x3F99] =	sst s2  }
0xb: {  	[smem:$0x3F9A] =	sst s3  }
0xc: {  	[smem:$0x3F9B] =	sst s4  }
0xd: {  	[smem:$0x3F9C] =	sst s5  }
0xe: {  	[smem:$0x3F9D] =	sst s6  }
0xf: {  	[smem:$0x3F9E] =	sst s7  }
0x10: {  	[smem:$0x3F9F] =	sst s8  }
0x11: {  	[smem:$0x3FA0] =	sst s9;
	s0 =	simm.s32 @!p0 $0x0  }
0x12: {  	s1 =	sld [smem:$0x3F86];
	s0 =	simm.s32 @p0 $0x1  }
0x13: {  	[smem:$0x3FA1] =	sst s0;
	s0 =	simm.s32 @!p1 $0x0  }
0x14: {  	s2 =	sld [smem:$0x3F85];
	s0 =	simm.s32 @p1 $0x1  }
0x15: {  	[smem:$0x3FA2] =	sst s0;
	s0 =	simm.s32 @!p2 $0x0  }
0x16: {  	s3 =	sld [smem:$0x3FDB];
	s0 =	simm.s32 @p2 $0x1  }
0x17: {  	s4 =	simm.s32 $0x1BF5;
	[smem:$0x3FA4] =	sst s0  }
0x18: {  	s0 =	sld [smem:$0x3F87];
	_ =	swait.ge [sflag:s4], $0x0  }
0x19: {  	s7 =	sld [smem:$0x3F88]  }
0x1a: {  	s8 =	sadd.s32 $0xFFFFE003, lr  }
0x1b: {  	s9 =	sadd.s32 $0xFFFFFEF7, lr;
	s5 =	simm.s32 $0xFFFFFFFF;
	p2 =	slt.u32 s8, $0xFFFFF086  }
0x1c: {  	p1 =	slt.u32 s9, $0xF7A;
	s5 =	simm.s32 @!p2 $0x0  }
0x1d: {  	s5 =	simm.s32 @p1 $0x1;
	p0 =	seq.s32 s7, s2  }
0x1e: {  	s7 =	smul.u32 @!p0 $0xF7A, s2;
	p2 =	seq.s32 @!p0 s5, $0x0  }
0x1f: {  	s9 =	smul.u32 $0xF7A, s1;
	s8 =	simm.s32 @!p0 $0x1BF5;
	p2 =	por !p2, p0  }
0x20: {  	[sflag:s8] =	ssyncset.s32 @!p0 $0xFFFFF086;
	s6 =	sadd.s32 @!p0 s3, s7;
	s7 =	simm.s32 @!p0 $0x108  }
0x21: {  	s3 =	sadd.s32 s3, s9;
	s6 =	sadd.s32 @!p0 $0x88, s6;
	s7 =	simm.s32 @p2 $0x1082  }
0x22: {  	[simem:s7], [sflag:s8] =	dma.local @!p0 [hbm:s6], $0xF7A  }
0x23: {  	s9 =	sor.u32 $0xD0000000, s2;
	s6 =	simm.s32 $0x108;
	_ =	swait.ge @!p0 [sflag:s8], $0x0  }
0x24: {  	s3 =	sadd.s32 $0x88, s3;
	s6 =	simm.s32 @!p1 $0x1082;
	[sflag:s4] =	ssyncset.s32 $0xFFFFF086  }
0x25: {  	[simem:s6], [sflag:s4] =	dma.local [hbm:s3], $0xF7A  }
0x26: {  	[smem:$0x3F88] =	sst s1;
	(tag) =	ssettag s2;
	_ =	strace s9  }
0x27: {  	s1 =	sld [smem:$0x3F98]  }
0x28: {  	s2 =	sld [smem:$0x3F99]  }
0x29: {  	s4 =	sld [smem:$0x3F9B]  }
0x2a: {  	p0 =	seq.s32 s5, $0x0;
	s5 =	sld [smem:$0x3F9C]  }
0x2b: {  	s6 =	sld [smem:$0x3F9D]  }
0x2c: {  	s7 =	sld [smem:$0x3F9E]  }
0x2d: {  	s3 =	simm.s32 $0x108;
	s8 =	sld [smem:$0x3F9F]  }
0x2e: {  	s3 =	simm.s32 @!p0 $0x1082;
	s9 =	sld [smem:$0x3FA0]  }
0x2f: {  	lr =	sadd.s32 s0, s3;
	s0 =	sld [smem:$0x3F97]  }
0x30: {  	s3 =	sld [smem:$0x3F9A]  }
0x31: {  	[smem:$0x3FA3] =	sst s10  }
0x32: {  	s10 =	sld [smem:$0x3FA1];
	_ =	sdelay $0x3  }
0x33: {  	p0 =	seq.s32 s10, $0x1;
	s10 =	sld [smem:$0x3FA3];
	_ =	sdelay $0x3  }
0x34: {  	[smem:$0x3FA3] =	sst s10  }
0x35: {  	s10 =	sld [smem:$0x3FA2];
	_ =	sdelay $0x3  }
0x36: {  	p1 =	seq.s32 s10, $0x1;
	s10 =	sld [smem:$0x3FA3];
	_ =	sdelay $0x3  }
0x37: {  	[smem:$0x3FA3] =	sst s10  }
0x38: {  	s10 =	sld [smem:$0x3FA4]  }
0x39: {  	_ = 	snop;
	(pc) =	sbr.ind lr, $3  }
0x3a: {  	_ = 	snop  }
0x3b: {  	_ = 	snop  }
0x3c: {  	p2 =	seq.s32 s10, $0x1;
	s10 =	sld [smem:$0x3FA3]  }
0x3d: {  	_ =	shalt  }
0x3e: {  	_ =	shalt  }
0x3f: {  	_ =	shalt  }
0x40: {  	_ =	shalt  }
0x41: {  	_ =	shalt  }
0x42: {  	_ =	shalt  }
0x43: {  	_ =	shalt  }
0x44: {  	_ =	shalt  }
0x45: {  	_ =	shalt  }
0x46: {  	_ =	shalt  }
0x47: {  	_ =	shalt  }
0x48: {  	_ =	shalt  }
0x49: {  	_ =	shalt  }
0x4a: {  	_ =	shalt  }
0x4b: {  	_ =	shalt  }
0x4c: {  	_ =	shalt  }
0x4d: {  	_ =	shalt  }
0x4e: {  	_ =	shalt  }
0x4f: {  	_ =	shalt  }
0x50: {  	_ =	shalt  }
0x51: {  	_ =	shalt  }
0x52: {  	_ =	shalt  }
0x53: {  	_ =	shalt  }
0x54: {  	_ =	shalt  }
0x55: {  	_ =	shalt  }
0x56: {  	_ =	shalt  }
0x57: {  	_ =	shalt  }
0x58: {  	_ =	shalt  }
0x59: {  	_ =	shalt  }
0x5a: {  	_ =	shalt  }
0x5b: {  	_ =	shalt  }
0x5c: {  	_ =	shalt  }
0x5d: {  	_ =	shalt  }
0x5e: {  	_ =	shalt  }
0x5f: {  	_ =	shalt  }
0x60: {  	_ =	shalt  }
0x61: {  	_ =	shalt  }
0x62: {  	_ =	shalt  }
0x63: {  	_ =	shalt  }
0x64: {  	_ =	shalt  }
0x65: {  	_ =	shalt  }
0x66: {  	_ =	shalt  }
0x67: {  	_ =	shalt  }
0x68: {  	_ =	shalt  }
0x69: {  	_ =	shalt  }
0x6a: {  	_ =	shalt  }
0x6b: {  	_ =	shalt  }
0x6c: {  	_ =	shalt  }
0x6d: {  	_ =	shalt  }
0x6e: {  	_ =	shalt  }
0x6f: {  	_ =	shalt  }
0x70: {  	_ =	shalt  }
0x71: {  	_ =	shalt  }
0x72: {  	_ =	shalt  }
0x73: {  	_ =	shalt  }
0x74: {  	_ =	shalt  }
0x75: {  	_ =	shalt  }
0x76: {  	_ =	shalt  }
0x77: {  	_ =	shalt  }
0x78: {  	_ =	shalt  }
0x79: {  	_ =	shalt  }
0x7a: {  	_ =	shalt  }
0x7b: {  	_ =	shalt  }
0x7c: {  	_ =	shalt  }
0x7d: {  	_ =	shalt  }
0x7e: {  	_ =	shalt  }
0x7f: {  	_ =	shalt  }
0x80: {  	_ =	shalt  }
0x81: {  	_ =	shalt  }
0x82: {  	_ =	shalt  }
0x83: {  	_ =	shalt  }
0x84: {  	_ =	shalt  }
0x85: {  	_ =	shalt  }
0x86: {  	_ =	shalt  }
0x87: {  	_ =	shalt  }
.Lfunc_end0:
.L_simem_size_0:
called_computation.1_lowered:
.L_overlay_start_0:
0x88: {  	s2 =	sld [smem:$0x3FD9]  }
0x89: {  	s3 =	sld [smem:$0x3FFE];
	_ =	sdelay $0x1  }
0x8a: {  	s1 =	srdreg.scid  }
0x8b: {  	s0 =	sand.u32 $0x1, s1  }
0x8c: {  	s17 =	sshll.u32 s0, $0xA;
	s2 =	sadd.s32 s3, s2  }
0x8d: {  	s2 =	sadd.s32 s2, s17  }
0x8e: {  	[smem:$0x3FAF] =	sst s2  }
0x8f: {  	_ = 	snop  }
0x90: {  	s2 =	sld [smem:$0x3FD0];
	(tm) =	ssettm $0x1  }
0x91: {  	s18 =	sld [smem:$0x3FFB];
	_ =	sdelay $0x3  }
0x92: {  	_ =	strace s18  }
0x93: {  	s3 =	sld [smem:$0x3FFC];
	_ =	sdelay $0x3  }
0x94: {  	_ =	strace s3  }
0x95: {  	s3 =	sld [smem:$0x3FFD];
	_ =	sdelay $0x3  }
0x96: {  	_ =	strace s3  }
0x97: {  	_ =	strace $0x8FFFFFFF  }
0x98: {  	s19 =	sld [smem:$0x3FDB];
	_ =	sdelay $0x1  }
0x99: {  	s4 =	simm.s32 $_scs_section_size  }
0x9a: {  	s5 =	simm.s32 $_size__tile_overlayer_lowered;
	s6 =	simm.s32 $_tile_overlayer_lowered  }
0x9b: {  	s22 =	simm.s32 $0x1BFF;
	s21 =	sshll.u32 s6, $0x1;
	s3 =	sadd.s32 s4, s19  }
0x9c: {  	s7 =	simm.s32 $0x0;
	s20 =	sshll.u32 s5, $0x1;
	s5 =	sadd.s32 s21, s3  }
0x9d: {  	[timem:s7], [sflag:s22] =	dma.local [hbm:s5], s20  }
0x9e: {  	_ =	swait.ge [sflag:s22], s20  }
0x9f: {  	s4 =	ssub.s32 $0x0, s20;
	[sflag:s22] =	ssyncset.done $0x0  }
0xa0: {  	[sflag:s22] =	ssyncadd.s32 s4;
	_ =	sdelay $0x1  }
0xa1: {  	s23 =	simm.s32 $0x1B8B  }
0xa2: {  	_ =	swait.ge [sflag:s23], $0x1  }
0xa3: {  	[sflag:s23] =	ssyncset.done $0x0  }
0xa4: {  	s25 =	simm.s32 $0x1B8E;
	s24 =	sld [smem:$0x3FFE];
	[sflag:s23] =	ssyncadd.s32 $0xFFFFFFFF  }
0xa5: {  	s26 =	simm.s32 $execute0_lowered;
	[smem:$0x3FD2] =	sst s25  }
0xa6: {  	s5 =	sshll.u32 s26, $0x1;
	_ =	strace $0x80000049;
	[dreg:$0x1] =	wrdreg $0xFFFFFFFF  }
0xa7: {  	s28 =	simm.s32 $_size_execute0_lowered;
	s3 =	sadd.s32 s3, s5;
	[dreg:$0x0] =	wrdreg $0x0  }
0xa8: {  	s5 =	sshll.u32 s28, $0x1;
	[dreg:$0x2] =	wrdreg s3  }
0xa9: {  	[dreg:$0x3] =	wrdreg s5  }
0xaa: {  	[dreg:$0x4] =	wrdreg $0xC0  }
0xab: {  	_ =	task [dreg:s7], $0x5FFFF  }
0xac: {  	[dreg:$0x1] =	wrdreg $0xFFFFFFFF  }
0xad: {  	[dreg:$0x0] =	wrdreg $0x60  }
0xae: {  	[dreg:$0x2] =	wrdreg s2  }
0xaf: {  	[dreg:$0x3] =	wrdreg s24  }
0xb0: {  	[dreg:$0x4] =	wrdreg $0x9  }
0xb1: {  	_ =	task.clear_ibuf [dreg:s7], $0x5FFFF;
	_ =	strace $0x90000049  }
0xb2: {  	s29 =	simm.s32 $0x9;
	_ =	strace $0x8000004B  }
0xb3: {  	_ =	swait.ge [sflag:s29], $0x1  }
0xb4: {  	[sflag:s29] =	ssyncadd.s32 $0xFFFFFFFF  }
0xb5: {  	_ =	strace $0x9000004B  }
0xb6: {  	_ =	sfence  }
0xb7: {  	s30 =	sld [smem:$0x0];
	_ =	sdelay $0x2  }
0xb8: {  	s31 =	sshll.u32 s1, $0xD;
	s1 =	sshrl.u32 s1, $0x2  }
0xb9: {  	s3 =	sand.u32 $0x4000, s31;
	s1 =	sadd.s32 s1, s30  }
0xba: {  	s0 =	sor.u32 s3, s0;
	s1 =	sshll.u32 s1, $0x11  }
0xbb: {  	s0 =	sor.u32 s1, s0  }
0xbc: {  	s0 =	sadd.s32 $0x8F2B, s0  }
0xbd: {  	[sflag:s0] =	ssyncadd.remote.s32 $0x1  }
0xbe: {  	_ =	sfence.sel $0xFFFF  }
0xbf: {  	[dreg:$0x0] =	wrdreg $0xFFFFFFFF;
	(pc) =	sbr.abs _section_cstart, $3  }
0xc0: {  	[dreg:$0x1] =	wrdreg $0xFFFFFFFF  }
0xc1: {  	_ =	task.clear_ibuf [dreg:s7], $0x2FFFF;
	_ =	strace $0x9FFFFFFF  }
0xc2: {  	(tm) =	ssettm $0x7FFFFFFF  }
0xc3: {  	_ =	shalt  }
tec
execute0_lowered:
.L_overlay_start_1:
0x0: {  	(tag) =	ssettag $0x1  }
0x1: {  	s1 =	rddreg [dreg:$0x0]  }
0x2: {  	s5 =	rddreg [dreg:$0x1]  }
0x3: {  	s0 =	rddreg [dreg:$0x2];
	s2 =	simm.s32 $0x0;
	s3 =	srdreg.scid  }
0x4: {  	s15 =	simm.s32 $0x200;
	s16 =	simm.s32 $0x1;
	s17 =	simm.s32 $0x8200  }
0x5: {  	s18 =	simm.s32 $0x2;
	s19 =	simm.s32 $0x3;
	s20 =	simm.s32 $0x0  }
0x6: {  	[smem:$0x7FF] =	sst s2;
	s9 =	sand.u32 $0x1, s3;
	s4 =	sadd.s32 $0x5A00, s5  }
0x7: {  	s3 =	stileid.u32;
	s11 =	sadd.s32 $0xFA00, s5;
	_ =	strace $0x8000004A  }
0x8: {  	s6 =	ssub.s32 $0x2, s9;
	s8 =	sshll.u32 s3, $0xA;
	s10 =	sshll.u32 s9, $0x9  }
0x9: {  	s13 =	sshll.u32 s3, $0xE;
	s14 =	sshll.u32 s9, $0xD;
	s7 =	sshrl.u32 s6, $0x1  }
0xa: {  	s12 =	sor.u32 s10, s8;
	s13 =	sadd.s32 s13, s11;
	s24 =	ssub.s32 s6, s7  }
0xb: {  	s25 =	sshrl.u32 s12, $0x3;
	s10 =	sor.u32 $0x100, s12;
	s26 =	sshll.u32 s12, $0x4  }
0xc: {  	s29 =	sadd.s32 s14, s13;
	s30 =	sor.u32 $0x4100, s12;
	s13 =	simm.s32 $0x4  }
0xd: {  	s14 =	simm.s32 $0x100;
	s5 =	smax.u32 s24, $0x1;
	s6 =	sadd.s32 s4, s25  }
0xe: {  	s28 =	sshrl.u32 s10, $0x3;
	s7 =	sadd.s32 s11, s26;
	s10 =	sshll.u32 s10, $0x4  }
0xf: {  	s31 =	sshrl.u32 s30, $0x3;
	s8 =	sadd.s32 s4, s28;
	s9 =	sadd.s32 s11, s10  }
0x10: {  	s10 =	sadd.s32 $0x40000, s29;
	s11 =	sor.u32 $0x4000, s12;
	s12 =	sadd.s32 s31, s4  }
.LBB2_1:
0x11: {  	[tilespmem:s2], [sflag:$0x4] =	stream.linear.gather [hbm4b:s6+s2], $0x100, $0x38;
	[tilespmem:$0x10200] =	vst v63  }
0x12: {  	_ =	swait.ge [sflag:s13], $0x100  }
0x13: {  	[sflag:s13] =	ssyncset.done $0x0  }
0x14: {  	[sflag:s13] =	ssyncadd.s32 $0xFFFFFF00  }
0x15: {  	[tilespmem:s15], [sflag:$0x1] =	stream.indirect.gather [hbm4b:s1+s14], $0x80, s2, s14, $0xb8;
	[tilespmem:$0x10200] =	vst v63  }
0x16: {  	_ =	swait.ge [sflag:s16], $0x8000  }
0x17: {  	[sflag:s16] =	ssyncset.done $0x0  }
0x18: {  	[sflag:s16] =	ssyncadd.s32 $0xFFFF8000  }
0x19: {  	[hbm4b:s7+s2] =	stream.linear.scatter [tilespmem:s15], [sflag:$0x2], $0x8000, $0x38;
	[tilespmem:$0x10200] =	vst v63  }
0x1a: {  	_ = 	snop  }
0x1b: {  	[tilespmem:s14], [sflag:$0x4] =	stream.linear.gather [hbm4b:s8+s2], $0x100, $0x38;
	[tilespmem:$0x10200] =	vst v63  }
0x1c: {  	_ =	swait.ge [sflag:s13], $0x100  }
0x1d: {  	[sflag:s13] =	ssyncset.done $0x0  }
0x1e: {  	[sflag:s13] =	ssyncadd.s32 $0xFFFFFF00  }
0x1f: {  	[tilespmem:s17], [sflag:$0x1] =	stream.indirect.gather [hbm4b:s1+s14], $0x80, s14, s14, $0xb8;
	[tilespmem:$0x10200] =	vst v63  }
0x20: {  	_ =	swait.ge [sflag:s16], $0x8000  }
0x21: {  	[sflag:s16] =	ssyncset.done $0x0  }
0x22: {  	s21 =	sshrl.u32 s11, $0x3;
	[sflag:s16] =	ssyncadd.s32 $0xFFFF8000  }
0x23: {  	[hbm4b:s9+s2] =	stream.linear.scatter [tilespmem:s17], [sflag:$0x3], $0x8000, $0x38;
	[tilespmem:$0x10200] =	vst v63  }
0x24: {  	s21 =	sadd.s32 s4, s21  }
0x25: {  	[tilespmem:s2], [sflag:$0x4] =	stream.linear.gather [hbm4b:s21+s2], $0x100, $0x38;
	[tilespmem:$0x10200] =	vst v63  }
0x26: {  	_ =	swait.ge [sflag:s13], $0x100  }
0x27: {  	[sflag:s13] =	ssyncset.done $0x0  }
0x28: {  	[sflag:s13] =	ssyncadd.s32 $0xFFFFFF00  }
0x29: {  	_ =	swait.ge [sflag:s18], $0x8000  }
0x2a: {  	[sflag:s18] =	ssyncset.done $0x0  }
0x2b: {  	[sflag:s18] =	ssyncadd.s32 $0xFFFF8000  }
0x2c: {  	[tilespmem:s15], [sflag:$0x1] =	stream.indirect.gather [hbm4b:s1+s14], $0x80, s2, s14, $0xb8;
	[tilespmem:$0x10200] =	vst v63  }
0x2d: {  	_ =	swait.ge [sflag:s16], $0x8000  }
0x2e: {  	[sflag:s16] =	ssyncset.done $0x0  }
0x2f: {  	[sflag:s16] =	ssyncadd.s32 $0xFFFF8000  }
0x30: {  	[hbm4b:s10+s2] =	stream.linear.scatter [tilespmem:s15], [sflag:$0x2], $0x8000, $0x38;
	[tilespmem:$0x10200] =	vst v63  }
0x31: {  	s31 =	sadd.s32 $0x0, s12  }
0x32: {  	[tilespmem:s14], [sflag:$0x4] =	stream.linear.gather [hbm4b:s31+s2], $0x100, $0x38;
	[tilespmem:$0x10200] =	vst v63  }
0x33: {  	_ =	swait.ge [sflag:s13], $0x100  }
0x34: {  	[sflag:s13] =	ssyncset.done $0x0  }
0x35: {  	[sflag:s13] =	ssyncadd.s32 $0xFFFFFF00  }
0x36: {  	_ =	swait.ge [sflag:s19], $0x8000  }
0x37: {  	[sflag:s19] =	ssyncset.done $0x0  }
0x38: {  	s25 =	sadd.s32 $0x4000, s11;
	[sflag:s19] =	ssyncadd.s32 $0xFFFF8000  }
0x39: {  	[tilespmem:s17], [sflag:$0x1] =	stream.indirect.gather [hbm4b:s1+s14], $0x80, s14, s14, $0xb8;
	[tilespmem:$0x10200] =	vst v63  }
0x3a: {  	s22 =	simm.s32 $0x800;
	s24 =	simm.s32 $0x1000;
	_ =	swait.ge [sflag:s16], $0x8000  }
0x3b: {  	s26 =	sadd.s32 $0x1000, s10;
	s23 =	sshrl.u32 s25, $0x3;
	[sflag:s16] =	ssyncset.done $0x0  }
0x3c: {  	s25 =	sadd.s32 $0x4000, s25;
	s21 =	sadd.s32 $0x40000, s10;
	[sflag:s16] =	ssyncadd.s32 $0xFFFF8000  }
.LBB2_2:
0x3d: {  	[hbm4b:s26+s2] =	stream.linear.scatter [tilespmem:s17], [sflag:$0x3], $0x8000, $0x38;
	[tilespmem:$0x10200] =	vst v63  }
0x3e: {  	p0 =	sne.s32 s24, $0x9000;
	s26 =	sadd.s32 s4, s23;
	s23 =	sshrl.u32 s25, $0x3  }
0x3f: {  	[tilespmem:s2], [sflag:$0x4] =	stream.linear.gather [hbm4b:s26+s2], $0x100, $0x38;
	[tilespmem:$0x10200] =	vst v63  }
0x40: {  	s26 =	smov.u32 s24;
	s24 =	sadd.s32 $0x800, s24;
	_ =	swait.ge [sflag:s13], $0x100  }
0x41: {  	s28 =	smov.u32 s21;
	[sflag:s13] =	ssyncset.done $0x0  }
0x42: {  	[sflag:s13] =	ssyncadd.s32 $0xFFFFFF00  }
0x43: {  	_ =	swait.ge [sflag:s18], $0x8000  }
0x44: {  	[sflag:s18] =	ssyncset.done $0x0  }
0x45: {  	[sflag:s18] =	ssyncadd.s32 $0xFFFF8000  }
0x46: {  	[tilespmem:s15], [sflag:$0x1] =	stream.indirect.gather [hbm4b:s1+s14], $0x80, s2, s14, $0xb8;
	[tilespmem:$0x10200] =	vst v63  }
0x47: {  	_ =	swait.ge [sflag:s16], $0x8000  }
0x48: {  	[sflag:s16] =	ssyncset.done $0x0  }
0x49: {  	[sflag:s16] =	ssyncadd.s32 $0xFFFF8000  }
0x4a: {  	[hbm4b:s21+s2] =	stream.linear.scatter [tilespmem:s15], [sflag:$0x2], $0x8000, $0x38;
	[tilespmem:$0x10200] =	vst v63  }
0x4b: {  	s29 =	sadd.s32 s22, s12;
	s22 =	smov.u32 s26  }
0x4c: {  	[tilespmem:s14], [sflag:$0x4] =	stream.linear.gather [hbm4b:s29+s2], $0x100, $0x38;
	[tilespmem:$0x10200] =	vst v63  }
0x4d: {  	_ =	swait.ge [sflag:s13], $0x100  }
0x4e: {  	[sflag:s13] =	ssyncset.done $0x0  }
0x4f: {  	[sflag:s13] =	ssyncadd.s32 $0xFFFFFF00  }
0x50: {  	_ =	swait.ge [sflag:s19], $0x8000  }
0x51: {  	[sflag:s19] =	ssyncset.done $0x0  }
.Ltmp0:
0x52: {  	[sflag:s19] =	ssyncadd.s32 $0xFFFF8000;
	(pc) =	sbr.rel @p0 .LBB2_2-.Ltmp0, $4  }
0x53: {  	[tilespmem:s17], [sflag:$0x1] =	stream.indirect.gather [hbm4b:s1+s14], $0x80, s14, s14, $0xb8;
	[tilespmem:$0x10200] =	vst v63  }
0x54: {  	_ =	swait.ge [sflag:s16], $0x8000  }
0x55: {  	s21 =	sadd.s32 $0x40000, s21;
	[sflag:s16] =	ssyncset.done $0x0  }
0x56: {  	s25 =	sadd.s32 $0x4000, s25;
	s26 =	sadd.s32 $0x1000, s28;
	[sflag:s16] =	ssyncadd.s32 $0xFFFF8000  }
0x57: {  	[hbm4b:s26+s2] =	stream.linear.scatter [tilespmem:s17], [sflag:$0x3], $0x8000, $0x38;
	[tilespmem:$0x10200] =	vst v63  }
0x58: {  	s23 =	sadd.s32 s4, s23  }
0x59: {  	[tilespmem:s2], [sflag:$0x4] =	stream.linear.gather [hbm4b:s23+s2], $0x100, $0x38;
	[tilespmem:$0x10200] =	vst v63  }
0x5a: {  	_ =	swait.ge [sflag:s13], $0x100  }
0x5b: {  	[sflag:s13] =	ssyncset.done $0x0  }
0x5c: {  	[sflag:s13] =	ssyncadd.s32 $0xFFFFFF00  }
0x5d: {  	_ =	swait.ge [sflag:s18], $0x8000  }
0x5e: {  	[sflag:s18] =	ssyncset.done $0x0  }
0x5f: {  	[sflag:s18] =	ssyncadd.s32 $0xFFFF8000  }
0x60: {  	[tilespmem:s15], [sflag:$0x1] =	stream.indirect.gather [hbm4b:s1+s14], $0x80, s2, s14, $0xb8;
	[tilespmem:$0x10200] =	vst v63  }
0x61: {  	_ =	swait.ge [sflag:s16], $0x8000  }
0x62: {  	[sflag:s16] =	ssyncset.done $0x0  }
0x63: {  	[sflag:s16] =	ssyncadd.s32 $0xFFFF8000  }
0x64: {  	[hbm4b:s21+s2] =	stream.linear.scatter [tilespmem:s15], [sflag:$0x2], $0x8000, $0x38;
	[tilespmem:$0x10200] =	vst v63  }
0x65: {  	s22 =	sadd.s32 s22, s12  }
0x66: {  	[tilespmem:s14], [sflag:$0x4] =	stream.linear.gather [hbm4b:s22+s2], $0x100, $0x38;
	[tilespmem:$0x10200] =	vst v63  }
0x67: {  	_ =	swait.ge [sflag:s13], $0x100  }
0x68: {  	[sflag:s13] =	ssyncset.done $0x0  }
0x69: {  	[sflag:s13] =	ssyncadd.s32 $0xFFFFFF00  }
0x6a: {  	_ =	swait.ge [sflag:s19], $0x8000  }
0x6b: {  	[sflag:s19] =	ssyncset.done $0x0  }
0x6c: {  	[sflag:s19] =	ssyncadd.s32 $0xFFFF8000  }
0x6d: {  	[tilespmem:s17], [sflag:$0x1] =	stream.indirect.gather [hbm4b:s1+s14], $0x80, s14, s14, $0xb8;
	[tilespmem:$0x10200] =	vst v63  }
0x6e: {  	_ =	swait.ge [sflag:s16], $0x8000  }
0x6f: {  	[sflag:s16] =	ssyncset.done $0x0  }
0x70: {  	s31 =	sadd.s32 $0x1000, s21;
	s20 =	sadd.s32 $0x1, s20;
	[sflag:s16] =	ssyncadd.s32 $0xFFFF8000  }
0x71: {  	[hbm4b:s31+s2] =	stream.linear.scatter [tilespmem:s17], [sflag:$0x3], $0x8000, $0x38;
	[tilespmem:$0x10200] =	vst v63  }
0x72: {  	p0 =	sne.s32 s20, s5;
	_ =	swait.ge [sflag:s18], $0x8000  }
.Ltmp1:
0x73: {  	[sflag:s18] =	ssyncset.done $0x0;
	(pc) =	sbr.rel @p0 .LBB2_1-.Ltmp1, $4  }
0x74: {  	[sflag:s18] =	ssyncadd.s32 $0xFFFF8000  }
0x75: {  	_ =	swait.ge [sflag:s19], $0x8000  }
0x76: {  	[sflag:s19] =	ssyncset.done $0x0  }
0x77: {  	[sflag:s19] =	ssyncadd.s32 $0xFFFF8000  }
0x78: {  	_ =	sfence.sel $0x180000  }
0x79: {  	[bflag:$0x0] =	sbarrier.arrive $0xFFFF  }
0x7a: {  	p0 =	sne.s32 s3, $0x0;
	_ =	strace $0x9000004A  }
0x7b: {  	s0 =	sadd.s32 @!p0 $0x100000, s0;
	[bflag:$0x2] =	sbarrier.arrive $0xFFFF  }
0x7c: {  	[sflag:s0] =	ssyncadd.tile.s32 @!p0 $0x1;
	_ =	shalt  }
.Lfunc_end2:
_tile_overlayer_lowered:
.L_overlay_start_2:
0x7d: {  	(tag) =	ssettag $0x2  }
0x7e: {  	s0 =	rddreg [dreg:$0x0];
	s2 =	stileid.u32  }
0x7f: {  	s1 =	rddreg [dreg:$0x1];
	p0 =	sne.s32 s2, $0x0  }
0x80: {  	s3 =	rddreg [dreg:$0x2];
	[bflag:$0x3] =	sbarrier.arrive $0xFFFF;
	s2 =	simm.s32 @!p0 $0x1C04  }
0x81: {  	[timem:s3], [sflag:s2] =	dma.local @!p0 [hbm:s0], s1  }
0x82: {  	s0 =	simm.s32 @!p0 $0x4  }
0x83: {  	_ =	swait.ge @!p0 [sflag:s0], s1  }
0x84: {  	s1 =	ssub.s32 @!p0 $0x0, s1;
	[sflag:s0] =	ssyncset.done @!p0 $0x0  }
0x85: {  	[sflag:s0] =	ssyncadd.s32 @!p0 s1  }
0x86: {  	[bflag:$0x3] =	sbarrier.arrive $0xFFFF  }
0x87: {  	_ =	shalt  }

</sc_bundles>
